<compile_context>
chip_gen: v7x
topology: tpu7x:2x2x1
jax: 0.10.2.dev20260603
libtpu: 0.0.44.dev20260713+nightly
codegen_flags: <defaults>
</compile_context>

<pallas_src>
import functools

import numpy as np
import jax
import jax.numpy as jnp
from jax import lax
from jax.experimental import pallas as pl
from jax.experimental.pallas import tpu as pltpu
from jax.experimental.pallas import tpu_sc as plsc

N = 10000
D = 128
H1 = 8
E = 320000
NPAD = 10240
TW = 136
CH = 96
NW = 32
E_TOT = E + N
_nch = -(-E_TOT // (CH * NW))
NCHUNK = _nch + (_nch % 2)
NC0 = NCHUNK
NC1 = 2 * NCHUNK - NC0
E_PAD = NCHUNK * CH * NW
RPT = NPAD // 16


def _one16():
    return jnp.where(
        lax.broadcasted_iota(jnp.int32, (1, 16), 1) >= 8, 1.0, 0.0
    ).astype(jnp.float32)



def _edge_body(H, table, dtable, eds, edd, zacc, out,
               sx0, sx1, dx0, dx1, rows0, rows1, ad0, ad1, pb, acc,
               sr0, sr1, sa0, sa1, sis0, sis1, sid0, sid1):
    c = lax.axis_index("c")
    s = lax.axis_index("s")
    nc = jnp.where(c == 0, NC0, NC1)
    base = jnp.where(c == 0, s * NC0, 16 * NC0 + s * NC1)
    bufs = ((sx0, dx0, rows0, ad0, sr0, sa0, sis0, sid0),
            (sx1, dx1, rows1, ad1, sr1, sa1, sis1, sid1))

    def fetch_sidx(i, b):
        sx, sis = bufs[b][0], bufs[b][6]
        pltpu.async_copy(eds.at[pl.ds((base + i) * CH, CH)], sx, sis)

    def fetch_didx(i, b):
        dx, sid = bufs[b][1], bufs[b][7]
        pltpu.async_copy(edd.at[pl.ds((base + i) * CH, CH)], dx, sid)

    def wait_idx(b):
        sx, sis = bufs[b][0], bufs[b][6]
        dx, sid = bufs[b][1], bufs[b][7]
        pltpu.make_async_copy(eds.at[pl.ds(0, CH)], sx, sis).wait()
        pltpu.make_async_copy(edd.at[pl.ds(0, CH)], dx, sid).wait()

    def gathers_start(b):
        sx, dx, rows, ad, sr, sa = bufs[b][0:6]
        pltpu.async_copy(table.at[sx], rows, sr)
        pltpu.async_copy(dtable.at[dx], ad, sa)

    def compute(b, nxt):
        sx, dx, rows, ad, sr, sa, sis, sid = bufs[b]
        pltpu.make_async_copy(table.at[sx], rows, sr).wait()
        pltpu.make_async_copy(dtable.at[dx], ad, sa).wait()

        @pl.when(nxt < nc)
        def _():
            fetch_sidx(nxt, b)

        iota = lax.iota(jnp.int32, 16)
        idx8 = jnp.where(iota < 8, 8 + 7 % H, 8 + (iota - 8) % H)

        @plsc.parallel_loop(0, CH, 1, unroll=4)
        def edge(k):
            lo = rows[k, pl.ds(120, 16)]
            alpha = lo + ad[k, :]
            alpha = jnp.maximum(alpha, 0.0) + 0.2 * jnp.minimum(alpha, 0.0)
            w = jnp.exp(alpha)
            for cc in range(8):
                m = w.at[jnp.full((16,), 8 + cc % H, jnp.int32)].get(
                    mode="promise_in_bounds")
                pb[k, pl.ds(cc * 16, 16)] = rows[k, pl.ds(cc * 16, 16)] * m
            m8 = w.at[idx8].get(mode="promise_in_bounds")
            pb[k, pl.ds(120, 16)] = jnp.where(iota < 8, lo, 1.0) * m8

        pltpu.sync_copy(pb, acc.at[dx], add=True)

        @pl.when(nxt < nc)
        def _():
            fetch_didx(nxt, b)

    fetch_sidx(0, 0)
    fetch_didx(0, 0)
    fetch_sidx(1, 1)
    fetch_didx(1, 1)
    wait_idx(0)
    gathers_start(0)
    wait_idx(1)
    gathers_start(1)

    @pl.when(s == 0)
    def _():
        pltpu.sync_copy(zacc, acc)

    plsc.subcore_barrier()

    def outer(j, carry):
        i0 = 2 * j
        compute(0, i0 + 2)

        @pl.when(i0 + 2 < nc)
        def _():
            wait_idx(0)
            gathers_start(0)

        compute(1, i0 + 3)

        @pl.when(i0 + 3 < nc)
        def _():
            wait_idx(1)
            gathers_start(1)

        return carry

    lax.fori_loop(0, nc // 2, outer, 0)

    plsc.subcore_barrier()
    pltpu.sync_copy(acc.at[pl.ds(s * RPT, RPT)],
                    out.at[c, pl.ds(s * RPT, RPT)])


@functools.lru_cache(maxsize=None)
def _make_edge_call(H):
    mesh = plsc.VectorSubcoreMesh(core_axis_name="c", subcore_axis_name="s",
                                  num_cores=2, num_subcores=16)
    return pl.kernel(
        functools.partial(_edge_body, H),
        out_type=jax.ShapeDtypeStruct((2, NPAD, TW), jnp.float32),
        mesh=mesh,
        compiler_params=pltpu.CompilerParams(
            needs_layout_passes=False, use_tc_tiling_on_sc=False),
        scratch_types=[
            pltpu.VMEM((CH,), jnp.int32),
            pltpu.VMEM((CH,), jnp.int32),
            pltpu.VMEM((CH,), jnp.int32),
            pltpu.VMEM((CH,), jnp.int32),
            pltpu.VMEM((CH, TW), jnp.float32),
            pltpu.VMEM((CH, TW), jnp.float32),
            pltpu.VMEM((CH, 16), jnp.float32),
            pltpu.VMEM((CH, 16), jnp.float32),
            pltpu.VMEM((CH, TW), jnp.float32),
            pltpu.VMEM_SHARED((NPAD, TW), jnp.float32),
            pltpu.SemaphoreType.DMA,
            pltpu.SemaphoreType.DMA,
            pltpu.SemaphoreType.DMA,
            pltpu.SemaphoreType.DMA,
            pltpu.SemaphoreType.DMA,
            pltpu.SemaphoreType.DMA,
            pltpu.SemaphoreType.DMA,
            pltpu.SemaphoreType.DMA,
        ],
    )



_RB = 640
_RC = 400


def _nodeA_body(x_ref, w1_ref, a1e_ref, a1d_ref, t_ref, dt_ref):
    h = jnp.dot(x_ref[...], w1_ref[...], preferred_element_type=jnp.float32)
    t_ref[:, 0:128] = h
    t_ref[:, 128:136] = jnp.dot(h, a1e_ref[...],
                                preferred_element_type=jnp.float32)
    dt_ref[...] = jnp.dot(h, a1d_ref[...], preferred_element_type=jnp.float32)


def _nodeB_body(p_ref, x_ref, b1_ref, scale_ref, shift_ref, w2_ref,
                a2e_ref, a2d_ref, sel_ref, t_ref, dt_ref):
    sblk = p_ref[0, :, :] + p_ref[1, :, :]
    den = jnp.dot(sblk, sel_ref[...], preferred_element_type=jnp.float32)
    g = sblk[:, 0:128] / (den + 1e-16) + b1_ref[...]
    g = g * scale_ref[...] + shift_ref[...]
    g = jnp.maximum(g, 0.0) + x_ref[...]
    h2 = jnp.dot(g, w2_ref[...], preferred_element_type=jnp.float32)
    t_ref[:, 0:128] = h2
    t_ref[:, 128:136] = jnp.dot(h2, a2e_ref[...],
                                preferred_element_type=jnp.float32)
    dt_ref[...] = jnp.dot(h2, a2d_ref[...], preferred_element_type=jnp.float32)


def _nodeC_body(p_ref, b2_ref, lng_ref, lnb_ref, sel_ref, y_ref):
    sblk = p_ref[0, :, :] + p_ref[1, :, :]
    den = jnp.dot(sblk, sel_ref[...], preferred_element_type=jnp.float32)
    h2 = sblk[:, 0:128] / (den + 1e-16) + b2_ref[...]
    mu = jnp.mean(h2, axis=-1, keepdims=True)
    dv = h2 - mu
    var = jnp.mean(dv * dv, axis=-1, keepdims=True)
    y_ref[...] = dv * lax.rsqrt(var + 1e-5) * lng_ref[...] + lnb_ref[...]


def _full(shape):
    return pl.BlockSpec(shape, lambda i: tuple(0 for _ in shape))


_nodeA = pl.pallas_call(
    _nodeA_body,
    grid=(NPAD // _RB,),
    in_specs=[
        pl.BlockSpec((_RB, D), lambda i: (i, 0)),
        _full((D, D)), _full((D, 8)), _full((D, 16)),
    ],
    out_specs=[
        pl.BlockSpec((_RB, TW), lambda i: (i, 0)),
        pl.BlockSpec((_RB, 16), lambda i: (i, 0)),
    ],
    out_shape=[
        jax.ShapeDtypeStruct((NPAD, TW), jnp.float32),
        jax.ShapeDtypeStruct((NPAD, 16), jnp.float32),
    ],
)

_nodeB = pl.pallas_call(
    _nodeB_body,
    grid=(NPAD // _RB,),
    in_specs=[
        pl.BlockSpec((2, _RB, TW), lambda i: (0, i, 0)),
        pl.BlockSpec((_RB, D), lambda i: (i, 0)),
        _full((1, D)), _full((1, D)), _full((1, D)),
        _full((D, D)), _full((D, 8)), _full((D, 16)), _full((TW, D)),
    ],
    out_specs=[
        pl.BlockSpec((_RB, TW), lambda i: (i, 0)),
        pl.BlockSpec((_RB, 16), lambda i: (i, 0)),
    ],
    out_shape=[
        jax.ShapeDtypeStruct((NPAD, TW), jnp.float32),
        jax.ShapeDtypeStruct((NPAD, 16), jnp.float32),
    ],
)

_nodeC = pl.pallas_call(
    _nodeC_body,
    grid=(N // _RC,),
    in_specs=[
        pl.BlockSpec((2, _RC, TW), lambda i: (0, i, 0)),
        _full((1, D)), _full((1, D)), _full((1, D)), _full((TW, D)),
    ],
    out_specs=pl.BlockSpec((_RC, D), lambda i: (i, 0)),
    out_shape=jax.ShapeDtypeStruct((N, D), jnp.float32),
)



def kernel(x, edge_index, W1, a_src1, a_dst1, b1, bn_g, bn_b,
           W2, a_src2, a_dst2, b2, ln_g, ln_b):
    f32 = jnp.float32
    x_pad = jnp.concatenate([x, jnp.zeros((NPAD - N, D), f32)])
    loop = jnp.arange(N, dtype=jnp.int32)
    npad_e = E_PAD - E_TOT
    eds = jnp.concatenate(
        [edge_index[0], loop, jnp.zeros((npad_e,), jnp.int32)])
    edd = jnp.concatenate(
        [edge_index[1], loop, jnp.full((npad_e,), N, jnp.int32)])

    eye8 = jnp.eye(H1, dtype=f32)
    A1e = (a_src1[:, :, None] * eye8[:, None, :]).reshape(D, H1)
    A1d = jnp.concatenate(
        [jnp.zeros((D, 8), f32),
         (a_dst1[:, :, None] * eye8[:, None, :]).reshape(D, H1)], 1)
    A2e = jnp.zeros((D, 8), f32).at[:, 0].set(a_src2[0])
    A2d = jnp.zeros((D, 16), f32).at[:, 8].set(a_dst2[0])
    SEL1 = jnp.concatenate(
        [jnp.zeros((128, D), f32), jnp.repeat(eye8, 16, axis=1)], 0)
    SEL2 = jnp.concatenate(
        [jnp.zeros((128, D), f32), jnp.full((8, D), 0.125, f32)], 0)
    zacc = jnp.zeros((NPAD, TW), f32)
    bn_scale = (bn_g / jnp.sqrt(1.0 + 1e-5)).reshape(1, D)

    table1, dt1 = _nodeA(x_pad, W1, A1e, A1d)
    p1 = _make_edge_call(H1)(table1, dt1, eds, edd, zacc)
    table2, dt2 = _nodeB(p1, x_pad, b1.reshape(1, D), bn_scale,
                         bn_b.reshape(1, D), W2, A2e, A2d, SEL1)
    p2 = _make_edge_call(1)(table2, dt2, eds, edd, zacc)
    return _nodeC(p2, b2.reshape(1, D), ln_g.reshape(1, D),
                  ln_b.reshape(1, D), SEL2)

# --- scband reference (transcript-rebuilt; emitter-appended) ---
"""Pipeline reference for scband-gatencoder-6932077215863 (READ-ONLY COPY).

The authoritative reference and input builder live on the scoring server;
editing this copy changes nothing except your own understanding.
"""

import jax, jax.numpy as jnp
import numpy as np

N = 10000
E = 320000
D = 128
H1 = 8
C1 = 16


def _gat_conv(x, src, dst, W, a_src, a_dst, H, C):
    n = x.shape[0]
    h = (x @ W).reshape(n, H, C)
    alpha_src = (h * a_src[None, :, :]).sum(-1)  # [n, H]
    alpha_dst = (h * a_dst[None, :, :]).sum(-1)  # [n, H]
    alpha = alpha_src[src] + alpha_dst[dst]      # [e, H] gather
    alpha = jax.nn.leaky_relu(alpha, 0.2)
    amax = jax.ops.segment_max(alpha, dst, num_segments=n)
    ex = jnp.exp(alpha - amax[dst])
    denom = jax.ops.segment_sum(ex, dst, num_segments=n)
    att = ex / (denom[dst] + 1e-16)
    msg = h[src] * att[:, :, None]               # [e, H, C]
    return jax.ops.segment_sum(msg, dst, num_segments=n)  # [n, H, C]


def _forward(x, edge_index, W1, a_src1, a_dst1, b1, bn_g, bn_b, W2, a_src2, a_dst2, b2, ln_g, ln_b):
    n = x.shape[0]
    # PyG GATConv default add_self_loops=True
    loop = jnp.arange(n, dtype=edge_index.dtype)
    src = jnp.concatenate([edge_index[0], loop])
    dst = jnp.concatenate([edge_index[1], loop])
    # layer 1: GATConv(128, 16, heads=8, concat=True) -> 128
    out = _gat_conv(x, src, dst, W1, a_src1, a_dst1, H1, C1).reshape(n, H1 * C1) + b1
    # BatchNorm1d in eval mode (running_mean=0, running_var=1)
    out = bn_g * out / jnp.sqrt(1.0 + 1e-5) + bn_b
    out = jax.nn.relu(out)
    # dropout: identity in eval mode; residual (dims match)
    out = out + x
    # layer 2: GATConv(128, 128, heads=1, concat=False) -> 128
    h2 = _gat_conv(out, src, dst, W2, a_src2, a_dst2, 1, D).reshape(n, D) + b2
    # LayerNorm
    mu = h2.mean(-1, keepdims=True)
    var = ((h2 - mu) ** 2).mean(-1, keepdims=True)
    h2 = (h2 - mu) / jnp.sqrt(var + 1e-5) * ln_g + ln_b
    # self.training == False -> no noise
    return h2


def setup_inputs(seed: int = 0):
    key = jax.random.key(seed)
    ks = jax.random.split(key, 8)
    s = 1.0 / np.sqrt(D)
    return {
        "x": jax.random.normal(ks[0], (N, D), dtype=jnp.float32),
        "edge_index": jax.random.randint(ks[1], (2, E), 0, N, dtype=jnp.int32),
        "W1": jax.random.normal(ks[2], (D, H1 * C1), dtype=jnp.float32) * s,
        "a_src1": jax.random.normal(ks[3], (H1, C1), dtype=jnp.float32) * s,
        "a_dst1": jax.random.normal(ks[4], (H1, C1), dtype=jnp.float32) * s,
        "b1": jnp.zeros((H1 * C1,), dtype=jnp.float32),
        "bn_g": jnp.ones((D,), dtype=jnp.float32),
        "bn_b": jnp.zeros((D,), dtype=jnp.float32),
        "W2": jax.random.normal(ks[5], (D, D), dtype=jnp.float32) * s,
        "a_src2": jax.random.normal(ks[6], (1, D), dtype=jnp.float32) * s,
        "a_dst2": jax.random.normal(ks[7], (1, D), dtype=jnp.float32) * s,
        "b2": jnp.zeros((D,), dtype=jnp.float32),
        "ln_g": jnp.ones((D,), dtype=jnp.float32),
        "ln_b": jnp.zeros((D,), dtype=jnp.float32),
    }


def reference(x, edge_index, W1, a_src1, a_dst1, b1, bn_g, bn_b, W2, a_src2, a_dst2, b2, ln_g, ln_b):
    return _forward(x, edge_index, W1, a_src1, a_dst1, b1, bn_g, bn_b, W2, a_src2, a_dst2, b2, ln_g, ln_b)

if __name__ == "__main__":
    import jax
    _d = setup_inputs()
    print(jax.jit(kernel)(*tuple(_d.values())))

</pallas_src>

<mosaic_0001>
#map = affine_map<(d0, d1) -> (0, 0)>
#map1 = affine_map<(d0, d1) -> (0)>
#map2 = affine_map<(d0, d1) -> (0, 0, 0)>
module attributes {stable_mosaic.version = 14 : i64} {
  func.func @_edge_body(%arg0: i32, %arg1: i32, %arg2: memref<10240x136xf32, #tpu.memory_space<hbm>>, %arg3: memref<10240x16xf32, #tpu.memory_space<hbm>>, %arg4: memref<331776xi32, #tpu.memory_space<hbm>>, %arg5: memref<331776xi32, #tpu.memory_space<hbm>>, %arg6: memref<10240x136xf32, #tpu.memory_space<hbm>>, %arg7: memref<2x10240x136xf32, #tpu.memory_space<hbm>>, %arg8: memref<96xi32, #tpu.memory_space<vmem>>, %arg9: memref<96xi32, #tpu.memory_space<vmem>>, %arg10: memref<96xi32, #tpu.memory_space<vmem>>, %arg11: memref<96xi32, #tpu.memory_space<vmem>>, %arg12: memref<96x136xf32, #tpu.memory_space<vmem>>, %arg13: memref<96x136xf32, #tpu.memory_space<vmem>>, %arg14: memref<96x16xf32, #tpu.memory_space<vmem>>, %arg15: memref<96x16xf32, #tpu.memory_space<vmem>>, %arg16: memref<96x136xf32, #tpu.memory_space<vmem>>, %arg17: memref<10240x136xf32, #tpu.memory_space<vmem_shared>>, %arg18: memref<!tpu.dma_semaphore, #tpu.memory_space<semaphore_mem>>, %arg19: memref<!tpu.dma_semaphore, #tpu.memory_space<semaphore_mem>>, %arg20: memref<!tpu.dma_semaphore, #tpu.memory_space<semaphore_mem>>, %arg21: memref<!tpu.dma_semaphore, #tpu.memory_space<semaphore_mem>>, %arg22: memref<!tpu.dma_semaphore, #tpu.memory_space<semaphore_mem>>, %arg23: memref<!tpu.dma_semaphore, #tpu.memory_space<semaphore_mem>>, %arg24: memref<!tpu.dma_semaphore, #tpu.memory_space<semaphore_mem>>, %arg25: memref<!tpu.dma_semaphore, #tpu.memory_space<semaphore_mem>>) attributes {dimension_semantics = [#tpu.dimension_semantics<core_parallel>, #tpu.dimension_semantics<subcore_parallel>], iteration_bounds = array<i64: 2, 16>, scalar_prefetch = 0 : i64, scratch_operands = 18 : i64, tpu.core_type = #tpu.core_type<sc_vector_subcore>, window_params = [{transform_indices = #map}, {transform_indices = #map}, {transform_indices = #map1}, {transform_indices = #map1}, {transform_indices = #map}, {transform_indices = #map2}]} {
    %eq3A = arith.constant 0 : i32
    %eq3A_0 = arith.cmpi eq, %arg0, %eq3A : i32
    %jit3A = arith.constant 108 : i32
    %jit3A_1 = arith.constant 108 : i32
    %select_n3A = arith.select %eq3A_0, %jit3A, %jit3A_1 : i32
    %eq3A_2 = arith.constant 0 : i32
    %eq3A_3 = arith.cmpi eq, %arg0, %eq3A_2 : i32
    %mul3A = arith.constant 108 : i32
    %mul3A_4 = arith.muli %arg1, %mul3A : i32
    %mul3A_5 = arith.constant 108 : i32
    %mul3A_6 = arith.muli %arg1, %mul3A_5 : i32
    %add3A = arith.constant 1728 : i32
    %add3A_7 = arith.addi %add3A, %mul3A_6 : i32
    %select_n3A_8 = arith.select %eq3A_3, %mul3A_4, %add3A_7 : i32
    %add3A_9 = arith.constant 0 : i32
    %add3A_10 = arith.addi %select_n3A_8, %add3A_9 : i32
    %mul3A_11 = arith.constant 96 : i32
    %mul3A_12 = arith.muli %add3A_10, %mul3A_11 : i32
    %dma_start3A = tpu.memref_slice %arg4[%mul3A_12] : memref<331776xi32, #tpu.memory_space<hbm>> -> memref<96xi32, #tpu.memory_space<hbm>>
    %dma_start3A_13 = tpu.memref_slice %arg4[%mul3A_12] : memref<331776xi32, #tpu.memory_space<hbm>> -> memref<96xi32, #tpu.memory_space<hbm>>
    tpu.enqueue_dma source(%dma_start3A_13 : memref<96xi32, #tpu.memory_space<hbm>>) target(%arg8 : memref<96xi32, #tpu.memory_space<vmem>>) target_semaphore(%arg22 : memref<!tpu.dma_semaphore, #tpu.memory_space<semaphore_mem>>)
    %add3A_14 = arith.constant 0 : i32
    %add3A_15 = arith.addi %select_n3A_8, %add3A_14 : i32
    %mul3A_16 = arith.constant 96 : i32
    %mul3A_17 = arith.muli %add3A_15, %mul3A_16 : i32
    %dma_start3A_18 = tpu.memref_slice %arg5[%mul3A_17] : memref<331776xi32, #tpu.memory_space<hbm>> -> memref<96xi32, #tpu.memory_space<hbm>>
    %dma_start3A_19 = tpu.memref_slice %arg5[%mul3A_17] : memref<331776xi32, #tpu.memory_space<hbm>> -> memref<96xi32, #tpu.memory_space<hbm>>
    tpu.enqueue_dma source(%dma_start3A_19 : memref<96xi32, #tpu.memory_space<hbm>>) target(%arg10 : memref<96xi32, #tpu.memory_space<vmem>>) target_semaphore(%arg24 : memref<!tpu.dma_semaphore, #tpu.memory_space<semaphore_mem>>)
    %add3A_20 = arith.constant 1 : i32
    %add3A_21 = arith.addi %select_n3A_8, %add3A_20 : i32
    %mul3A_22 = arith.constant 96 : i32
    %mul3A_23 = arith.muli %add3A_21, %mul3A_22 : i32
    %dma_start3A_24 = tpu.memref_slice %arg4[%mul3A_23] : memref<331776xi32, #tpu.memory_space<hbm>> -> memref<96xi32, #tpu.memory_space<hbm>>
    %dma_start3A_25 = tpu.memref_slice %arg4[%mul3A_23] : memref<331776xi32, #tpu.memory_space<hbm>> -> memref<96xi32, #tpu.memory_space<hbm>>
    tpu.enqueue_dma source(%dma_start3A_25 : memref<96xi32, #tpu.memory_space<hbm>>) target(%arg9 : memref<96xi32, #tpu.memory_space<vmem>>) target_semaphore(%arg23 : memref<!tpu.dma_semaphore, #tpu.memory_space<semaphore_mem>>)
    %add3A_26 = arith.constant 1 : i32
    %add3A_27 = arith.addi %select_n3A_8, %add3A_26 : i32
    %mul3A_28 = arith.constant 96 : i32
    %mul3A_29 = arith.muli %add3A_27, %mul3A_28 : i32
    %dma_start3A_30 = tpu.memref_slice %arg5[%mul3A_29] : memref<331776xi32, #tpu.memory_space<hbm>> -> memref<96xi32, #tpu.memory_space<hbm>>
    %dma_start3A_31 = tpu.memref_slice %arg5[%mul3A_29] : memref<331776xi32, #tpu.memory_space<hbm>> -> memref<96xi32, #tpu.memory_space<hbm>>
    tpu.enqueue_dma source(%dma_start3A_31 : memref<96xi32, #tpu.memory_space<hbm>>) target(%arg11 : memref<96xi32, #tpu.memory_space<vmem>>) target_semaphore(%arg25 : memref<!tpu.dma_semaphore, #tpu.memory_space<semaphore_mem>>)
    %dma_wait3A = arith.constant 0 : i32
    %dma_wait3A_32 = tpu.memref_slice %arg4[%dma_wait3A] : memref<331776xi32, #tpu.memory_space<hbm>> -> memref<96xi32, #tpu.memory_space<hbm>>
    %dma_wait3A_33 = arith.constant 0 : i32
    %dma_wait3A_34 = tpu.memref_slice %arg4[%dma_wait3A_33] : memref<331776xi32, #tpu.memory_space<hbm>> -> memref<96xi32, #tpu.memory_space<hbm>>
    tpu.wait_dma2 semaphore(%arg22 : memref<!tpu.dma_semaphore, #tpu.memory_space<semaphore_mem>>) src(%dma_wait3A_34 : memref<96xi32, #tpu.memory_space<hbm>>) dst(%arg8 : memref<96xi32, #tpu.memory_space<vmem>>)
    %dma_wait3A_35 = arith.constant 0 : i32
    %dma_wait3A_36 = tpu.memref_slice %arg5[%dma_wait3A_35] : memref<331776xi32, #tpu.memory_space<hbm>> -> memref<96xi32, #tpu.memory_space<hbm>>
    %dma_wait3A_37 = arith.constant 0 : i32
    %dma_wait3A_38 = tpu.memref_slice %arg5[%dma_wait3A_37] : memref<331776xi32, #tpu.memory_space<hbm>> -> memref<96xi32, #tpu.memory_space<hbm>>
    tpu.wait_dma2 semaphore(%arg24 : memref<!tpu.dma_semaphore, #tpu.memory_space<semaphore_mem>>) src(%dma_wait3A_38 : memref<96xi32, #tpu.memory_space<hbm>>) dst(%arg10 : memref<96xi32, #tpu.memory_space<vmem>>)
    %dma_start3A_39 = arith.constant 0 : i32
    %dma_start3A_40 = arith.constant 0 : i32
    %dma_start3A_41 = tpu.memref_slice %arg2[%dma_start3A_39, %dma_start3A_40] : memref<10240x136xf32, #tpu.memory_space<hbm>> -> memref<10240x136xf32, #tpu.memory_space<hbm>>
    tpu.enqueue_indirect_dma source(%dma_start3A_41 : memref<10240x136xf32, #tpu.memory_space<hbm>>) target(%arg12 : memref<96x136xf32, #tpu.memory_space<vmem>>) offsets(%arg8 : memref<96xi32, #tpu.memory_space<vmem>>) semaphore(%arg18 : memref<!tpu.dma_semaphore, #tpu.memory_space<semaphore_mem>>)
    %dma_start3A_42 = arith.constant 0 : i32
    %dma_start3A_43 = arith.constant 0 : i32
    %dma_start3A_44 = tpu.memref_slice %arg3[%dma_start3A_42, %dma_start3A_43] : memref<10240x16xf32, #tpu.memory_space<hbm>> -> memref<10240x16xf32, #tpu.memory_space<hbm>>
    tpu.enqueue_indirect_dma source(%dma_start3A_44 : memref<10240x16xf32, #tpu.memory_space<hbm>>) target(%arg14 : memref<96x16xf32, #tpu.memory_space<vmem>>) offsets(%arg10 : memref<96xi32, #tpu.memory_space<vmem>>) semaphore(%arg20 : memref<!tpu.dma_semaphore, #tpu.memory_space<semaphore_mem>>)
    %dma_wait3A_45 = arith.constant 0 : i32
    %dma_wait3A_46 = tpu.memref_slice %arg4[%dma_wait3A_45] : memref<331776xi32, #tpu.memory_space<hbm>> -> memref<96xi32, #tpu.memory_space<hbm>>
    %dma_wait3A_47 = arith.constant 0 : i32
    %dma_wait3A_48 = tpu.memref_slice %arg4[%dma_wait3A_47] : memref<331776xi32, #tpu.memory_space<hbm>> -> memref<96xi32, #tpu.memory_space<hbm>>
    tpu.wait_dma2 semaphore(%arg23 : memref<!tpu.dma_semaphore, #tpu.memory_space<semaphore_mem>>) src(%dma_wait3A_48 : memref<96xi32, #tpu.memory_space<hbm>>) dst(%arg9 : memref<96xi32, #tpu.memory_space<vmem>>)
    %dma_wait3A_49 = arith.constant 0 : i32
    %dma_wait3A_50 = tpu.memref_slice %arg5[%dma_wait3A_49] : memref<331776xi32, #tpu.memory_space<hbm>> -> memref<96xi32, #tpu.memory_space<hbm>>
    %dma_wait3A_51 = arith.constant 0 : i32
    %dma_wait3A_52 = tpu.memref_slice %arg5[%dma_wait3A_51] : memref<331776xi32, #tpu.memory_space<hbm>> -> memref<96xi32, #tpu.memory_space<hbm>>
    tpu.wait_dma2 semaphore(%arg25 : memref<!tpu.dma_semaphore, #tpu.memory_space<semaphore_mem>>) src(%dma_wait3A_52 : memref<96xi32, #tpu.memory_space<hbm>>) dst(%arg11 : memref<96xi32, #tpu.memory_space<vmem>>)
    %dma_start3A_53 = arith.constant 0 : i32
    %dma_start3A_54 = arith.constant 0 : i32
    %dma_start3A_55 = tpu.memref_slice %arg2[%dma_start3A_53, %dma_start3A_54] : memref<10240x136xf32, #tpu.memory_space<hbm>> -> memref<10240x136xf32, #tpu.memory_space<hbm>>
    tpu.enqueue_indirect_dma source(%dma_start3A_55 : memref<10240x136xf32, #tpu.memory_space<hbm>>) target(%arg13 : memref<96x136xf32, #tpu.memory_space<vmem>>) offsets(%arg9 : memref<96xi32, #tpu.memory_space<vmem>>) semaphore(%arg19 : memref<!tpu.dma_semaphore, #tpu.memory_space<semaphore_mem>>)
    %dma_start3A_56 = arith.constant 0 : i32
    %dma_start3A_57 = arith.constant 0 : i32
    %dma_start3A_58 = tpu.memref_slice %arg3[%dma_start3A_56, %dma_start3A_57] : memref<10240x16xf32, #tpu.memory_space<hbm>> -> memref<10240x16xf32, #tpu.memory_space<hbm>>
    tpu.enqueue_indirect_dma source(%dma_start3A_58 : memref<10240x16xf32, #tpu.memory_space<hbm>>) target(%arg15 : memref<96x16xf32, #tpu.memory_space<vmem>>) offsets(%arg11 : memref<96xi32, #tpu.memory_space<vmem>>) semaphore(%arg21 : memref<!tpu.dma_semaphore, #tpu.memory_space<semaphore_mem>>)
    %eq3A_59 = arith.constant 0 : i32
    %eq3A_60 = arith.cmpi eq, %arg1, %eq3A_59 : i32
    %convert_element_type3A = arith.extui %eq3A_60 : i1 to i32
    %cond3A = arith.constant 0 : i32
    %cond3A_61 = arith.cmpi ne, %convert_element_type3A, %cond3A : i32
    scf.if %cond3A_61 {
      "tpu.region"() ({
        %run_scoped3A = tpu.sem_alloc : memref<!tpu.dma_semaphore, #tpu.memory_space<semaphore_mem>>
        tpu.enqueue_dma source(%arg6 : memref<10240x136xf32, #tpu.memory_space<hbm>>) target(%arg17 : memref<10240x136xf32, #tpu.memory_space<vmem_shared>>) target_semaphore(%run_scoped3A : memref<!tpu.dma_semaphore, #tpu.memory_space<semaphore_mem>>)
        tpu.wait_dma2 semaphore(%run_scoped3A : memref<!tpu.dma_semaphore, #tpu.memory_space<semaphore_mem>>) src(%arg6 : memref<10240x136xf32, #tpu.memory_space<hbm>>) dst(%arg17 : memref<10240x136xf32, #tpu.memory_space<vmem_shared>>)
        tpu.yield
      }) : () -> ()
    } else {
    }
    %barrier3A = arith.constant 0 : index
    tpu.barrier barrier_id(%barrier3A)
    %jit3A_62 = arith.constant 2 : i32
    %div3A = arith.divsi %select_n3A, %jit3A_62 : i32
    %sign3A = arith.constant 0 : i32
    %sign3A_63 = arith.cmpi sgt, %select_n3A, %sign3A : i32
    %sign3A_64 = arith.extui %sign3A_63 : i1 to i32
    %sign3A_65 = arith.constant 0 : i32
    %sign3A_66 = arith.cmpi slt, %select_n3A, %sign3A_65 : i32
    %sign3A_67 = arith.extui %sign3A_66 : i1 to i32
    %sign3A_68 = arith.subi %sign3A_64, %sign3A_67 : i32
    %sign3A_69 = arith.constant 0 : i32
    %sign3A_70 = arith.cmpi sgt, %jit3A_62, %sign3A_69 : i32
    %sign3A_71 = arith.extui %sign3A_70 : i1 to i32
    %sign3A_72 = arith.constant 0 : i32
    %sign3A_73 = arith.cmpi slt, %jit3A_62, %sign3A_72 : i32
    %sign3A_74 = arith.extui %sign3A_73 : i1 to i32
    %sign3A_75 = arith.subi %sign3A_71, %sign3A_74 : i32
    %ne3A = arith.cmpi ne, %sign3A_68, %sign3A_75 : i32
    %rem3A = arith.remsi %select_n3A, %jit3A_62 : i32
    %ne3A_76 = arith.constant 0 : i32
    %ne3A_77 = arith.cmpi ne, %rem3A, %ne3A_76 : i32
    %and3A = arith.andi %ne3A, %ne3A_77 : i1
    %sub3A = arith.constant 1 : i32
    %sub3A_78 = arith.subi %div3A, %sub3A : i32
    %select_n3A_79 = arith.select %and3A, %sub3A_78, %div3A : i32
    %while3A = arith.constant 0 : i32
    %while3A_80 = arith.constant 0 : i32
    %while3A_81 = arith.subi %select_n3A_79, %while3A_80 : i32
    %while3A_82 = arith.addi %while3A_80, %while3A_81 : i32
    %while3A_83 = arith.constant 1 : i32
    %while3A_84 = arith.divsi %while3A_81, %while3A_83 : i32
    %while3A_85 = arith.muli %while3A_84, %while3A_83 : i32
    %while3A_86 = arith.addi %while3A_80, %while3A_85 : i32
    %while3A_87 = arith.constant 1 : i32
    scf.for %while3A_94 = %while3A_80 to %while3A_86 step %while3A_87  : i32 {
      %mul3A_95 = arith.constant 2 : i32
      %mul3A_96 = arith.muli %mul3A_95, %while3A_94 : i32
      %add3A_97 = arith.constant 2 : i32
      %add3A_98 = arith.addi %mul3A_96, %add3A_97 : i32
      %dma_wait3A_99 = arith.constant 0 : i32
      %dma_wait3A_100 = arith.constant 0 : i32
      %dma_wait3A_101 = tpu.memref_slice %arg2[%dma_wait3A_99, %dma_wait3A_100] : memref<10240x136xf32, #tpu.memory_space<hbm>> -> memref<10240x136xf32, #tpu.memory_space<hbm>>
      tpu.wait_indirect_dma semaphore(%arg18 : memref<!tpu.dma_semaphore, #tpu.memory_space<semaphore_mem>>) src(%dma_wait3A_101 : memref<10240x136xf32, #tpu.memory_space<hbm>>) dst(%arg12 : memref<96x136xf32, #tpu.memory_space<vmem>>)
      %dma_wait3A_102 = arith.constant 0 : i32
      %dma_wait3A_103 = arith.constant 0 : i32
      %dma_wait3A_104 = tpu.memref_slice %arg3[%dma_wait3A_102, %dma_wait3A_103] : memref<10240x16xf32, #tpu.memory_space<hbm>> -> memref<10240x16xf32, #tpu.memory_space<hbm>>
      tpu.wait_indirect_dma semaphore(%arg20 : memref<!tpu.dma_semaphore, #tpu.memory_space<semaphore_mem>>) src(%dma_wait3A_104 : memref<10240x16xf32, #tpu.memory_space<hbm>>) dst(%arg14 : memref<96x16xf32, #tpu.memory_space<vmem>>)
      %lt3A = arith.cmpi slt, %add3A_98, %select_n3A : i32
      %convert_element_type3A_105 = arith.extui %lt3A : i1 to i32
      %cond3A_106 = arith.constant 0 : i32
      %cond3A_107 = arith.cmpi ne, %convert_element_type3A_105, %cond3A_106 : i32
      scf.if %cond3A_107 {
        %add3A_213 = arith.addi %select_n3A_8, %add3A_98 : i32
        %mul3A_214 = arith.constant 96 : i32
        %mul3A_215 = arith.muli %add3A_213, %mul3A_214 : i32
        %dma_start3A_216 = tpu.memref_slice %arg4[%mul3A_215] : memref<331776xi32, #tpu.memory_space<hbm>> -> memref<96xi32, #tpu.memory_space<hbm>>
        %dma_start3A_217 = tpu.memref_slice %arg4[%mul3A_215] : memref<331776xi32, #tpu.memory_space<hbm>> -> memref<96xi32, #tpu.memory_space<hbm>>
        tpu.enqueue_dma source(%dma_start3A_217 : memref<96xi32, #tpu.memory_space<hbm>>) target(%arg8 : memref<96xi32, #tpu.memory_space<vmem>>) target_semaphore(%arg22 : memref<!tpu.dma_semaphore, #tpu.memory_space<semaphore_mem>>)
      } else {
      }
      %iota3A = tpu.iota {dimensions = array<i32: 0>} : vector<16xi32>
      %lt3A_108 = arith.constant 8 : i32
      %lt3A_109 = vector.broadcast %lt3A_108 : i32 to vector<16xi32>
      %lt3A_110 = arith.cmpi slt, %iota3A, %lt3A_109 : vector<16xi32>
      %sub3A_111 = arith.constant 8 : i32
      %sub3A_112 = vector.broadcast %sub3A_111 : i32 to vector<16xi32>
      %sub3A_113 = arith.subi %iota3A, %sub3A_112 : vector<16xi32>
      %jit3A_114 = arith.constant 1 : i32
      %eq3A_115 = arith.constant 0 : i32
      %eq3A_116 = arith.cmpi eq, %jit3A_114, %eq3A_115 : i32
      %jit3A_117 = arith.constant 1 : i32
      %select_n3A_118 = arith.select %eq3A_116, %jit3A_117, %jit3A_114 : i32
      %rem3A_119 = vector.broadcast %select_n3A_118 : i32 to vector<16xi32>
      %rem3A_120 = arith.remsi %sub3A_113, %rem3A_119 : vector<16xi32>
      %ne3A_121 = arith.constant 0 : i32
      %ne3A_122 = vector.broadcast %ne3A_121 : i32 to vector<16xi32>
      %ne3A_123 = arith.cmpi ne, %rem3A_120, %ne3A_122 : vector<16xi32>
      %lt3A_124 = arith.constant 0 : i32
      %lt3A_125 = vector.broadcast %lt3A_124 : i32 to vector<16xi32>
      %lt3A_126 = arith.cmpi slt, %rem3A_120, %lt3A_125 : vector<16xi32>
      %lt3A_127 = arith.constant 0 : i32
      %lt3A_128 = arith.cmpi slt, %select_n3A_118, %lt3A_127 : i32
      %ne3A_129 = vector.broadcast %lt3A_128 : i1 to vector<16xi1>
      %ne3A_130 = vector.broadcast %ne3A_129 : vector<16xi1> to vector<16xi1>
      %ne3A_131 = arith.xori %lt3A_126, %ne3A_130 : vector<16xi1>
      %and3A_132 = arith.andi %ne3A_131, %ne3A_123 : vector<16xi1>
      %add3A_133 = vector.broadcast %select_n3A_118 : i32 to vector<16xi32>
      %add3A_134 = arith.addi %rem3A_120, %add3A_133 : vector<16xi32>
      %select_n3A_135 = arith.select %and3A_132, %add3A_134, %rem3A_120 : vector<16xi1>, vector<16xi32>
      %add3A_136 = arith.constant 8 : i32
      %add3A_137 = vector.broadcast %add3A_136 : i32 to vector<16xi32>
      %add3A_138 = arith.addi %add3A_137, %select_n3A_135 : vector<16xi32>
      %jit3A_139 = arith.constant 8 : i32
      %broadcast_in_dim3A = vector.broadcast %jit3A_139 : i32 to vector<16xi32>
      %select_n3A_140 = arith.select %lt3A_110, %broadcast_in_dim3A, %add3A_138 : vector<16xi1>, vector<16xi32>
      %parallel_loop3A = arith.constant 0 : i32
      %parallel_loop3A_141 = arith.constant 96 : i32
      %parallel_loop3A_142 = arith.constant 1 : i32
      scf.for %parallel_loop3A_213 = %parallel_loop3A to %parallel_loop3A_141 step %parallel_loop3A_142  : i32 {
        %parallel_loop3A_214 = arith.index_cast %parallel_loop3A_213 : i32 to index
        %parallel_loop3A_215 = arith.constant 120 : index
        %parallel_loop3A_216 = tpu.vector_load %arg12[%parallel_loop3A_214, %parallel_loop3A_215] {strides = array<i32>} : memref<96x136xf32, #tpu.memory_space<vmem>>, vector<16xf32>,
        %parallel_loop3A_217 = arith.index_cast %parallel_loop3A_213 : i32 to index
        %parallel_loop3A_218 = arith.constant 0 : index
        %parallel_loop3A_219 = tpu.vector_load %arg14[%parallel_loop3A_217, %parallel_loop3A_218] {strides = array<i32>} : memref<96x16xf32, #tpu.memory_space<vmem>>, vector<16xf32>,
        %parallel_loop3A_220 = arith.addf %parallel_loop3A_216, %parallel_loop3A_219 : vector<16xf32>
        %parallel_loop3A_221 = arith.constant 0.000000e+00 : f32
        %parallel_loop3A_222 = vector.broadcast %parallel_loop3A_221 : f32 to vector<16xf32>
        %parallel_loop3A_223 = arith.maximumf %parallel_loop3A_220, %parallel_loop3A_222 : vector<16xf32>
        %parallel_loop3A_224 = arith.constant 0.000000e+00 : f32
        %parallel_loop3A_225 = vector.broadcast %parallel_loop3A_224 : f32 to vector<16xf32>
        %parallel_loop3A_226 = arith.minimumf %parallel_loop3A_220, %parallel_loop3A_225 : vector<16xf32>
        %parallel_loop3A_227 = arith.constant 2.000000e-01 : f32
        %parallel_loop3A_228 = vector.broadcast %parallel_loop3A_227 : f32 to vector<16xf32>
        %parallel_loop3A_229 = arith.mulf %parallel_loop3A_228, %parallel_loop3A_226 : vector<16xf32>
        %parallel_loop3A_230 = arith.addf %parallel_loop3A_223, %parallel_loop3A_229 : vector<16xf32>
        %parallel_loop3A_231 = math.exp %parallel_loop3A_230 : vector<16xf32>
        %parallel_loop3A_232 = arith.constant 8 : i32
        %parallel_loop3A_233 = vector.broadcast %parallel_loop3A_232 : i32 to vector<16xi32>
        %parallel_loop3A_234 = arith.constant 0 : i32
        %parallel_loop3A_235 = vector.broadcast %parallel_loop3A_234 : i32 to vector<16xi32>
        %parallel_loop3A_236 = arith.cmpi slt, %parallel_loop3A_233, %parallel_loop3A_235 : vector<16xi32>
        %parallel_loop3A_237 = arith.constant 16 : i32
        %parallel_loop3A_238 = vector.broadcast %parallel_loop3A_237 : i32 to vector<16xi32>
        %parallel_loop3A_239 = arith.addi %parallel_loop3A_233, %parallel_loop3A_238 : vector<16xi32>
        %parallel_loop3A_240 = arith.select %parallel_loop3A_236, %parallel_loop3A_239, %parallel_loop3A_233 : vector<16xi1>, vector<16xi32>
        %parallel_loop3A_241 = vector.shape_cast %parallel_loop3A_240 : vector<16xi32> to vector<16x1xi32>
        %parallel_loop3A_242 = vector.shape_cast %parallel_loop3A_241 : vector<16x1xi32> to vector<16xi32>
        %parallel_loop3A_243 = tpu.dynamic_gather %parallel_loop3A_231[%parallel_loop3A_242] in [0] : vector<16xf32>, vector<16xi32> -> vector<16xf32>
        %parallel_loop3A_244 = arith.index_cast %parallel_loop3A_213 : i32 to index
        %parallel_loop3A_245 = arith.constant 0 : index
        %parallel_loop3A_246 = tpu.vector_load %arg12[%parallel_loop3A_244, %parallel_loop3A_245] {strides = array<i32>} : memref<96x136xf32, #tpu.memory_space<vmem>>, vector<16xf32>,
        %parallel_loop3A_247 = arith.mulf %parallel_loop3A_246, %parallel_loop3A_243 : vector<16xf32>
        %parallel_loop3A_248 = arith.index_cast %parallel_loop3A_213 : i32 to index
        %parallel_loop3A_249 = arith.constant 0 : index
        %parallel_loop3A_250 = tpu.vector_load %arg16[%parallel_loop3A_248, %parallel_loop3A_249] {strides = array<i32>} : memref<96x136xf32, #tpu.memory_space<vmem>>, vector<16xf32>,
        tpu.vector_store %arg16[%parallel_loop3A_248, %parallel_loop3A_249], %parallel_loop3A_247 {strides = array<i32>} : memref<96x136xf32, #tpu.memory_space<vmem>>, vector<16xf32>,
        %parallel_loop3A_251 = arith.constant 8 : i32
        %parallel_loop3A_252 = vector.broadcast %parallel_loop3A_251 : i32 to vector<16xi32>
        %parallel_loop3A_253 = arith.constant 0 : i32
        %parallel_loop3A_254 = vector.broadcast %parallel_loop3A_253 : i32 to vector<16xi32>
        %parallel_loop3A_255 = arith.cmpi slt, %parallel_loop3A_252, %parallel_loop3A_254 : vector<16xi32>
        %parallel_loop3A_256 = arith.constant 16 : i32
        %parallel_loop3A_257 = vector.broadcast %parallel_loop3A_256 : i32 to vector<16xi32>
        %parallel_loop3A_258 = arith.addi %parallel_loop3A_252, %parallel_loop3A_257 : vector<16xi32>
        %parallel_loop3A_259 = arith.select %parallel_loop3A_255, %parallel_loop3A_258, %parallel_loop3A_252 : vector<16xi1>, vector<16xi32>
        %parallel_loop3A_260 = vector.shape_cast %parallel_loop3A_259 : vector<16xi32> to vector<16x1xi32>
        %parallel_loop3A_261 = vector.shape_cast %parallel_loop3A_260 : vector<16x1xi32> to vector<16xi32>
        %parallel_loop3A_262 = tpu.dynamic_gather %parallel_loop3A_231[%parallel_loop3A_261] in [0] : vector<16xf32>, vector<16xi32> -> vector<16xf32>
        %parallel_loop3A_263 = arith.index_cast %parallel_loop3A_213 : i32 to index
        %parallel_loop3A_264 = arith.constant 16 : index
        %parallel_loop3A_265 = tpu.vector_load %arg12[%parallel_loop3A_263, %parallel_loop3A_264] {strides = array<i32>} : memref<96x136xf32, #tpu.memory_space<vmem>>, vector<16xf32>,
        %parallel_loop3A_266 = arith.mulf %parallel_loop3A_265, %parallel_loop3A_262 : vector<16xf32>
        %parallel_loop3A_267 = arith.index_cast %parallel_loop3A_213 : i32 to index
        %parallel_loop3A_268 = arith.constant 16 : index
        %parallel_loop3A_269 = tpu.vector_load %arg16[%parallel_loop3A_267, %parallel_loop3A_268] {strides = array<i32>} : memref<96x136xf32, #tpu.memory_space<vmem>>, vector<16xf32>,
        tpu.vector_store %arg16[%parallel_loop3A_267, %parallel_loop3A_268], %parallel_loop3A_266 {strides = array<i32>} : memref<96x136xf32, #tpu.memory_space<vmem>>, vector<16xf32>,
        %parallel_loop3A_270 = arith.constant 8 : i32
        %parallel_loop3A_271 = vector.broadcast %parallel_loop3A_270 : i32 to vector<16xi32>
        %parallel_loop3A_272 = arith.constant 0 : i32
        %parallel_loop3A_273 = vector.broadcast %parallel_loop3A_272 : i32 to vector<16xi32>
        %parallel_loop3A_274 = arith.cmpi slt, %parallel_loop3A_271, %parallel_loop3A_273 : vector<16xi32>
        %parallel_loop3A_275 = arith.constant 16 : i32
        %parallel_loop3A_276 = vector.broadcast %parallel_loop3A_275 : i32 to vector<16xi32>
        %parallel_loop3A_277 = arith.addi %parallel_loop3A_271, %parallel_loop3A_276 : vector<16xi32>
        %parallel_loop3A_278 = arith.select %parallel_loop3A_274, %parallel_loop3A_277, %parallel_loop3A_271 : vector<16xi1>, vector<16xi32>
        %parallel_loop3A_279 = vector.shape_cast %parallel_loop3A_278 : vector<16xi32> to vector<16x1xi32>
        %parallel_loop3A_280 = vector.shape_cast %parallel_loop3A_279 : vector<16x1xi32> to vector<16xi32>
        %parallel_loop3A_281 = tpu.dynamic_gather %parallel_loop3A_231[%parallel_loop3A_280] in [0] : vector<16xf32>, vector<16xi32> -> vector<16xf32>
        %parallel_loop3A_282 = arith.index_cast %parallel_loop3A_213 : i32 to index
        %parallel_loop3A_283 = arith.constant 32 : index
        %parallel_loop3A_284 = tpu.vector_load %arg12[%parallel_loop3A_282, %parallel_loop3A_283] {strides = array<i32>} : memref<96x136xf32, #tpu.memory_space<vmem>>, vector<16xf32>,
        %parallel_loop3A_285 = arith.mulf %parallel_loop3A_284, %parallel_loop3A_281 : vector<16xf32>
        %parallel_loop3A_286 = arith.index_cast %parallel_loop3A_213 : i32 to index
        %parallel_loop3A_287 = arith.constant 32 : index
        %parallel_loop3A_288 = tpu.vector_load %arg16[%parallel_loop3A_286, %parallel_loop3A_287] {strides = array<i32>} : memref<96x136xf32, #tpu.memory_space<vmem>>, vector<16xf32>,
        tpu.vector_store %arg16[%parallel_loop3A_286, %parallel_loop3A_287], %parallel_loop3A_285 {strides = array<i32>} : memref<96x136xf32, #tpu.memory_space<vmem>>, vector<16xf32>,
        %parallel_loop3A_289 = arith.constant 8 : i32
        %parallel_loop3A_290 = vector.broadcast %parallel_loop3A_289 : i32 to vector<16xi32>
        %parallel_loop3A_291 = arith.constant 0 : i32
        %parallel_loop3A_292 = vector.broadcast %parallel_loop3A_291 : i32 to vector<16xi32>
        %parallel_loop3A_293 = arith.cmpi slt, %parallel_loop3A_290, %parallel_loop3A_292 : vector<16xi32>
        %parallel_loop3A_294 = arith.constant 16 : i32
        %parallel_loop3A_295 = vector.broadcast %parallel_loop3A_294 : i32 to vector<16xi32>
        %parallel_loop3A_296 = arith.addi %parallel_loop3A_290, %parallel_loop3A_295 : vector<16xi32>
        %parallel_loop3A_297 = arith.select %parallel_loop3A_293, %parallel_loop3A_296, %parallel_loop3A_290 : vector<16xi1>, vector<16xi32>
        %parallel_loop3A_298 = vector.shape_cast %parallel_loop3A_297 : vector<16xi32> to vector<16x1xi32>
        %parallel_loop3A_299 = vector.shape_cast %parallel_loop3A_298 : vector<16x1xi32> to vector<16xi32>
        %parallel_loop3A_300 = tpu.dynamic_gather %parallel_loop3A_231[%parallel_loop3A_299] in [0] : vector<16xf32>, vector<16xi32> -> vector<16xf32>
        %parallel_loop3A_301 = arith.index_cast %parallel_loop3A_213 : i32 to index
        %parallel_loop3A_302 = arith.constant 48 : index
        %parallel_loop3A_303 = tpu.vector_load %arg12[%parallel_loop3A_301, %parallel_loop3A_302] {strides = array<i32>} : memref<96x136xf32, #tpu.memory_space<vmem>>, vector<16xf32>,
        %parallel_loop3A_304 = arith.mulf %parallel_loop3A_303, %parallel_loop3A_300 : vector<16xf32>
        %parallel_loop3A_305 = arith.index_cast %parallel_loop3A_213 : i32 to index
        %parallel_loop3A_306 = arith.constant 48 : index
        %parallel_loop3A_307 = tpu.vector_load %arg16[%parallel_loop3A_305, %parallel_loop3A_306] {strides = array<i32>} : memref<96x136xf32, #tpu.memory_space<vmem>>, vector<16xf32>,
        tpu.vector_store %arg16[%parallel_loop3A_305, %parallel_loop3A_306], %parallel_loop3A_304 {strides = array<i32>} : memref<96x136xf32, #tpu.memory_space<vmem>>, vector<16xf32>,
        %parallel_loop3A_308 = arith.constant 8 : i32
        %parallel_loop3A_309 = vector.broadcast %parallel_loop3A_308 : i32 to vector<16xi32>
        %parallel_loop3A_310 = arith.constant 0 : i32
        %parallel_loop3A_311 = vector.broadcast %parallel_loop3A_310 : i32 to vector<16xi32>
        %parallel_loop3A_312 = arith.cmpi slt, %parallel_loop3A_309, %parallel_loop3A_311 : vector<16xi32>
        %parallel_loop3A_313 = arith.constant 16 : i32
        %parallel_loop3A_314 = vector.broadcast %parallel_loop3A_313 : i32 to vector<16xi32>
        %parallel_loop3A_315 = arith.addi %parallel_loop3A_309, %parallel_loop3A_314 : vector<16xi32>
        %parallel_loop3A_316 = arith.select %parallel_loop3A_312, %parallel_loop3A_315, %parallel_loop3A_309 : vector<16xi1>, vector<16xi32>
        %parallel_loop3A_317 = vector.shape_cast %parallel_loop3A_316 : vector<16xi32> to vector<16x1xi32>
        %parallel_loop3A_318 = vector.shape_cast %parallel_loop3A_317 : vector<16x1xi32> to vector<16xi32>
        %parallel_loop3A_319 = tpu.dynamic_gather %parallel_loop3A_231[%parallel_loop3A_318] in [0] : vector<16xf32>, vector<16xi32> -> vector<16xf32>
        %parallel_loop3A_320 = arith.index_cast %parallel_loop3A_213 : i32 to index
        %parallel_loop3A_321 = arith.constant 64 : index
        %parallel_loop3A_322 = tpu.vector_load %arg12[%parallel_loop3A_320, %parallel_loop3A_321] {strides = array<i32>} : memref<96x136xf32, #tpu.memory_space<vmem>>, vector<16xf32>,
        %parallel_loop3A_323 = arith.mulf %parallel_loop3A_322, %parallel_loop3A_319 : vector<16xf32>
        %parallel_loop3A_324 = arith.index_cast %parallel_loop3A_213 : i32 to index
        %parallel_loop3A_325 = arith.constant 64 : index
        %parallel_loop3A_326 = tpu.vector_load %arg16[%parallel_loop3A_324, %parallel_loop3A_325] {strides = array<i32>} : memref<96x136xf32, #tpu.memory_space<vmem>>, vector<16xf32>,
        tpu.vector_store %arg16[%parallel_loop3A_324, %parallel_loop3A_325], %parallel_loop3A_323 {strides = array<i32>} : memref<96x136xf32, #tpu.memory_space<vmem>>, vector<16xf32>,
        %parallel_loop3A_327 = arith.constant 8 : i32
        %parallel_loop3A_328 = vector.broadcast %parallel_loop3A_327 : i32 to vector<16xi32>
        %parallel_loop3A_329 = arith.constant 0 : i32
        %parallel_loop3A_330 = vector.broadcast %parallel_loop3A_329 : i32 to vector<16xi32>
        %parallel_loop3A_331 = arith.cmpi slt, %parallel_loop3A_328, %parallel_loop3A_330 : vector<16xi32>
        %parallel_loop3A_332 = arith.constant 16 : i32
        %parallel_loop3A_333 = vector.broadcast %parallel_loop3A_332 : i32 to vector<16xi32>
        %parallel_loop3A_334 = arith.addi %parallel_loop3A_328, %parallel_loop3A_333 : vector<16xi32>
        %parallel_loop3A_335 = arith.select %parallel_loop3A_331, %parallel_loop3A_334, %parallel_loop3A_328 : vector<16xi1>, vector<16xi32>
        %parallel_loop3A_336 = vector.shape_cast %parallel_loop3A_335 : vector<16xi32> to vector<16x1xi32>
        %parallel_loop3A_337 = vector.shape_cast %parallel_loop3A_336 : vector<16x1xi32> to vector<16xi32>
        %parallel_loop3A_338 = tpu.dynamic_gather %parallel_loop3A_231[%parallel_loop3A_337] in [0] : vector<16xf32>, vector<16xi32> -> vector<16xf32>
        %parallel_loop3A_339 = arith.index_cast %parallel_loop3A_213 : i32 to index
        %parallel_loop3A_340 = arith.constant 80 : index
        %parallel_loop3A_341 = tpu.vector_load %arg12[%parallel_loop3A_339, %parallel_loop3A_340] {strides = array<i32>} : memref<96x136xf32, #tpu.memory_space<vmem>>, vector<16xf32>,
        %parallel_loop3A_342 = arith.mulf %parallel_loop3A_341, %parallel_loop3A_338 : vector<16xf32>
        %parallel_loop3A_343 = arith.index_cast %parallel_loop3A_213 : i32 to index
        %parallel_loop3A_344 = arith.constant 80 : index
        %parallel_loop3A_345 = tpu.vector_load %arg16[%parallel_loop3A_343, %parallel_loop3A_344] {strides = array<i32>} : memref<96x136xf32, #tpu.memory_space<vmem>>, vector<16xf32>,
        tpu.vector_store %arg16[%parallel_loop3A_343, %parallel_loop3A_344], %parallel_loop3A_342 {strides = array<i32>} : memref<96x136xf32, #tpu.memory_space<vmem>>, vector<16xf32>,
        %parallel_loop3A_346 = arith.constant 8 : i32
        %parallel_loop3A_347 = vector.broadcast %parallel_loop3A_346 : i32 to vector<16xi32>
        %parallel_loop3A_348 = arith.constant 0 : i32
        %parallel_loop3A_349 = vector.broadcast %parallel_loop3A_348 : i32 to vector<16xi32>
        %parallel_loop3A_350 = arith.cmpi slt, %parallel_loop3A_347, %parallel_loop3A_349 : vector<16xi32>
        %parallel_loop3A_351 = arith.constant 16 : i32
        %parallel_loop3A_352 = vector.broadcast %parallel_loop3A_351 : i32 to vector<16xi32>
        %parallel_loop3A_353 = arith.addi %parallel_loop3A_347, %parallel_loop3A_352 : vector<16xi32>
        %parallel_loop3A_354 = arith.select %parallel_loop3A_350, %parallel_loop3A_353, %parallel_loop3A_347 : vector<16xi1>, vector<16xi32>
        %parallel_loop3A_355 = vector.shape_cast %parallel_loop3A_354 : vector<16xi32> to vector<16x1xi32>
        %parallel_loop3A_356 = vector.shape_cast %parallel_loop3A_355 : vector<16x1xi32> to vector<16xi32>
        %parallel_loop3A_357 = tpu.dynamic_gather %parallel_loop3A_231[%parallel_loop3A_356] in [0] : vector<16xf32>, vector<16xi32> -> vector<16xf32>
        %parallel_loop3A_358 = arith.index_cast %parallel_loop3A_213 : i32 to index
        %parallel_loop3A_359 = arith.constant 96 : index
        %parallel_loop3A_360 = tpu.vector_load %arg12[%parallel_loop3A_358, %parallel_loop3A_359] {strides = array<i32>} : memref<96x136xf32, #tpu.memory_space<vmem>>, vector<16xf32>,
        %parallel_loop3A_361 = arith.mulf %parallel_loop3A_360, %parallel_loop3A_357 : vector<16xf32>
        %parallel_loop3A_362 = arith.index_cast %parallel_loop3A_213 : i32 to index
        %parallel_loop3A_363 = arith.constant 96 : index
        %parallel_loop3A_364 = tpu.vector_load %arg16[%parallel_loop3A_362, %parallel_loop3A_363] {strides = array<i32>} : memref<96x136xf32, #tpu.memory_space<vmem>>, vector<16xf32>,
        tpu.vector_store %arg16[%parallel_loop3A_362, %parallel_loop3A_363], %parallel_loop3A_361 {strides = array<i32>} : memref<96x136xf32, #tpu.memory_space<vmem>>, vector<16xf32>,
        %parallel_loop3A_365 = arith.constant 8 : i32
        %parallel_loop3A_366 = vector.broadcast %parallel_loop3A_365 : i32 to vector<16xi32>
        %parallel_loop3A_367 = arith.constant 0 : i32
        %parallel_loop3A_368 = vector.broadcast %parallel_loop3A_367 : i32 to vector<16xi32>
        %parallel_loop3A_369 = arith.cmpi slt, %parallel_loop3A_366, %parallel_loop3A_368 : vector<16xi32>
        %parallel_loop3A_370 = arith.constant 16 : i32
        %parallel_loop3A_371 = vector.broadcast %parallel_loop3A_370 : i32 to vector<16xi32>
        %parallel_loop3A_372 = arith.addi %parallel_loop3A_366, %parallel_loop3A_371 : vector<16xi32>
        %parallel_loop3A_373 = arith.select %parallel_loop3A_369, %parallel_loop3A_372, %parallel_loop3A_366 : vector<16xi1>, vector<16xi32>
        %parallel_loop3A_374 = vector.shape_cast %parallel_loop3A_373 : vector<16xi32> to vector<16x1xi32>
        %parallel_loop3A_375 = vector.shape_cast %parallel_loop3A_374 : vector<16x1xi32> to vector<16xi32>
        %parallel_loop3A_376 = tpu.dynamic_gather %parallel_loop3A_231[%parallel_loop3A_375] in [0] : vector<16xf32>, vector<16xi32> -> vector<16xf32>
        %parallel_loop3A_377 = arith.index_cast %parallel_loop3A_213 : i32 to index
        %parallel_loop3A_378 = arith.constant 112 : index
        %parallel_loop3A_379 = tpu.vector_load %arg12[%parallel_loop3A_377, %parallel_loop3A_378] {strides = array<i32>} : memref<96x136xf32, #tpu.memory_space<vmem>>, vector<16xf32>,
        %parallel_loop3A_380 = arith.mulf %parallel_loop3A_379, %parallel_loop3A_376 : vector<16xf32>
        %parallel_loop3A_381 = arith.index_cast %parallel_loop3A_213 : i32 to index
        %parallel_loop3A_382 = arith.constant 112 : index
        %parallel_loop3A_383 = tpu.vector_load %arg16[%parallel_loop3A_381, %parallel_loop3A_382] {strides = array<i32>} : memref<96x136xf32, #tpu.memory_space<vmem>>, vector<16xf32>,
        tpu.vector_store %arg16[%parallel_loop3A_381, %parallel_loop3A_382], %parallel_loop3A_380 {strides = array<i32>} : memref<96x136xf32, #tpu.memory_space<vmem>>, vector<16xf32>,
        %parallel_loop3A_384 = arith.constant 0 : i32
        %parallel_loop3A_385 = vector.broadcast %parallel_loop3A_384 : i32 to vector<16xi32>
        %parallel_loop3A_386 = arith.cmpi slt, %select_n3A_140, %parallel_loop3A_385 : vector<16xi32>
        %parallel_loop3A_387 = arith.constant 16 : i32
        %parallel_loop3A_388 = vector.broadcast %parallel_loop3A_387 : i32 to vector<16xi32>
        %parallel_loop3A_389 = arith.addi %select_n3A_140, %parallel_loop3A_388 : vector<16xi32>
        %parallel_loop3A_390 = arith.select %parallel_loop3A_386, %parallel_loop3A_389, %select_n3A_140 : vector<16xi1>, vector<16xi32>
        %parallel_loop3A_391 = vector.shape_cast %parallel_loop3A_390 : vector<16xi32> to vector<16x1xi32>
        %parallel_loop3A_392 = vector.shape_cast %parallel_loop3A_391 : vector<16x1xi32> to vector<16xi32>
        %parallel_loop3A_393 = tpu.dynamic_gather %parallel_loop3A_231[%parallel_loop3A_392] in [0] : vector<16xf32>, vector<16xi32> -> vector<16xf32>
        %parallel_loop3A_394 = arith.constant 8 : i32
        %parallel_loop3A_395 = vector.broadcast %parallel_loop3A_394 : i32 to vector<16xi32>
        %parallel_loop3A_396 = arith.cmpi slt, %iota3A, %parallel_loop3A_395 : vector<16xi32>
        %parallel_loop3A_397 = arith.constant 1.000000e+00 : f32
        %parallel_loop3A_398 = vector.broadcast %parallel_loop3A_397 : f32 to vector<16xf32>
        %parallel_loop3A_399 = arith.select %parallel_loop3A_396, %parallel_loop3A_216, %parallel_loop3A_398 : vector<16xi1>, vector<16xf32>
        %parallel_loop3A_400 = arith.mulf %parallel_loop3A_399, %parallel_loop3A_393 : vector<16xf32>
        %parallel_loop3A_401 = arith.index_cast %parallel_loop3A_213 : i32 to index
        %parallel_loop3A_402 = arith.constant 120 : index
        %parallel_loop3A_403 = tpu.vector_load %arg16[%parallel_loop3A_401, %parallel_loop3A_402] {strides = array<i32>} : memref<96x136xf32, #tpu.memory_space<vmem>>, vector<16xf32>,
        tpu.vector_store %arg16[%parallel_loop3A_401, %parallel_loop3A_402], %parallel_loop3A_400 {strides = array<i32>} : memref<96x136xf32, #tpu.memory_space<vmem>>, vector<16xf32>,
      } {sc.loop_unroll_factor = 4 : i64, sc.parallel_access}
      "tpu.region"() ({
        %run_scoped3A = tpu.sem_alloc : memref<!tpu.dma_semaphore, #tpu.memory_space<semaphore_mem>>
        %dma_start3A_213 = arith.constant 0 : i32
        %dma_start3A_214 = arith.constant 0 : i32
        %dma_start3A_215 = tpu.memref_slice %arg17[%dma_start3A_213, %dma_start3A_214] : memref<10240x136xf32, #tpu.memory_space<vmem_shared>> -> memref<10240x136xf32, #tpu.memory_space<vmem_shared>>
        tpu.enqueue_indirect_dma source(%arg16 : memref<96x136xf32, #tpu.memory_space<vmem>>) target(%dma_start3A_215 : memref<10240x136xf32, #tpu.memory_space<vmem_shared>>) offsets(%arg10 : memref<96xi32, #tpu.memory_space<vmem>>) semaphore(%run_scoped3A : memref<!tpu.dma_semaphore, #tpu.memory_space<semaphore_mem>>) {add = true}
        %dma_wait3A_216 = arith.constant 0 : i32
        %dma_wait3A_217 = arith.constant 0 : i32
        %dma_wait3A_218 = tpu.memref_slice %arg17[%dma_wait3A_216, %dma_wait3A_217] : memref<10240x136xf32, #tpu.memory_space<vmem_shared>> -> memref<10240x136xf32, #tpu.memory_space<vmem_shared>>
        tpu.wait_indirect_dma semaphore(%run_scoped3A : memref<!tpu.dma_semaphore, #tpu.memory_space<semaphore_mem>>) src(%arg16 : memref<96x136xf32, #tpu.memory_space<vmem>>) dst(%dma_wait3A_218 : memref<10240x136xf32, #tpu.memory_space<vmem_shared>>)
        tpu.yield
      }) : () -> ()
      %lt3A_143 = arith.cmpi slt, %add3A_98, %select_n3A : i32
      %convert_element_type3A_144 = arith.extui %lt3A_143 : i1 to i32
      %cond3A_145 = arith.constant 0 : i32
      %cond3A_146 = arith.cmpi ne, %convert_element_type3A_144, %cond3A_145 : i32
      scf.if %cond3A_146 {
        %add3A_213 = arith.addi %select_n3A_8, %add3A_98 : i32
        %mul3A_214 = arith.constant 96 : i32
        %mul3A_215 = arith.muli %add3A_213, %mul3A_214 : i32
        %dma_start3A_216 = tpu.memref_slice %arg5[%mul3A_215] : memref<331776xi32, #tpu.memory_space<hbm>> -> memref<96xi32, #tpu.memory_space<hbm>>
        %dma_start3A_217 = tpu.memref_slice %arg5[%mul3A_215] : memref<331776xi32, #tpu.memory_space<hbm>> -> memref<96xi32, #tpu.memory_space<hbm>>
        tpu.enqueue_dma source(%dma_start3A_217 : memref<96xi32, #tpu.memory_space<hbm>>) target(%arg10 : memref<96xi32, #tpu.memory_space<vmem>>) target_semaphore(%arg24 : memref<!tpu.dma_semaphore, #tpu.memory_space<semaphore_mem>>)
      } else {
      }
      %add3A_147 = arith.constant 2 : i32
      %add3A_148 = arith.addi %mul3A_96, %add3A_147 : i32
      %lt3A_149 = arith.cmpi slt, %add3A_148, %select_n3A : i32
      %convert_element_type3A_150 = arith.extui %lt3A_149 : i1 to i32
      %cond3A_151 = arith.constant 0 : i32
      %cond3A_152 = arith.cmpi ne, %convert_element_type3A_150, %cond3A_151 : i32
      scf.if %cond3A_152 {
        %dma_wait3A_213 = arith.constant 0 : i32
        %dma_wait3A_214 = tpu.memref_slice %arg4[%dma_wait3A_213] : memref<331776xi32, #tpu.memory_space<hbm>> -> memref<96xi32, #tpu.memory_space<hbm>>
        %dma_wait3A_215 = arith.constant 0 : i32
        %dma_wait3A_216 = tpu.memref_slice %arg4[%dma_wait3A_215] : memref<331776xi32, #tpu.memory_space<hbm>> -> memref<96xi32, #tpu.memory_space<hbm>>
        tpu.wait_dma2 semaphore(%arg22 : memref<!tpu.dma_semaphore, #tpu.memory_space<semaphore_mem>>) src(%dma_wait3A_216 : memref<96xi32, #tpu.memory_space<hbm>>) dst(%arg8 : memref<96xi32, #tpu.memory_space<vmem>>)
        %dma_wait3A_217 = arith.constant 0 : i32
        %dma_wait3A_218 = tpu.memref_slice %arg5[%dma_wait3A_217] : memref<331776xi32, #tpu.memory_space<hbm>> -> memref<96xi32, #tpu.memory_space<hbm>>
        %dma_wait3A_219 = arith.constant 0 : i32
        %dma_wait3A_220 = tpu.memref_slice %arg5[%dma_wait3A_219] : memref<331776xi32, #tpu.memory_space<hbm>> -> memref<96xi32, #tpu.memory_space<hbm>>
        tpu.wait_dma2 semaphore(%arg24 : memref<!tpu.dma_semaphore, #tpu.memory_space<semaphore_mem>>) src(%dma_wait3A_220 : memref<96xi32, #tpu.memory_space<hbm>>) dst(%arg10 : memref<96xi32, #tpu.memory_space<vmem>>)
        %dma_start3A_221 = arith.constant 0 : i32
        %dma_start3A_222 = arith.constant 0 : i32
        %dma_start3A_223 = tpu.memref_slice %arg2[%dma_start3A_221, %dma_start3A_222] : memref<10240x136xf32, #tpu.memory_space<hbm>> -> memref<10240x136xf32, #tpu.memory_space<hbm>>
        tpu.enqueue_indirect_dma source(%dma_start3A_223 : memref<10240x136xf32, #tpu.memory_space<hbm>>) target(%arg12 : memref<96x136xf32, #tpu.memory_space<vmem>>) offsets(%arg8 : memref<96xi32, #tpu.memory_space<vmem>>) semaphore(%arg18 : memref<!tpu.dma_semaphore, #tpu.memory_space<semaphore_mem>>)
        %dma_start3A_224 = arith.constant 0 : i32
        %dma_start3A_225 = arith.constant 0 : i32
        %dma_start3A_226 = tpu.memref_slice %arg3[%dma_start3A_224, %dma_start3A_225] : memref<10240x16xf32, #tpu.memory_space<hbm>> -> memref<10240x16xf32, #tpu.memory_space<hbm>>
        tpu.enqueue_indirect_dma source(%dma_start3A_226 : memref<10240x16xf32, #tpu.memory_space<hbm>>) target(%arg14 : memref<96x16xf32, #tpu.memory_space<vmem>>) offsets(%arg10 : memref<96xi32, #tpu.memory_space<vmem>>) semaphore(%arg20 : memref<!tpu.dma_semaphore, #tpu.memory_space<semaphore_mem>>)
      } else {
      }
      %add3A_153 = arith.constant 3 : i32
      %add3A_154 = arith.addi %mul3A_96, %add3A_153 : i32
      %dma_wait3A_155 = arith.constant 0 : i32
      %dma_wait3A_156 = arith.constant 0 : i32
      %dma_wait3A_157 = tpu.memref_slice %arg2[%dma_wait3A_155, %dma_wait3A_156] : memref<10240x136xf32, #tpu.memory_space<hbm>> -> memref<10240x136xf32, #tpu.memory_space<hbm>>
      tpu.wait_indirect_dma semaphore(%arg19 : memref<!tpu.dma_semaphore, #tpu.memory_space<semaphore_mem>>) src(%dma_wait3A_157 : memref<10240x136xf32, #tpu.memory_space<hbm>>) dst(%arg13 : memref<96x136xf32, #tpu.memory_space<vmem>>)
      %dma_wait3A_158 = arith.constant 0 : i32
      %dma_wait3A_159 = arith.constant 0 : i32
      %dma_wait3A_160 = tpu.memref_slice %arg3[%dma_wait3A_158, %dma_wait3A_159] : memref<10240x16xf32, #tpu.memory_space<hbm>> -> memref<10240x16xf32, #tpu.memory_space<hbm>>
      tpu.wait_indirect_dma semaphore(%arg21 : memref<!tpu.dma_semaphore, #tpu.memory_space<semaphore_mem>>) src(%dma_wait3A_160 : memref<10240x16xf32, #tpu.memory_space<hbm>>) dst(%arg15 : memref<96x16xf32, #tpu.memory_space<vmem>>)
      %lt3A_161 = arith.cmpi slt, %add3A_154, %select_n3A : i32
      %convert_element_type3A_162 = arith.extui %lt3A_161 : i1 to i32
      %cond3A_163 = arith.constant 0 : i32
      %cond3A_164 = arith.cmpi ne, %convert_element_type3A_162, %cond3A_163 : i32
      scf.if %cond3A_164 {
        %add3A_213 = arith.addi %select_n3A_8, %add3A_154 : i32
        %mul3A_214 = arith.constant 96 : i32
        %mul3A_215 = arith.muli %add3A_213, %mul3A_214 : i32
        %dma_start3A_216 = tpu.memref_slice %arg4[%mul3A_215] : memref<331776xi32, #tpu.memory_space<hbm>> -> memref<96xi32, #tpu.memory_space<hbm>>
        %dma_start3A_217 = tpu.memref_slice %arg4[%mul3A_215] : memref<331776xi32, #tpu.memory_space<hbm>> -> memref<96xi32, #tpu.memory_space<hbm>>
        tpu.enqueue_dma source(%dma_start3A_217 : memref<96xi32, #tpu.memory_space<hbm>>) target(%arg9 : memref<96xi32, #tpu.memory_space<vmem>>) target_semaphore(%arg23 : memref<!tpu.dma_semaphore, #tpu.memory_space<semaphore_mem>>)
      } else {
      }
      %iota3A_165 = tpu.iota {dimensions = array<i32: 0>} : vector<16xi32>
      %lt3A_166 = arith.constant 8 : i32
      %lt3A_167 = vector.broadcast %lt3A_166 : i32 to vector<16xi32>
      %lt3A_168 = arith.cmpi slt, %iota3A_165, %lt3A_167 : vector<16xi32>
      %sub3A_169 = arith.constant 8 : i32
      %sub3A_170 = vector.broadcast %sub3A_169 : i32 to vector<16xi32>
      %sub3A_171 = arith.subi %iota3A_165, %sub3A_170 : vector<16xi32>
      %jit3A_172 = arith.constant 1 : i32
      %eq3A_173 = arith.constant 0 : i32
      %eq3A_174 = arith.cmpi eq, %jit3A_172, %eq3A_173 : i32
      %jit3A_175 = arith.constant 1 : i32
      %select_n3A_176 = arith.select %eq3A_174, %jit3A_175, %jit3A_172 : i32
      %rem3A_177 = vector.broadcast %select_n3A_176 : i32 to vector<16xi32>
      %rem3A_178 = arith.remsi %sub3A_171, %rem3A_177 : vector<16xi32>
      %ne3A_179 = arith.constant 0 : i32
      %ne3A_180 = vector.broadcast %ne3A_179 : i32 to vector<16xi32>
      %ne3A_181 = arith.cmpi ne, %rem3A_178, %ne3A_180 : vector<16xi32>
      %lt3A_182 = arith.constant 0 : i32
      %lt3A_183 = vector.broadcast %lt3A_182 : i32 to vector<16xi32>
      %lt3A_184 = arith.cmpi slt, %rem3A_178, %lt3A_183 : vector<16xi32>
      %lt3A_185 = arith.constant 0 : i32
      %lt3A_186 = arith.cmpi slt, %select_n3A_176, %lt3A_185 : i32
      %ne3A_187 = vector.broadcast %lt3A_186 : i1 to vector<16xi1>
      %ne3A_188 = vector.broadcast %ne3A_187 : vector<16xi1> to vector<16xi1>
      %ne3A_189 = arith.xori %lt3A_184, %ne3A_188 : vector<16xi1>
      %and3A_190 = arith.andi %ne3A_189, %ne3A_181 : vector<16xi1>
      %add3A_191 = vector.broadcast %select_n3A_176 : i32 to vector<16xi32>
      %add3A_192 = arith.addi %rem3A_178, %add3A_191 : vector<16xi32>
      %select_n3A_193 = arith.select %and3A_190, %add3A_192, %rem3A_178 : vector<16xi1>, vector<16xi32>
      %add3A_194 = arith.constant 8 : i32
      %add3A_195 = vector.broadcast %add3A_194 : i32 to vector<16xi32>
      %add3A_196 = arith.addi %add3A_195, %select_n3A_193 : vector<16xi32>
      %jit3A_197 = arith.constant 8 : i32
      %broadcast_in_dim3A_198 = vector.broadcast %jit3A_197 : i32 to vector<16xi32>
      %select_n3A_199 = arith.select %lt3A_168, %broadcast_in_dim3A_198, %add3A_196 : vector<16xi1>, vector<16xi32>
      %parallel_loop3A_200 = arith.constant 0 : i32
      %parallel_loop3A_201 = arith.constant 96 : i32
      %parallel_loop3A_202 = arith.constant 1 : i32
      scf.for %parallel_loop3A_213 = %parallel_loop3A_200 to %parallel_loop3A_201 step %parallel_loop3A_202  : i32 {
        %parallel_loop3A_214 = arith.index_cast %parallel_loop3A_213 : i32 to index
        %parallel_loop3A_215 = arith.constant 120 : index
        %parallel_loop3A_216 = tpu.vector_load %arg13[%parallel_loop3A_214, %parallel_loop3A_215] {strides = array<i32>} : memref<96x136xf32, #tpu.memory_space<vmem>>, vector<16xf32>,
        %parallel_loop3A_217 = arith.index_cast %parallel_loop3A_213 : i32 to index
        %parallel_loop3A_218 = arith.constant 0 : index
        %parallel_loop3A_219 = tpu.vector_load %arg15[%parallel_loop3A_217, %parallel_loop3A_218] {strides = array<i32>} : memref<96x16xf32, #tpu.memory_space<vmem>>, vector<16xf32>,
        %parallel_loop3A_220 = arith.addf %parallel_loop3A_216, %parallel_loop3A_219 : vector<16xf32>
        %parallel_loop3A_221 = arith.constant 0.000000e+00 : f32
        %parallel_loop3A_222 = vector.broadcast %parallel_loop3A_221 : f32 to vector<16xf32>
        %parallel_loop3A_223 = arith.maximumf %parallel_loop3A_220, %parallel_loop3A_222 : vector<16xf32>
        %parallel_loop3A_224 = arith.constant 0.000000e+00 : f32
        %parallel_loop3A_225 = vector.broadcast %parallel_loop3A_224 : f32 to vector<16xf32>
        %parallel_loop3A_226 = arith.minimumf %parallel_loop3A_220, %parallel_loop3A_225 : vector<16xf32>
        %parallel_loop3A_227 = arith.constant 2.000000e-01 : f32
        %parallel_loop3A_228 = vector.broadcast %parallel_loop3A_227 : f32 to vector<16xf32>
        %parallel_loop3A_229 = arith.mulf %parallel_loop3A_228, %parallel_loop3A_226 : vector<16xf32>
        %parallel_loop3A_230 = arith.addf %parallel_loop3A_223, %parallel_loop3A_229 : vector<16xf32>
        %parallel_loop3A_231 = math.exp %parallel_loop3A_230 : vector<16xf32>
        %parallel_loop3A_232 = arith.constant 8 : i32
        %parallel_loop3A_233 = vector.broadcast %parallel_loop3A_232 : i32 to vector<16xi32>
        %parallel_loop3A_234 = arith.constant 0 : i32
        %parallel_loop3A_235 = vector.broadcast %parallel_loop3A_234 : i32 to vector<16xi32>
        %parallel_loop3A_236 = arith.cmpi slt, %parallel_loop3A_233, %parallel_loop3A_235 : vector<16xi32>
        %parallel_loop3A_237 = arith.constant 16 : i32
        %parallel_loop3A_238 = vector.broadcast %parallel_loop3A_237 : i32 to vector<16xi32>
        %parallel_loop3A_239 = arith.addi %parallel_loop3A_233, %parallel_loop3A_238 : vector<16xi32>
        %parallel_loop3A_240 = arith.select %parallel_loop3A_236, %parallel_loop3A_239, %parallel_loop3A_233 : vector<16xi1>, vector<16xi32>
        %parallel_loop3A_241 = vector.shape_cast %parallel_loop3A_240 : vector<16xi32> to vector<16x1xi32>
        %parallel_loop3A_242 = vector.shape_cast %parallel_loop3A_241 : vector<16x1xi32> to vector<16xi32>
        %parallel_loop3A_243 = tpu.dynamic_gather %parallel_loop3A_231[%parallel_loop3A_242] in [0] : vector<16xf32>, vector<16xi32> -> vector<16xf32>
        %parallel_loop3A_244 = arith.index_cast %parallel_loop3A_213 : i32 to index
        %parallel_loop3A_245 = arith.constant 0 : index
        %parallel_loop3A_246 = tpu.vector_load %arg13[%parallel_loop3A_244, %parallel_loop3A_245] {strides = array<i32>} : memref<96x136xf32, #tpu.memory_space<vmem>>, vector<16xf32>,
        %parallel_loop3A_247 = arith.mulf %parallel_loop3A_246, %parallel_loop3A_243 : vector<16xf32>
        %parallel_loop3A_248 = arith.index_cast %parallel_loop3A_213 : i32 to index
        %parallel_loop3A_249 = arith.constant 0 : index
        %parallel_loop3A_250 = tpu.vector_load %arg16[%parallel_loop3A_248, %parallel_loop3A_249] {strides = array<i32>} : memref<96x136xf32, #tpu.memory_space<vmem>>, vector<16xf32>,
        tpu.vector_store %arg16[%parallel_loop3A_248, %parallel_loop3A_249], %parallel_loop3A_247 {strides = array<i32>} : memref<96x136xf32, #tpu.memory_space<vmem>>, vector<16xf32>,
        %parallel_loop3A_251 = arith.constant 8 : i32
        %parallel_loop3A_252 = vector.broadcast %parallel_loop3A_251 : i32 to vector<16xi32>
        %parallel_loop3A_253 = arith.constant 0 : i32
        %parallel_loop3A_254 = vector.broadcast %parallel_loop3A_253 : i32 to vector<16xi32>
        %parallel_loop3A_255 = arith.cmpi slt, %parallel_loop3A_252, %parallel_loop3A_254 : vector<16xi32>
        %parallel_loop3A_256 = arith.constant 16 : i32
        %parallel_loop3A_257 = vector.broadcast %parallel_loop3A_256 : i32 to vector<16xi32>
        %parallel_loop3A_258 = arith.addi %parallel_loop3A_252, %parallel_loop3A_257 : vector<16xi32>
        %parallel_loop3A_259 = arith.select %parallel_loop3A_255, %parallel_loop3A_258, %parallel_loop3A_252 : vector<16xi1>, vector<16xi32>
        %parallel_loop3A_260 = vector.shape_cast %parallel_loop3A_259 : vector<16xi32> to vector<16x1xi32>
        %parallel_loop3A_261 = vector.shape_cast %parallel_loop3A_260 : vector<16x1xi32> to vector<16xi32>
        %parallel_loop3A_262 = tpu.dynamic_gather %parallel_loop3A_231[%parallel_loop3A_261] in [0] : vector<16xf32>, vector<16xi32> -> vector<16xf32>
        %parallel_loop3A_263 = arith.index_cast %parallel_loop3A_213 : i32 to index
        %parallel_loop3A_264 = arith.constant 16 : index
        %parallel_loop3A_265 = tpu.vector_load %arg13[%parallel_loop3A_263, %parallel_loop3A_264] {strides = array<i32>} : memref<96x136xf32, #tpu.memory_space<vmem>>, vector<16xf32>,
        %parallel_loop3A_266 = arith.mulf %parallel_loop3A_265, %parallel_loop3A_262 : vector<16xf32>
        %parallel_loop3A_267 = arith.index_cast %parallel_loop3A_213 : i32 to index
        %parallel_loop3A_268 = arith.constant 16 : index
        %parallel_loop3A_269 = tpu.vector_load %arg16[%parallel_loop3A_267, %parallel_loop3A_268] {strides = array<i32>} : memref<96x136xf32, #tpu.memory_space<vmem>>, vector<16xf32>,
        tpu.vector_store %arg16[%parallel_loop3A_267, %parallel_loop3A_268], %parallel_loop3A_266 {strides = array<i32>} : memref<96x136xf32, #tpu.memory_space<vmem>>, vector<16xf32>,
        %parallel_loop3A_270 = arith.constant 8 : i32
        %parallel_loop3A_271 = vector.broadcast %parallel_loop3A_270 : i32 to vector<16xi32>
        %parallel_loop3A_272 = arith.constant 0 : i32
        %parallel_loop3A_273 = vector.broadcast %parallel_loop3A_272 : i32 to vector<16xi32>
        %parallel_loop3A_274 = arith.cmpi slt, %parallel_loop3A_271, %parallel_loop3A_273 : vector<16xi32>
        %parallel_loop3A_275 = arith.constant 16 : i32
        %parallel_loop3A_276 = vector.broadcast %parallel_loop3A_275 : i32 to vector<16xi32>
        %parallel_loop3A_277 = arith.addi %parallel_loop3A_271, %parallel_loop3A_276 : vector<16xi32>
        %parallel_loop3A_278 = arith.select %parallel_loop3A_274, %parallel_loop3A_277, %parallel_loop3A_271 : vector<16xi1>, vector<16xi32>
        %parallel_loop3A_279 = vector.shape_cast %parallel_loop3A_278 : vector<16xi32> to vector<16x1xi32>
        %parallel_loop3A_280 = vector.shape_cast %parallel_loop3A_279 : vector<16x1xi32> to vector<16xi32>
        %parallel_loop3A_281 = tpu.dynamic_gather %parallel_loop3A_231[%parallel_loop3A_280] in [0] : vector<16xf32>, vector<16xi32> -> vector<16xf32>
        %parallel_loop3A_282 = arith.index_cast %parallel_loop3A_213 : i32 to index
        %parallel_loop3A_283 = arith.constant 32 : index
        %parallel_loop3A_284 = tpu.vector_load %arg13[%parallel_loop3A_282, %parallel_loop3A_283] {strides = array<i32>} : memref<96x136xf32, #tpu.memory_space<vmem>>, vector<16xf32>,
        %parallel_loop3A_285 = arith.mulf %parallel_loop3A_284, %parallel_loop3A_281 : vector<16xf32>
        %parallel_loop3A_286 = arith.index_cast %parallel_loop3A_213 : i32 to index
        %parallel_loop3A_287 = arith.constant 32 : index
        %parallel_loop3A_288 = tpu.vector_load %arg16[%parallel_loop3A_286, %parallel_loop3A_287] {strides = array<i32>} : memref<96x136xf32, #tpu.memory_space<vmem>>, vector<16xf32>,
        tpu.vector_store %arg16[%parallel_loop3A_286, %parallel_loop3A_287], %parallel_loop3A_285 {strides = array<i32>} : memref<96x136xf32, #tpu.memory_space<vmem>>, vector<16xf32>,
        %parallel_loop3A_289 = arith.constant 8 : i32
        %parallel_loop3A_290 = vector.broadcast %parallel_loop3A_289 : i32 to vector<16xi32>
        %parallel_loop3A_291 = arith.constant 0 : i32
        %parallel_loop3A_292 = vector.broadcast %parallel_loop3A_291 : i32 to vector<16xi32>
        %parallel_loop3A_293 = arith.cmpi slt, %parallel_loop3A_290, %parallel_loop3A_292 : vector<16xi32>
        %parallel_loop3A_294 = arith.constant 16 : i32
        %parallel_loop3A_295 = vector.broadcast %parallel_loop3A_294 : i32 to vector<16xi32>
        %parallel_loop3A_296 = arith.addi %parallel_loop3A_290, %parallel_loop3A_295 : vector<16xi32>
        %parallel_loop3A_297 = arith.select %parallel_loop3A_293, %parallel_loop3A_296, %parallel_loop3A_290 : vector<16xi1>, vector<16xi32>
        %parallel_loop3A_298 = vector.shape_cast %parallel_loop3A_297 : vector<16xi32> to vector<16x1xi32>
        %parallel_loop3A_299 = vector.shape_cast %parallel_loop3A_298 : vector<16x1xi32> to vector<16xi32>
        %parallel_loop3A_300 = tpu.dynamic_gather %parallel_loop3A_231[%parallel_loop3A_299] in [0] : vector<16xf32>, vector<16xi32> -> vector<16xf32>
        %parallel_loop3A_301 = arith.index_cast %parallel_loop3A_213 : i32 to index
        %parallel_loop3A_302 = arith.constant 48 : index
        %parallel_loop3A_303 = tpu.vector_load %arg13[%parallel_loop3A_301, %parallel_loop3A_302] {strides = array<i32>} : memref<96x136xf32, #tpu.memory_space<vmem>>, vector<16xf32>,
        %parallel_loop3A_304 = arith.mulf %parallel_loop3A_303, %parallel_loop3A_300 : vector<16xf32>
        %parallel_loop3A_305 = arith.index_cast %parallel_loop3A_213 : i32 to index
        %parallel_loop3A_306 = arith.constant 48 : index
        %parallel_loop3A_307 = tpu.vector_load %arg16[%parallel_loop3A_305, %parallel_loop3A_306] {strides = array<i32>} : memref<96x136xf32, #tpu.memory_space<vmem>>, vector<16xf32>,
        tpu.vector_store %arg16[%parallel_loop3A_305, %parallel_loop3A_306], %parallel_loop3A_304 {strides = array<i32>} : memref<96x136xf32, #tpu.memory_space<vmem>>, vector<16xf32>,
        %parallel_loop3A_308 = arith.constant 8 : i32
        %parallel_loop3A_309 = vector.broadcast %parallel_loop3A_308 : i32 to vector<16xi32>
        %parallel_loop3A_310 = arith.constant 0 : i32
        %parallel_loop3A_311 = vector.broadcast %parallel_loop3A_310 : i32 to vector<16xi32>
        %parallel_loop3A_312 = arith.cmpi slt, %parallel_loop3A_309, %parallel_loop3A_311 : vector<16xi32>
        %parallel_loop3A_313 = arith.constant 16 : i32
        %parallel_loop3A_314 = vector.broadcast %parallel_loop3A_313 : i32 to vector<16xi32>
        %parallel_loop3A_315 = arith.addi %parallel_loop3A_309, %parallel_loop3A_314 : vector<16xi32>
        %parallel_loop3A_316 = arith.select %parallel_loop3A_312, %parallel_loop3A_315, %parallel_loop3A_309 : vector<16xi1>, vector<16xi32>
        %parallel_loop3A_317 = vector.shape_cast %parallel_loop3A_316 : vector<16xi32> to vector<16x1xi32>
        %parallel_loop3A_318 = vector.shape_cast %parallel_loop3A_317 : vector<16x1xi32> to vector<16xi32>
        %parallel_loop3A_319 = tpu.dynamic_gather %parallel_loop3A_231[%parallel_loop3A_318] in [0] : vector<16xf32>, vector<16xi32> -> vector<16xf32>
        %parallel_loop3A_320 = arith.index_cast %parallel_loop3A_213 : i32 to index
        %parallel_loop3A_321 = arith.constant 64 : index
        %parallel_loop3A_322 = tpu.vector_load %arg13[%parallel_loop3A_320, %parallel_loop3A_321] {strides = array<i32>} : memref<96x136xf32, #tpu.memory_space<vmem>>, vector<16xf32>,
        %parallel_loop3A_323 = arith.mulf %parallel_loop3A_322, %parallel_loop3A_319 : vector<16xf32>
        %parallel_loop3A_324 = arith.index_cast %parallel_loop3A_213 : i32 to index
        %parallel_loop3A_325 = arith.constant 64 : index
        %parallel_loop3A_326 = tpu.vector_load %arg16[%parallel_loop3A_324, %parallel_loop3A_325] {strides = array<i32>} : memref<96x136xf32, #tpu.memory_space<vmem>>, vector<16xf32>,
        tpu.vector_store %arg16[%parallel_loop3A_324, %parallel_loop3A_325], %parallel_loop3A_323 {strides = array<i32>} : memref<96x136xf32, #tpu.memory_space<vmem>>, vector<16xf32>,
        %parallel_loop3A_327 = arith.constant 8 : i32
        %parallel_loop3A_328 = vector.broadcast %parallel_loop3A_327 : i32 to vector<16xi32>
        %parallel_loop3A_329 = arith.constant 0 : i32
        %parallel_loop3A_330 = vector.broadcast %parallel_loop3A_329 : i32 to vector<16xi32>
        %parallel_loop3A_331 = arith.cmpi slt, %parallel_loop3A_328, %parallel_loop3A_330 : vector<16xi32>
        %parallel_loop3A_332 = arith.constant 16 : i32
        %parallel_loop3A_333 = vector.broadcast %parallel_loop3A_332 : i32 to vector<16xi32>
        %parallel_loop3A_334 = arith.addi %parallel_loop3A_328, %parallel_loop3A_333 : vector<16xi32>
        %parallel_loop3A_335 = arith.select %parallel_loop3A_331, %parallel_loop3A_334, %parallel_loop3A_328 : vector<16xi1>, vector<16xi32>
        %parallel_loop3A_336 = vector.shape_cast %parallel_loop3A_335 : vector<16xi32> to vector<16x1xi32>
        %parallel_loop3A_337 = vector.shape_cast %parallel_loop3A_336 : vector<16x1xi32> to vector<16xi32>
        %parallel_loop3A_338 = tpu.dynamic_gather %parallel_loop3A_231[%parallel_loop3A_337] in [0] : vector<16xf32>, vector<16xi32> -> vector<16xf32>
        %parallel_loop3A_339 = arith.index_cast %parallel_loop3A_213 : i32 to index
        %parallel_loop3A_340 = arith.constant 80 : index
        %parallel_loop3A_341 = tpu.vector_load %arg13[%parallel_loop3A_339, %parallel_loop3A_340] {strides = array<i32>} : memref<96x136xf32, #tpu.memory_space<vmem>>, vector<16xf32>,
        %parallel_loop3A_342 = arith.mulf %parallel_loop3A_341, %parallel_loop3A_338 : vector<16xf32>
        %parallel_loop3A_343 = arith.index_cast %parallel_loop3A_213 : i32 to index
        %parallel_loop3A_344 = arith.constant 80 : index
        %parallel_loop3A_345 = tpu.vector_load %arg16[%parallel_loop3A_343, %parallel_loop3A_344] {strides = array<i32>} : memref<96x136xf32, #tpu.memory_space<vmem>>, vector<16xf32>,
        tpu.vector_store %arg16[%parallel_loop3A_343, %parallel_loop3A_344], %parallel_loop3A_342 {strides = array<i32>} : memref<96x136xf32, #tpu.memory_space<vmem>>, vector<16xf32>,
        %parallel_loop3A_346 = arith.constant 8 : i32
        %parallel_loop3A_347 = vector.broadcast %parallel_loop3A_346 : i32 to vector<16xi32>
        %parallel_loop3A_348 = arith.constant 0 : i32
        %parallel_loop3A_349 = vector.broadcast %parallel_loop3A_348 : i32 to vector<16xi32>
        %parallel_loop3A_350 = arith.cmpi slt, %parallel_loop3A_347, %parallel_loop3A_349 : vector<16xi32>
        %parallel_loop3A_351 = arith.constant 16 : i32
        %parallel_loop3A_352 = vector.broadcast %parallel_loop3A_351 : i32 to vector<16xi32>
        %parallel_loop3A_353 = arith.addi %parallel_loop3A_347, %parallel_loop3A_352 : vector<16xi32>
        %parallel_loop3A_354 = arith.select %parallel_loop3A_350, %parallel_loop3A_353, %parallel_loop3A_347 : vector<16xi1>, vector<16xi32>
        %parallel_loop3A_355 = vector.shape_cast %parallel_loop3A_354 : vector<16xi32> to vector<16x1xi32>
        %parallel_loop3A_356 = vector.shape_cast %parallel_loop3A_355 : vector<16x1xi32> to vector<16xi32>
        %parallel_loop3A_357 = tpu.dynamic_gather %parallel_loop3A_231[%parallel_loop3A_356] in [0] : vector<16xf32>, vector<16xi32> -> vector<16xf32>
        %parallel_loop3A_358 = arith.index_cast %parallel_loop3A_213 : i32 to index
        %parallel_loop3A_359 = arith.constant 96 : index
        %parallel_loop3A_360 = tpu.vector_load %arg13[%parallel_loop3A_358, %parallel_loop3A_359] {strides = array<i32>} : memref<96x136xf32, #tpu.memory_space<vmem>>, vector<16xf32>,
        %parallel_loop3A_361 = arith.mulf %parallel_loop3A_360, %parallel_loop3A_357 : vector<16xf32>
        %parallel_loop3A_362 = arith.index_cast %parallel_loop3A_213 : i32 to index
        %parallel_loop3A_363 = arith.constant 96 : index
        %parallel_loop3A_364 = tpu.vector_load %arg16[%parallel_loop3A_362, %parallel_loop3A_363] {strides = array<i32>} : memref<96x136xf32, #tpu.memory_space<vmem>>, vector<16xf32>,
        tpu.vector_store %arg16[%parallel_loop3A_362, %parallel_loop3A_363], %parallel_loop3A_361 {strides = array<i32>} : memref<96x136xf32, #tpu.memory_space<vmem>>, vector<16xf32>,
        %parallel_loop3A_365 = arith.constant 8 : i32
        %parallel_loop3A_366 = vector.broadcast %parallel_loop3A_365 : i32 to vector<16xi32>
        %parallel_loop3A_367 = arith.constant 0 : i32
        %parallel_loop3A_368 = vector.broadcast %parallel_loop3A_367 : i32 to vector<16xi32>
        %parallel_loop3A_369 = arith.cmpi slt, %parallel_loop3A_366, %parallel_loop3A_368 : vector<16xi32>
        %parallel_loop3A_370 = arith.constant 16 : i32
        %parallel_loop3A_371 = vector.broadcast %parallel_loop3A_370 : i32 to vector<16xi32>
        %parallel_loop3A_372 = arith.addi %parallel_loop3A_366, %parallel_loop3A_371 : vector<16xi32>
        %parallel_loop3A_373 = arith.select %parallel_loop3A_369, %parallel_loop3A_372, %parallel_loop3A_366 : vector<16xi1>, vector<16xi32>
        %parallel_loop3A_374 = vector.shape_cast %parallel_loop3A_373 : vector<16xi32> to vector<16x1xi32>
        %parallel_loop3A_375 = vector.shape_cast %parallel_loop3A_374 : vector<16x1xi32> to vector<16xi32>
        %parallel_loop3A_376 = tpu.dynamic_gather %parallel_loop3A_231[%parallel_loop3A_375] in [0] : vector<16xf32>, vector<16xi32> -> vector<16xf32>
        %parallel_loop3A_377 = arith.index_cast %parallel_loop3A_213 : i32 to index
        %parallel_loop3A_378 = arith.constant 112 : index
        %parallel_loop3A_379 = tpu.vector_load %arg13[%parallel_loop3A_377, %parallel_loop3A_378] {strides = array<i32>} : memref<96x136xf32, #tpu.memory_space<vmem>>, vector<16xf32>,
        %parallel_loop3A_380 = arith.mulf %parallel_loop3A_379, %parallel_loop3A_376 : vector<16xf32>
        %parallel_loop3A_381 = arith.index_cast %parallel_loop3A_213 : i32 to index
        %parallel_loop3A_382 = arith.constant 112 : index
        %parallel_loop3A_383 = tpu.vector_load %arg16[%parallel_loop3A_381, %parallel_loop3A_382] {strides = array<i32>} : memref<96x136xf32, #tpu.memory_space<vmem>>, vector<16xf32>,
        tpu.vector_store %arg16[%parallel_loop3A_381, %parallel_loop3A_382], %parallel_loop3A_380 {strides = array<i32>} : memref<96x136xf32, #tpu.memory_space<vmem>>, vector<16xf32>,
        %parallel_loop3A_384 = arith.constant 0 : i32
        %parallel_loop3A_385 = vector.broadcast %parallel_loop3A_384 : i32 to vector<16xi32>
        %parallel_loop3A_386 = arith.cmpi slt, %select_n3A_199, %parallel_loop3A_385 : vector<16xi32>
        %parallel_loop3A_387 = arith.constant 16 : i32
        %parallel_loop3A_388 = vector.broadcast %parallel_loop3A_387 : i32 to vector<16xi32>
        %parallel_loop3A_389 = arith.addi %select_n3A_199, %parallel_loop3A_388 : vector<16xi32>
        %parallel_loop3A_390 = arith.select %parallel_loop3A_386, %parallel_loop3A_389, %select_n3A_199 : vector<16xi1>, vector<16xi32>
        %parallel_loop3A_391 = vector.shape_cast %parallel_loop3A_390 : vector<16xi32> to vector<16x1xi32>
        %parallel_loop3A_392 = vector.shape_cast %parallel_loop3A_391 : vector<16x1xi32> to vector<16xi32>
        %parallel_loop3A_393 = tpu.dynamic_gather %parallel_loop3A_231[%parallel_loop3A_392] in [0] : vector<16xf32>, vector<16xi32> -> vector<16xf32>
        %parallel_loop3A_394 = arith.constant 8 : i32
        %parallel_loop3A_395 = vector.broadcast %parallel_loop3A_394 : i32 to vector<16xi32>
        %parallel_loop3A_396 = arith.cmpi slt, %iota3A_165, %parallel_loop3A_395 : vector<16xi32>
        %parallel_loop3A_397 = arith.constant 1.000000e+00 : f32
        %parallel_loop3A_398 = vector.broadcast %parallel_loop3A_397 : f32 to vector<16xf32>
        %parallel_loop3A_399 = arith.select %parallel_loop3A_396, %parallel_loop3A_216, %parallel_loop3A_398 : vector<16xi1>, vector<16xf32>
        %parallel_loop3A_400 = arith.mulf %parallel_loop3A_399, %parallel_loop3A_393 : vector<16xf32>
        %parallel_loop3A_401 = arith.index_cast %parallel_loop3A_213 : i32 to index
        %parallel_loop3A_402 = arith.constant 120 : index
        %parallel_loop3A_403 = tpu.vector_load %arg16[%parallel_loop3A_401, %parallel_loop3A_402] {strides = array<i32>} : memref<96x136xf32, #tpu.memory_space<vmem>>, vector<16xf32>,
        tpu.vector_store %arg16[%parallel_loop3A_401, %parallel_loop3A_402], %parallel_loop3A_400 {strides = array<i32>} : memref<96x136xf32, #tpu.memory_space<vmem>>, vector<16xf32>,
      } {sc.loop_unroll_factor = 4 : i64, sc.parallel_access}
      "tpu.region"() ({
        %run_scoped3A = tpu.sem_alloc : memref<!tpu.dma_semaphore, #tpu.memory_space<semaphore_mem>>
        %dma_start3A_213 = arith.constant 0 : i32
        %dma_start3A_214 = arith.constant 0 : i32
        %dma_start3A_215 = tpu.memref_slice %arg17[%dma_start3A_213, %dma_start3A_214] : memref<10240x136xf32, #tpu.memory_space<vmem_shared>> -> memref<10240x136xf32, #tpu.memory_space<vmem_shared>>
        tpu.enqueue_indirect_dma source(%arg16 : memref<96x136xf32, #tpu.memory_space<vmem>>) target(%dma_start3A_215 : memref<10240x136xf32, #tpu.memory_space<vmem_shared>>) offsets(%arg11 : memref<96xi32, #tpu.memory_space<vmem>>) semaphore(%run_scoped3A : memref<!tpu.dma_semaphore, #tpu.memory_space<semaphore_mem>>) {add = true}
        %dma_wait3A_216 = arith.constant 0 : i32
        %dma_wait3A_217 = arith.constant 0 : i32
        %dma_wait3A_218 = tpu.memref_slice %arg17[%dma_wait3A_216, %dma_wait3A_217] : memref<10240x136xf32, #tpu.memory_space<vmem_shared>> -> memref<10240x136xf32, #tpu.memory_space<vmem_shared>>
        tpu.wait_indirect_dma semaphore(%run_scoped3A : memref<!tpu.dma_semaphore, #tpu.memory_space<semaphore_mem>>) src(%arg16 : memref<96x136xf32, #tpu.memory_space<vmem>>) dst(%dma_wait3A_218 : memref<10240x136xf32, #tpu.memory_space<vmem_shared>>)
        tpu.yield
      }) : () -> ()
      %lt3A_203 = arith.cmpi slt, %add3A_154, %select_n3A : i32
      %convert_element_type3A_204 = arith.extui %lt3A_203 : i1 to i32
      %cond3A_205 = arith.constant 0 : i32
      %cond3A_206 = arith.cmpi ne, %convert_element_type3A_204, %cond3A_205 : i32
      scf.if %cond3A_206 {
        %add3A_213 = arith.addi %select_n3A_8, %add3A_154 : i32
        %mul3A_214 = arith.constant 96 : i32
        %mul3A_215 = arith.muli %add3A_213, %mul3A_214 : i32
        %dma_start3A_216 = tpu.memref_slice %arg5[%mul3A_215] : memref<331776xi32, #tpu.memory_space<hbm>> -> memref<96xi32, #tpu.memory_space<hbm>>
        %dma_start3A_217 = tpu.memref_slice %arg5[%mul3A_215] : memref<331776xi32, #tpu.memory_space<hbm>> -> memref<96xi32, #tpu.memory_space<hbm>>
        tpu.enqueue_dma source(%dma_start3A_217 : memref<96xi32, #tpu.memory_space<hbm>>) target(%arg11 : memref<96xi32, #tpu.memory_space<vmem>>) target_semaphore(%arg25 : memref<!tpu.dma_semaphore, #tpu.memory_space<semaphore_mem>>)
      } else {
      }
      %add3A_207 = arith.constant 3 : i32
      %add3A_208 = arith.addi %mul3A_96, %add3A_207 : i32
      %lt3A_209 = arith.cmpi slt, %add3A_208, %select_n3A : i32
      %convert_element_type3A_210 = arith.extui %lt3A_209 : i1 to i32
      %cond3A_211 = arith.constant 0 : i32
      %cond3A_212 = arith.cmpi ne, %convert_element_type3A_210, %cond3A_211 : i32
      scf.if %cond3A_212 {
        %dma_wait3A_213 = arith.constant 0 : i32
        %dma_wait3A_214 = tpu.memref_slice %arg4[%dma_wait3A_213] : memref<331776xi32, #tpu.memory_space<hbm>> -> memref<96xi32, #tpu.memory_space<hbm>>
        %dma_wait3A_215 = arith.constant 0 : i32
        %dma_wait3A_216 = tpu.memref_slice %arg4[%dma_wait3A_215] : memref<331776xi32, #tpu.memory_space<hbm>> -> memref<96xi32, #tpu.memory_space<hbm>>
        tpu.wait_dma2 semaphore(%arg23 : memref<!tpu.dma_semaphore, #tpu.memory_space<semaphore_mem>>) src(%dma_wait3A_216 : memref<96xi32, #tpu.memory_space<hbm>>) dst(%arg9 : memref<96xi32, #tpu.memory_space<vmem>>)
        %dma_wait3A_217 = arith.constant 0 : i32
        %dma_wait3A_218 = tpu.memref_slice %arg5[%dma_wait3A_217] : memref<331776xi32, #tpu.memory_space<hbm>> -> memref<96xi32, #tpu.memory_space<hbm>>
        %dma_wait3A_219 = arith.constant 0 : i32
        %dma_wait3A_220 = tpu.memref_slice %arg5[%dma_wait3A_219] : memref<331776xi32, #tpu.memory_space<hbm>> -> memref<96xi32, #tpu.memory_space<hbm>>
        tpu.wait_dma2 semaphore(%arg25 : memref<!tpu.dma_semaphore, #tpu.memory_space<semaphore_mem>>) src(%dma_wait3A_220 : memref<96xi32, #tpu.memory_space<hbm>>) dst(%arg11 : memref<96xi32, #tpu.memory_space<vmem>>)
        %dma_start3A_221 = arith.constant 0 : i32
        %dma_start3A_222 = arith.constant 0 : i32
        %dma_start3A_223 = tpu.memref_slice %arg2[%dma_start3A_221, %dma_start3A_222] : memref<10240x136xf32, #tpu.memory_space<hbm>> -> memref<10240x136xf32, #tpu.memory_space<hbm>>
        tpu.enqueue_indirect_dma source(%dma_start3A_223 : memref<10240x136xf32, #tpu.memory_space<hbm>>) target(%arg13 : memref<96x136xf32, #tpu.memory_space<vmem>>) offsets(%arg9 : memref<96xi32, #tpu.memory_space<vmem>>) semaphore(%arg19 : memref<!tpu.dma_semaphore, #tpu.memory_space<semaphore_mem>>)
        %dma_start3A_224 = arith.constant 0 : i32
        %dma_start3A_225 = arith.constant 0 : i32
        %dma_start3A_226 = tpu.memref_slice %arg3[%dma_start3A_224, %dma_start3A_225] : memref<10240x16xf32, #tpu.memory_space<hbm>> -> memref<10240x16xf32, #tpu.memory_space<hbm>>
        tpu.enqueue_indirect_dma source(%dma_start3A_226 : memref<10240x16xf32, #tpu.memory_space<hbm>>) target(%arg15 : memref<96x16xf32, #tpu.memory_space<vmem>>) offsets(%arg11 : memref<96xi32, #tpu.memory_space<vmem>>) semaphore(%arg21 : memref<!tpu.dma_semaphore, #tpu.memory_space<semaphore_mem>>)
      } else {
      }
    }
    %while3A_88 = arith.constant 1 : i32
    scf.for %while3A_94 = %while3A_86 to %while3A_82 step %while3A_88  : i32 {
      %mul3A_95 = arith.constant 2 : i32
      %mul3A_96 = arith.muli %mul3A_95, %while3A_94 : i32
      %add3A_97 = arith.constant 2 : i32
      %add3A_98 = arith.addi %mul3A_96, %add3A_97 : i32
      %dma_wait3A_99 = arith.constant 0 : i32
      %dma_wait3A_100 = arith.constant 0 : i32
      %dma_wait3A_101 = tpu.memref_slice %arg2[%dma_wait3A_99, %dma_wait3A_100] : memref<10240x136xf32, #tpu.memory_space<hbm>> -> memref<10240x136xf32, #tpu.memory_space<hbm>>
      tpu.wait_indirect_dma semaphore(%arg18 : memref<!tpu.dma_semaphore, #tpu.memory_space<semaphore_mem>>) src(%dma_wait3A_101 : memref<10240x136xf32, #tpu.memory_space<hbm>>) dst(%arg12 : memref<96x136xf32, #tpu.memory_space<vmem>>)
      %dma_wait3A_102 = arith.constant 0 : i32
      %dma_wait3A_103 = arith.constant 0 : i32
      %dma_wait3A_104 = tpu.memref_slice %arg3[%dma_wait3A_102, %dma_wait3A_103] : memref<10240x16xf32, #tpu.memory_space<hbm>> -> memref<10240x16xf32, #tpu.memory_space<hbm>>
      tpu.wait_indirect_dma semaphore(%arg20 : memref<!tpu.dma_semaphore, #tpu.memory_space<semaphore_mem>>) src(%dma_wait3A_104 : memref<10240x16xf32, #tpu.memory_space<hbm>>) dst(%arg14 : memref<96x16xf32, #tpu.memory_space<vmem>>)
      %lt3A = arith.cmpi slt, %add3A_98, %select_n3A : i32
      %convert_element_type3A_105 = arith.extui %lt3A : i1 to i32
      %cond3A_106 = arith.constant 0 : i32
      %cond3A_107 = arith.cmpi ne, %convert_element_type3A_105, %cond3A_106 : i32
      scf.if %cond3A_107 {
        %add3A_213 = arith.addi %select_n3A_8, %add3A_98 : i32
        %mul3A_214 = arith.constant 96 : i32
        %mul3A_215 = arith.muli %add3A_213, %mul3A_214 : i32
        %dma_start3A_216 = tpu.memref_slice %arg4[%mul3A_215] : memref<331776xi32, #tpu.memory_space<hbm>> -> memref<96xi32, #tpu.memory_space<hbm>>
        %dma_start3A_217 = tpu.memref_slice %arg4[%mul3A_215] : memref<331776xi32, #tpu.memory_space<hbm>> -> memref<96xi32, #tpu.memory_space<hbm>>
        tpu.enqueue_dma source(%dma_start3A_217 : memref<96xi32, #tpu.memory_space<hbm>>) target(%arg8 : memref<96xi32, #tpu.memory_space<vmem>>) target_semaphore(%arg22 : memref<!tpu.dma_semaphore, #tpu.memory_space<semaphore_mem>>)
      } else {
      }
      %iota3A = tpu.iota {dimensions = array<i32: 0>} : vector<16xi32>
      %lt3A_108 = arith.constant 8 : i32
      %lt3A_109 = vector.broadcast %lt3A_108 : i32 to vector<16xi32>
      %lt3A_110 = arith.cmpi slt, %iota3A, %lt3A_109 : vector<16xi32>
      %sub3A_111 = arith.constant 8 : i32
      %sub3A_112 = vector.broadcast %sub3A_111 : i32 to vector<16xi32>
      %sub3A_113 = arith.subi %iota3A, %sub3A_112 : vector<16xi32>
      %jit3A_114 = arith.constant 1 : i32
      %eq3A_115 = arith.constant 0 : i32
      %eq3A_116 = arith.cmpi eq, %jit3A_114, %eq3A_115 : i32
      %jit3A_117 = arith.constant 1 : i32
      %select_n3A_118 = arith.select %eq3A_116, %jit3A_117, %jit3A_114 : i32
      %rem3A_119 = vector.broadcast %select_n3A_118 : i32 to vector<16xi32>
      %rem3A_120 = arith.remsi %sub3A_113, %rem3A_119 : vector<16xi32>
      %ne3A_121 = arith.constant 0 : i32
      %ne3A_122 = vector.broadcast %ne3A_121 : i32 to vector<16xi32>
      %ne3A_123 = arith.cmpi ne, %rem3A_120, %ne3A_122 : vector<16xi32>
      %lt3A_124 = arith.constant 0 : i32
      %lt3A_125 = vector.broadcast %lt3A_124 : i32 to vector<16xi32>
      %lt3A_126 = arith.cmpi slt, %rem3A_120, %lt3A_125 : vector<16xi32>
      %lt3A_127 = arith.constant 0 : i32
      %lt3A_128 = arith.cmpi slt, %select_n3A_118, %lt3A_127 : i32
      %ne3A_129 = vector.broadcast %lt3A_128 : i1 to vector<16xi1>
      %ne3A_130 = vector.broadcast %ne3A_129 : vector<16xi1> to vector<16xi1>
      %ne3A_131 = arith.xori %lt3A_126, %ne3A_130 : vector<16xi1>
      %and3A_132 = arith.andi %ne3A_131, %ne3A_123 : vector<16xi1>
      %add3A_133 = vector.broadcast %select_n3A_118 : i32 to vector<16xi32>
      %add3A_134 = arith.addi %rem3A_120, %add3A_133 : vector<16xi32>
      %select_n3A_135 = arith.select %and3A_132, %add3A_134, %rem3A_120 : vector<16xi1>, vector<16xi32>
      %add3A_136 = arith.constant 8 : i32
      %add3A_137 = vector.broadcast %add3A_136 : i32 to vector<16xi32>
      %add3A_138 = arith.addi %add3A_137, %select_n3A_135 : vector<16xi32>
      %jit3A_139 = arith.constant 8 : i32
      %broadcast_in_dim3A = vector.broadcast %jit3A_139 : i32 to vector<16xi32>
      %select_n3A_140 = arith.select %lt3A_110, %broadcast_in_dim3A, %add3A_138 : vector<16xi1>, vector<16xi32>
      %parallel_loop3A = arith.constant 0 : i32
      %parallel_loop3A_141 = arith.constant 96 : i32
      %parallel_loop3A_142 = arith.constant 1 : i32
      scf.for %parallel_loop3A_213 = %parallel_loop3A to %parallel_loop3A_141 step %parallel_loop3A_142  : i32 {
        %parallel_loop3A_214 = arith.index_cast %parallel_loop3A_213 : i32 to index
        %parallel_loop3A_215 = arith.constant 120 : index
        %parallel_loop3A_216 = tpu.vector_load %arg12[%parallel_loop3A_214, %parallel_loop3A_215] {strides = array<i32>} : memref<96x136xf32, #tpu.memory_space<vmem>>, vector<16xf32>,
        %parallel_loop3A_217 = arith.index_cast %parallel_loop3A_213 : i32 to index
        %parallel_loop3A_218 = arith.constant 0 : index
        %parallel_loop3A_219 = tpu.vector_load %arg14[%parallel_loop3A_217, %parallel_loop3A_218] {strides = array<i32>} : memref<96x16xf32, #tpu.memory_space<vmem>>, vector<16xf32>,
        %parallel_loop3A_220 = arith.addf %parallel_loop3A_216, %parallel_loop3A_219 : vector<16xf32>
        %parallel_loop3A_221 = arith.constant 0.000000e+00 : f32
        %parallel_loop3A_222 = vector.broadcast %parallel_loop3A_221 : f32 to vector<16xf32>
        %parallel_loop3A_223 = arith.maximumf %parallel_loop3A_220, %parallel_loop3A_222 : vector<16xf32>
        %parallel_loop3A_224 = arith.constant 0.000000e+00 : f32
        %parallel_loop3A_225 = vector.broadcast %parallel_loop3A_224 : f32 to vector<16xf32>
        %parallel_loop3A_226 = arith.minimumf %parallel_loop3A_220, %parallel_loop3A_225 : vector<16xf32>
        %parallel_loop3A_227 = arith.constant 2.000000e-01 : f32
        %parallel_loop3A_228 = vector.broadcast %parallel_loop3A_227 : f32 to vector<16xf32>
        %parallel_loop3A_229 = arith.mulf %parallel_loop3A_228, %parallel_loop3A_226 : vector<16xf32>
        %parallel_loop3A_230 = arith.addf %parallel_loop3A_223, %parallel_loop3A_229 : vector<16xf32>
        %parallel_loop3A_231 = math.exp %parallel_loop3A_230 : vector<16xf32>
        %parallel_loop3A_232 = arith.constant 8 : i32
        %parallel_loop3A_233 = vector.broadcast %parallel_loop3A_232 : i32 to vector<16xi32>
        %parallel_loop3A_234 = arith.constant 0 : i32
        %parallel_loop3A_235 = vector.broadcast %parallel_loop3A_234 : i32 to vector<16xi32>
        %parallel_loop3A_236 = arith.cmpi slt, %parallel_loop3A_233, %parallel_loop3A_235 : vector<16xi32>
        %parallel_loop3A_237 = arith.constant 16 : i32
        %parallel_loop3A_238 = vector.broadcast %parallel_loop3A_237 : i32 to vector<16xi32>
        %parallel_loop3A_239 = arith.addi %parallel_loop3A_233, %parallel_loop3A_238 : vector<16xi32>
        %parallel_loop3A_240 = arith.select %parallel_loop3A_236, %parallel_loop3A_239, %parallel_loop3A_233 : vector<16xi1>, vector<16xi32>
        %parallel_loop3A_241 = vector.shape_cast %parallel_loop3A_240 : vector<16xi32> to vector<16x1xi32>
        %parallel_loop3A_242 = vector.shape_cast %parallel_loop3A_241 : vector<16x1xi32> to vector<16xi32>
        %parallel_loop3A_243 = tpu.dynamic_gather %parallel_loop3A_231[%parallel_loop3A_242] in [0] : vector<16xf32>, vector<16xi32> -> vector<16xf32>
        %parallel_loop3A_244 = arith.index_cast %parallel_loop3A_213 : i32 to index
        %parallel_loop3A_245 = arith.constant 0 : index
        %parallel_loop3A_246 = tpu.vector_load %arg12[%parallel_loop3A_244, %parallel_loop3A_245] {strides = array<i32>} : memref<96x136xf32, #tpu.memory_space<vmem>>, vector<16xf32>,
        %parallel_loop3A_247 = arith.mulf %parallel_loop3A_246, %parallel_loop3A_243 : vector<16xf32>
        %parallel_loop3A_248 = arith.index_cast %parallel_loop3A_213 : i32 to index
        %parallel_loop3A_249 = arith.constant 0 : index
        %parallel_loop3A_250 = tpu.vector_load %arg16[%parallel_loop3A_248, %parallel_loop3A_249] {strides = array<i32>} : memref<96x136xf32, #tpu.memory_space<vmem>>, vector<16xf32>,
        tpu.vector_store %arg16[%parallel_loop3A_248, %parallel_loop3A_249], %parallel_loop3A_247 {strides = array<i32>} : memref<96x136xf32, #tpu.memory_space<vmem>>, vector<16xf32>,
        %parallel_loop3A_251 = arith.constant 8 : i32
        %parallel_loop3A_252 = vector.broadcast %parallel_loop3A_251 : i32 to vector<16xi32>
        %parallel_loop3A_253 = arith.constant 0 : i32
        %parallel_loop3A_254 = vector.broadcast %parallel_loop3A_253 : i32 to vector<16xi32>
        %parallel_loop3A_255 = arith.cmpi slt, %parallel_loop3A_252, %parallel_loop3A_254 : vector<16xi32>
        %parallel_loop3A_256 = arith.constant 16 : i32
        %parallel_loop3A_257 = vector.broadcast %parallel_loop3A_256 : i32 to vector<16xi32>
        %parallel_loop3A_258 = arith.addi %parallel_loop3A_252, %parallel_loop3A_257 : vector<16xi32>
        %parallel_loop3A_259 = arith.select %parallel_loop3A_255, %parallel_loop3A_258, %parallel_loop3A_252 : vector<16xi1>, vector<16xi32>
        %parallel_loop3A_260 = vector.shape_cast %parallel_loop3A_259 : vector<16xi32> to vector<16x1xi32>
        %parallel_loop3A_261 = vector.shape_cast %parallel_loop3A_260 : vector<16x1xi32> to vector<16xi32>
        %parallel_loop3A_262 = tpu.dynamic_gather %parallel_loop3A_231[%parallel_loop3A_261] in [0] : vector<16xf32>, vector<16xi32> -> vector<16xf32>
        %parallel_loop3A_263 = arith.index_cast %parallel_loop3A_213 : i32 to index
        %parallel_loop3A_264 = arith.constant 16 : index
        %parallel_loop3A_265 = tpu.vector_load %arg12[%parallel_loop3A_263, %parallel_loop3A_264] {strides = array<i32>} : memref<96x136xf32, #tpu.memory_space<vmem>>, vector<16xf32>,
        %parallel_loop3A_266 = arith.mulf %parallel_loop3A_265, %parallel_loop3A_262 : vector<16xf32>
        %parallel_loop3A_267 = arith.index_cast %parallel_loop3A_213 : i32 to index
        %parallel_loop3A_268 = arith.constant 16 : index
        %parallel_loop3A_269 = tpu.vector_load %arg16[%parallel_loop3A_267, %parallel_loop3A_268] {strides = array<i32>} : memref<96x136xf32, #tpu.memory_space<vmem>>, vector<16xf32>,
        tpu.vector_store %arg16[%parallel_loop3A_267, %parallel_loop3A_268], %parallel_loop3A_266 {strides = array<i32>} : memref<96x136xf32, #tpu.memory_space<vmem>>, vector<16xf32>,
        %parallel_loop3A_270 = arith.constant 8 : i32
        %parallel_loop3A_271 = vector.broadcast %parallel_loop3A_270 : i32 to vector<16xi32>
        %parallel_loop3A_272 = arith.constant 0 : i32
        %parallel_loop3A_273 = vector.broadcast %parallel_loop3A_272 : i32 to vector<16xi32>
        %parallel_loop3A_274 = arith.cmpi slt, %parallel_loop3A_271, %parallel_loop3A_273 : vector<16xi32>
        %parallel_loop3A_275 = arith.constant 16 : i32
        %parallel_loop3A_276 = vector.broadcast %parallel_loop3A_275 : i32 to vector<16xi32>
        %parallel_loop3A_277 = arith.addi %parallel_loop3A_271, %parallel_loop3A_276 : vector<16xi32>
        %parallel_loop3A_278 = arith.select %parallel_loop3A_274, %parallel_loop3A_277, %parallel_loop3A_271 : vector<16xi1>, vector<16xi32>
        %parallel_loop3A_279 = vector.shape_cast %parallel_loop3A_278 : vector<16xi32> to vector<16x1xi32>
        %parallel_loop3A_280 = vector.shape_cast %parallel_loop3A_279 : vector<16x1xi32> to vector<16xi32>
        %parallel_loop3A_281 = tpu.dynamic_gather %parallel_loop3A_231[%parallel_loop3A_280] in [0] : vector<16xf32>, vector<16xi32> -> vector<16xf32>
        %parallel_loop3A_282 = arith.index_cast %parallel_loop3A_213 : i32 to index
        %parallel_loop3A_283 = arith.constant 32 : index
        %parallel_loop3A_284 = tpu.vector_load %arg12[%parallel_loop3A_282, %parallel_loop3A_283] {strides = array<i32>} : memref<96x136xf32, #tpu.memory_space<vmem>>, vector<16xf32>,
        %parallel_loop3A_285 = arith.mulf %parallel_loop3A_284, %parallel_loop3A_281 : vector<16xf32>
        %parallel_loop3A_286 = arith.index_cast %parallel_loop3A_213 : i32 to index
        %parallel_loop3A_287 = arith.constant 32 : index
        %parallel_loop3A_288 = tpu.vector_load %arg16[%parallel_loop3A_286, %parallel_loop3A_287] {strides = array<i32>} : memref<96x136xf32, #tpu.memory_space<vmem>>, vector<16xf32>,
        tpu.vector_store %arg16[%parallel_loop3A_286, %parallel_loop3A_287], %parallel_loop3A_285 {strides = array<i32>} : memref<96x136xf32, #tpu.memory_space<vmem>>, vector<16xf32>,
        %parallel_loop3A_289 = arith.constant 8 : i32
        %parallel_loop3A_290 = vector.broadcast %parallel_loop3A_289 : i32 to vector<16xi32>
        %parallel_loop3A_291 = arith.constant 0 : i32
        %parallel_loop3A_292 = vector.broadcast %parallel_loop3A_291 : i32 to vector<16xi32>
        %parallel_loop3A_293 = arith.cmpi slt, %parallel_loop3A_290, %parallel_loop3A_292 : vector<16xi32>
        %parallel_loop3A_294 = arith.constant 16 : i32
        %parallel_loop3A_295 = vector.broadcast %parallel_loop3A_294 : i32 to vector<16xi32>
        %parallel_loop3A_296 = arith.addi %parallel_loop3A_290, %parallel_loop3A_295 : vector<16xi32>
        %parallel_loop3A_297 = arith.select %parallel_loop3A_293, %parallel_loop3A_296, %parallel_loop3A_290 : vector<16xi1>, vector<16xi32>
        %parallel_loop3A_298 = vector.shape_cast %parallel_loop3A_297 : vector<16xi32> to vector<16x1xi32>
        %parallel_loop3A_299 = vector.shape_cast %parallel_loop3A_298 : vector<16x1xi32> to vector<16xi32>
        %parallel_loop3A_300 = tpu.dynamic_gather %parallel_loop3A_231[%parallel_loop3A_299] in [0] : vector<16xf32>, vector<16xi32> -> vector<16xf32>
        %parallel_loop3A_301 = arith.index_cast %parallel_loop3A_213 : i32 to index
        %parallel_loop3A_302 = arith.constant 48 : index
        %parallel_loop3A_303 = tpu.vector_load %arg12[%parallel_loop3A_301, %parallel_loop3A_302] {strides = array<i32>} : memref<96x136xf32, #tpu.memory_space<vmem>>, vector<16xf32>,
        %parallel_loop3A_304 = arith.mulf %parallel_loop3A_303, %parallel_loop3A_300 : vector<16xf32>
        %parallel_loop3A_305 = arith.index_cast %parallel_loop3A_213 : i32 to index
        %parallel_loop3A_306 = arith.constant 48 : index
        %parallel_loop3A_307 = tpu.vector_load %arg16[%parallel_loop3A_305, %parallel_loop3A_306] {strides = array<i32>} : memref<96x136xf32, #tpu.memory_space<vmem>>, vector<16xf32>,
        tpu.vector_store %arg16[%parallel_loop3A_305, %parallel_loop3A_306], %parallel_loop3A_304 {strides = array<i32>} : memref<96x136xf32, #tpu.memory_space<vmem>>, vector<16xf32>,
        %parallel_loop3A_308 = arith.constant 8 : i32
        %parallel_loop3A_309 = vector.broadcast %parallel_loop3A_308 : i32 to vector<16xi32>
        %parallel_loop3A_310 = arith.constant 0 : i32
        %parallel_loop3A_311 = vector.broadcast %parallel_loop3A_310 : i32 to vector<16xi32>
        %parallel_loop3A_312 = arith.cmpi slt, %parallel_loop3A_309, %parallel_loop3A_311 : vector<16xi32>
        %parallel_loop3A_313 = arith.constant 16 : i32
        %parallel_loop3A_314 = vector.broadcast %parallel_loop3A_313 : i32 to vector<16xi32>
        %parallel_loop3A_315 = arith.addi %parallel_loop3A_309, %parallel_loop3A_314 : vector<16xi32>
        %parallel_loop3A_316 = arith.select %parallel_loop3A_312, %parallel_loop3A_315, %parallel_loop3A_309 : vector<16xi1>, vector<16xi32>
        %parallel_loop3A_317 = vector.shape_cast %parallel_loop3A_316 : vector<16xi32> to vector<16x1xi32>
        %parallel_loop3A_318 = vector.shape_cast %parallel_loop3A_317 : vector<16x1xi32> to vector<16xi32>
        %parallel_loop3A_319 = tpu.dynamic_gather %parallel_loop3A_231[%parallel_loop3A_318] in [0] : vector<16xf32>, vector<16xi32> -> vector<16xf32>
        %parallel_loop3A_320 = arith.index_cast %parallel_loop3A_213 : i32 to index
        %parallel_loop3A_321 = arith.constant 64 : index
        %parallel_loop3A_322 = tpu.vector_load %arg12[%parallel_loop3A_320, %parallel_loop3A_321] {strides = array<i32>} : memref<96x136xf32, #tpu.memory_space<vmem>>, vector<16xf32>,
        %parallel_loop3A_323 = arith.mulf %parallel_loop3A_322, %parallel_loop3A_319 : vector<16xf32>
        %parallel_loop3A_324 = arith.index_cast %parallel_loop3A_213 : i32 to index
        %parallel_loop3A_325 = arith.constant 64 : index
        %parallel_loop3A_326 = tpu.vector_load %arg16[%parallel_loop3A_324, %parallel_loop3A_325] {strides = array<i32>} : memref<96x136xf32, #tpu.memory_space<vmem>>, vector<16xf32>,
        tpu.vector_store %arg16[%parallel_loop3A_324, %parallel_loop3A_325], %parallel_loop3A_323 {strides = array<i32>} : memref<96x136xf32, #tpu.memory_space<vmem>>, vector<16xf32>,
        %parallel_loop3A_327 = arith.constant 8 : i32
        %parallel_loop3A_328 = vector.broadcast %parallel_loop3A_327 : i32 to vector<16xi32>
        %parallel_loop3A_329 = arith.constant 0 : i32
        %parallel_loop3A_330 = vector.broadcast %parallel_loop3A_329 : i32 to vector<16xi32>
        %parallel_loop3A_331 = arith.cmpi slt, %parallel_loop3A_328, %parallel_loop3A_330 : vector<16xi32>
        %parallel_loop3A_332 = arith.constant 16 : i32
        %parallel_loop3A_333 = vector.broadcast %parallel_loop3A_332 : i32 to vector<16xi32>
        %parallel_loop3A_334 = arith.addi %parallel_loop3A_328, %parallel_loop3A_333 : vector<16xi32>
        %parallel_loop3A_335 = arith.select %parallel_loop3A_331, %parallel_loop3A_334, %parallel_loop3A_328 : vector<16xi1>, vector<16xi32>
        %parallel_loop3A_336 = vector.shape_cast %parallel_loop3A_335 : vector<16xi32> to vector<16x1xi32>
        %parallel_loop3A_337 = vector.shape_cast %parallel_loop3A_336 : vector<16x1xi32> to vector<16xi32>
        %parallel_loop3A_338 = tpu.dynamic_gather %parallel_loop3A_231[%parallel_loop3A_337] in [0] : vector<16xf32>, vector<16xi32> -> vector<16xf32>
        %parallel_loop3A_339 = arith.index_cast %parallel_loop3A_213 : i32 to index
        %parallel_loop3A_340 = arith.constant 80 : index
        %parallel_loop3A_341 = tpu.vector_load %arg12[%parallel_loop3A_339, %parallel_loop3A_340] {strides = array<i32>} : memref<96x136xf32, #tpu.memory_space<vmem>>, vector<16xf32>,
        %parallel_loop3A_342 = arith.mulf %parallel_loop3A_341, %parallel_loop3A_338 : vector<16xf32>
        %parallel_loop3A_343 = arith.index_cast %parallel_loop3A_213 : i32 to index
        %parallel_loop3A_344 = arith.constant 80 : index
        %parallel_loop3A_345 = tpu.vector_load %arg16[%parallel_loop3A_343, %parallel_loop3A_344] {strides = array<i32>} : memref<96x136xf32, #tpu.memory_space<vmem>>, vector<16xf32>,
        tpu.vector_store %arg16[%parallel_loop3A_343, %parallel_loop3A_344], %parallel_loop3A_342 {strides = array<i32>} : memref<96x136xf32, #tpu.memory_space<vmem>>, vector<16xf32>,
        %parallel_loop3A_346 = arith.constant 8 : i32
        %parallel_loop3A_347 = vector.broadcast %parallel_loop3A_346 : i32 to vector<16xi32>
        %parallel_loop3A_348 = arith.constant 0 : i32
        %parallel_loop3A_349 = vector.broadcast %parallel_loop3A_348 : i32 to vector<16xi32>
        %parallel_loop3A_350 = arith.cmpi slt, %parallel_loop3A_347, %parallel_loop3A_349 : vector<16xi32>
        %parallel_loop3A_351 = arith.constant 16 : i32
        %parallel_loop3A_352 = vector.broadcast %parallel_loop3A_351 : i32 to vector<16xi32>
        %parallel_loop3A_353 = arith.addi %parallel_loop3A_347, %parallel_loop3A_352 : vector<16xi32>
        %parallel_loop3A_354 = arith.select %parallel_loop3A_350, %parallel_loop3A_353, %parallel_loop3A_347 : vector<16xi1>, vector<16xi32>
        %parallel_loop3A_355 = vector.shape_cast %parallel_loop3A_354 : vector<16xi32> to vector<16x1xi32>
        %parallel_loop3A_356 = vector.shape_cast %parallel_loop3A_355 : vector<16x1xi32> to vector<16xi32>
        %parallel_loop3A_357 = tpu.dynamic_gather %parallel_loop3A_231[%parallel_loop3A_356] in [0] : vector<16xf32>, vector<16xi32> -> vector<16xf32>
        %parallel_loop3A_358 = arith.index_cast %parallel_loop3A_213 : i32 to index
        %parallel_loop3A_359 = arith.constant 96 : index
        %parallel_loop3A_360 = tpu.vector_load %arg12[%parallel_loop3A_358, %parallel_loop3A_359] {strides = array<i32>} : memref<96x136xf32, #tpu.memory_space<vmem>>, vector<16xf32>,
        %parallel_loop3A_361 = arith.mulf %parallel_loop3A_360, %parallel_loop3A_357 : vector<16xf32>
        %parallel_loop3A_362 = arith.index_cast %parallel_loop3A_213 : i32 to index
        %parallel_loop3A_363 = arith.constant 96 : index
        %parallel_loop3A_364 = tpu.vector_load %arg16[%parallel_loop3A_362, %parallel_loop3A_363] {strides = array<i32>} : memref<96x136xf32, #tpu.memory_space<vmem>>, vector<16xf32>,
        tpu.vector_store %arg16[%parallel_loop3A_362, %parallel_loop3A_363], %parallel_loop3A_361 {strides = array<i32>} : memref<96x136xf32, #tpu.memory_space<vmem>>, vector<16xf32>,
        %parallel_loop3A_365 = arith.constant 8 : i32
        %parallel_loop3A_366 = vector.broadcast %parallel_loop3A_365 : i32 to vector<16xi32>
        %parallel_loop3A_367 = arith.constant 0 : i32
        %parallel_loop3A_368 = vector.broadcast %parallel_loop3A_367 : i32 to vector<16xi32>
        %parallel_loop3A_369 = arith.cmpi slt, %parallel_loop3A_366, %parallel_loop3A_368 : vector<16xi32>
        %parallel_loop3A_370 = arith.constant 16 : i32
        %parallel_loop3A_371 = vector.broadcast %parallel_loop3A_370 : i32 to vector<16xi32>
        %parallel_loop3A_372 = arith.addi %parallel_loop3A_366, %parallel_loop3A_371 : vector<16xi32>
        %parallel_loop3A_373 = arith.select %parallel_loop3A_369, %parallel_loop3A_372, %parallel_loop3A_366 : vector<16xi1>, vector<16xi32>
        %parallel_loop3A_374 = vector.shape_cast %parallel_loop3A_373 : vector<16xi32> to vector<16x1xi32>
        %parallel_loop3A_375 = vector.shape_cast %parallel_loop3A_374 : vector<16x1xi32> to vector<16xi32>
        %parallel_loop3A_376 = tpu.dynamic_gather %parallel_loop3A_231[%parallel_loop3A_375] in [0] : vector<16xf32>, vector<16xi32> -> vector<16xf32>
        %parallel_loop3A_377 = arith.index_cast %parallel_loop3A_213 : i32 to index
        %parallel_loop3A_378 = arith.constant 112 : index
        %parallel_loop3A_379 = tpu.vector_load %arg12[%parallel_loop3A_377, %parallel_loop3A_378] {strides = array<i32>} : memref<96x136xf32, #tpu.memory_space<vmem>>, vector<16xf32>,
        %parallel_loop3A_380 = arith.mulf %parallel_loop3A_379, %parallel_loop3A_376 : vector<16xf32>
        %parallel_loop3A_381 = arith.index_cast %parallel_loop3A_213 : i32 to index
        %parallel_loop3A_382 = arith.constant 112 : index
        %parallel_loop3A_383 = tpu.vector_load %arg16[%parallel_loop3A_381, %parallel_loop3A_382] {strides = array<i32>} : memref<96x136xf32, #tpu.memory_space<vmem>>, vector<16xf32>,
        tpu.vector_store %arg16[%parallel_loop3A_381, %parallel_loop3A_382], %parallel_loop3A_380 {strides = array<i32>} : memref<96x136xf32, #tpu.memory_space<vmem>>, vector<16xf32>,
        %parallel_loop3A_384 = arith.constant 0 : i32
        %parallel_loop3A_385 = vector.broadcast %parallel_loop3A_384 : i32 to vector<16xi32>
        %parallel_loop3A_386 = arith.cmpi slt, %select_n3A_140, %parallel_loop3A_385 : vector<16xi32>
        %parallel_loop3A_387 = arith.constant 16 : i32
        %parallel_loop3A_388 = vector.broadcast %parallel_loop3A_387 : i32 to vector<16xi32>
        %parallel_loop3A_389 = arith.addi %select_n3A_140, %parallel_loop3A_388 : vector<16xi32>
        %parallel_loop3A_390 = arith.select %parallel_loop3A_386, %parallel_loop3A_389, %select_n3A_140 : vector<16xi1>, vector<16xi32>
        %parallel_loop3A_391 = vector.shape_cast %parallel_loop3A_390 : vector<16xi32> to vector<16x1xi32>
        %parallel_loop3A_392 = vector.shape_cast %parallel_loop3A_391 : vector<16x1xi32> to vector<16xi32>
        %parallel_loop3A_393 = tpu.dynamic_gather %parallel_loop3A_231[%parallel_loop3A_392] in [0] : vector<16xf32>, vector<16xi32> -> vector<16xf32>
        %parallel_loop3A_394 = arith.constant 8 : i32
        %parallel_loop3A_395 = vector.broadcast %parallel_loop3A_394 : i32 to vector<16xi32>
        %parallel_loop3A_396 = arith.cmpi slt, %iota3A, %parallel_loop3A_395 : vector<16xi32>
        %parallel_loop3A_397 = arith.constant 1.000000e+00 : f32
        %parallel_loop3A_398 = vector.broadcast %parallel_loop3A_397 : f32 to vector<16xf32>
        %parallel_loop3A_399 = arith.select %parallel_loop3A_396, %parallel_loop3A_216, %parallel_loop3A_398 : vector<16xi1>, vector<16xf32>
        %parallel_loop3A_400 = arith.mulf %parallel_loop3A_399, %parallel_loop3A_393 : vector<16xf32>
        %parallel_loop3A_401 = arith.index_cast %parallel_loop3A_213 : i32 to index
        %parallel_loop3A_402 = arith.constant 120 : index
        %parallel_loop3A_403 = tpu.vector_load %arg16[%parallel_loop3A_401, %parallel_loop3A_402] {strides = array<i32>} : memref<96x136xf32, #tpu.memory_space<vmem>>, vector<16xf32>,
        tpu.vector_store %arg16[%parallel_loop3A_401, %parallel_loop3A_402], %parallel_loop3A_400 {strides = array<i32>} : memref<96x136xf32, #tpu.memory_space<vmem>>, vector<16xf32>,
      } {sc.loop_unroll_factor = 4 : i64, sc.parallel_access}
      "tpu.region"() ({
        %run_scoped3A = tpu.sem_alloc : memref<!tpu.dma_semaphore, #tpu.memory_space<semaphore_mem>>
        %dma_start3A_213 = arith.constant 0 : i32
        %dma_start3A_214 = arith.constant 0 : i32
        %dma_start3A_215 = tpu.memref_slice %arg17[%dma_start3A_213, %dma_start3A_214] : memref<10240x136xf32, #tpu.memory_space<vmem_shared>> -> memref<10240x136xf32, #tpu.memory_space<vmem_shared>>
        tpu.enqueue_indirect_dma source(%arg16 : memref<96x136xf32, #tpu.memory_space<vmem>>) target(%dma_start3A_215 : memref<10240x136xf32, #tpu.memory_space<vmem_shared>>) offsets(%arg10 : memref<96xi32, #tpu.memory_space<vmem>>) semaphore(%run_scoped3A : memref<!tpu.dma_semaphore, #tpu.memory_space<semaphore_mem>>) {add = true}
        %dma_wait3A_216 = arith.constant 0 : i32
        %dma_wait3A_217 = arith.constant 0 : i32
        %dma_wait3A_218 = tpu.memref_slice %arg17[%dma_wait3A_216, %dma_wait3A_217] : memref<10240x136xf32, #tpu.memory_space<vmem_shared>> -> memref<10240x136xf32, #tpu.memory_space<vmem_shared>>
        tpu.wait_indirect_dma semaphore(%run_scoped3A : memref<!tpu.dma_semaphore, #tpu.memory_space<semaphore_mem>>) src(%arg16 : memref<96x136xf32, #tpu.memory_space<vmem>>) dst(%dma_wait3A_218 : memref<10240x136xf32, #tpu.memory_space<vmem_shared>>)
        tpu.yield
      }) : () -> ()
      %lt3A_143 = arith.cmpi slt, %add3A_98, %select_n3A : i32
      %convert_element_type3A_144 = arith.extui %lt3A_143 : i1 to i32
      %cond3A_145 = arith.constant 0 : i32
      %cond3A_146 = arith.cmpi ne, %convert_element_type3A_144, %cond3A_145 : i32
      scf.if %cond3A_146 {
        %add3A_213 = arith.addi %select_n3A_8, %add3A_98 : i32
        %mul3A_214 = arith.constant 96 : i32
        %mul3A_215 = arith.muli %add3A_213, %mul3A_214 : i32
        %dma_start3A_216 = tpu.memref_slice %arg5[%mul3A_215] : memref<331776xi32, #tpu.memory_space<hbm>> -> memref<96xi32, #tpu.memory_space<hbm>>
        %dma_start3A_217 = tpu.memref_slice %arg5[%mul3A_215] : memref<331776xi32, #tpu.memory_space<hbm>> -> memref<96xi32, #tpu.memory_space<hbm>>
        tpu.enqueue_dma source(%dma_start3A_217 : memref<96xi32, #tpu.memory_space<hbm>>) target(%arg10 : memref<96xi32, #tpu.memory_space<vmem>>) target_semaphore(%arg24 : memref<!tpu.dma_semaphore, #tpu.memory_space<semaphore_mem>>)
      } else {
      }
      %add3A_147 = arith.constant 2 : i32
      %add3A_148 = arith.addi %mul3A_96, %add3A_147 : i32
      %lt3A_149 = arith.cmpi slt, %add3A_148, %select_n3A : i32
      %convert_element_type3A_150 = arith.extui %lt3A_149 : i1 to i32
      %cond3A_151 = arith.constant 0 : i32
      %cond3A_152 = arith.cmpi ne, %convert_element_type3A_150, %cond3A_151 : i32
      scf.if %cond3A_152 {
        %dma_wait3A_213 = arith.constant 0 : i32
        %dma_wait3A_214 = tpu.memref_slice %arg4[%dma_wait3A_213] : memref<331776xi32, #tpu.memory_space<hbm>> -> memref<96xi32, #tpu.memory_space<hbm>>
        %dma_wait3A_215 = arith.constant 0 : i32
        %dma_wait3A_216 = tpu.memref_slice %arg4[%dma_wait3A_215] : memref<331776xi32, #tpu.memory_space<hbm>> -> memref<96xi32, #tpu.memory_space<hbm>>
        tpu.wait_dma2 semaphore(%arg22 : memref<!tpu.dma_semaphore, #tpu.memory_space<semaphore_mem>>) src(%dma_wait3A_216 : memref<96xi32, #tpu.memory_space<hbm>>) dst(%arg8 : memref<96xi32, #tpu.memory_space<vmem>>)
        %dma_wait3A_217 = arith.constant 0 : i32
        %dma_wait3A_218 = tpu.memref_slice %arg5[%dma_wait3A_217] : memref<331776xi32, #tpu.memory_space<hbm>> -> memref<96xi32, #tpu.memory_space<hbm>>
        %dma_wait3A_219 = arith.constant 0 : i32
        %dma_wait3A_220 = tpu.memref_slice %arg5[%dma_wait3A_219] : memref<331776xi32, #tpu.memory_space<hbm>> -> memref<96xi32, #tpu.memory_space<hbm>>
        tpu.wait_dma2 semaphore(%arg24 : memref<!tpu.dma_semaphore, #tpu.memory_space<semaphore_mem>>) src(%dma_wait3A_220 : memref<96xi32, #tpu.memory_space<hbm>>) dst(%arg10 : memref<96xi32, #tpu.memory_space<vmem>>)
        %dma_start3A_221 = arith.constant 0 : i32
        %dma_start3A_222 = arith.constant 0 : i32
        %dma_start3A_223 = tpu.memref_slice %arg2[%dma_start3A_221, %dma_start3A_222] : memref<10240x136xf32, #tpu.memory_space<hbm>> -> memref<10240x136xf32, #tpu.memory_space<hbm>>
        tpu.enqueue_indirect_dma source(%dma_start3A_223 : memref<10240x136xf32, #tpu.memory_space<hbm>>) target(%arg12 : memref<96x136xf32, #tpu.memory_space<vmem>>) offsets(%arg8 : memref<96xi32, #tpu.memory_space<vmem>>) semaphore(%arg18 : memref<!tpu.dma_semaphore, #tpu.memory_space<semaphore_mem>>)
        %dma_start3A_224 = arith.constant 0 : i32
        %dma_start3A_225 = arith.constant 0 : i32
        %dma_start3A_226 = tpu.memref_slice %arg3[%dma_start3A_224, %dma_start3A_225] : memref<10240x16xf32, #tpu.memory_space<hbm>> -> memref<10240x16xf32, #tpu.memory_space<hbm>>
        tpu.enqueue_indirect_dma source(%dma_start3A_226 : memref<10240x16xf32, #tpu.memory_space<hbm>>) target(%arg14 : memref<96x16xf32, #tpu.memory_space<vmem>>) offsets(%arg10 : memref<96xi32, #tpu.memory_space<vmem>>) semaphore(%arg20 : memref<!tpu.dma_semaphore, #tpu.memory_space<semaphore_mem>>)
      } else {
      }
      %add3A_153 = arith.constant 3 : i32
      %add3A_154 = arith.addi %mul3A_96, %add3A_153 : i32
      %dma_wait3A_155 = arith.constant 0 : i32
      %dma_wait3A_156 = arith.constant 0 : i32
      %dma_wait3A_157 = tpu.memref_slice %arg2[%dma_wait3A_155, %dma_wait3A_156] : memref<10240x136xf32, #tpu.memory_space<hbm>> -> memref<10240x136xf32, #tpu.memory_space<hbm>>
      tpu.wait_indirect_dma semaphore(%arg19 : memref<!tpu.dma_semaphore, #tpu.memory_space<semaphore_mem>>) src(%dma_wait3A_157 : memref<10240x136xf32, #tpu.memory_space<hbm>>) dst(%arg13 : memref<96x136xf32, #tpu.memory_space<vmem>>)
      %dma_wait3A_158 = arith.constant 0 : i32
      %dma_wait3A_159 = arith.constant 0 : i32
      %dma_wait3A_160 = tpu.memref_slice %arg3[%dma_wait3A_158, %dma_wait3A_159] : memref<10240x16xf32, #tpu.memory_space<hbm>> -> memref<10240x16xf32, #tpu.memory_space<hbm>>
      tpu.wait_indirect_dma semaphore(%arg21 : memref<!tpu.dma_semaphore, #tpu.memory_space<semaphore_mem>>) src(%dma_wait3A_160 : memref<10240x16xf32, #tpu.memory_space<hbm>>) dst(%arg15 : memref<96x16xf32, #tpu.memory_space<vmem>>)
      %lt3A_161 = arith.cmpi slt, %add3A_154, %select_n3A : i32
      %convert_element_type3A_162 = arith.extui %lt3A_161 : i1 to i32
      %cond3A_163 = arith.constant 0 : i32
      %cond3A_164 = arith.cmpi ne, %convert_element_type3A_162, %cond3A_163 : i32
      scf.if %cond3A_164 {
        %add3A_213 = arith.addi %select_n3A_8, %add3A_154 : i32
        %mul3A_214 = arith.constant 96 : i32
        %mul3A_215 = arith.muli %add3A_213, %mul3A_214 : i32
        %dma_start3A_216 = tpu.memref_slice %arg4[%mul3A_215] : memref<331776xi32, #tpu.memory_space<hbm>> -> memref<96xi32, #tpu.memory_space<hbm>>
        %dma_start3A_217 = tpu.memref_slice %arg4[%mul3A_215] : memref<331776xi32, #tpu.memory_space<hbm>> -> memref<96xi32, #tpu.memory_space<hbm>>
        tpu.enqueue_dma source(%dma_start3A_217 : memref<96xi32, #tpu.memory_space<hbm>>) target(%arg9 : memref<96xi32, #tpu.memory_space<vmem>>) target_semaphore(%arg23 : memref<!tpu.dma_semaphore, #tpu.memory_space<semaphore_mem>>)
      } else {
      }
      %iota3A_165 = tpu.iota {dimensions = array<i32: 0>} : vector<16xi32>
      %lt3A_166 = arith.constant 8 : i32
      %lt3A_167 = vector.broadcast %lt3A_166 : i32 to vector<16xi32>
      %lt3A_168 = arith.cmpi slt, %iota3A_165, %lt3A_167 : vector<16xi32>
      %sub3A_169 = arith.constant 8 : i32
      %sub3A_170 = vector.broadcast %sub3A_169 : i32 to vector<16xi32>
      %sub3A_171 = arith.subi %iota3A_165, %sub3A_170 : vector<16xi32>
      %jit3A_172 = arith.constant 1 : i32
      %eq3A_173 = arith.constant 0 : i32
      %eq3A_174 = arith.cmpi eq, %jit3A_172, %eq3A_173 : i32
      %jit3A_175 = arith.constant 1 : i32
      %select_n3A_176 = arith.select %eq3A_174, %jit3A_175, %jit3A_172 : i32
      %rem3A_177 = vector.broadcast %select_n3A_176 : i32 to vector<16xi32>
      %rem3A_178 = arith.remsi %sub3A_171, %rem3A_177 : vector<16xi32>
      %ne3A_179 = arith.constant 0 : i32
      %ne3A_180 = vector.broadcast %ne3A_179 : i32 to vector<16xi32>
      %ne3A_181 = arith.cmpi ne, %rem3A_178, %ne3A_180 : vector<16xi32>
      %lt3A_182 = arith.constant 0 : i32
      %lt3A_183 = vector.broadcast %lt3A_182 : i32 to vector<16xi32>
      %lt3A_184 = arith.cmpi slt, %rem3A_178, %lt3A_183 : vector<16xi32>
      %lt3A_185 = arith.constant 0 : i32
      %lt3A_186 = arith.cmpi slt, %select_n3A_176, %lt3A_185 : i32
      %ne3A_187 = vector.broadcast %lt3A_186 : i1 to vector<16xi1>
      %ne3A_188 = vector.broadcast %ne3A_187 : vector<16xi1> to vector<16xi1>
      %ne3A_189 = arith.xori %lt3A_184, %ne3A_188 : vector<16xi1>
      %and3A_190 = arith.andi %ne3A_189, %ne3A_181 : vector<16xi1>
      %add3A_191 = vector.broadcast %select_n3A_176 : i32 to vector<16xi32>
      %add3A_192 = arith.addi %rem3A_178, %add3A_191 : vector<16xi32>
      %select_n3A_193 = arith.select %and3A_190, %add3A_192, %rem3A_178 : vector<16xi1>, vector<16xi32>
      %add3A_194 = arith.constant 8 : i32
      %add3A_195 = vector.broadcast %add3A_194 : i32 to vector<16xi32>
      %add3A_196 = arith.addi %add3A_195, %select_n3A_193 : vector<16xi32>
      %jit3A_197 = arith.constant 8 : i32
      %broadcast_in_dim3A_198 = vector.broadcast %jit3A_197 : i32 to vector<16xi32>
      %select_n3A_199 = arith.select %lt3A_168, %broadcast_in_dim3A_198, %add3A_196 : vector<16xi1>, vector<16xi32>
      %parallel_loop3A_200 = arith.constant 0 : i32
      %parallel_loop3A_201 = arith.constant 96 : i32
      %parallel_loop3A_202 = arith.constant 1 : i32
      scf.for %parallel_loop3A_213 = %parallel_loop3A_200 to %parallel_loop3A_201 step %parallel_loop3A_202  : i32 {
        %parallel_loop3A_214 = arith.index_cast %parallel_loop3A_213 : i32 to index
        %parallel_loop3A_215 = arith.constant 120 : index
        %parallel_loop3A_216 = tpu.vector_load %arg13[%parallel_loop3A_214, %parallel_loop3A_215] {strides = array<i32>} : memref<96x136xf32, #tpu.memory_space<vmem>>, vector<16xf32>,
        %parallel_loop3A_217 = arith.index_cast %parallel_loop3A_213 : i32 to index
        %parallel_loop3A_218 = arith.constant 0 : index
        %parallel_loop3A_219 = tpu.vector_load %arg15[%parallel_loop3A_217, %parallel_loop3A_218] {strides = array<i32>} : memref<96x16xf32, #tpu.memory_space<vmem>>, vector<16xf32>,
        %parallel_loop3A_220 = arith.addf %parallel_loop3A_216, %parallel_loop3A_219 : vector<16xf32>
        %parallel_loop3A_221 = arith.constant 0.000000e+00 : f32
        %parallel_loop3A_222 = vector.broadcast %parallel_loop3A_221 : f32 to vector<16xf32>
        %parallel_loop3A_223 = arith.maximumf %parallel_loop3A_220, %parallel_loop3A_222 : vector<16xf32>
        %parallel_loop3A_224 = arith.constant 0.000000e+00 : f32
        %parallel_loop3A_225 = vector.broadcast %parallel_loop3A_224 : f32 to vector<16xf32>
        %parallel_loop3A_226 = arith.minimumf %parallel_loop3A_220, %parallel_loop3A_225 : vector<16xf32>
        %parallel_loop3A_227 = arith.constant 2.000000e-01 : f32
        %parallel_loop3A_228 = vector.broadcast %parallel_loop3A_227 : f32 to vector<16xf32>
        %parallel_loop3A_229 = arith.mulf %parallel_loop3A_228, %parallel_loop3A_226 : vector<16xf32>
        %parallel_loop3A_230 = arith.addf %parallel_loop3A_223, %parallel_loop3A_229 : vector<16xf32>
        %parallel_loop3A_231 = math.exp %parallel_loop3A_230 : vector<16xf32>
        %parallel_loop3A_232 = arith.constant 8 : i32
        %parallel_loop3A_233 = vector.broadcast %parallel_loop3A_232 : i32 to vector<16xi32>
        %parallel_loop3A_234 = arith.constant 0 : i32
        %parallel_loop3A_235 = vector.broadcast %parallel_loop3A_234 : i32 to vector<16xi32>
        %parallel_loop3A_236 = arith.cmpi slt, %parallel_loop3A_233, %parallel_loop3A_235 : vector<16xi32>
        %parallel_loop3A_237 = arith.constant 16 : i32
        %parallel_loop3A_238 = vector.broadcast %parallel_loop3A_237 : i32 to vector<16xi32>
        %parallel_loop3A_239 = arith.addi %parallel_loop3A_233, %parallel_loop3A_238 : vector<16xi32>
        %parallel_loop3A_240 = arith.select %parallel_loop3A_236, %parallel_loop3A_239, %parallel_loop3A_233 : vector<16xi1>, vector<16xi32>
        %parallel_loop3A_241 = vector.shape_cast %parallel_loop3A_240 : vector<16xi32> to vector<16x1xi32>
        %parallel_loop3A_242 = vector.shape_cast %parallel_loop3A_241 : vector<16x1xi32> to vector<16xi32>
        %parallel_loop3A_243 = tpu.dynamic_gather %parallel_loop3A_231[%parallel_loop3A_242] in [0] : vector<16xf32>, vector<16xi32> -> vector<16xf32>
        %parallel_loop3A_244 = arith.index_cast %parallel_loop3A_213 : i32 to index
        %parallel_loop3A_245 = arith.constant 0 : index
        %parallel_loop3A_246 = tpu.vector_load %arg13[%parallel_loop3A_244, %parallel_loop3A_245] {strides = array<i32>} : memref<96x136xf32, #tpu.memory_space<vmem>>, vector<16xf32>,
        %parallel_loop3A_247 = arith.mulf %parallel_loop3A_246, %parallel_loop3A_243 : vector<16xf32>
        %parallel_loop3A_248 = arith.index_cast %parallel_loop3A_213 : i32 to index
        %parallel_loop3A_249 = arith.constant 0 : index
        %parallel_loop3A_250 = tpu.vector_load %arg16[%parallel_loop3A_248, %parallel_loop3A_249] {strides = array<i32>} : memref<96x136xf32, #tpu.memory_space<vmem>>, vector<16xf32>,
        tpu.vector_store %arg16[%parallel_loop3A_248, %parallel_loop3A_249], %parallel_loop3A_247 {strides = array<i32>} : memref<96x136xf32, #tpu.memory_space<vmem>>, vector<16xf32>,
        %parallel_loop3A_251 = arith.constant 8 : i32
        %parallel_loop3A_252 = vector.broadcast %parallel_loop3A_251 : i32 to vector<16xi32>
        %parallel_loop3A_253 = arith.constant 0 : i32
        %parallel_loop3A_254 = vector.broadcast %parallel_loop3A_253 : i32 to vector<16xi32>
        %parallel_loop3A_255 = arith.cmpi slt, %parallel_loop3A_252, %parallel_loop3A_254 : vector<16xi32>
        %parallel_loop3A_256 = arith.constant 16 : i32
        %parallel_loop3A_257 = vector.broadcast %parallel_loop3A_256 : i32 to vector<16xi32>
        %parallel_loop3A_258 = arith.addi %parallel_loop3A_252, %parallel_loop3A_257 : vector<16xi32>
        %parallel_loop3A_259 = arith.select %parallel_loop3A_255, %parallel_loop3A_258, %parallel_loop3A_252 : vector<16xi1>, vector<16xi32>
        %parallel_loop3A_260 = vector.shape_cast %parallel_loop3A_259 : vector<16xi32> to vector<16x1xi32>
        %parallel_loop3A_261 = vector.shape_cast %parallel_loop3A_260 : vector<16x1xi32> to vector<16xi32>
        %parallel_loop3A_262 = tpu.dynamic_gather %parallel_loop3A_231[%parallel_loop3A_261] in [0] : vector<16xf32>, vector<16xi32> -> vector<16xf32>
        %parallel_loop3A_263 = arith.index_cast %parallel_loop3A_213 : i32 to index
        %parallel_loop3A_264 = arith.constant 16 : index
        %parallel_loop3A_265 = tpu.vector_load %arg13[%parallel_loop3A_263, %parallel_loop3A_264] {strides = array<i32>} : memref<96x136xf32, #tpu.memory_space<vmem>>, vector<16xf32>,
        %parallel_loop3A_266 = arith.mulf %parallel_loop3A_265, %parallel_loop3A_262 : vector<16xf32>
        %parallel_loop3A_267 = arith.index_cast %parallel_loop3A_213 : i32 to index
        %parallel_loop3A_268 = arith.constant 16 : index
        %parallel_loop3A_269 = tpu.vector_load %arg16[%parallel_loop3A_267, %parallel_loop3A_268] {strides = array<i32>} : memref<96x136xf32, #tpu.memory_space<vmem>>, vector<16xf32>,
        tpu.vector_store %arg16[%parallel_loop3A_267, %parallel_loop3A_268], %parallel_loop3A_266 {strides = array<i32>} : memref<96x136xf32, #tpu.memory_space<vmem>>, vector<16xf32>,
        %parallel_loop3A_270 = arith.constant 8 : i32
        %parallel_loop3A_271 = vector.broadcast %parallel_loop3A_270 : i32 to vector<16xi32>
        %parallel_loop3A_272 = arith.constant 0 : i32
        %parallel_loop3A_273 = vector.broadcast %parallel_loop3A_272 : i32 to vector<16xi32>
        %parallel_loop3A_274 = arith.cmpi slt, %parallel_loop3A_271, %parallel_loop3A_273 : vector<16xi32>
        %parallel_loop3A_275 = arith.constant 16 : i32
        %parallel_loop3A_276 = vector.broadcast %parallel_loop3A_275 : i32 to vector<16xi32>
        %parallel_loop3A_277 = arith.addi %parallel_loop3A_271, %parallel_loop3A_276 : vector<16xi32>
        %parallel_loop3A_278 = arith.select %parallel_loop3A_274, %parallel_loop3A_277, %parallel_loop3A_271 : vector<16xi1>, vector<16xi32>
        %parallel_loop3A_279 = vector.shape_cast %parallel_loop3A_278 : vector<16xi32> to vector<16x1xi32>
        %parallel_loop3A_280 = vector.shape_cast %parallel_loop3A_279 : vector<16x1xi32> to vector<16xi32>
        %parallel_loop3A_281 = tpu.dynamic_gather %parallel_loop3A_231[%parallel_loop3A_280] in [0] : vector<16xf32>, vector<16xi32> -> vector<16xf32>
        %parallel_loop3A_282 = arith.index_cast %parallel_loop3A_213 : i32 to index
        %parallel_loop3A_283 = arith.constant 32 : index
        %parallel_loop3A_284 = tpu.vector_load %arg13[%parallel_loop3A_282, %parallel_loop3A_283] {strides = array<i32>} : memref<96x136xf32, #tpu.memory_space<vmem>>, vector<16xf32>,
        %parallel_loop3A_285 = arith.mulf %parallel_loop3A_284, %parallel_loop3A_281 : vector<16xf32>
        %parallel_loop3A_286 = arith.index_cast %parallel_loop3A_213 : i32 to index
        %parallel_loop3A_287 = arith.constant 32 : index
        %parallel_loop3A_288 = tpu.vector_load %arg16[%parallel_loop3A_286, %parallel_loop3A_287] {strides = array<i32>} : memref<96x136xf32, #tpu.memory_space<vmem>>, vector<16xf32>,
        tpu.vector_store %arg16[%parallel_loop3A_286, %parallel_loop3A_287], %parallel_loop3A_285 {strides = array<i32>} : memref<96x136xf32, #tpu.memory_space<vmem>>, vector<16xf32>,
        %parallel_loop3A_289 = arith.constant 8 : i32
        %parallel_loop3A_290 = vector.broadcast %parallel_loop3A_289 : i32 to vector<16xi32>
        %parallel_loop3A_291 = arith.constant 0 : i32
        %parallel_loop3A_292 = vector.broadcast %parallel_loop3A_291 : i32 to vector<16xi32>
        %parallel_loop3A_293 = arith.cmpi slt, %parallel_loop3A_290, %parallel_loop3A_292 : vector<16xi32>
        %parallel_loop3A_294 = arith.constant 16 : i32
        %parallel_loop3A_295 = vector.broadcast %parallel_loop3A_294 : i32 to vector<16xi32>
        %parallel_loop3A_296 = arith.addi %parallel_loop3A_290, %parallel_loop3A_295 : vector<16xi32>
        %parallel_loop3A_297 = arith.select %parallel_loop3A_293, %parallel_loop3A_296, %parallel_loop3A_290 : vector<16xi1>, vector<16xi32>
        %parallel_loop3A_298 = vector.shape_cast %parallel_loop3A_297 : vector<16xi32> to vector<16x1xi32>
        %parallel_loop3A_299 = vector.shape_cast %parallel_loop3A_298 : vector<16x1xi32> to vector<16xi32>
        %parallel_loop3A_300 = tpu.dynamic_gather %parallel_loop3A_231[%parallel_loop3A_299] in [0] : vector<16xf32>, vector<16xi32> -> vector<16xf32>
        %parallel_loop3A_301 = arith.index_cast %parallel_loop3A_213 : i32 to index
        %parallel_loop3A_302 = arith.constant 48 : index
        %parallel_loop3A_303 = tpu.vector_load %arg13[%parallel_loop3A_301, %parallel_loop3A_302] {strides = array<i32>} : memref<96x136xf32, #tpu.memory_space<vmem>>, vector<16xf32>,
        %parallel_loop3A_304 = arith.mulf %parallel_loop3A_303, %parallel_loop3A_300 : vector<16xf32>
        %parallel_loop3A_305 = arith.index_cast %parallel_loop3A_213 : i32 to index
        %parallel_loop3A_306 = arith.constant 48 : index
        %parallel_loop3A_307 = tpu.vector_load %arg16[%parallel_loop3A_305, %parallel_loop3A_306] {strides = array<i32>} : memref<96x136xf32, #tpu.memory_space<vmem>>, vector<16xf32>,
        tpu.vector_store %arg16[%parallel_loop3A_305, %parallel_loop3A_306], %parallel_loop3A_304 {strides = array<i32>} : memref<96x136xf32, #tpu.memory_space<vmem>>, vector<16xf32>,
        %parallel_loop3A_308 = arith.constant 8 : i32
        %parallel_loop3A_309 = vector.broadcast %parallel_loop3A_308 : i32 to vector<16xi32>
        %parallel_loop3A_310 = arith.constant 0 : i32
        %parallel_loop3A_311 = vector.broadcast %parallel_loop3A_310 : i32 to vector<16xi32>
        %parallel_loop3A_312 = arith.cmpi slt, %parallel_loop3A_309, %parallel_loop3A_311 : vector<16xi32>
        %parallel_loop3A_313 = arith.constant 16 : i32
        %parallel_loop3A_314 = vector.broadcast %parallel_loop3A_313 : i32 to vector<16xi32>
        %parallel_loop3A_315 = arith.addi %parallel_loop3A_309, %parallel_loop3A_314 : vector<16xi32>
        %parallel_loop3A_316 = arith.select %parallel_loop3A_312, %parallel_loop3A_315, %parallel_loop3A_309 : vector<16xi1>, vector<16xi32>
        %parallel_loop3A_317 = vector.shape_cast %parallel_loop3A_316 : vector<16xi32> to vector<16x1xi32>
        %parallel_loop3A_318 = vector.shape_cast %parallel_loop3A_317 : vector<16x1xi32> to vector<16xi32>
        %parallel_loop3A_319 = tpu.dynamic_gather %parallel_loop3A_231[%parallel_loop3A_318] in [0] : vector<16xf32>, vector<16xi32> -> vector<16xf32>
        %parallel_loop3A_320 = arith.index_cast %parallel_loop3A_213 : i32 to index
        %parallel_loop3A_321 = arith.constant 64 : index
        %parallel_loop3A_322 = tpu.vector_load %arg13[%parallel_loop3A_320, %parallel_loop3A_321] {strides = array<i32>} : memref<96x136xf32, #tpu.memory_space<vmem>>, vector<16xf32>,
        %parallel_loop3A_323 = arith.mulf %parallel_loop3A_322, %parallel_loop3A_319 : vector<16xf32>
        %parallel_loop3A_324 = arith.index_cast %parallel_loop3A_213 : i32 to index
        %parallel_loop3A_325 = arith.constant 64 : index
        %parallel_loop3A_326 = tpu.vector_load %arg16[%parallel_loop3A_324, %parallel_loop3A_325] {strides = array<i32>} : memref<96x136xf32, #tpu.memory_space<vmem>>, vector<16xf32>,
        tpu.vector_store %arg16[%parallel_loop3A_324, %parallel_loop3A_325], %parallel_loop3A_323 {strides = array<i32>} : memref<96x136xf32, #tpu.memory_space<vmem>>, vector<16xf32>,
        %parallel_loop3A_327 = arith.constant 8 : i32
        %parallel_loop3A_328 = vector.broadcast %parallel_loop3A_327 : i32 to vector<16xi32>
        %parallel_loop3A_329 = arith.constant 0 : i32
        %parallel_loop3A_330 = vector.broadcast %parallel_loop3A_329 : i32 to vector<16xi32>
        %parallel_loop3A_331 = arith.cmpi slt, %parallel_loop3A_328, %parallel_loop3A_330 : vector<16xi32>
        %parallel_loop3A_332 = arith.constant 16 : i32
        %parallel_loop3A_333 = vector.broadcast %parallel_loop3A_332 : i32 to vector<16xi32>
        %parallel_loop3A_334 = arith.addi %parallel_loop3A_328, %parallel_loop3A_333 : vector<16xi32>
        %parallel_loop3A_335 = arith.select %parallel_loop3A_331, %parallel_loop3A_334, %parallel_loop3A_328 : vector<16xi1>, vector<16xi32>
        %parallel_loop3A_336 = vector.shape_cast %parallel_loop3A_335 : vector<16xi32> to vector<16x1xi32>
        %parallel_loop3A_337 = vector.shape_cast %parallel_loop3A_336 : vector<16x1xi32> to vector<16xi32>
        %parallel_loop3A_338 = tpu.dynamic_gather %parallel_loop3A_231[%parallel_loop3A_337] in [0] : vector<16xf32>, vector<16xi32> -> vector<16xf32>
        %parallel_loop3A_339 = arith.index_cast %parallel_loop3A_213 : i32 to index
        %parallel_loop3A_340 = arith.constant 80 : index
        %parallel_loop3A_341 = tpu.vector_load %arg13[%parallel_loop3A_339, %parallel_loop3A_340] {strides = array<i32>} : memref<96x136xf32, #tpu.memory_space<vmem>>, vector<16xf32>,
        %parallel_loop3A_342 = arith.mulf %parallel_loop3A_341, %parallel_loop3A_338 : vector<16xf32>
        %parallel_loop3A_343 = arith.index_cast %parallel_loop3A_213 : i32 to index
        %parallel_loop3A_344 = arith.constant 80 : index
        %parallel_loop3A_345 = tpu.vector_load %arg16[%parallel_loop3A_343, %parallel_loop3A_344] {strides = array<i32>} : memref<96x136xf32, #tpu.memory_space<vmem>>, vector<16xf32>,
        tpu.vector_store %arg16[%parallel_loop3A_343, %parallel_loop3A_344], %parallel_loop3A_342 {strides = array<i32>} : memref<96x136xf32, #tpu.memory_space<vmem>>, vector<16xf32>,
        %parallel_loop3A_346 = arith.constant 8 : i32
        %parallel_loop3A_347 = vector.broadcast %parallel_loop3A_346 : i32 to vector<16xi32>
        %parallel_loop3A_348 = arith.constant 0 : i32
        %parallel_loop3A_349 = vector.broadcast %parallel_loop3A_348 : i32 to vector<16xi32>
        %parallel_loop3A_350 = arith.cmpi slt, %parallel_loop3A_347, %parallel_loop3A_349 : vector<16xi32>
        %parallel_loop3A_351 = arith.constant 16 : i32
        %parallel_loop3A_352 = vector.broadcast %parallel_loop3A_351 : i32 to vector<16xi32>
        %parallel_loop3A_353 = arith.addi %parallel_loop3A_347, %parallel_loop3A_352 : vector<16xi32>
        %parallel_loop3A_354 = arith.select %parallel_loop3A_350, %parallel_loop3A_353, %parallel_loop3A_347 : vector<16xi1>, vector<16xi32>
        %parallel_loop3A_355 = vector.shape_cast %parallel_loop3A_354 : vector<16xi32> to vector<16x1xi32>
        %parallel_loop3A_356 = vector.shape_cast %parallel_loop3A_355 : vector<16x1xi32> to vector<16xi32>
        %parallel_loop3A_357 = tpu.dynamic_gather %parallel_loop3A_231[%parallel_loop3A_356] in [0] : vector<16xf32>, vector<16xi32> -> vector<16xf32>
        %parallel_loop3A_358 = arith.index_cast %parallel_loop3A_213 : i32 to index
        %parallel_loop3A_359 = arith.constant 96 : index
        %parallel_loop3A_360 = tpu.vector_load %arg13[%parallel_loop3A_358, %parallel_loop3A_359] {strides = array<i32>} : memref<96x136xf32, #tpu.memory_space<vmem>>, vector<16xf32>,
        %parallel_loop3A_361 = arith.mulf %parallel_loop3A_360, %parallel_loop3A_357 : vector<16xf32>
        %parallel_loop3A_362 = arith.index_cast %parallel_loop3A_213 : i32 to index
        %parallel_loop3A_363 = arith.constant 96 : index
        %parallel_loop3A_364 = tpu.vector_load %arg16[%parallel_loop3A_362, %parallel_loop3A_363] {strides = array<i32>} : memref<96x136xf32, #tpu.memory_space<vmem>>, vector<16xf32>,
        tpu.vector_store %arg16[%parallel_loop3A_362, %parallel_loop3A_363], %parallel_loop3A_361 {strides = array<i32>} : memref<96x136xf32, #tpu.memory_space<vmem>>, vector<16xf32>,
        %parallel_loop3A_365 = arith.constant 8 : i32
        %parallel_loop3A_366 = vector.broadcast %parallel_loop3A_365 : i32 to vector<16xi32>
        %parallel_loop3A_367 = arith.constant 0 : i32
        %parallel_loop3A_368 = vector.broadcast %parallel_loop3A_367 : i32 to vector<16xi32>
        %parallel_loop3A_369 = arith.cmpi slt, %parallel_loop3A_366, %parallel_loop3A_368 : vector<16xi32>
        %parallel_loop3A_370 = arith.constant 16 : i32
        %parallel_loop3A_371 = vector.broadcast %parallel_loop3A_370 : i32 to vector<16xi32>
        %parallel_loop3A_372 = arith.addi %parallel_loop3A_366, %parallel_loop3A_371 : vector<16xi32>
        %parallel_loop3A_373 = arith.select %parallel_loop3A_369, %parallel_loop3A_372, %parallel_loop3A_366 : vector<16xi1>, vector<16xi32>
        %parallel_loop3A_374 = vector.shape_cast %parallel_loop3A_373 : vector<16xi32> to vector<16x1xi32>
        %parallel_loop3A_375 = vector.shape_cast %parallel_loop3A_374 : vector<16x1xi32> to vector<16xi32>
        %parallel_loop3A_376 = tpu.dynamic_gather %parallel_loop3A_231[%parallel_loop3A_375] in [0] : vector<16xf32>, vector<16xi32> -> vector<16xf32>
        %parallel_loop3A_377 = arith.index_cast %parallel_loop3A_213 : i32 to index
        %parallel_loop3A_378 = arith.constant 112 : index
        %parallel_loop3A_379 = tpu.vector_load %arg13[%parallel_loop3A_377, %parallel_loop3A_378] {strides = array<i32>} : memref<96x136xf32, #tpu.memory_space<vmem>>, vector<16xf32>,
        %parallel_loop3A_380 = arith.mulf %parallel_loop3A_379, %parallel_loop3A_376 : vector<16xf32>
        %parallel_loop3A_381 = arith.index_cast %parallel_loop3A_213 : i32 to index
        %parallel_loop3A_382 = arith.constant 112 : index
        %parallel_loop3A_383 = tpu.vector_load %arg16[%parallel_loop3A_381, %parallel_loop3A_382] {strides = array<i32>} : memref<96x136xf32, #tpu.memory_space<vmem>>, vector<16xf32>,
        tpu.vector_store %arg16[%parallel_loop3A_381, %parallel_loop3A_382], %parallel_loop3A_380 {strides = array<i32>} : memref<96x136xf32, #tpu.memory_space<vmem>>, vector<16xf32>,
        %parallel_loop3A_384 = arith.constant 0 : i32
        %parallel_loop3A_385 = vector.broadcast %parallel_loop3A_384 : i32 to vector<16xi32>
        %parallel_loop3A_386 = arith.cmpi slt, %select_n3A_199, %parallel_loop3A_385 : vector<16xi32>
        %parallel_loop3A_387 = arith.constant 16 : i32
        %parallel_loop3A_388 = vector.broadcast %parallel_loop3A_387 : i32 to vector<16xi32>
        %parallel_loop3A_389 = arith.addi %select_n3A_199, %parallel_loop3A_388 : vector<16xi32>
        %parallel_loop3A_390 = arith.select %parallel_loop3A_386, %parallel_loop3A_389, %select_n3A_199 : vector<16xi1>, vector<16xi32>
        %parallel_loop3A_391 = vector.shape_cast %parallel_loop3A_390 : vector<16xi32> to vector<16x1xi32>
        %parallel_loop3A_392 = vector.shape_cast %parallel_loop3A_391 : vector<16x1xi32> to vector<16xi32>
        %parallel_loop3A_393 = tpu.dynamic_gather %parallel_loop3A_231[%parallel_loop3A_392] in [0] : vector<16xf32>, vector<16xi32> -> vector<16xf32>
        %parallel_loop3A_394 = arith.constant 8 : i32
        %parallel_loop3A_395 = vector.broadcast %parallel_loop3A_394 : i32 to vector<16xi32>
        %parallel_loop3A_396 = arith.cmpi slt, %iota3A_165, %parallel_loop3A_395 : vector<16xi32>
        %parallel_loop3A_397 = arith.constant 1.000000e+00 : f32
        %parallel_loop3A_398 = vector.broadcast %parallel_loop3A_397 : f32 to vector<16xf32>
        %parallel_loop3A_399 = arith.select %parallel_loop3A_396, %parallel_loop3A_216, %parallel_loop3A_398 : vector<16xi1>, vector<16xf32>
        %parallel_loop3A_400 = arith.mulf %parallel_loop3A_399, %parallel_loop3A_393 : vector<16xf32>
        %parallel_loop3A_401 = arith.index_cast %parallel_loop3A_213 : i32 to index
        %parallel_loop3A_402 = arith.constant 120 : index
        %parallel_loop3A_403 = tpu.vector_load %arg16[%parallel_loop3A_401, %parallel_loop3A_402] {strides = array<i32>} : memref<96x136xf32, #tpu.memory_space<vmem>>, vector<16xf32>,
        tpu.vector_store %arg16[%parallel_loop3A_401, %parallel_loop3A_402], %parallel_loop3A_400 {strides = array<i32>} : memref<96x136xf32, #tpu.memory_space<vmem>>, vector<16xf32>,
      } {sc.loop_unroll_factor = 4 : i64, sc.parallel_access}
      "tpu.region"() ({
        %run_scoped3A = tpu.sem_alloc : memref<!tpu.dma_semaphore, #tpu.memory_space<semaphore_mem>>
        %dma_start3A_213 = arith.constant 0 : i32
        %dma_start3A_214 = arith.constant 0 : i32
        %dma_start3A_215 = tpu.memref_slice %arg17[%dma_start3A_213, %dma_start3A_214] : memref<10240x136xf32, #tpu.memory_space<vmem_shared>> -> memref<10240x136xf32, #tpu.memory_space<vmem_shared>>
        tpu.enqueue_indirect_dma source(%arg16 : memref<96x136xf32, #tpu.memory_space<vmem>>) target(%dma_start3A_215 : memref<10240x136xf32, #tpu.memory_space<vmem_shared>>) offsets(%arg11 : memref<96xi32, #tpu.memory_space<vmem>>) semaphore(%run_scoped3A : memref<!tpu.dma_semaphore, #tpu.memory_space<semaphore_mem>>) {add = true}
        %dma_wait3A_216 = arith.constant 0 : i32
        %dma_wait3A_217 = arith.constant 0 : i32
        %dma_wait3A_218 = tpu.memref_slice %arg17[%dma_wait3A_216, %dma_wait3A_217] : memref<10240x136xf32, #tpu.memory_space<vmem_shared>> -> memref<10240x136xf32, #tpu.memory_space<vmem_shared>>
        tpu.wait_indirect_dma semaphore(%run_scoped3A : memref<!tpu.dma_semaphore, #tpu.memory_space<semaphore_mem>>) src(%arg16 : memref<96x136xf32, #tpu.memory_space<vmem>>) dst(%dma_wait3A_218 : memref<10240x136xf32, #tpu.memory_space<vmem_shared>>)
        tpu.yield
      }) : () -> ()
      %lt3A_203 = arith.cmpi slt, %add3A_154, %select_n3A : i32
      %convert_element_type3A_204 = arith.extui %lt3A_203 : i1 to i32
      %cond3A_205 = arith.constant 0 : i32
      %cond3A_206 = arith.cmpi ne, %convert_element_type3A_204, %cond3A_205 : i32
      scf.if %cond3A_206 {
        %add3A_213 = arith.addi %select_n3A_8, %add3A_154 : i32
        %mul3A_214 = arith.constant 96 : i32
        %mul3A_215 = arith.muli %add3A_213, %mul3A_214 : i32
        %dma_start3A_216 = tpu.memref_slice %arg5[%mul3A_215] : memref<331776xi32, #tpu.memory_space<hbm>> -> memref<96xi32, #tpu.memory_space<hbm>>
        %dma_start3A_217 = tpu.memref_slice %arg5[%mul3A_215] : memref<331776xi32, #tpu.memory_space<hbm>> -> memref<96xi32, #tpu.memory_space<hbm>>
        tpu.enqueue_dma source(%dma_start3A_217 : memref<96xi32, #tpu.memory_space<hbm>>) target(%arg11 : memref<96xi32, #tpu.memory_space<vmem>>) target_semaphore(%arg25 : memref<!tpu.dma_semaphore, #tpu.memory_space<semaphore_mem>>)
      } else {
      }
      %add3A_207 = arith.constant 3 : i32
      %add3A_208 = arith.addi %mul3A_96, %add3A_207 : i32
      %lt3A_209 = arith.cmpi slt, %add3A_208, %select_n3A : i32
      %convert_element_type3A_210 = arith.extui %lt3A_209 : i1 to i32
      %cond3A_211 = arith.constant 0 : i32
      %cond3A_212 = arith.cmpi ne, %convert_element_type3A_210, %cond3A_211 : i32
      scf.if %cond3A_212 {
        %dma_wait3A_213 = arith.constant 0 : i32
        %dma_wait3A_214 = tpu.memref_slice %arg4[%dma_wait3A_213] : memref<331776xi32, #tpu.memory_space<hbm>> -> memref<96xi32, #tpu.memory_space<hbm>>
        %dma_wait3A_215 = arith.constant 0 : i32
        %dma_wait3A_216 = tpu.memref_slice %arg4[%dma_wait3A_215] : memref<331776xi32, #tpu.memory_space<hbm>> -> memref<96xi32, #tpu.memory_space<hbm>>
        tpu.wait_dma2 semaphore(%arg23 : memref<!tpu.dma_semaphore, #tpu.memory_space<semaphore_mem>>) src(%dma_wait3A_216 : memref<96xi32, #tpu.memory_space<hbm>>) dst(%arg9 : memref<96xi32, #tpu.memory_space<vmem>>)
        %dma_wait3A_217 = arith.constant 0 : i32
        %dma_wait3A_218 = tpu.memref_slice %arg5[%dma_wait3A_217] : memref<331776xi32, #tpu.memory_space<hbm>> -> memref<96xi32, #tpu.memory_space<hbm>>
        %dma_wait3A_219 = arith.constant 0 : i32
        %dma_wait3A_220 = tpu.memref_slice %arg5[%dma_wait3A_219] : memref<331776xi32, #tpu.memory_space<hbm>> -> memref<96xi32, #tpu.memory_space<hbm>>
        tpu.wait_dma2 semaphore(%arg25 : memref<!tpu.dma_semaphore, #tpu.memory_space<semaphore_mem>>) src(%dma_wait3A_220 : memref<96xi32, #tpu.memory_space<hbm>>) dst(%arg11 : memref<96xi32, #tpu.memory_space<vmem>>)
        %dma_start3A_221 = arith.constant 0 : i32
        %dma_start3A_222 = arith.constant 0 : i32
        %dma_start3A_223 = tpu.memref_slice %arg2[%dma_start3A_221, %dma_start3A_222] : memref<10240x136xf32, #tpu.memory_space<hbm>> -> memref<10240x136xf32, #tpu.memory_space<hbm>>
        tpu.enqueue_indirect_dma source(%dma_start3A_223 : memref<10240x136xf32, #tpu.memory_space<hbm>>) target(%arg13 : memref<96x136xf32, #tpu.memory_space<vmem>>) offsets(%arg9 : memref<96xi32, #tpu.memory_space<vmem>>) semaphore(%arg19 : memref<!tpu.dma_semaphore, #tpu.memory_space<semaphore_mem>>)
        %dma_start3A_224 = arith.constant 0 : i32
        %dma_start3A_225 = arith.constant 0 : i32
        %dma_start3A_226 = tpu.memref_slice %arg3[%dma_start3A_224, %dma_start3A_225] : memref<10240x16xf32, #tpu.memory_space<hbm>> -> memref<10240x16xf32, #tpu.memory_space<hbm>>
        tpu.enqueue_indirect_dma source(%dma_start3A_226 : memref<10240x16xf32, #tpu.memory_space<hbm>>) target(%arg15 : memref<96x16xf32, #tpu.memory_space<vmem>>) offsets(%arg11 : memref<96xi32, #tpu.memory_space<vmem>>) semaphore(%arg21 : memref<!tpu.dma_semaphore, #tpu.memory_space<semaphore_mem>>)
      } else {
      }
    }
    %barrier3A_89 = arith.constant 0 : index
    tpu.barrier barrier_id(%barrier3A_89)
    %mul3A_90 = arith.constant 640 : i32
    %mul3A_91 = arith.muli %arg1, %mul3A_90 : i32
    %mul3A_92 = arith.constant 640 : i32
    %mul3A_93 = arith.muli %arg1, %mul3A_92 : i32
    "tpu.region"() ({
      %run_scoped3A = tpu.sem_alloc : memref<!tpu.dma_semaphore, #tpu.memory_space<semaphore_mem>>
      %dma_start3A_94 = arith.constant 0 : i32
      %dma_start3A_95 = tpu.memref_slice %arg7[%arg0, %mul3A_93, %dma_start3A_94] : memref<2x10240x136xf32, #tpu.memory_space<hbm>> -> memref<1x640x136xf32, #tpu.memory_space<hbm>>
      %dma_start3A_96 = tpu.memref_squeeze %dma_start3A_95 : memref<1x640x136xf32, #tpu.memory_space<hbm>> -> memref<640x136xf32, #tpu.memory_space<hbm>>
      %dma_start3A_97 = arith.constant 0 : i32
      %dma_start3A_98 = tpu.memref_slice %arg17[%mul3A_91, %dma_start3A_97] : memref<10240x136xf32, #tpu.memory_space<vmem_shared>> -> memref<640x136xf32, #tpu.memory_space<vmem_shared>>
      tpu.enqueue_dma source(%dma_start3A_98 : memref<640x136xf32, #tpu.memory_space<vmem_shared>>) target(%dma_start3A_96 : memref<640x136xf32, #tpu.memory_space<hbm>>) target_semaphore(%run_scoped3A : memref<!tpu.dma_semaphore, #tpu.memory_space<semaphore_mem>>)
      %dma_wait3A_99 = arith.constant 0 : i32
      %dma_wait3A_100 = tpu.memref_slice %arg7[%arg0, %mul3A_93, %dma_wait3A_99] : memref<2x10240x136xf32, #tpu.memory_space<hbm>> -> memref<1x640x136xf32, #tpu.memory_space<hbm>>
      %dma_wait3A_101 = tpu.memref_squeeze %dma_wait3A_100 : memref<1x640x136xf32, #tpu.memory_space<hbm>> -> memref<640x136xf32, #tpu.memory_space<hbm>>
      %dma_wait3A_102 = arith.constant 0 : i32
      %dma_wait3A_103 = tpu.memref_slice %arg17[%mul3A_91, %dma_wait3A_102] : memref<10240x136xf32, #tpu.memory_space<vmem_shared>> -> memref<640x136xf32, #tpu.memory_space<vmem_shared>>
      tpu.wait_dma2 semaphore(%run_scoped3A : memref<!tpu.dma_semaphore, #tpu.memory_space<semaphore_mem>>) src(%dma_wait3A_103 : memref<640x136xf32, #tpu.memory_space<vmem_shared>>) dst(%dma_wait3A_101 : memref<640x136xf32, #tpu.memory_space<hbm>>)
      tpu.yield
    }) : () -> ()
    return
  }
}

#map = affine_map<(d0, d1) -> (0, 0)>
#map1 = affine_map<(d0, d1) -> (0)>
#map2 = affine_map<(d0, d1) -> (0, 0, 0)>
module attributes {stable_mosaic.version = 14 : i64} {
  func.func @_edge_body(%arg0: i32, %arg1: i32, %arg2: memref<10240x136xf32, #tpu.memory_space<hbm>>, %arg3: memref<10240x16xf32, #tpu.memory_space<hbm>>, %arg4: memref<331776xi32, #tpu.memory_space<hbm>>, %arg5: memref<331776xi32, #tpu.memory_space<hbm>>, %arg6: memref<10240x136xf32, #tpu.memory_space<hbm>>, %arg7: memref<2x10240x136xf32, #tpu.memory_space<hbm>>, %arg8: memref<96xi32, #tpu.memory_space<vmem>>, %arg9: memref<96xi32, #tpu.memory_space<vmem>>, %arg10: memref<96xi32, #tpu.memory_space<vmem>>, %arg11: memref<96xi32, #tpu.memory_space<vmem>>, %arg12: memref<96x136xf32, #tpu.memory_space<vmem>>, %arg13: memref<96x136xf32, #tpu.memory_space<vmem>>, %arg14: memref<96x16xf32, #tpu.memory_space<vmem>>, %arg15: memref<96x16xf32, #tpu.memory_space<vmem>>, %arg16: memref<96x136xf32, #tpu.memory_space<vmem>>, %arg17: memref<10240x136xf32, #tpu.memory_space<vmem_shared>>, %arg18: memref<!tpu.dma_semaphore, #tpu.memory_space<semaphore_mem>>, %arg19: memref<!tpu.dma_semaphore, #tpu.memory_space<semaphore_mem>>, %arg20: memref<!tpu.dma_semaphore, #tpu.memory_space<semaphore_mem>>, %arg21: memref<!tpu.dma_semaphore, #tpu.memory_space<semaphore_mem>>, %arg22: memref<!tpu.dma_semaphore, #tpu.memory_space<semaphore_mem>>, %arg23: memref<!tpu.dma_semaphore, #tpu.memory_space<semaphore_mem>>, %arg24: memref<!tpu.dma_semaphore, #tpu.memory_space<semaphore_mem>>, %arg25: memref<!tpu.dma_semaphore, #tpu.memory_space<semaphore_mem>>) attributes {dimension_semantics = [#tpu.dimension_semantics<core_parallel>, #tpu.dimension_semantics<subcore_parallel>], iteration_bounds = array<i64: 2, 16>, scalar_prefetch = 0 : i64, scratch_operands = 18 : i64, tpu.core_type = #tpu.core_type<sc_vector_subcore>, window_params = [{transform_indices = #map}, {transform_indices = #map}, {transform_indices = #map1}, {transform_indices = #map1}, {transform_indices = #map}, {transform_indices = #map2}]} {
    %eq3A = arith.constant 0 : i32
    %eq3A_0 = arith.cmpi eq, %arg0, %eq3A : i32
    %jit3A = arith.constant 108 : i32
    %jit3A_1 = arith.constant 108 : i32
    %select_n3A = arith.select %eq3A_0, %jit3A, %jit3A_1 : i32
    %eq3A_2 = arith.constant 0 : i32
    %eq3A_3 = arith.cmpi eq, %arg0, %eq3A_2 : i32
    %mul3A = arith.constant 108 : i32
    %mul3A_4 = arith.muli %arg1, %mul3A : i32
    %mul3A_5 = arith.constant 108 : i32
    %mul3A_6 = arith.muli %arg1, %mul3A_5 : i32
    %add3A = arith.constant 1728 : i32
    %add3A_7 = arith.addi %add3A, %mul3A_6 : i32
    %select_n3A_8 = arith.select %eq3A_3, %mul3A_4, %add3A_7 : i32
    %add3A_9 = arith.constant 0 : i32
    %add3A_10 = arith.addi %select_n3A_8, %add3A_9 : i32
    %mul3A_11 = arith.constant 96 : i32
    %mul3A_12 = arith.muli %add3A_10, %mul3A_11 : i32
    %dma_start3A = tpu.memref_slice %arg4[%mul3A_12] : memref<331776xi32, #tpu.memory_space<hbm>> -> memref<96xi32, #tpu.memory_space<hbm>>
    %dma_start3A_13 = tpu.memref_slice %arg4[%mul3A_12] : memref<331776xi32, #tpu.memory_space<hbm>> -> memref<96xi32, #tpu.memory_space<hbm>>
    tpu.enqueue_dma source(%dma_start3A_13 : memref<96xi32, #tpu.memory_space<hbm>>) target(%arg8 : memref<96xi32, #tpu.memory_space<vmem>>) target_semaphore(%arg22 : memref<!tpu.dma_semaphore, #tpu.memory_space<semaphore_mem>>)
    %add3A_14 = arith.constant 0 : i32
    %add3A_15 = arith.addi %select_n3A_8, %add3A_14 : i32
    %mul3A_16 = arith.constant 96 : i32
    %mul3A_17 = arith.muli %add3A_15, %mul3A_16 : i32
    %dma_start3A_18 = tpu.memref_slice %arg5[%mul3A_17] : memref<331776xi32, #tpu.memory_space<hbm>> -> memref<96xi32, #tpu.memory_space<hbm>>
    %dma_start3A_19 = tpu.memref_slice %arg5[%mul3A_17] : memref<331776xi32, #tpu.memory_space<hbm>> -> memref<96xi32, #tpu.memory_space<hbm>>
    tpu.enqueue_dma source(%dma_start3A_19 : memref<96xi32, #tpu.memory_space<hbm>>) target(%arg10 : memref<96xi32, #tpu.memory_space<vmem>>) target_semaphore(%arg24 : memref<!tpu.dma_semaphore, #tpu.memory_space<semaphore_mem>>)
    %add3A_20 = arith.constant 1 : i32
    %add3A_21 = arith.addi %select_n3A_8, %add3A_20 : i32
    %mul3A_22 = arith.constant 96 : i32
    %mul3A_23 = arith.muli %add3A_21, %mul3A_22 : i32
    %dma_start3A_24 = tpu.memref_slice %arg4[%mul3A_23] : memref<331776xi32, #tpu.memory_space<hbm>> -> memref<96xi32, #tpu.memory_space<hbm>>
    %dma_start3A_25 = tpu.memref_slice %arg4[%mul3A_23] : memref<331776xi32, #tpu.memory_space<hbm>> -> memref<96xi32, #tpu.memory_space<hbm>>
    tpu.enqueue_dma source(%dma_start3A_25 : memref<96xi32, #tpu.memory_space<hbm>>) target(%arg9 : memref<96xi32, #tpu.memory_space<vmem>>) target_semaphore(%arg23 : memref<!tpu.dma_semaphore, #tpu.memory_space<semaphore_mem>>)
    %add3A_26 = arith.constant 1 : i32
    %add3A_27 = arith.addi %select_n3A_8, %add3A_26 : i32
    %mul3A_28 = arith.constant 96 : i32
    %mul3A_29 = arith.muli %add3A_27, %mul3A_28 : i32
    %dma_start3A_30 = tpu.memref_slice %arg5[%mul3A_29] : memref<331776xi32, #tpu.memory_space<hbm>> -> memref<96xi32, #tpu.memory_space<hbm>>
    %dma_start3A_31 = tpu.memref_slice %arg5[%mul3A_29] : memref<331776xi32, #tpu.memory_space<hbm>> -> memref<96xi32, #tpu.memory_space<hbm>>
    tpu.enqueue_dma source(%dma_start3A_31 : memref<96xi32, #tpu.memory_space<hbm>>) target(%arg11 : memref<96xi32, #tpu.memory_space<vmem>>) target_semaphore(%arg25 : memref<!tpu.dma_semaphore, #tpu.memory_space<semaphore_mem>>)
    %dma_wait3A = arith.constant 0 : i32
    %dma_wait3A_32 = tpu.memref_slice %arg4[%dma_wait3A] : memref<331776xi32, #tpu.memory_space<hbm>> -> memref<96xi32, #tpu.memory_space<hbm>>
    %dma_wait3A_33 = arith.constant 0 : i32
    %dma_wait3A_34 = tpu.memref_slice %arg4[%dma_wait3A_33] : memref<331776xi32, #tpu.memory_space<hbm>> -> memref<96xi32, #tpu.memory_space<hbm>>
    tpu.wait_dma2 semaphore(%arg22 : memref<!tpu.dma_semaphore, #tpu.memory_space<semaphore_mem>>) src(%dma_wait3A_34 : memref<96xi32, #tpu.memory_space<hbm>>) dst(%arg8 : memref<96xi32, #tpu.memory_space<vmem>>)
    %dma_wait3A_35 = arith.constant 0 : i32
    %dma_wait3A_36 = tpu.memref_slice %arg5[%dma_wait3A_35] : memref<331776xi32, #tpu.memory_space<hbm>> -> memref<96xi32, #tpu.memory_space<hbm>>
    %dma_wait3A_37 = arith.constant 0 : i32
    %dma_wait3A_38 = tpu.memref_slice %arg5[%dma_wait3A_37] : memref<331776xi32, #tpu.memory_space<hbm>> -> memref<96xi32, #tpu.memory_space<hbm>>
    tpu.wait_dma2 semaphore(%arg24 : memref<!tpu.dma_semaphore, #tpu.memory_space<semaphore_mem>>) src(%dma_wait3A_38 : memref<96xi32, #tpu.memory_space<hbm>>) dst(%arg10 : memref<96xi32, #tpu.memory_space<vmem>>)
    %dma_start3A_39 = arith.constant 0 : i32
    %dma_start3A_40 = arith.constant 0 : i32
    %dma_start3A_41 = tpu.memref_slice %arg2[%dma_start3A_39, %dma_start3A_40] : memref<10240x136xf32, #tpu.memory_space<hbm>> -> memref<10240x136xf32, #tpu.memory_space<hbm>>
    tpu.enqueue_indirect_dma source(%dma_start3A_41 : memref<10240x136xf32, #tpu.memory_space<hbm>>) target(%arg12 : memref<96x136xf32, #tpu.memory_space<vmem>>) offsets(%arg8 : memref<96xi32, #tpu.memory_space<vmem>>) semaphore(%arg18 : memref<!tpu.dma_semaphore, #tpu.memory_space<semaphore_mem>>)
    %dma_start3A_42 = arith.constant 0 : i32
    %dma_start3A_43 = arith.constant 0 : i32
    %dma_start3A_44 = tpu.memref_slice %arg3[%dma_start3A_42, %dma_start3A_43] : memref<10240x16xf32, #tpu.memory_space<hbm>> -> memref<10240x16xf32, #tpu.memory_space<hbm>>
    tpu.enqueue_indirect_dma source(%dma_start3A_44 : memref<10240x16xf32, #tpu.memory_space<hbm>>) target(%arg14 : memref<96x16xf32, #tpu.memory_space<vmem>>) offsets(%arg10 : memref<96xi32, #tpu.memory_space<vmem>>) semaphore(%arg20 : memref<!tpu.dma_semaphore, #tpu.memory_space<semaphore_mem>>)
    %dma_wait3A_45 = arith.constant 0 : i32
    %dma_wait3A_46 = tpu.memref_slice %arg4[%dma_wait3A_45] : memref<331776xi32, #tpu.memory_space<hbm>> -> memref<96xi32, #tpu.memory_space<hbm>>
    %dma_wait3A_47 = arith.constant 0 : i32
    %dma_wait3A_48 = tpu.memref_slice %arg4[%dma_wait3A_47] : memref<331776xi32, #tpu.memory_space<hbm>> -> memref<96xi32, #tpu.memory_space<hbm>>
    tpu.wait_dma2 semaphore(%arg23 : memref<!tpu.dma_semaphore, #tpu.memory_space<semaphore_mem>>) src(%dma_wait3A_48 : memref<96xi32, #tpu.memory_space<hbm>>) dst(%arg9 : memref<96xi32, #tpu.memory_space<vmem>>)
    %dma_wait3A_49 = arith.constant 0 : i32
    %dma_wait3A_50 = tpu.memref_slice %arg5[%dma_wait3A_49] : memref<331776xi32, #tpu.memory_space<hbm>> -> memref<96xi32, #tpu.memory_space<hbm>>
    %dma_wait3A_51 = arith.constant 0 : i32
    %dma_wait3A_52 = tpu.memref_slice %arg5[%dma_wait3A_51] : memref<331776xi32, #tpu.memory_space<hbm>> -> memref<96xi32, #tpu.memory_space<hbm>>
    tpu.wait_dma2 semaphore(%arg25 : memref<!tpu.dma_semaphore, #tpu.memory_space<semaphore_mem>>) src(%dma_wait3A_52 : memref<96xi32, #tpu.memory_space<hbm>>) dst(%arg11 : memref<96xi32, #tpu.memory_space<vmem>>)
    %dma_start3A_53 = arith.constant 0 : i32
    %dma_start3A_54 = arith.constant 0 : i32
    %dma_start3A_55 = tpu.memref_slice %arg2[%dma_start3A_53, %dma_start3A_54] : memref<10240x136xf32, #tpu.memory_space<hbm>> -> memref<10240x136xf32, #tpu.memory_space<hbm>>
    tpu.enqueue_indirect_dma source(%dma_start3A_55 : memref<10240x136xf32, #tpu.memory_space<hbm>>) target(%arg13 : memref<96x136xf32, #tpu.memory_space<vmem>>) offsets(%arg9 : memref<96xi32, #tpu.memory_space<vmem>>) semaphore(%arg19 : memref<!tpu.dma_semaphore, #tpu.memory_space<semaphore_mem>>)
    %dma_start3A_56 = arith.constant 0 : i32
    %dma_start3A_57 = arith.constant 0 : i32
    %dma_start3A_58 = tpu.memref_slice %arg3[%dma_start3A_56, %dma_start3A_57] : memref<10240x16xf32, #tpu.memory_space<hbm>> -> memref<10240x16xf32, #tpu.memory_space<hbm>>
    tpu.enqueue_indirect_dma source(%dma_start3A_58 : memref<10240x16xf32, #tpu.memory_space<hbm>>) target(%arg15 : memref<96x16xf32, #tpu.memory_space<vmem>>) offsets(%arg11 : memref<96xi32, #tpu.memory_space<vmem>>) semaphore(%arg21 : memref<!tpu.dma_semaphore, #tpu.memory_space<semaphore_mem>>)
    %eq3A_59 = arith.constant 0 : i32
    %eq3A_60 = arith.cmpi eq, %arg1, %eq3A_59 : i32
    %convert_element_type3A = arith.extui %eq3A_60 : i1 to i32
    %cond3A = arith.constant 0 : i32
    %cond3A_61 = arith.cmpi ne, %convert_element_type3A, %cond3A : i32
    scf.if %cond3A_61 {
      "tpu.region"() ({
        %run_scoped3A = tpu.sem_alloc : memref<!tpu.dma_semaphore, #tpu.memory_space<semaphore_mem>>
        tpu.enqueue_dma source(%arg6 : memref<10240x136xf32, #tpu.memory_space<hbm>>) target(%arg17 : memref<10240x136xf32, #tpu.memory_space<vmem_shared>>) target_semaphore(%run_scoped3A : memref<!tpu.dma_semaphore, #tpu.memory_space<semaphore_mem>>)
        tpu.wait_dma2 semaphore(%run_scoped3A : memref<!tpu.dma_semaphore, #tpu.memory_space<semaphore_mem>>) src(%arg6 : memref<10240x136xf32, #tpu.memory_space<hbm>>) dst(%arg17 : memref<10240x136xf32, #tpu.memory_space<vmem_shared>>)
        tpu.yield
      }) : () -> ()
    } else {
    }
    %barrier3A = arith.constant 0 : index
    tpu.barrier barrier_id(%barrier3A)
    %jit3A_62 = arith.constant 2 : i32
    %div3A = arith.divsi %select_n3A, %jit3A_62 : i32
    %sign3A = arith.constant 0 : i32
    %sign3A_63 = arith.cmpi sgt, %select_n3A, %sign3A : i32
    %sign3A_64 = arith.extui %sign3A_63 : i1 to i32
    %sign3A_65 = arith.constant 0 : i32
    %sign3A_66 = arith.cmpi slt, %select_n3A, %sign3A_65 : i32
    %sign3A_67 = arith.extui %sign3A_66 : i1 to i32
    %sign3A_68 = arith.subi %sign3A_64, %sign3A_67 : i32
    %sign3A_69 = arith.constant 0 : i32
    %sign3A_70 = arith.cmpi sgt, %jit3A_62, %sign3A_69 : i32
    %sign3A_71 = arith.extui %sign3A_70 : i1 to i32
    %sign3A_72 = arith.constant 0 : i32
    %sign3A_73 = arith.cmpi slt, %jit3A_62, %sign3A_72 : i32
    %sign3A_74 = arith.extui %sign3A_73 : i1 to i32
    %sign3A_75 = arith.subi %sign3A_71, %sign3A_74 : i32
    %ne3A = arith.cmpi ne, %sign3A_68, %sign3A_75 : i32
    %rem3A = arith.remsi %select_n3A, %jit3A_62 : i32
    %ne3A_76 = arith.constant 0 : i32
    %ne3A_77 = arith.cmpi ne, %rem3A, %ne3A_76 : i32
    %and3A = arith.andi %ne3A, %ne3A_77 : i1
    %sub3A = arith.constant 1 : i32
    %sub3A_78 = arith.subi %div3A, %sub3A : i32
    %select_n3A_79 = arith.select %and3A, %sub3A_78, %div3A : i32
    %while3A = arith.constant 0 : i32
    %while3A_80 = arith.constant 0 : i32
    %while3A_81 = arith.subi %select_n3A_79, %while3A_80 : i32
    %while3A_82 = arith.addi %while3A_80, %while3A_81 : i32
    %while3A_83 = arith.constant 1 : i32
    %while3A_84 = arith.divsi %while3A_81, %while3A_83 : i32
    %while3A_85 = arith.muli %while3A_84, %while3A_83 : i32
    %while3A_86 = arith.addi %while3A_80, %while3A_85 : i32
    %while3A_87 = arith.constant 1 : i32
    scf.for %while3A_94 = %while3A_80 to %while3A_86 step %while3A_87  : i32 {
      %mul3A_95 = arith.constant 2 : i32
      %mul3A_96 = arith.muli %mul3A_95, %while3A_94 : i32
      %add3A_97 = arith.constant 2 : i32
      %add3A_98 = arith.addi %mul3A_96, %add3A_97 : i32
      %dma_wait3A_99 = arith.constant 0 : i32
      %dma_wait3A_100 = arith.constant 0 : i32
      %dma_wait3A_101 = tpu.memref_slice %arg2[%dma_wait3A_99, %dma_wait3A_100] : memref<10240x136xf32, #tpu.memory_space<hbm>> -> memref<10240x136xf32, #tpu.memory_space<hbm>>
      tpu.wait_indirect_dma semaphore(%arg18 : memref<!tpu.dma_semaphore, #tpu.memory_space<semaphore_mem>>) src(%dma_wait3A_101 : memref<10240x136xf32, #tpu.memory_space<hbm>>) dst(%arg12 : memref<96x136xf32, #tpu.memory_space<vmem>>)
      %dma_wait3A_102 = arith.constant 0 : i32
      %dma_wait3A_103 = arith.constant 0 : i32
      %dma_wait3A_104 = tpu.memref_slice %arg3[%dma_wait3A_102, %dma_wait3A_103] : memref<10240x16xf32, #tpu.memory_space<hbm>> -> memref<10240x16xf32, #tpu.memory_space<hbm>>
      tpu.wait_indirect_dma semaphore(%arg20 : memref<!tpu.dma_semaphore, #tpu.memory_space<semaphore_mem>>) src(%dma_wait3A_104 : memref<10240x16xf32, #tpu.memory_space<hbm>>) dst(%arg14 : memref<96x16xf32, #tpu.memory_space<vmem>>)
      %lt3A = arith.cmpi slt, %add3A_98, %select_n3A : i32
      %convert_element_type3A_105 = arith.extui %lt3A : i1 to i32
      %cond3A_106 = arith.constant 0 : i32
      %cond3A_107 = arith.cmpi ne, %convert_element_type3A_105, %cond3A_106 : i32
      scf.if %cond3A_107 {
        %add3A_213 = arith.addi %select_n3A_8, %add3A_98 : i32
        %mul3A_214 = arith.constant 96 : i32
        %mul3A_215 = arith.muli %add3A_213, %mul3A_214 : i32
        %dma_start3A_216 = tpu.memref_slice %arg4[%mul3A_215] : memref<331776xi32, #tpu.memory_space<hbm>> -> memref<96xi32, #tpu.memory_space<hbm>>
        %dma_start3A_217 = tpu.memref_slice %arg4[%mul3A_215] : memref<331776xi32, #tpu.memory_space<hbm>> -> memref<96xi32, #tpu.memory_space<hbm>>
        tpu.enqueue_dma source(%dma_start3A_217 : memref<96xi32, #tpu.memory_space<hbm>>) target(%arg8 : memref<96xi32, #tpu.memory_space<vmem>>) target_semaphore(%arg22 : memref<!tpu.dma_semaphore, #tpu.memory_space<semaphore_mem>>)
      } else {
      }
      %iota3A = tpu.iota {dimensions = array<i32: 0>} : vector<16xi32>
      %lt3A_108 = arith.constant 8 : i32
      %lt3A_109 = vector.broadcast %lt3A_108 : i32 to vector<16xi32>
      %lt3A_110 = arith.cmpi slt, %iota3A, %lt3A_109 : vector<16xi32>
      %sub3A_111 = arith.constant 8 : i32
      %sub3A_112 = vector.broadcast %sub3A_111 : i32 to vector<16xi32>
      %sub3A_113 = arith.subi %iota3A, %sub3A_112 : vector<16xi32>
      %jit3A_114 = arith.constant 8 : i32
      %eq3A_115 = arith.constant 0 : i32
      %eq3A_116 = arith.cmpi eq, %jit3A_114, %eq3A_115 : i32
      %jit3A_117 = arith.constant 1 : i32
      %select_n3A_118 = arith.select %eq3A_116, %jit3A_117, %jit3A_114 : i32
      %rem3A_119 = vector.broadcast %select_n3A_118 : i32 to vector<16xi32>
      %rem3A_120 = arith.remsi %sub3A_113, %rem3A_119 : vector<16xi32>
      %ne3A_121 = arith.constant 0 : i32
      %ne3A_122 = vector.broadcast %ne3A_121 : i32 to vector<16xi32>
      %ne3A_123 = arith.cmpi ne, %rem3A_120, %ne3A_122 : vector<16xi32>
      %lt3A_124 = arith.constant 0 : i32
      %lt3A_125 = vector.broadcast %lt3A_124 : i32 to vector<16xi32>
      %lt3A_126 = arith.cmpi slt, %rem3A_120, %lt3A_125 : vector<16xi32>
      %lt3A_127 = arith.constant 0 : i32
      %lt3A_128 = arith.cmpi slt, %select_n3A_118, %lt3A_127 : i32
      %ne3A_129 = vector.broadcast %lt3A_128 : i1 to vector<16xi1>
      %ne3A_130 = vector.broadcast %ne3A_129 : vector<16xi1> to vector<16xi1>
      %ne3A_131 = arith.xori %lt3A_126, %ne3A_130 : vector<16xi1>
      %and3A_132 = arith.andi %ne3A_131, %ne3A_123 : vector<16xi1>
      %add3A_133 = vector.broadcast %select_n3A_118 : i32 to vector<16xi32>
      %add3A_134 = arith.addi %rem3A_120, %add3A_133 : vector<16xi32>
      %select_n3A_135 = arith.select %and3A_132, %add3A_134, %rem3A_120 : vector<16xi1>, vector<16xi32>
      %add3A_136 = arith.constant 8 : i32
      %add3A_137 = vector.broadcast %add3A_136 : i32 to vector<16xi32>
      %add3A_138 = arith.addi %add3A_137, %select_n3A_135 : vector<16xi32>
      %jit3A_139 = arith.constant 15 : i32
      %broadcast_in_dim3A = vector.broadcast %jit3A_139 : i32 to vector<16xi32>
      %select_n3A_140 = arith.select %lt3A_110, %broadcast_in_dim3A, %add3A_138 : vector<16xi1>, vector<16xi32>
      %parallel_loop3A = arith.constant 0 : i32
      %parallel_loop3A_141 = arith.constant 96 : i32
      %parallel_loop3A_142 = arith.constant 1 : i32
      scf.for %parallel_loop3A_213 = %parallel_loop3A to %parallel_loop3A_141 step %parallel_loop3A_142  : i32 {
        %parallel_loop3A_214 = arith.index_cast %parallel_loop3A_213 : i32 to index
        %parallel_loop3A_215 = arith.constant 120 : index
        %parallel_loop3A_216 = tpu.vector_load %arg12[%parallel_loop3A_214, %parallel_loop3A_215] {strides = array<i32>} : memref<96x136xf32, #tpu.memory_space<vmem>>, vector<16xf32>,
        %parallel_loop3A_217 = arith.index_cast %parallel_loop3A_213 : i32 to index
        %parallel_loop3A_218 = arith.constant 0 : index
        %parallel_loop3A_219 = tpu.vector_load %arg14[%parallel_loop3A_217, %parallel_loop3A_218] {strides = array<i32>} : memref<96x16xf32, #tpu.memory_space<vmem>>, vector<16xf32>,
        %parallel_loop3A_220 = arith.addf %parallel_loop3A_216, %parallel_loop3A_219 : vector<16xf32>
        %parallel_loop3A_221 = arith.constant 0.000000e+00 : f32
        %parallel_loop3A_222 = vector.broadcast %parallel_loop3A_221 : f32 to vector<16xf32>
        %parallel_loop3A_223 = arith.maximumf %parallel_loop3A_220, %parallel_loop3A_222 : vector<16xf32>
        %parallel_loop3A_224 = arith.constant 0.000000e+00 : f32
        %parallel_loop3A_225 = vector.broadcast %parallel_loop3A_224 : f32 to vector<16xf32>
        %parallel_loop3A_226 = arith.minimumf %parallel_loop3A_220, %parallel_loop3A_225 : vector<16xf32>
        %parallel_loop3A_227 = arith.constant 2.000000e-01 : f32
        %parallel_loop3A_228 = vector.broadcast %parallel_loop3A_227 : f32 to vector<16xf32>
        %parallel_loop3A_229 = arith.mulf %parallel_loop3A_228, %parallel_loop3A_226 : vector<16xf32>
        %parallel_loop3A_230 = arith.addf %parallel_loop3A_223, %parallel_loop3A_229 : vector<16xf32>
        %parallel_loop3A_231 = math.exp %parallel_loop3A_230 : vector<16xf32>
        %parallel_loop3A_232 = arith.constant 8 : i32
        %parallel_loop3A_233 = vector.broadcast %parallel_loop3A_232 : i32 to vector<16xi32>
        %parallel_loop3A_234 = arith.constant 0 : i32
        %parallel_loop3A_235 = vector.broadcast %parallel_loop3A_234 : i32 to vector<16xi32>
        %parallel_loop3A_236 = arith.cmpi slt, %parallel_loop3A_233, %parallel_loop3A_235 : vector<16xi32>
        %parallel_loop3A_237 = arith.constant 16 : i32
        %parallel_loop3A_238 = vector.broadcast %parallel_loop3A_237 : i32 to vector<16xi32>
        %parallel_loop3A_239 = arith.addi %parallel_loop3A_233, %parallel_loop3A_238 : vector<16xi32>
        %parallel_loop3A_240 = arith.select %parallel_loop3A_236, %parallel_loop3A_239, %parallel_loop3A_233 : vector<16xi1>, vector<16xi32>
        %parallel_loop3A_241 = vector.shape_cast %parallel_loop3A_240 : vector<16xi32> to vector<16x1xi32>
        %parallel_loop3A_242 = vector.shape_cast %parallel_loop3A_241 : vector<16x1xi32> to vector<16xi32>
        %parallel_loop3A_243 = tpu.dynamic_gather %parallel_loop3A_231[%parallel_loop3A_242] in [0] : vector<16xf32>, vector<16xi32> -> vector<16xf32>
        %parallel_loop3A_244 = arith.index_cast %parallel_loop3A_213 : i32 to index
        %parallel_loop3A_245 = arith.constant 0 : index
        %parallel_loop3A_246 = tpu.vector_load %arg12[%parallel_loop3A_244, %parallel_loop3A_245] {strides = array<i32>} : memref<96x136xf32, #tpu.memory_space<vmem>>, vector<16xf32>,
        %parallel_loop3A_247 = arith.mulf %parallel_loop3A_246, %parallel_loop3A_243 : vector<16xf32>
        %parallel_loop3A_248 = arith.index_cast %parallel_loop3A_213 : i32 to index
        %parallel_loop3A_249 = arith.constant 0 : index
        %parallel_loop3A_250 = tpu.vector_load %arg16[%parallel_loop3A_248, %parallel_loop3A_249] {strides = array<i32>} : memref<96x136xf32, #tpu.memory_space<vmem>>, vector<16xf32>,
        tpu.vector_store %arg16[%parallel_loop3A_248, %parallel_loop3A_249], %parallel_loop3A_247 {strides = array<i32>} : memref<96x136xf32, #tpu.memory_space<vmem>>, vector<16xf32>,
        %parallel_loop3A_251 = arith.constant 9 : i32
        %parallel_loop3A_252 = vector.broadcast %parallel_loop3A_251 : i32 to vector<16xi32>
        %parallel_loop3A_253 = arith.constant 0 : i32
        %parallel_loop3A_254 = vector.broadcast %parallel_loop3A_253 : i32 to vector<16xi32>
        %parallel_loop3A_255 = arith.cmpi slt, %parallel_loop3A_252, %parallel_loop3A_254 : vector<16xi32>
        %parallel_loop3A_256 = arith.constant 16 : i32
        %parallel_loop3A_257 = vector.broadcast %parallel_loop3A_256 : i32 to vector<16xi32>
        %parallel_loop3A_258 = arith.addi %parallel_loop3A_252, %parallel_loop3A_257 : vector<16xi32>
        %parallel_loop3A_259 = arith.select %parallel_loop3A_255, %parallel_loop3A_258, %parallel_loop3A_252 : vector<16xi1>, vector<16xi32>
        %parallel_loop3A_260 = vector.shape_cast %parallel_loop3A_259 : vector<16xi32> to vector<16x1xi32>
        %parallel_loop3A_261 = vector.shape_cast %parallel_loop3A_260 : vector<16x1xi32> to vector<16xi32>
        %parallel_loop3A_262 = tpu.dynamic_gather %parallel_loop3A_231[%parallel_loop3A_261] in [0] : vector<16xf32>, vector<16xi32> -> vector<16xf32>
        %parallel_loop3A_263 = arith.index_cast %parallel_loop3A_213 : i32 to index
        %parallel_loop3A_264 = arith.constant 16 : index
        %parallel_loop3A_265 = tpu.vector_load %arg12[%parallel_loop3A_263, %parallel_loop3A_264] {strides = array<i32>} : memref<96x136xf32, #tpu.memory_space<vmem>>, vector<16xf32>,
        %parallel_loop3A_266 = arith.mulf %parallel_loop3A_265, %parallel_loop3A_262 : vector<16xf32>
        %parallel_loop3A_267 = arith.index_cast %parallel_loop3A_213 : i32 to index
        %parallel_loop3A_268 = arith.constant 16 : index
        %parallel_loop3A_269 = tpu.vector_load %arg16[%parallel_loop3A_267, %parallel_loop3A_268] {strides = array<i32>} : memref<96x136xf32, #tpu.memory_space<vmem>>, vector<16xf32>,
        tpu.vector_store %arg16[%parallel_loop3A_267, %parallel_loop3A_268], %parallel_loop3A_266 {strides = array<i32>} : memref<96x136xf32, #tpu.memory_space<vmem>>, vector<16xf32>,
        %parallel_loop3A_270 = arith.constant 10 : i32
        %parallel_loop3A_271 = vector.broadcast %parallel_loop3A_270 : i32 to vector<16xi32>
        %parallel_loop3A_272 = arith.constant 0 : i32
        %parallel_loop3A_273 = vector.broadcast %parallel_loop3A_272 : i32 to vector<16xi32>
        %parallel_loop3A_274 = arith.cmpi slt, %parallel_loop3A_271, %parallel_loop3A_273 : vector<16xi32>
        %parallel_loop3A_275 = arith.constant 16 : i32
        %parallel_loop3A_276 = vector.broadcast %parallel_loop3A_275 : i32 to vector<16xi32>
        %parallel_loop3A_277 = arith.addi %parallel_loop3A_271, %parallel_loop3A_276 : vector<16xi32>
        %parallel_loop3A_278 = arith.select %parallel_loop3A_274, %parallel_loop3A_277, %parallel_loop3A_271 : vector<16xi1>, vector<16xi32>
        %parallel_loop3A_279 = vector.shape_cast %parallel_loop3A_278 : vector<16xi32> to vector<16x1xi32>
        %parallel_loop3A_280 = vector.shape_cast %parallel_loop3A_279 : vector<16x1xi32> to vector<16xi32>
        %parallel_loop3A_281 = tpu.dynamic_gather %parallel_loop3A_231[%parallel_loop3A_280] in [0] : vector<16xf32>, vector<16xi32> -> vector<16xf32>
        %parallel_loop3A_282 = arith.index_cast %parallel_loop3A_213 : i32 to index
        %parallel_loop3A_283 = arith.constant 32 : index
        %parallel_loop3A_284 = tpu.vector_load %arg12[%parallel_loop3A_282, %parallel_loop3A_283] {strides = array<i32>} : memref<96x136xf32, #tpu.memory_space<vmem>>, vector<16xf32>,
        %parallel_loop3A_285 = arith.mulf %parallel_loop3A_284, %parallel_loop3A_281 : vector<16xf32>
        %parallel_loop3A_286 = arith.index_cast %parallel_loop3A_213 : i32 to index
        %parallel_loop3A_287 = arith.constant 32 : index
        %parallel_loop3A_288 = tpu.vector_load %arg16[%parallel_loop3A_286, %parallel_loop3A_287] {strides = array<i32>} : memref<96x136xf32, #tpu.memory_space<vmem>>, vector<16xf32>,
        tpu.vector_store %arg16[%parallel_loop3A_286, %parallel_loop3A_287], %parallel_loop3A_285 {strides = array<i32>} : memref<96x136xf32, #tpu.memory_space<vmem>>, vector<16xf32>,
        %parallel_loop3A_289 = arith.constant 11 : i32
        %parallel_loop3A_290 = vector.broadcast %parallel_loop3A_289 : i32 to vector<16xi32>
        %parallel_loop3A_291 = arith.constant 0 : i32
        %parallel_loop3A_292 = vector.broadcast %parallel_loop3A_291 : i32 to vector<16xi32>
        %parallel_loop3A_293 = arith.cmpi slt, %parallel_loop3A_290, %parallel_loop3A_292 : vector<16xi32>
        %parallel_loop3A_294 = arith.constant 16 : i32
        %parallel_loop3A_295 = vector.broadcast %parallel_loop3A_294 : i32 to vector<16xi32>
        %parallel_loop3A_296 = arith.addi %parallel_loop3A_290, %parallel_loop3A_295 : vector<16xi32>
        %parallel_loop3A_297 = arith.select %parallel_loop3A_293, %parallel_loop3A_296, %parallel_loop3A_290 : vector<16xi1>, vector<16xi32>
        %parallel_loop3A_298 = vector.shape_cast %parallel_loop3A_297 : vector<16xi32> to vector<16x1xi32>
        %parallel_loop3A_299 = vector.shape_cast %parallel_loop3A_298 : vector<16x1xi32> to vector<16xi32>
        %parallel_loop3A_300 = tpu.dynamic_gather %parallel_loop3A_231[%parallel_loop3A_299] in [0] : vector<16xf32>, vector<16xi32> -> vector<16xf32>
        %parallel_loop3A_301 = arith.index_cast %parallel_loop3A_213 : i32 to index
        %parallel_loop3A_302 = arith.constant 48 : index
        %parallel_loop3A_303 = tpu.vector_load %arg12[%parallel_loop3A_301, %parallel_loop3A_302] {strides = array<i32>} : memref<96x136xf32, #tpu.memory_space<vmem>>, vector<16xf32>,
        %parallel_loop3A_304 = arith.mulf %parallel_loop3A_303, %parallel_loop3A_300 : vector<16xf32>
        %parallel_loop3A_305 = arith.index_cast %parallel_loop3A_213 : i32 to index
        %parallel_loop3A_306 = arith.constant 48 : index
        %parallel_loop3A_307 = tpu.vector_load %arg16[%parallel_loop3A_305, %parallel_loop3A_306] {strides = array<i32>} : memref<96x136xf32, #tpu.memory_space<vmem>>, vector<16xf32>,
        tpu.vector_store %arg16[%parallel_loop3A_305, %parallel_loop3A_306], %parallel_loop3A_304 {strides = array<i32>} : memref<96x136xf32, #tpu.memory_space<vmem>>, vector<16xf32>,
        %parallel_loop3A_308 = arith.constant 12 : i32
        %parallel_loop3A_309 = vector.broadcast %parallel_loop3A_308 : i32 to vector<16xi32>
        %parallel_loop3A_310 = arith.constant 0 : i32
        %parallel_loop3A_311 = vector.broadcast %parallel_loop3A_310 : i32 to vector<16xi32>
        %parallel_loop3A_312 = arith.cmpi slt, %parallel_loop3A_309, %parallel_loop3A_311 : vector<16xi32>
        %parallel_loop3A_313 = arith.constant 16 : i32
        %parallel_loop3A_314 = vector.broadcast %parallel_loop3A_313 : i32 to vector<16xi32>
        %parallel_loop3A_315 = arith.addi %parallel_loop3A_309, %parallel_loop3A_314 : vector<16xi32>
        %parallel_loop3A_316 = arith.select %parallel_loop3A_312, %parallel_loop3A_315, %parallel_loop3A_309 : vector<16xi1>, vector<16xi32>
        %parallel_loop3A_317 = vector.shape_cast %parallel_loop3A_316 : vector<16xi32> to vector<16x1xi32>
        %parallel_loop3A_318 = vector.shape_cast %parallel_loop3A_317 : vector<16x1xi32> to vector<16xi32>
        %parallel_loop3A_319 = tpu.dynamic_gather %parallel_loop3A_231[%parallel_loop3A_318] in [0] : vector<16xf32>, vector<16xi32> -> vector<16xf32>
        %parallel_loop3A_320 = arith.index_cast %parallel_loop3A_213 : i32 to index
        %parallel_loop3A_321 = arith.constant 64 : index
        %parallel_loop3A_322 = tpu.vector_load %arg12[%parallel_loop3A_320, %parallel_loop3A_321] {strides = array<i32>} : memref<96x136xf32, #tpu.memory_space<vmem>>, vector<16xf32>,
        %parallel_loop3A_323 = arith.mulf %parallel_loop3A_322, %parallel_loop3A_319 : vector<16xf32>
        %parallel_loop3A_324 = arith.index_cast %parallel_loop3A_213 : i32 to index
        %parallel_loop3A_325 = arith.constant 64 : index
        %parallel_loop3A_326 = tpu.vector_load %arg16[%parallel_loop3A_324, %parallel_loop3A_325] {strides = array<i32>} : memref<96x136xf32, #tpu.memory_space<vmem>>, vector<16xf32>,
        tpu.vector_store %arg16[%parallel_loop3A_324, %parallel_loop3A_325], %parallel_loop3A_323 {strides = array<i32>} : memref<96x136xf32, #tpu.memory_space<vmem>>, vector<16xf32>,
        %parallel_loop3A_327 = arith.constant 13 : i32
        %parallel_loop3A_328 = vector.broadcast %parallel_loop3A_327 : i32 to vector<16xi32>
        %parallel_loop3A_329 = arith.constant 0 : i32
        %parallel_loop3A_330 = vector.broadcast %parallel_loop3A_329 : i32 to vector<16xi32>
        %parallel_loop3A_331 = arith.cmpi slt, %parallel_loop3A_328, %parallel_loop3A_330 : vector<16xi32>
        %parallel_loop3A_332 = arith.constant 16 : i32
        %parallel_loop3A_333 = vector.broadcast %parallel_loop3A_332 : i32 to vector<16xi32>
        %parallel_loop3A_334 = arith.addi %parallel_loop3A_328, %parallel_loop3A_333 : vector<16xi32>
        %parallel_loop3A_335 = arith.select %parallel_loop3A_331, %parallel_loop3A_334, %parallel_loop3A_328 : vector<16xi1>, vector<16xi32>
        %parallel_loop3A_336 = vector.shape_cast %parallel_loop3A_335 : vector<16xi32> to vector<16x1xi32>
        %parallel_loop3A_337 = vector.shape_cast %parallel_loop3A_336 : vector<16x1xi32> to vector<16xi32>
        %parallel_loop3A_338 = tpu.dynamic_gather %parallel_loop3A_231[%parallel_loop3A_337] in [0] : vector<16xf32>, vector<16xi32> -> vector<16xf32>
        %parallel_loop3A_339 = arith.index_cast %parallel_loop3A_213 : i32 to index
        %parallel_loop3A_340 = arith.constant 80 : index
        %parallel_loop3A_341 = tpu.vector_load %arg12[%parallel_loop3A_339, %parallel_loop3A_340] {strides = array<i32>} : memref<96x136xf32, #tpu.memory_space<vmem>>, vector<16xf32>,
        %parallel_loop3A_342 = arith.mulf %parallel_loop3A_341, %parallel_loop3A_338 : vector<16xf32>
        %parallel_loop3A_343 = arith.index_cast %parallel_loop3A_213 : i32 to index
        %parallel_loop3A_344 = arith.constant 80 : index
        %parallel_loop3A_345 = tpu.vector_load %arg16[%parallel_loop3A_343, %parallel_loop3A_344] {strides = array<i32>} : memref<96x136xf32, #tpu.memory_space<vmem>>, vector<16xf32>,
        tpu.vector_store %arg16[%parallel_loop3A_343, %parallel_loop3A_344], %parallel_loop3A_342 {strides = array<i32>} : memref<96x136xf32, #tpu.memory_space<vmem>>, vector<16xf32>,
        %parallel_loop3A_346 = arith.constant 14 : i32
        %parallel_loop3A_347 = vector.broadcast %parallel_loop3A_346 : i32 to vector<16xi32>
        %parallel_loop3A_348 = arith.constant 0 : i32
        %parallel_loop3A_349 = vector.broadcast %parallel_loop3A_348 : i32 to vector<16xi32>
        %parallel_loop3A_350 = arith.cmpi slt, %parallel_loop3A_347, %parallel_loop3A_349 : vector<16xi32>
        %parallel_loop3A_351 = arith.constant 16 : i32
        %parallel_loop3A_352 = vector.broadcast %parallel_loop3A_351 : i32 to vector<16xi32>
        %parallel_loop3A_353 = arith.addi %parallel_loop3A_347, %parallel_loop3A_352 : vector<16xi32>
        %parallel_loop3A_354 = arith.select %parallel_loop3A_350, %parallel_loop3A_353, %parallel_loop3A_347 : vector<16xi1>, vector<16xi32>
        %parallel_loop3A_355 = vector.shape_cast %parallel_loop3A_354 : vector<16xi32> to vector<16x1xi32>
        %parallel_loop3A_356 = vector.shape_cast %parallel_loop3A_355 : vector<16x1xi32> to vector<16xi32>
        %parallel_loop3A_357 = tpu.dynamic_gather %parallel_loop3A_231[%parallel_loop3A_356] in [0] : vector<16xf32>, vector<16xi32> -> vector<16xf32>
        %parallel_loop3A_358 = arith.index_cast %parallel_loop3A_213 : i32 to index
        %parallel_loop3A_359 = arith.constant 96 : index
        %parallel_loop3A_360 = tpu.vector_load %arg12[%parallel_loop3A_358, %parallel_loop3A_359] {strides = array<i32>} : memref<96x136xf32, #tpu.memory_space<vmem>>, vector<16xf32>,
        %parallel_loop3A_361 = arith.mulf %parallel_loop3A_360, %parallel_loop3A_357 : vector<16xf32>
        %parallel_loop3A_362 = arith.index_cast %parallel_loop3A_213 : i32 to index
        %parallel_loop3A_363 = arith.constant 96 : index
        %parallel_loop3A_364 = tpu.vector_load %arg16[%parallel_loop3A_362, %parallel_loop3A_363] {strides = array<i32>} : memref<96x136xf32, #tpu.memory_space<vmem>>, vector<16xf32>,
        tpu.vector_store %arg16[%parallel_loop3A_362, %parallel_loop3A_363], %parallel_loop3A_361 {strides = array<i32>} : memref<96x136xf32, #tpu.memory_space<vmem>>, vector<16xf32>,
        %parallel_loop3A_365 = arith.constant 15 : i32
        %parallel_loop3A_366 = vector.broadcast %parallel_loop3A_365 : i32 to vector<16xi32>
        %parallel_loop3A_367 = arith.constant 0 : i32
        %parallel_loop3A_368 = vector.broadcast %parallel_loop3A_367 : i32 to vector<16xi32>
        %parallel_loop3A_369 = arith.cmpi slt, %parallel_loop3A_366, %parallel_loop3A_368 : vector<16xi32>
        %parallel_loop3A_370 = arith.constant 16 : i32
        %parallel_loop3A_371 = vector.broadcast %parallel_loop3A_370 : i32 to vector<16xi32>
        %parallel_loop3A_372 = arith.addi %parallel_loop3A_366, %parallel_loop3A_371 : vector<16xi32>
        %parallel_loop3A_373 = arith.select %parallel_loop3A_369, %parallel_loop3A_372, %parallel_loop3A_366 : vector<16xi1>, vector<16xi32>
        %parallel_loop3A_374 = vector.shape_cast %parallel_loop3A_373 : vector<16xi32> to vector<16x1xi32>
        %parallel_loop3A_375 = vector.shape_cast %parallel_loop3A_374 : vector<16x1xi32> to vector<16xi32>
        %parallel_loop3A_376 = tpu.dynamic_gather %parallel_loop3A_231[%parallel_loop3A_375] in [0] : vector<16xf32>, vector<16xi32> -> vector<16xf32>
        %parallel_loop3A_377 = arith.index_cast %parallel_loop3A_213 : i32 to index
        %parallel_loop3A_378 = arith.constant 112 : index
        %parallel_loop3A_379 = tpu.vector_load %arg12[%parallel_loop3A_377, %parallel_loop3A_378] {strides = array<i32>} : memref<96x136xf32, #tpu.memory_space<vmem>>, vector<16xf32>,
        %parallel_loop3A_380 = arith.mulf %parallel_loop3A_379, %parallel_loop3A_376 : vector<16xf32>
        %parallel_loop3A_381 = arith.index_cast %parallel_loop3A_213 : i32 to index
        %parallel_loop3A_382 = arith.constant 112 : index
        %parallel_loop3A_383 = tpu.vector_load %arg16[%parallel_loop3A_381, %parallel_loop3A_382] {strides = array<i32>} : memref<96x136xf32, #tpu.memory_space<vmem>>, vector<16xf32>,
        tpu.vector_store %arg16[%parallel_loop3A_381, %parallel_loop3A_382], %parallel_loop3A_380 {strides = array<i32>} : memref<96x136xf32, #tpu.memory_space<vmem>>, vector<16xf32>,
        %parallel_loop3A_384 = arith.constant 0 : i32
        %parallel_loop3A_385 = vector.broadcast %parallel_loop3A_384 : i32 to vector<16xi32>
        %parallel_loop3A_386 = arith.cmpi slt, %select_n3A_140, %parallel_loop3A_385 : vector<16xi32>
        %parallel_loop3A_387 = arith.constant 16 : i32
        %parallel_loop3A_388 = vector.broadcast %parallel_loop3A_387 : i32 to vector<16xi32>
        %parallel_loop3A_389 = arith.addi %select_n3A_140, %parallel_loop3A_388 : vector<16xi32>
        %parallel_loop3A_390 = arith.select %parallel_loop3A_386, %parallel_loop3A_389, %select_n3A_140 : vector<16xi1>, vector<16xi32>
        %parallel_loop3A_391 = vector.shape_cast %parallel_loop3A_390 : vector<16xi32> to vector<16x1xi32>
        %parallel_loop3A_392 = vector.shape_cast %parallel_loop3A_391 : vector<16x1xi32> to vector<16xi32>
        %parallel_loop3A_393 = tpu.dynamic_gather %parallel_loop3A_231[%parallel_loop3A_392] in [0] : vector<16xf32>, vector<16xi32> -> vector<16xf32>
        %parallel_loop3A_394 = arith.constant 8 : i32
        %parallel_loop3A_395 = vector.broadcast %parallel_loop3A_394 : i32 to vector<16xi32>
        %parallel_loop3A_396 = arith.cmpi slt, %iota3A, %parallel_loop3A_395 : vector<16xi32>
        %parallel_loop3A_397 = arith.constant 1.000000e+00 : f32
        %parallel_loop3A_398 = vector.broadcast %parallel_loop3A_397 : f32 to vector<16xf32>
        %parallel_loop3A_399 = arith.select %parallel_loop3A_396, %parallel_loop3A_216, %parallel_loop3A_398 : vector<16xi1>, vector<16xf32>
        %parallel_loop3A_400 = arith.mulf %parallel_loop3A_399, %parallel_loop3A_393 : vector<16xf32>
        %parallel_loop3A_401 = arith.index_cast %parallel_loop3A_213 : i32 to index
        %parallel_loop3A_402 = arith.constant 120 : index
        %parallel_loop3A_403 = tpu.vector_load %arg16[%parallel_loop3A_401, %parallel_loop3A_402] {strides = array<i32>} : memref<96x136xf32, #tpu.memory_space<vmem>>, vector<16xf32>,
        tpu.vector_store %arg16[%parallel_loop3A_401, %parallel_loop3A_402], %parallel_loop3A_400 {strides = array<i32>} : memref<96x136xf32, #tpu.memory_space<vmem>>, vector<16xf32>,
      } {sc.loop_unroll_factor = 4 : i64, sc.parallel_access}
      "tpu.region"() ({
        %run_scoped3A = tpu.sem_alloc : memref<!tpu.dma_semaphore, #tpu.memory_space<semaphore_mem>>
        %dma_start3A_213 = arith.constant 0 : i32
        %dma_start3A_214 = arith.constant 0 : i32
        %dma_start3A_215 = tpu.memref_slice %arg17[%dma_start3A_213, %dma_start3A_214] : memref<10240x136xf32, #tpu.memory_space<vmem_shared>> -> memref<10240x136xf32, #tpu.memory_space<vmem_shared>>
        tpu.enqueue_indirect_dma source(%arg16 : memref<96x136xf32, #tpu.memory_space<vmem>>) target(%dma_start3A_215 : memref<10240x136xf32, #tpu.memory_space<vmem_shared>>) offsets(%arg10 : memref<96xi32, #tpu.memory_space<vmem>>) semaphore(%run_scoped3A : memref<!tpu.dma_semaphore, #tpu.memory_space<semaphore_mem>>) {add = true}
        %dma_wait3A_216 = arith.constant 0 : i32
        %dma_wait3A_217 = arith.constant 0 : i32
        %dma_wait3A_218 = tpu.memref_slice %arg17[%dma_wait3A_216, %dma_wait3A_217] : memref<10240x136xf32, #tpu.memory_space<vmem_shared>> -> memref<10240x136xf32, #tpu.memory_space<vmem_shared>>
        tpu.wait_indirect_dma semaphore(%run_scoped3A : memref<!tpu.dma_semaphore, #tpu.memory_space<semaphore_mem>>) src(%arg16 : memref<96x136xf32, #tpu.memory_space<vmem>>) dst(%dma_wait3A_218 : memref<10240x136xf32, #tpu.memory_space<vmem_shared>>)
        tpu.yield
      }) : () -> ()
      %lt3A_143 = arith.cmpi slt, %add3A_98, %select_n3A : i32
      %convert_element_type3A_144 = arith.extui %lt3A_143 : i1 to i32
      %cond3A_145 = arith.constant 0 : i32
      %cond3A_146 = arith.cmpi ne, %convert_element_type3A_144, %cond3A_145 : i32
      scf.if %cond3A_146 {
        %add3A_213 = arith.addi %select_n3A_8, %add3A_98 : i32
        %mul3A_214 = arith.constant 96 : i32
        %mul3A_215 = arith.muli %add3A_213, %mul3A_214 : i32
        %dma_start3A_216 = tpu.memref_slice %arg5[%mul3A_215] : memref<331776xi32, #tpu.memory_space<hbm>> -> memref<96xi32, #tpu.memory_space<hbm>>
        %dma_start3A_217 = tpu.memref_slice %arg5[%mul3A_215] : memref<331776xi32, #tpu.memory_space<hbm>> -> memref<96xi32, #tpu.memory_space<hbm>>
        tpu.enqueue_dma source(%dma_start3A_217 : memref<96xi32, #tpu.memory_space<hbm>>) target(%arg10 : memref<96xi32, #tpu.memory_space<vmem>>) target_semaphore(%arg24 : memref<!tpu.dma_semaphore, #tpu.memory_space<semaphore_mem>>)
      } else {
      }
      %add3A_147 = arith.constant 2 : i32
      %add3A_148 = arith.addi %mul3A_96, %add3A_147 : i32
      %lt3A_149 = arith.cmpi slt, %add3A_148, %select_n3A : i32
      %convert_element_type3A_150 = arith.extui %lt3A_149 : i1 to i32
      %cond3A_151 = arith.constant 0 : i32
      %cond3A_152 = arith.cmpi ne, %convert_element_type3A_150, %cond3A_151 : i32
      scf.if %cond3A_152 {
        %dma_wait3A_213 = arith.constant 0 : i32
        %dma_wait3A_214 = tpu.memref_slice %arg4[%dma_wait3A_213] : memref<331776xi32, #tpu.memory_space<hbm>> -> memref<96xi32, #tpu.memory_space<hbm>>
        %dma_wait3A_215 = arith.constant 0 : i32
        %dma_wait3A_216 = tpu.memref_slice %arg4[%dma_wait3A_215] : memref<331776xi32, #tpu.memory_space<hbm>> -> memref<96xi32, #tpu.memory_space<hbm>>
        tpu.wait_dma2 semaphore(%arg22 : memref<!tpu.dma_semaphore, #tpu.memory_space<semaphore_mem>>) src(%dma_wait3A_216 : memref<96xi32, #tpu.memory_space<hbm>>) dst(%arg8 : memref<96xi32, #tpu.memory_space<vmem>>)
        %dma_wait3A_217 = arith.constant 0 : i32
        %dma_wait3A_218 = tpu.memref_slice %arg5[%dma_wait3A_217] : memref<331776xi32, #tpu.memory_space<hbm>> -> memref<96xi32, #tpu.memory_space<hbm>>
        %dma_wait3A_219 = arith.constant 0 : i32
        %dma_wait3A_220 = tpu.memref_slice %arg5[%dma_wait3A_219] : memref<331776xi32, #tpu.memory_space<hbm>> -> memref<96xi32, #tpu.memory_space<hbm>>
        tpu.wait_dma2 semaphore(%arg24 : memref<!tpu.dma_semaphore, #tpu.memory_space<semaphore_mem>>) src(%dma_wait3A_220 : memref<96xi32, #tpu.memory_space<hbm>>) dst(%arg10 : memref<96xi32, #tpu.memory_space<vmem>>)
        %dma_start3A_221 = arith.constant 0 : i32
        %dma_start3A_222 = arith.constant 0 : i32
        %dma_start3A_223 = tpu.memref_slice %arg2[%dma_start3A_221, %dma_start3A_222] : memref<10240x136xf32, #tpu.memory_space<hbm>> -> memref<10240x136xf32, #tpu.memory_space<hbm>>
        tpu.enqueue_indirect_dma source(%dma_start3A_223 : memref<10240x136xf32, #tpu.memory_space<hbm>>) target(%arg12 : memref<96x136xf32, #tpu.memory_space<vmem>>) offsets(%arg8 : memref<96xi32, #tpu.memory_space<vmem>>) semaphore(%arg18 : memref<!tpu.dma_semaphore, #tpu.memory_space<semaphore_mem>>)
        %dma_start3A_224 = arith.constant 0 : i32
        %dma_start3A_225 = arith.constant 0 : i32
        %dma_start3A_226 = tpu.memref_slice %arg3[%dma_start3A_224, %dma_start3A_225] : memref<10240x16xf32, #tpu.memory_space<hbm>> -> memref<10240x16xf32, #tpu.memory_space<hbm>>
        tpu.enqueue_indirect_dma source(%dma_start3A_226 : memref<10240x16xf32, #tpu.memory_space<hbm>>) target(%arg14 : memref<96x16xf32, #tpu.memory_space<vmem>>) offsets(%arg10 : memref<96xi32, #tpu.memory_space<vmem>>) semaphore(%arg20 : memref<!tpu.dma_semaphore, #tpu.memory_space<semaphore_mem>>)
      } else {
      }
      %add3A_153 = arith.constant 3 : i32
      %add3A_154 = arith.addi %mul3A_96, %add3A_153 : i32
      %dma_wait3A_155 = arith.constant 0 : i32
      %dma_wait3A_156 = arith.constant 0 : i32
      %dma_wait3A_157 = tpu.memref_slice %arg2[%dma_wait3A_155, %dma_wait3A_156] : memref<10240x136xf32, #tpu.memory_space<hbm>> -> memref<10240x136xf32, #tpu.memory_space<hbm>>
      tpu.wait_indirect_dma semaphore(%arg19 : memref<!tpu.dma_semaphore, #tpu.memory_space<semaphore_mem>>) src(%dma_wait3A_157 : memref<10240x136xf32, #tpu.memory_space<hbm>>) dst(%arg13 : memref<96x136xf32, #tpu.memory_space<vmem>>)
      %dma_wait3A_158 = arith.constant 0 : i32
      %dma_wait3A_159 = arith.constant 0 : i32
      %dma_wait3A_160 = tpu.memref_slice %arg3[%dma_wait3A_158, %dma_wait3A_159] : memref<10240x16xf32, #tpu.memory_space<hbm>> -> memref<10240x16xf32, #tpu.memory_space<hbm>>
      tpu.wait_indirect_dma semaphore(%arg21 : memref<!tpu.dma_semaphore, #tpu.memory_space<semaphore_mem>>) src(%dma_wait3A_160 : memref<10240x16xf32, #tpu.memory_space<hbm>>) dst(%arg15 : memref<96x16xf32, #tpu.memory_space<vmem>>)
      %lt3A_161 = arith.cmpi slt, %add3A_154, %select_n3A : i32
      %convert_element_type3A_162 = arith.extui %lt3A_161 : i1 to i32
      %cond3A_163 = arith.constant 0 : i32
      %cond3A_164 = arith.cmpi ne, %convert_element_type3A_162, %cond3A_163 : i32
      scf.if %cond3A_164 {
        %add3A_213 = arith.addi %select_n3A_8, %add3A_154 : i32
        %mul3A_214 = arith.constant 96 : i32
        %mul3A_215 = arith.muli %add3A_213, %mul3A_214 : i32
        %dma_start3A_216 = tpu.memref_slice %arg4[%mul3A_215] : memref<331776xi32, #tpu.memory_space<hbm>> -> memref<96xi32, #tpu.memory_space<hbm>>
        %dma_start3A_217 = tpu.memref_slice %arg4[%mul3A_215] : memref<331776xi32, #tpu.memory_space<hbm>> -> memref<96xi32, #tpu.memory_space<hbm>>
        tpu.enqueue_dma source(%dma_start3A_217 : memref<96xi32, #tpu.memory_space<hbm>>) target(%arg9 : memref<96xi32, #tpu.memory_space<vmem>>) target_semaphore(%arg23 : memref<!tpu.dma_semaphore, #tpu.memory_space<semaphore_mem>>)
      } else {
      }
      %iota3A_165 = tpu.iota {dimensions = array<i32: 0>} : vector<16xi32>
      %lt3A_166 = arith.constant 8 : i32
      %lt3A_167 = vector.broadcast %lt3A_166 : i32 to vector<16xi32>
      %lt3A_168 = arith.cmpi slt, %iota3A_165, %lt3A_167 : vector<16xi32>
      %sub3A_169 = arith.constant 8 : i32
      %sub3A_170 = vector.broadcast %sub3A_169 : i32 to vector<16xi32>
      %sub3A_171 = arith.subi %iota3A_165, %sub3A_170 : vector<16xi32>
      %jit3A_172 = arith.constant 8 : i32
      %eq3A_173 = arith.constant 0 : i32
      %eq3A_174 = arith.cmpi eq, %jit3A_172, %eq3A_173 : i32
      %jit3A_175 = arith.constant 1 : i32
      %select_n3A_176 = arith.select %eq3A_174, %jit3A_175, %jit3A_172 : i32
      %rem3A_177 = vector.broadcast %select_n3A_176 : i32 to vector<16xi32>
      %rem3A_178 = arith.remsi %sub3A_171, %rem3A_177 : vector<16xi32>
      %ne3A_179 = arith.constant 0 : i32
      %ne3A_180 = vector.broadcast %ne3A_179 : i32 to vector<16xi32>
      %ne3A_181 = arith.cmpi ne, %rem3A_178, %ne3A_180 : vector<16xi32>
      %lt3A_182 = arith.constant 0 : i32
      %lt3A_183 = vector.broadcast %lt3A_182 : i32 to vector<16xi32>
      %lt3A_184 = arith.cmpi slt, %rem3A_178, %lt3A_183 : vector<16xi32>
      %lt3A_185 = arith.constant 0 : i32
      %lt3A_186 = arith.cmpi slt, %select_n3A_176, %lt3A_185 : i32
      %ne3A_187 = vector.broadcast %lt3A_186 : i1 to vector<16xi1>
      %ne3A_188 = vector.broadcast %ne3A_187 : vector<16xi1> to vector<16xi1>
      %ne3A_189 = arith.xori %lt3A_184, %ne3A_188 : vector<16xi1>
      %and3A_190 = arith.andi %ne3A_189, %ne3A_181 : vector<16xi1>
      %add3A_191 = vector.broadcast %select_n3A_176 : i32 to vector<16xi32>
      %add3A_192 = arith.addi %rem3A_178, %add3A_191 : vector<16xi32>
      %select_n3A_193 = arith.select %and3A_190, %add3A_192, %rem3A_178 : vector<16xi1>, vector<16xi32>
      %add3A_194 = arith.constant 8 : i32
      %add3A_195 = vector.broadcast %add3A_194 : i32 to vector<16xi32>
      %add3A_196 = arith.addi %add3A_195, %select_n3A_193 : vector<16xi32>
      %jit3A_197 = arith.constant 15 : i32
      %broadcast_in_dim3A_198 = vector.broadcast %jit3A_197 : i32 to vector<16xi32>
      %select_n3A_199 = arith.select %lt3A_168, %broadcast_in_dim3A_198, %add3A_196 : vector<16xi1>, vector<16xi32>
      %parallel_loop3A_200 = arith.constant 0 : i32
      %parallel_loop3A_201 = arith.constant 96 : i32
      %parallel_loop3A_202 = arith.constant 1 : i32
      scf.for %parallel_loop3A_213 = %parallel_loop3A_200 to %parallel_loop3A_201 step %parallel_loop3A_202  : i32 {
        %parallel_loop3A_214 = arith.index_cast %parallel_loop3A_213 : i32 to index
        %parallel_loop3A_215 = arith.constant 120 : index
        %parallel_loop3A_216 = tpu.vector_load %arg13[%parallel_loop3A_214, %parallel_loop3A_215] {strides = array<i32>} : memref<96x136xf32, #tpu.memory_space<vmem>>, vector<16xf32>,
        %parallel_loop3A_217 = arith.index_cast %parallel_loop3A_213 : i32 to index
        %parallel_loop3A_218 = arith.constant 0 : index
        %parallel_loop3A_219 = tpu.vector_load %arg15[%parallel_loop3A_217, %parallel_loop3A_218] {strides = array<i32>} : memref<96x16xf32, #tpu.memory_space<vmem>>, vector<16xf32>,
        %parallel_loop3A_220 = arith.addf %parallel_loop3A_216, %parallel_loop3A_219 : vector<16xf32>
        %parallel_loop3A_221 = arith.constant 0.000000e+00 : f32
        %parallel_loop3A_222 = vector.broadcast %parallel_loop3A_221 : f32 to vector<16xf32>
        %parallel_loop3A_223 = arith.maximumf %parallel_loop3A_220, %parallel_loop3A_222 : vector<16xf32>
        %parallel_loop3A_224 = arith.constant 0.000000e+00 : f32
        %parallel_loop3A_225 = vector.broadcast %parallel_loop3A_224 : f32 to vector<16xf32>
        %parallel_loop3A_226 = arith.minimumf %parallel_loop3A_220, %parallel_loop3A_225 : vector<16xf32>
        %parallel_loop3A_227 = arith.constant 2.000000e-01 : f32
        %parallel_loop3A_228 = vector.broadcast %parallel_loop3A_227 : f32 to vector<16xf32>
        %parallel_loop3A_229 = arith.mulf %parallel_loop3A_228, %parallel_loop3A_226 : vector<16xf32>
        %parallel_loop3A_230 = arith.addf %parallel_loop3A_223, %parallel_loop3A_229 : vector<16xf32>
        %parallel_loop3A_231 = math.exp %parallel_loop3A_230 : vector<16xf32>
        %parallel_loop3A_232 = arith.constant 8 : i32
        %parallel_loop3A_233 = vector.broadcast %parallel_loop3A_232 : i32 to vector<16xi32>
        %parallel_loop3A_234 = arith.constant 0 : i32
        %parallel_loop3A_235 = vector.broadcast %parallel_loop3A_234 : i32 to vector<16xi32>
        %parallel_loop3A_236 = arith.cmpi slt, %parallel_loop3A_233, %parallel_loop3A_235 : vector<16xi32>
        %parallel_loop3A_237 = arith.constant 16 : i32
        %parallel_loop3A_238 = vector.broadcast %parallel_loop3A_237 : i32 to vector<16xi32>
        %parallel_loop3A_239 = arith.addi %parallel_loop3A_233, %parallel_loop3A_238 : vector<16xi32>
        %parallel_loop3A_240 = arith.select %parallel_loop3A_236, %parallel_loop3A_239, %parallel_loop3A_233 : vector<16xi1>, vector<16xi32>
        %parallel_loop3A_241 = vector.shape_cast %parallel_loop3A_240 : vector<16xi32> to vector<16x1xi32>
        %parallel_loop3A_242 = vector.shape_cast %parallel_loop3A_241 : vector<16x1xi32> to vector<16xi32>
        %parallel_loop3A_243 = tpu.dynamic_gather %parallel_loop3A_231[%parallel_loop3A_242] in [0] : vector<16xf32>, vector<16xi32> -> vector<16xf32>
        %parallel_loop3A_244 = arith.index_cast %parallel_loop3A_213 : i32 to index
        %parallel_loop3A_245 = arith.constant 0 : index
        %parallel_loop3A_246 = tpu.vector_load %arg13[%parallel_loop3A_244, %parallel_loop3A_245] {strides = array<i32>} : memref<96x136xf32, #tpu.memory_space<vmem>>, vector<16xf32>,
        %parallel_loop3A_247 = arith.mulf %parallel_loop3A_246, %parallel_loop3A_243 : vector<16xf32>
        %parallel_loop3A_248 = arith.index_cast %parallel_loop3A_213 : i32 to index
        %parallel_loop3A_249 = arith.constant 0 : index
        %parallel_loop3A_250 = tpu.vector_load %arg16[%parallel_loop3A_248, %parallel_loop3A_249] {strides = array<i32>} : memref<96x136xf32, #tpu.memory_space<vmem>>, vector<16xf32>,
        tpu.vector_store %arg16[%parallel_loop3A_248, %parallel_loop3A_249], %parallel_loop3A_247 {strides = array<i32>} : memref<96x136xf32, #tpu.memory_space<vmem>>, vector<16xf32>,
        %parallel_loop3A_251 = arith.constant 9 : i32
        %parallel_loop3A_252 = vector.broadcast %parallel_loop3A_251 : i32 to vector<16xi32>
        %parallel_loop3A_253 = arith.constant 0 : i32
        %parallel_loop3A_254 = vector.broadcast %parallel_loop3A_253 : i32 to vector<16xi32>
        %parallel_loop3A_255 = arith.cmpi slt, %parallel_loop3A_252, %parallel_loop3A_254 : vector<16xi32>
        %parallel_loop3A_256 = arith.constant 16 : i32
        %parallel_loop3A_257 = vector.broadcast %parallel_loop3A_256 : i32 to vector<16xi32>
        %parallel_loop3A_258 = arith.addi %parallel_loop3A_252, %parallel_loop3A_257 : vector<16xi32>
        %parallel_loop3A_259 = arith.select %parallel_loop3A_255, %parallel_loop3A_258, %parallel_loop3A_252 : vector<16xi1>, vector<16xi32>
        %parallel_loop3A_260 = vector.shape_cast %parallel_loop3A_259 : vector<16xi32> to vector<16x1xi32>
        %parallel_loop3A_261 = vector.shape_cast %parallel_loop3A_260 : vector<16x1xi32> to vector<16xi32>
        %parallel_loop3A_262 = tpu.dynamic_gather %parallel_loop3A_231[%parallel_loop3A_261] in [0] : vector<16xf32>, vector<16xi32> -> vector<16xf32>
        %parallel_loop3A_263 = arith.index_cast %parallel_loop3A_213 : i32 to index
        %parallel_loop3A_264 = arith.constant 16 : index
        %parallel_loop3A_265 = tpu.vector_load %arg13[%parallel_loop3A_263, %parallel_loop3A_264] {strides = array<i32>} : memref<96x136xf32, #tpu.memory_space<vmem>>, vector<16xf32>,
        %parallel_loop3A_266 = arith.mulf %parallel_loop3A_265, %parallel_loop3A_262 : vector<16xf32>
        %parallel_loop3A_267 = arith.index_cast %parallel_loop3A_213 : i32 to index
        %parallel_loop3A_268 = arith.constant 16 : index
        %parallel_loop3A_269 = tpu.vector_load %arg16[%parallel_loop3A_267, %parallel_loop3A_268] {strides = array<i32>} : memref<96x136xf32, #tpu.memory_space<vmem>>, vector<16xf32>,
        tpu.vector_store %arg16[%parallel_loop3A_267, %parallel_loop3A_268], %parallel_loop3A_266 {strides = array<i32>} : memref<96x136xf32, #tpu.memory_space<vmem>>, vector<16xf32>,
        %parallel_loop3A_270 = arith.constant 10 : i32
        %parallel_loop3A_271 = vector.broadcast %parallel_loop3A_270 : i32 to vector<16xi32>
        %parallel_loop3A_272 = arith.constant 0 : i32
        %parallel_loop3A_273 = vector.broadcast %parallel_loop3A_272 : i32 to vector<16xi32>
        %parallel_loop3A_274 = arith.cmpi slt, %parallel_loop3A_271, %parallel_loop3A_273 : vector<16xi32>
        %parallel_loop3A_275 = arith.constant 16 : i32
        %parallel_loop3A_276 = vector.broadcast %parallel_loop3A_275 : i32 to vector<16xi32>
        %parallel_loop3A_277 = arith.addi %parallel_loop3A_271, %parallel_loop3A_276 : vector<16xi32>
        %parallel_loop3A_278 = arith.select %parallel_loop3A_274, %parallel_loop3A_277, %parallel_loop3A_271 : vector<16xi1>, vector<16xi32>
        %parallel_loop3A_279 = vector.shape_cast %parallel_loop3A_278 : vector<16xi32> to vector<16x1xi32>
        %parallel_loop3A_280 = vector.shape_cast %parallel_loop3A_279 : vector<16x1xi32> to vector<16xi32>
        %parallel_loop3A_281 = tpu.dynamic_gather %parallel_loop3A_231[%parallel_loop3A_280] in [0] : vector<16xf32>, vector<16xi32> -> vector<16xf32>
        %parallel_loop3A_282 = arith.index_cast %parallel_loop3A_213 : i32 to index
        %parallel_loop3A_283 = arith.constant 32 : index
        %parallel_loop3A_284 = tpu.vector_load %arg13[%parallel_loop3A_282, %parallel_loop3A_283] {strides = array<i32>} : memref<96x136xf32, #tpu.memory_space<vmem>>, vector<16xf32>,
        %parallel_loop3A_285 = arith.mulf %parallel_loop3A_284, %parallel_loop3A_281 : vector<16xf32>
        %parallel_loop3A_286 = arith.index_cast %parallel_loop3A_213 : i32 to index
        %parallel_loop3A_287 = arith.constant 32 : index
        %parallel_loop3A_288 = tpu.vector_load %arg16[%parallel_loop3A_286, %parallel_loop3A_287] {strides = array<i32>} : memref<96x136xf32, #tpu.memory_space<vmem>>, vector<16xf32>,
        tpu.vector_store %arg16[%parallel_loop3A_286, %parallel_loop3A_287], %parallel_loop3A_285 {strides = array<i32>} : memref<96x136xf32, #tpu.memory_space<vmem>>, vector<16xf32>,
        %parallel_loop3A_289 = arith.constant 11 : i32
        %parallel_loop3A_290 = vector.broadcast %parallel_loop3A_289 : i32 to vector<16xi32>
        %parallel_loop3A_291 = arith.constant 0 : i32
        %parallel_loop3A_292 = vector.broadcast %parallel_loop3A_291 : i32 to vector<16xi32>
        %parallel_loop3A_293 = arith.cmpi slt, %parallel_loop3A_290, %parallel_loop3A_292 : vector<16xi32>
        %parallel_loop3A_294 = arith.constant 16 : i32
        %parallel_loop3A_295 = vector.broadcast %parallel_loop3A_294 : i32 to vector<16xi32>
        %parallel_loop3A_296 = arith.addi %parallel_loop3A_290, %parallel_loop3A_295 : vector<16xi32>
        %parallel_loop3A_297 = arith.select %parallel_loop3A_293, %parallel_loop3A_296, %parallel_loop3A_290 : vector<16xi1>, vector<16xi32>
        %parallel_loop3A_298 = vector.shape_cast %parallel_loop3A_297 : vector<16xi32> to vector<16x1xi32>
        %parallel_loop3A_299 = vector.shape_cast %parallel_loop3A_298 : vector<16x1xi32> to vector<16xi32>
        %parallel_loop3A_300 = tpu.dynamic_gather %parallel_loop3A_231[%parallel_loop3A_299] in [0] : vector<16xf32>, vector<16xi32> -> vector<16xf32>
        %parallel_loop3A_301 = arith.index_cast %parallel_loop3A_213 : i32 to index
        %parallel_loop3A_302 = arith.constant 48 : index
        %parallel_loop3A_303 = tpu.vector_load %arg13[%parallel_loop3A_301, %parallel_loop3A_302] {strides = array<i32>} : memref<96x136xf32, #tpu.memory_space<vmem>>, vector<16xf32>,
        %parallel_loop3A_304 = arith.mulf %parallel_loop3A_303, %parallel_loop3A_300 : vector<16xf32>
        %parallel_loop3A_305 = arith.index_cast %parallel_loop3A_213 : i32 to index
        %parallel_loop3A_306 = arith.constant 48 : index
        %parallel_loop3A_307 = tpu.vector_load %arg16[%parallel_loop3A_305, %parallel_loop3A_306] {strides = array<i32>} : memref<96x136xf32, #tpu.memory_space<vmem>>, vector<16xf32>,
        tpu.vector_store %arg16[%parallel_loop3A_305, %parallel_loop3A_306], %parallel_loop3A_304 {strides = array<i32>} : memref<96x136xf32, #tpu.memory_space<vmem>>, vector<16xf32>,
        %parallel_loop3A_308 = arith.constant 12 : i32
        %parallel_loop3A_309 = vector.broadcast %parallel_loop3A_308 : i32 to vector<16xi32>
        %parallel_loop3A_310 = arith.constant 0 : i32
        %parallel_loop3A_311 = vector.broadcast %parallel_loop3A_310 : i32 to vector<16xi32>
        %parallel_loop3A_312 = arith.cmpi slt, %parallel_loop3A_309, %parallel_loop3A_311 : vector<16xi32>
        %parallel_loop3A_313 = arith.constant 16 : i32
        %parallel_loop3A_314 = vector.broadcast %parallel_loop3A_313 : i32 to vector<16xi32>
        %parallel_loop3A_315 = arith.addi %parallel_loop3A_309, %parallel_loop3A_314 : vector<16xi32>
        %parallel_loop3A_316 = arith.select %parallel_loop3A_312, %parallel_loop3A_315, %parallel_loop3A_309 : vector<16xi1>, vector<16xi32>
        %parallel_loop3A_317 = vector.shape_cast %parallel_loop3A_316 : vector<16xi32> to vector<16x1xi32>
        %parallel_loop3A_318 = vector.shape_cast %parallel_loop3A_317 : vector<16x1xi32> to vector<16xi32>
        %parallel_loop3A_319 = tpu.dynamic_gather %parallel_loop3A_231[%parallel_loop3A_318] in [0] : vector<16xf32>, vector<16xi32> -> vector<16xf32>
        %parallel_loop3A_320 = arith.index_cast %parallel_loop3A_213 : i32 to index
        %parallel_loop3A_321 = arith.constant 64 : index
        %parallel_loop3A_322 = tpu.vector_load %arg13[%parallel_loop3A_320, %parallel_loop3A_321] {strides = array<i32>} : memref<96x136xf32, #tpu.memory_space<vmem>>, vector<16xf32>,
        %parallel_loop3A_323 = arith.mulf %parallel_loop3A_322, %parallel_loop3A_319 : vector<16xf32>
        %parallel_loop3A_324 = arith.index_cast %parallel_loop3A_213 : i32 to index
        %parallel_loop3A_325 = arith.constant 64 : index
        %parallel_loop3A_326 = tpu.vector_load %arg16[%parallel_loop3A_324, %parallel_loop3A_325] {strides = array<i32>} : memref<96x136xf32, #tpu.memory_space<vmem>>, vector<16xf32>,
        tpu.vector_store %arg16[%parallel_loop3A_324, %parallel_loop3A_325], %parallel_loop3A_323 {strides = array<i32>} : memref<96x136xf32, #tpu.memory_space<vmem>>, vector<16xf32>,
        %parallel_loop3A_327 = arith.constant 13 : i32
        %parallel_loop3A_328 = vector.broadcast %parallel_loop3A_327 : i32 to vector<16xi32>
        %parallel_loop3A_329 = arith.constant 0 : i32
        %parallel_loop3A_330 = vector.broadcast %parallel_loop3A_329 : i32 to vector<16xi32>
        %parallel_loop3A_331 = arith.cmpi slt, %parallel_loop3A_328, %parallel_loop3A_330 : vector<16xi32>
        %parallel_loop3A_332 = arith.constant 16 : i32
        %parallel_loop3A_333 = vector.broadcast %parallel_loop3A_332 : i32 to vector<16xi32>
        %parallel_loop3A_334 = arith.addi %parallel_loop3A_328, %parallel_loop3A_333 : vector<16xi32>
        %parallel_loop3A_335 = arith.select %parallel_loop3A_331, %parallel_loop3A_334, %parallel_loop3A_328 : vector<16xi1>, vector<16xi32>
        %parallel_loop3A_336 = vector.shape_cast %parallel_loop3A_335 : vector<16xi32> to vector<16x1xi32>
        %parallel_loop3A_337 = vector.shape_cast %parallel_loop3A_336 : vector<16x1xi32> to vector<16xi32>
        %parallel_loop3A_338 = tpu.dynamic_gather %parallel_loop3A_231[%parallel_loop3A_337] in [0] : vector<16xf32>, vector<16xi32> -> vector<16xf32>
        %parallel_loop3A_339 = arith.index_cast %parallel_loop3A_213 : i32 to index
        %parallel_loop3A_340 = arith.constant 80 : index
        %parallel_loop3A_341 = tpu.vector_load %arg13[%parallel_loop3A_339, %parallel_loop3A_340] {strides = array<i32>} : memref<96x136xf32, #tpu.memory_space<vmem>>, vector<16xf32>,
        %parallel_loop3A_342 = arith.mulf %parallel_loop3A_341, %parallel_loop3A_338 : vector<16xf32>
        %parallel_loop3A_343 = arith.index_cast %parallel_loop3A_213 : i32 to index
        %parallel_loop3A_344 = arith.constant 80 : index
        %parallel_loop3A_345 = tpu.vector_load %arg16[%parallel_loop3A_343, %parallel_loop3A_344] {strides = array<i32>} : memref<96x136xf32, #tpu.memory_space<vmem>>, vector<16xf32>,
        tpu.vector_store %arg16[%parallel_loop3A_343, %parallel_loop3A_344], %parallel_loop3A_342 {strides = array<i32>} : memref<96x136xf32, #tpu.memory_space<vmem>>, vector<16xf32>,
        %parallel_loop3A_346 = arith.constant 14 : i32
        %parallel_loop3A_347 = vector.broadcast %parallel_loop3A_346 : i32 to vector<16xi32>
        %parallel_loop3A_348 = arith.constant 0 : i32
        %parallel_loop3A_349 = vector.broadcast %parallel_loop3A_348 : i32 to vector<16xi32>
        %parallel_loop3A_350 = arith.cmpi slt, %parallel_loop3A_347, %parallel_loop3A_349 : vector<16xi32>
        %parallel_loop3A_351 = arith.constant 16 : i32
        %parallel_loop3A_352 = vector.broadcast %parallel_loop3A_351 : i32 to vector<16xi32>
        %parallel_loop3A_353 = arith.addi %parallel_loop3A_347, %parallel_loop3A_352 : vector<16xi32>
        %parallel_loop3A_354 = arith.select %parallel_loop3A_350, %parallel_loop3A_353, %parallel_loop3A_347 : vector<16xi1>, vector<16xi32>
        %parallel_loop3A_355 = vector.shape_cast %parallel_loop3A_354 : vector<16xi32> to vector<16x1xi32>
        %parallel_loop3A_356 = vector.shape_cast %parallel_loop3A_355 : vector<16x1xi32> to vector<16xi32>
        %parallel_loop3A_357 = tpu.dynamic_gather %parallel_loop3A_231[%parallel_loop3A_356] in [0] : vector<16xf32>, vector<16xi32> -> vector<16xf32>
        %parallel_loop3A_358 = arith.index_cast %parallel_loop3A_213 : i32 to index
        %parallel_loop3A_359 = arith.constant 96 : index
        %parallel_loop3A_360 = tpu.vector_load %arg13[%parallel_loop3A_358, %parallel_loop3A_359] {strides = array<i32>} : memref<96x136xf32, #tpu.memory_space<vmem>>, vector<16xf32>,
        %parallel_loop3A_361 = arith.mulf %parallel_loop3A_360, %parallel_loop3A_357 : vector<16xf32>
        %parallel_loop3A_362 = arith.index_cast %parallel_loop3A_213 : i32 to index
        %parallel_loop3A_363 = arith.constant 96 : index
        %parallel_loop3A_364 = tpu.vector_load %arg16[%parallel_loop3A_362, %parallel_loop3A_363] {strides = array<i32>} : memref<96x136xf32, #tpu.memory_space<vmem>>, vector<16xf32>,
        tpu.vector_store %arg16[%parallel_loop3A_362, %parallel_loop3A_363], %parallel_loop3A_361 {strides = array<i32>} : memref<96x136xf32, #tpu.memory_space<vmem>>, vector<16xf32>,
        %parallel_loop3A_365 = arith.constant 15 : i32
        %parallel_loop3A_366 = vector.broadcast %parallel_loop3A_365 : i32 to vector<16xi32>
        %parallel_loop3A_367 = arith.constant 0 : i32
        %parallel_loop3A_368 = vector.broadcast %parallel_loop3A_367 : i32 to vector<16xi32>
        %parallel_loop3A_369 = arith.cmpi slt, %parallel_loop3A_366, %parallel_loop3A_368 : vector<16xi32>
        %parallel_loop3A_370 = arith.constant 16 : i32
        %parallel_loop3A_371 = vector.broadcast %parallel_loop3A_370 : i32 to vector<16xi32>
        %parallel_loop3A_372 = arith.addi %parallel_loop3A_366, %parallel_loop3A_371 : vector<16xi32>
        %parallel_loop3A_373 = arith.select %parallel_loop3A_369, %parallel_loop3A_372, %parallel_loop3A_366 : vector<16xi1>, vector<16xi32>
        %parallel_loop3A_374 = vector.shape_cast %parallel_loop3A_373 : vector<16xi32> to vector<16x1xi32>
        %parallel_loop3A_375 = vector.shape_cast %parallel_loop3A_374 : vector<16x1xi32> to vector<16xi32>
        %parallel_loop3A_376 = tpu.dynamic_gather %parallel_loop3A_231[%parallel_loop3A_375] in [0] : vector<16xf32>, vector<16xi32> -> vector<16xf32>
        %parallel_loop3A_377 = arith.index_cast %parallel_loop3A_213 : i32 to index
        %parallel_loop3A_378 = arith.constant 112 : index
        %parallel_loop3A_379 = tpu.vector_load %arg13[%parallel_loop3A_377, %parallel_loop3A_378] {strides = array<i32>} : memref<96x136xf32, #tpu.memory_space<vmem>>, vector<16xf32>,
        %parallel_loop3A_380 = arith.mulf %parallel_loop3A_379, %parallel_loop3A_376 : vector<16xf32>
        %parallel_loop3A_381 = arith.index_cast %parallel_loop3A_213 : i32 to index
        %parallel_loop3A_382 = arith.constant 112 : index
        %parallel_loop3A_383 = tpu.vector_load %arg16[%parallel_loop3A_381, %parallel_loop3A_382] {strides = array<i32>} : memref<96x136xf32, #tpu.memory_space<vmem>>, vector<16xf32>,
        tpu.vector_store %arg16[%parallel_loop3A_381, %parallel_loop3A_382], %parallel_loop3A_380 {strides = array<i32>} : memref<96x136xf32, #tpu.memory_space<vmem>>, vector<16xf32>,
        %parallel_loop3A_384 = arith.constant 0 : i32
        %parallel_loop3A_385 = vector.broadcast %parallel_loop3A_384 : i32 to vector<16xi32>
        %parallel_loop3A_386 = arith.cmpi slt, %select_n3A_199, %parallel_loop3A_385 : vector<16xi32>
        %parallel_loop3A_387 = arith.constant 16 : i32
        %parallel_loop3A_388 = vector.broadcast %parallel_loop3A_387 : i32 to vector<16xi32>
        %parallel_loop3A_389 = arith.addi %select_n3A_199, %parallel_loop3A_388 : vector<16xi32>
        %parallel_loop3A_390 = arith.select %parallel_loop3A_386, %parallel_loop3A_389, %select_n3A_199 : vector<16xi1>, vector<16xi32>
        %parallel_loop3A_391 = vector.shape_cast %parallel_loop3A_390 : vector<16xi32> to vector<16x1xi32>
        %parallel_loop3A_392 = vector.shape_cast %parallel_loop3A_391 : vector<16x1xi32> to vector<16xi32>
        %parallel_loop3A_393 = tpu.dynamic_gather %parallel_loop3A_231[%parallel_loop3A_392] in [0] : vector<16xf32>, vector<16xi32> -> vector<16xf32>
        %parallel_loop3A_394 = arith.constant 8 : i32
        %parallel_loop3A_395 = vector.broadcast %parallel_loop3A_394 : i32 to vector<16xi32>
        %parallel_loop3A_396 = arith.cmpi slt, %iota3A_165, %parallel_loop3A_395 : vector<16xi32>
        %parallel_loop3A_397 = arith.constant 1.000000e+00 : f32
        %parallel_loop3A_398 = vector.broadcast %parallel_loop3A_397 : f32 to vector<16xf32>
        %parallel_loop3A_399 = arith.select %parallel_loop3A_396, %parallel_loop3A_216, %parallel_loop3A_398 : vector<16xi1>, vector<16xf32>
        %parallel_loop3A_400 = arith.mulf %parallel_loop3A_399, %parallel_loop3A_393 : vector<16xf32>
        %parallel_loop3A_401 = arith.index_cast %parallel_loop3A_213 : i32 to index
        %parallel_loop3A_402 = arith.constant 120 : index
        %parallel_loop3A_403 = tpu.vector_load %arg16[%parallel_loop3A_401, %parallel_loop3A_402] {strides = array<i32>} : memref<96x136xf32, #tpu.memory_space<vmem>>, vector<16xf32>,
        tpu.vector_store %arg16[%parallel_loop3A_401, %parallel_loop3A_402], %parallel_loop3A_400 {strides = array<i32>} : memref<96x136xf32, #tpu.memory_space<vmem>>, vector<16xf32>,
      } {sc.loop_unroll_factor = 4 : i64, sc.parallel_access}
      "tpu.region"() ({
        %run_scoped3A = tpu.sem_alloc : memref<!tpu.dma_semaphore, #tpu.memory_space<semaphore_mem>>
        %dma_start3A_213 = arith.constant 0 : i32
        %dma_start3A_214 = arith.constant 0 : i32
        %dma_start3A_215 = tpu.memref_slice %arg17[%dma_start3A_213, %dma_start3A_214] : memref<10240x136xf32, #tpu.memory_space<vmem_shared>> -> memref<10240x136xf32, #tpu.memory_space<vmem_shared>>
        tpu.enqueue_indirect_dma source(%arg16 : memref<96x136xf32, #tpu.memory_space<vmem>>) target(%dma_start3A_215 : memref<10240x136xf32, #tpu.memory_space<vmem_shared>>) offsets(%arg11 : memref<96xi32, #tpu.memory_space<vmem>>) semaphore(%run_scoped3A : memref<!tpu.dma_semaphore, #tpu.memory_space<semaphore_mem>>) {add = true}
        %dma_wait3A_216 = arith.constant 0 : i32
        %dma_wait3A_217 = arith.constant 0 : i32
        %dma_wait3A_218 = tpu.memref_slice %arg17[%dma_wait3A_216, %dma_wait3A_217] : memref<10240x136xf32, #tpu.memory_space<vmem_shared>> -> memref<10240x136xf32, #tpu.memory_space<vmem_shared>>
        tpu.wait_indirect_dma semaphore(%run_scoped3A : memref<!tpu.dma_semaphore, #tpu.memory_space<semaphore_mem>>) src(%arg16 : memref<96x136xf32, #tpu.memory_space<vmem>>) dst(%dma_wait3A_218 : memref<10240x136xf32, #tpu.memory_space<vmem_shared>>)
        tpu.yield
      }) : () -> ()
      %lt3A_203 = arith.cmpi slt, %add3A_154, %select_n3A : i32
      %convert_element_type3A_204 = arith.extui %lt3A_203 : i1 to i32
      %cond3A_205 = arith.constant 0 : i32
      %cond3A_206 = arith.cmpi ne, %convert_element_type3A_204, %cond3A_205 : i32
      scf.if %cond3A_206 {
        %add3A_213 = arith.addi %select_n3A_8, %add3A_154 : i32
        %mul3A_214 = arith.constant 96 : i32
        %mul3A_215 = arith.muli %add3A_213, %mul3A_214 : i32
        %dma_start3A_216 = tpu.memref_slice %arg5[%mul3A_215] : memref<331776xi32, #tpu.memory_space<hbm>> -> memref<96xi32, #tpu.memory_space<hbm>>
        %dma_start3A_217 = tpu.memref_slice %arg5[%mul3A_215] : memref<331776xi32, #tpu.memory_space<hbm>> -> memref<96xi32, #tpu.memory_space<hbm>>
        tpu.enqueue_dma source(%dma_start3A_217 : memref<96xi32, #tpu.memory_space<hbm>>) target(%arg11 : memref<96xi32, #tpu.memory_space<vmem>>) target_semaphore(%arg25 : memref<!tpu.dma_semaphore, #tpu.memory_space<semaphore_mem>>)
      } else {
      }
      %add3A_207 = arith.constant 3 : i32
      %add3A_208 = arith.addi %mul3A_96, %add3A_207 : i32
      %lt3A_209 = arith.cmpi slt, %add3A_208, %select_n3A : i32
      %convert_element_type3A_210 = arith.extui %lt3A_209 : i1 to i32
      %cond3A_211 = arith.constant 0 : i32
      %cond3A_212 = arith.cmpi ne, %convert_element_type3A_210, %cond3A_211 : i32
      scf.if %cond3A_212 {
        %dma_wait3A_213 = arith.constant 0 : i32
        %dma_wait3A_214 = tpu.memref_slice %arg4[%dma_wait3A_213] : memref<331776xi32, #tpu.memory_space<hbm>> -> memref<96xi32, #tpu.memory_space<hbm>>
        %dma_wait3A_215 = arith.constant 0 : i32
        %dma_wait3A_216 = tpu.memref_slice %arg4[%dma_wait3A_215] : memref<331776xi32, #tpu.memory_space<hbm>> -> memref<96xi32, #tpu.memory_space<hbm>>
        tpu.wait_dma2 semaphore(%arg23 : memref<!tpu.dma_semaphore, #tpu.memory_space<semaphore_mem>>) src(%dma_wait3A_216 : memref<96xi32, #tpu.memory_space<hbm>>) dst(%arg9 : memref<96xi32, #tpu.memory_space<vmem>>)
        %dma_wait3A_217 = arith.constant 0 : i32
        %dma_wait3A_218 = tpu.memref_slice %arg5[%dma_wait3A_217] : memref<331776xi32, #tpu.memory_space<hbm>> -> memref<96xi32, #tpu.memory_space<hbm>>
        %dma_wait3A_219 = arith.constant 0 : i32
        %dma_wait3A_220 = tpu.memref_slice %arg5[%dma_wait3A_219] : memref<331776xi32, #tpu.memory_space<hbm>> -> memref<96xi32, #tpu.memory_space<hbm>>
        tpu.wait_dma2 semaphore(%arg25 : memref<!tpu.dma_semaphore, #tpu.memory_space<semaphore_mem>>) src(%dma_wait3A_220 : memref<96xi32, #tpu.memory_space<hbm>>) dst(%arg11 : memref<96xi32, #tpu.memory_space<vmem>>)
        %dma_start3A_221 = arith.constant 0 : i32
        %dma_start3A_222 = arith.constant 0 : i32
        %dma_start3A_223 = tpu.memref_slice %arg2[%dma_start3A_221, %dma_start3A_222] : memref<10240x136xf32, #tpu.memory_space<hbm>> -> memref<10240x136xf32, #tpu.memory_space<hbm>>
        tpu.enqueue_indirect_dma source(%dma_start3A_223 : memref<10240x136xf32, #tpu.memory_space<hbm>>) target(%arg13 : memref<96x136xf32, #tpu.memory_space<vmem>>) offsets(%arg9 : memref<96xi32, #tpu.memory_space<vmem>>) semaphore(%arg19 : memref<!tpu.dma_semaphore, #tpu.memory_space<semaphore_mem>>)
        %dma_start3A_224 = arith.constant 0 : i32
        %dma_start3A_225 = arith.constant 0 : i32
        %dma_start3A_226 = tpu.memref_slice %arg3[%dma_start3A_224, %dma_start3A_225] : memref<10240x16xf32, #tpu.memory_space<hbm>> -> memref<10240x16xf32, #tpu.memory_space<hbm>>
        tpu.enqueue_indirect_dma source(%dma_start3A_226 : memref<10240x16xf32, #tpu.memory_space<hbm>>) target(%arg15 : memref<96x16xf32, #tpu.memory_space<vmem>>) offsets(%arg11 : memref<96xi32, #tpu.memory_space<vmem>>) semaphore(%arg21 : memref<!tpu.dma_semaphore, #tpu.memory_space<semaphore_mem>>)
      } else {
      }
    }
    %while3A_88 = arith.constant 1 : i32
    scf.for %while3A_94 = %while3A_86 to %while3A_82 step %while3A_88  : i32 {
      %mul3A_95 = arith.constant 2 : i32
      %mul3A_96 = arith.muli %mul3A_95, %while3A_94 : i32
      %add3A_97 = arith.constant 2 : i32
      %add3A_98 = arith.addi %mul3A_96, %add3A_97 : i32
      %dma_wait3A_99 = arith.constant 0 : i32
      %dma_wait3A_100 = arith.constant 0 : i32
      %dma_wait3A_101 = tpu.memref_slice %arg2[%dma_wait3A_99, %dma_wait3A_100] : memref<10240x136xf32, #tpu.memory_space<hbm>> -> memref<10240x136xf32, #tpu.memory_space<hbm>>
      tpu.wait_indirect_dma semaphore(%arg18 : memref<!tpu.dma_semaphore, #tpu.memory_space<semaphore_mem>>) src(%dma_wait3A_101 : memref<10240x136xf32, #tpu.memory_space<hbm>>) dst(%arg12 : memref<96x136xf32, #tpu.memory_space<vmem>>)
      %dma_wait3A_102 = arith.constant 0 : i32
      %dma_wait3A_103 = arith.constant 0 : i32
      %dma_wait3A_104 = tpu.memref_slice %arg3[%dma_wait3A_102, %dma_wait3A_103] : memref<10240x16xf32, #tpu.memory_space<hbm>> -> memref<10240x16xf32, #tpu.memory_space<hbm>>
      tpu.wait_indirect_dma semaphore(%arg20 : memref<!tpu.dma_semaphore, #tpu.memory_space<semaphore_mem>>) src(%dma_wait3A_104 : memref<10240x16xf32, #tpu.memory_space<hbm>>) dst(%arg14 : memref<96x16xf32, #tpu.memory_space<vmem>>)
      %lt3A = arith.cmpi slt, %add3A_98, %select_n3A : i32
      %convert_element_type3A_105 = arith.extui %lt3A : i1 to i32
      %cond3A_106 = arith.constant 0 : i32
      %cond3A_107 = arith.cmpi ne, %convert_element_type3A_105, %cond3A_106 : i32
      scf.if %cond3A_107 {
        %add3A_213 = arith.addi %select_n3A_8, %add3A_98 : i32
        %mul3A_214 = arith.constant 96 : i32
        %mul3A_215 = arith.muli %add3A_213, %mul3A_214 : i32
        %dma_start3A_216 = tpu.memref_slice %arg4[%mul3A_215] : memref<331776xi32, #tpu.memory_space<hbm>> -> memref<96xi32, #tpu.memory_space<hbm>>
        %dma_start3A_217 = tpu.memref_slice %arg4[%mul3A_215] : memref<331776xi32, #tpu.memory_space<hbm>> -> memref<96xi32, #tpu.memory_space<hbm>>
        tpu.enqueue_dma source(%dma_start3A_217 : memref<96xi32, #tpu.memory_space<hbm>>) target(%arg8 : memref<96xi32, #tpu.memory_space<vmem>>) target_semaphore(%arg22 : memref<!tpu.dma_semaphore, #tpu.memory_space<semaphore_mem>>)
      } else {
      }
      %iota3A = tpu.iota {dimensions = array<i32: 0>} : vector<16xi32>
      %lt3A_108 = arith.constant 8 : i32
      %lt3A_109 = vector.broadcast %lt3A_108 : i32 to vector<16xi32>
      %lt3A_110 = arith.cmpi slt, %iota3A, %lt3A_109 : vector<16xi32>
      %sub3A_111 = arith.constant 8 : i32
      %sub3A_112 = vector.broadcast %sub3A_111 : i32 to vector<16xi32>
      %sub3A_113 = arith.subi %iota3A, %sub3A_112 : vector<16xi32>
      %jit3A_114 = arith.constant 8 : i32
      %eq3A_115 = arith.constant 0 : i32
      %eq3A_116 = arith.cmpi eq, %jit3A_114, %eq3A_115 : i32
      %jit3A_117 = arith.constant 1 : i32
      %select_n3A_118 = arith.select %eq3A_116, %jit3A_117, %jit3A_114 : i32
      %rem3A_119 = vector.broadcast %select_n3A_118 : i32 to vector<16xi32>
      %rem3A_120 = arith.remsi %sub3A_113, %rem3A_119 : vector<16xi32>
      %ne3A_121 = arith.constant 0 : i32
      %ne3A_122 = vector.broadcast %ne3A_121 : i32 to vector<16xi32>
      %ne3A_123 = arith.cmpi ne, %rem3A_120, %ne3A_122 : vector<16xi32>
      %lt3A_124 = arith.constant 0 : i32
      %lt3A_125 = vector.broadcast %lt3A_124 : i32 to vector<16xi32>
      %lt3A_126 = arith.cmpi slt, %rem3A_120, %lt3A_125 : vector<16xi32>
      %lt3A_127 = arith.constant 0 : i32
      %lt3A_128 = arith.cmpi slt, %select_n3A_118, %lt3A_127 : i32
      %ne3A_129 = vector.broadcast %lt3A_128 : i1 to vector<16xi1>
      %ne3A_130 = vector.broadcast %ne3A_129 : vector<16xi1> to vector<16xi1>
      %ne3A_131 = arith.xori %lt3A_126, %ne3A_130 : vector<16xi1>
      %and3A_132 = arith.andi %ne3A_131, %ne3A_123 : vector<16xi1>
      %add3A_133 = vector.broadcast %select_n3A_118 : i32 to vector<16xi32>
      %add3A_134 = arith.addi %rem3A_120, %add3A_133 : vector<16xi32>
      %select_n3A_135 = arith.select %and3A_132, %add3A_134, %rem3A_120 : vector<16xi1>, vector<16xi32>
      %add3A_136 = arith.constant 8 : i32
      %add3A_137 = vector.broadcast %add3A_136 : i32 to vector<16xi32>
      %add3A_138 = arith.addi %add3A_137, %select_n3A_135 : vector<16xi32>
      %jit3A_139 = arith.constant 15 : i32
      %broadcast_in_dim3A = vector.broadcast %jit3A_139 : i32 to vector<16xi32>
      %select_n3A_140 = arith.select %lt3A_110, %broadcast_in_dim3A, %add3A_138 : vector<16xi1>, vector<16xi32>
      %parallel_loop3A = arith.constant 0 : i32
      %parallel_loop3A_141 = arith.constant 96 : i32
      %parallel_loop3A_142 = arith.constant 1 : i32
      scf.for %parallel_loop3A_213 = %parallel_loop3A to %parallel_loop3A_141 step %parallel_loop3A_142  : i32 {
        %parallel_loop3A_214 = arith.index_cast %parallel_loop3A_213 : i32 to index
        %parallel_loop3A_215 = arith.constant 120 : index
        %parallel_loop3A_216 = tpu.vector_load %arg12[%parallel_loop3A_214, %parallel_loop3A_215] {strides = array<i32>} : memref<96x136xf32, #tpu.memory_space<vmem>>, vector<16xf32>,
        %parallel_loop3A_217 = arith.index_cast %parallel_loop3A_213 : i32 to index
        %parallel_loop3A_218 = arith.constant 0 : index
        %parallel_loop3A_219 = tpu.vector_load %arg14[%parallel_loop3A_217, %parallel_loop3A_218] {strides = array<i32>} : memref<96x16xf32, #tpu.memory_space<vmem>>, vector<16xf32>,
        %parallel_loop3A_220 = arith.addf %parallel_loop3A_216, %parallel_loop3A_219 : vector<16xf32>
        %parallel_loop3A_221 = arith.constant 0.000000e+00 : f32
        %parallel_loop3A_222 = vector.broadcast %parallel_loop3A_221 : f32 to vector<16xf32>
        %parallel_loop3A_223 = arith.maximumf %parallel_loop3A_220, %parallel_loop3A_222 : vector<16xf32>
        %parallel_loop3A_224 = arith.constant 0.000000e+00 : f32
        %parallel_loop3A_225 = vector.broadcast %parallel_loop3A_224 : f32 to vector<16xf32>
        %parallel_loop3A_226 = arith.minimumf %parallel_loop3A_220, %parallel_loop3A_225 : vector<16xf32>
        %parallel_loop3A_227 = arith.constant 2.000000e-01 : f32
        %parallel_loop3A_228 = vector.broadcast %parallel_loop3A_227 : f32 to vector<16xf32>
        %parallel_loop3A_229 = arith.mulf %parallel_loop3A_228, %parallel_loop3A_226 : vector<16xf32>
        %parallel_loop3A_230 = arith.addf %parallel_loop3A_223, %parallel_loop3A_229 : vector<16xf32>
        %parallel_loop3A_231 = math.exp %parallel_loop3A_230 : vector<16xf32>
        %parallel_loop3A_232 = arith.constant 8 : i32
        %parallel_loop3A_233 = vector.broadcast %parallel_loop3A_232 : i32 to vector<16xi32>
        %parallel_loop3A_234 = arith.constant 0 : i32
        %parallel_loop3A_235 = vector.broadcast %parallel_loop3A_234 : i32 to vector<16xi32>
        %parallel_loop3A_236 = arith.cmpi slt, %parallel_loop3A_233, %parallel_loop3A_235 : vector<16xi32>
        %parallel_loop3A_237 = arith.constant 16 : i32
        %parallel_loop3A_238 = vector.broadcast %parallel_loop3A_237 : i32 to vector<16xi32>
        %parallel_loop3A_239 = arith.addi %parallel_loop3A_233, %parallel_loop3A_238 : vector<16xi32>
        %parallel_loop3A_240 = arith.select %parallel_loop3A_236, %parallel_loop3A_239, %parallel_loop3A_233 : vector<16xi1>, vector<16xi32>
        %parallel_loop3A_241 = vector.shape_cast %parallel_loop3A_240 : vector<16xi32> to vector<16x1xi32>
        %parallel_loop3A_242 = vector.shape_cast %parallel_loop3A_241 : vector<16x1xi32> to vector<16xi32>
        %parallel_loop3A_243 = tpu.dynamic_gather %parallel_loop3A_231[%parallel_loop3A_242] in [0] : vector<16xf32>, vector<16xi32> -> vector<16xf32>
        %parallel_loop3A_244 = arith.index_cast %parallel_loop3A_213 : i32 to index
        %parallel_loop3A_245 = arith.constant 0 : index
        %parallel_loop3A_246 = tpu.vector_load %arg12[%parallel_loop3A_244, %parallel_loop3A_245] {strides = array<i32>} : memref<96x136xf32, #tpu.memory_space<vmem>>, vector<16xf32>,
        %parallel_loop3A_247 = arith.mulf %parallel_loop3A_246, %parallel_loop3A_243 : vector<16xf32>
        %parallel_loop3A_248 = arith.index_cast %parallel_loop3A_213 : i32 to index
        %parallel_loop3A_249 = arith.constant 0 : index
        %parallel_loop3A_250 = tpu.vector_load %arg16[%parallel_loop3A_248, %parallel_loop3A_249] {strides = array<i32>} : memref<96x136xf32, #tpu.memory_space<vmem>>, vector<16xf32>,
        tpu.vector_store %arg16[%parallel_loop3A_248, %parallel_loop3A_249], %parallel_loop3A_247 {strides = array<i32>} : memref<96x136xf32, #tpu.memory_space<vmem>>, vector<16xf32>,
        %parallel_loop3A_251 = arith.constant 9 : i32
        %parallel_loop3A_252 = vector.broadcast %parallel_loop3A_251 : i32 to vector<16xi32>
        %parallel_loop3A_253 = arith.constant 0 : i32
        %parallel_loop3A_254 = vector.broadcast %parallel_loop3A_253 : i32 to vector<16xi32>
        %parallel_loop3A_255 = arith.cmpi slt, %parallel_loop3A_252, %parallel_loop3A_254 : vector<16xi32>
        %parallel_loop3A_256 = arith.constant 16 : i32
        %parallel_loop3A_257 = vector.broadcast %parallel_loop3A_256 : i32 to vector<16xi32>
        %parallel_loop3A_258 = arith.addi %parallel_loop3A_252, %parallel_loop3A_257 : vector<16xi32>
        %parallel_loop3A_259 = arith.select %parallel_loop3A_255, %parallel_loop3A_258, %parallel_loop3A_252 : vector<16xi1>, vector<16xi32>
        %parallel_loop3A_260 = vector.shape_cast %parallel_loop3A_259 : vector<16xi32> to vector<16x1xi32>
        %parallel_loop3A_261 = vector.shape_cast %parallel_loop3A_260 : vector<16x1xi32> to vector<16xi32>
        %parallel_loop3A_262 = tpu.dynamic_gather %parallel_loop3A_231[%parallel_loop3A_261] in [0] : vector<16xf32>, vector<16xi32> -> vector<16xf32>
        %parallel_loop3A_263 = arith.index_cast %parallel_loop3A_213 : i32 to index
        %parallel_loop3A_264 = arith.constant 16 : index
        %parallel_loop3A_265 = tpu.vector_load %arg12[%parallel_loop3A_263, %parallel_loop3A_264] {strides = array<i32>} : memref<96x136xf32, #tpu.memory_space<vmem>>, vector<16xf32>,
        %parallel_loop3A_266 = arith.mulf %parallel_loop3A_265, %parallel_loop3A_262 : vector<16xf32>
        %parallel_loop3A_267 = arith.index_cast %parallel_loop3A_213 : i32 to index
        %parallel_loop3A_268 = arith.constant 16 : index
        %parallel_loop3A_269 = tpu.vector_load %arg16[%parallel_loop3A_267, %parallel_loop3A_268] {strides = array<i32>} : memref<96x136xf32, #tpu.memory_space<vmem>>, vector<16xf32>,
        tpu.vector_store %arg16[%parallel_loop3A_267, %parallel_loop3A_268], %parallel_loop3A_266 {strides = array<i32>} : memref<96x136xf32, #tpu.memory_space<vmem>>, vector<16xf32>,
        %parallel_loop3A_270 = arith.constant 10 : i32
        %parallel_loop3A_271 = vector.broadcast %parallel_loop3A_270 : i32 to vector<16xi32>
        %parallel_loop3A_272 = arith.constant 0 : i32
        %parallel_loop3A_273 = vector.broadcast %parallel_loop3A_272 : i32 to vector<16xi32>
        %parallel_loop3A_274 = arith.cmpi slt, %parallel_loop3A_271, %parallel_loop3A_273 : vector<16xi32>
        %parallel_loop3A_275 = arith.constant 16 : i32
        %parallel_loop3A_276 = vector.broadcast %parallel_loop3A_275 : i32 to vector<16xi32>
        %parallel_loop3A_277 = arith.addi %parallel_loop3A_271, %parallel_loop3A_276 : vector<16xi32>
        %parallel_loop3A_278 = arith.select %parallel_loop3A_274, %parallel_loop3A_277, %parallel_loop3A_271 : vector<16xi1>, vector<16xi32>
        %parallel_loop3A_279 = vector.shape_cast %parallel_loop3A_278 : vector<16xi32> to vector<16x1xi32>
        %parallel_loop3A_280 = vector.shape_cast %parallel_loop3A_279 : vector<16x1xi32> to vector<16xi32>
        %parallel_loop3A_281 = tpu.dynamic_gather %parallel_loop3A_231[%parallel_loop3A_280] in [0] : vector<16xf32>, vector<16xi32> -> vector<16xf32>
        %parallel_loop3A_282 = arith.index_cast %parallel_loop3A_213 : i32 to index
        %parallel_loop3A_283 = arith.constant 32 : index
        %parallel_loop3A_284 = tpu.vector_load %arg12[%parallel_loop3A_282, %parallel_loop3A_283] {strides = array<i32>} : memref<96x136xf32, #tpu.memory_space<vmem>>, vector<16xf32>,
        %parallel_loop3A_285 = arith.mulf %parallel_loop3A_284, %parallel_loop3A_281 : vector<16xf32>
        %parallel_loop3A_286 = arith.index_cast %parallel_loop3A_213 : i32 to index
        %parallel_loop3A_287 = arith.constant 32 : index
        %parallel_loop3A_288 = tpu.vector_load %arg16[%parallel_loop3A_286, %parallel_loop3A_287] {strides = array<i32>} : memref<96x136xf32, #tpu.memory_space<vmem>>, vector<16xf32>,
        tpu.vector_store %arg16[%parallel_loop3A_286, %parallel_loop3A_287], %parallel_loop3A_285 {strides = array<i32>} : memref<96x136xf32, #tpu.memory_space<vmem>>, vector<16xf32>,
        %parallel_loop3A_289 = arith.constant 11 : i32
        %parallel_loop3A_290 = vector.broadcast %parallel_loop3A_289 : i32 to vector<16xi32>
        %parallel_loop3A_291 = arith.constant 0 : i32
        %parallel_loop3A_292 = vector.broadcast %parallel_loop3A_291 : i32 to vector<16xi32>
        %parallel_loop3A_293 = arith.cmpi slt, %parallel_loop3A_290, %parallel_loop3A_292 : vector<16xi32>
        %parallel_loop3A_294 = arith.constant 16 : i32
        %parallel_loop3A_295 = vector.broadcast %parallel_loop3A_294 : i32 to vector<16xi32>
        %parallel_loop3A_296 = arith.addi %parallel_loop3A_290, %parallel_loop3A_295 : vector<16xi32>
        %parallel_loop3A_297 = arith.select %parallel_loop3A_293, %parallel_loop3A_296, %parallel_loop3A_290 : vector<16xi1>, vector<16xi32>
        %parallel_loop3A_298 = vector.shape_cast %parallel_loop3A_297 : vector<16xi32> to vector<16x1xi32>
        %parallel_loop3A_299 = vector.shape_cast %parallel_loop3A_298 : vector<16x1xi32> to vector<16xi32>
        %parallel_loop3A_300 = tpu.dynamic_gather %parallel_loop3A_231[%parallel_loop3A_299] in [0] : vector<16xf32>, vector<16xi32> -> vector<16xf32>
        %parallel_loop3A_301 = arith.index_cast %parallel_loop3A_213 : i32 to index
        %parallel_loop3A_302 = arith.constant 48 : index
        %parallel_loop3A_303 = tpu.vector_load %arg12[%parallel_loop3A_301, %parallel_loop3A_302] {strides = array<i32>} : memref<96x136xf32, #tpu.memory_space<vmem>>, vector<16xf32>,
        %parallel_loop3A_304 = arith.mulf %parallel_loop3A_303, %parallel_loop3A_300 : vector<16xf32>
        %parallel_loop3A_305 = arith.index_cast %parallel_loop3A_213 : i32 to index
        %parallel_loop3A_306 = arith.constant 48 : index
        %parallel_loop3A_307 = tpu.vector_load %arg16[%parallel_loop3A_305, %parallel_loop3A_306] {strides = array<i32>} : memref<96x136xf32, #tpu.memory_space<vmem>>, vector<16xf32>,
        tpu.vector_store %arg16[%parallel_loop3A_305, %parallel_loop3A_306], %parallel_loop3A_304 {strides = array<i32>} : memref<96x136xf32, #tpu.memory_space<vmem>>, vector<16xf32>,
        %parallel_loop3A_308 = arith.constant 12 : i32
        %parallel_loop3A_309 = vector.broadcast %parallel_loop3A_308 : i32 to vector<16xi32>
        %parallel_loop3A_310 = arith.constant 0 : i32
        %parallel_loop3A_311 = vector.broadcast %parallel_loop3A_310 : i32 to vector<16xi32>
        %parallel_loop3A_312 = arith.cmpi slt, %parallel_loop3A_309, %parallel_loop3A_311 : vector<16xi32>
        %parallel_loop3A_313 = arith.constant 16 : i32
        %parallel_loop3A_314 = vector.broadcast %parallel_loop3A_313 : i32 to vector<16xi32>
        %parallel_loop3A_315 = arith.addi %parallel_loop3A_309, %parallel_loop3A_314 : vector<16xi32>
        %parallel_loop3A_316 = arith.select %parallel_loop3A_312, %parallel_loop3A_315, %parallel_loop3A_309 : vector<16xi1>, vector<16xi32>
        %parallel_loop3A_317 = vector.shape_cast %parallel_loop3A_316 : vector<16xi32> to vector<16x1xi32>
        %parallel_loop3A_318 = vector.shape_cast %parallel_loop3A_317 : vector<16x1xi32> to vector<16xi32>
        %parallel_loop3A_319 = tpu.dynamic_gather %parallel_loop3A_231[%parallel_loop3A_318] in [0] : vector<16xf32>, vector<16xi32> -> vector<16xf32>
        %parallel_loop3A_320 = arith.index_cast %parallel_loop3A_213 : i32 to index
        %parallel_loop3A_321 = arith.constant 64 : index
        %parallel_loop3A_322 = tpu.vector_load %arg12[%parallel_loop3A_320, %parallel_loop3A_321] {strides = array<i32>} : memref<96x136xf32, #tpu.memory_space<vmem>>, vector<16xf32>,
        %parallel_loop3A_323 = arith.mulf %parallel_loop3A_322, %parallel_loop3A_319 : vector<16xf32>
        %parallel_loop3A_324 = arith.index_cast %parallel_loop3A_213 : i32 to index
        %parallel_loop3A_325 = arith.constant 64 : index
        %parallel_loop3A_326 = tpu.vector_load %arg16[%parallel_loop3A_324, %parallel_loop3A_325] {strides = array<i32>} : memref<96x136xf32, #tpu.memory_space<vmem>>, vector<16xf32>,
        tpu.vector_store %arg16[%parallel_loop3A_324, %parallel_loop3A_325], %parallel_loop3A_323 {strides = array<i32>} : memref<96x136xf32, #tpu.memory_space<vmem>>, vector<16xf32>,
        %parallel_loop3A_327 = arith.constant 13 : i32
        %parallel_loop3A_328 = vector.broadcast %parallel_loop3A_327 : i32 to vector<16xi32>
        %parallel_loop3A_329 = arith.constant 0 : i32
        %parallel_loop3A_330 = vector.broadcast %parallel_loop3A_329 : i32 to vector<16xi32>
        %parallel_loop3A_331 = arith.cmpi slt, %parallel_loop3A_328, %parallel_loop3A_330 : vector<16xi32>
        %parallel_loop3A_332 = arith.constant 16 : i32
        %parallel_loop3A_333 = vector.broadcast %parallel_loop3A_332 : i32 to vector<16xi32>
        %parallel_loop3A_334 = arith.addi %parallel_loop3A_328, %parallel_loop3A_333 : vector<16xi32>
        %parallel_loop3A_335 = arith.select %parallel_loop3A_331, %parallel_loop3A_334, %parallel_loop3A_328 : vector<16xi1>, vector<16xi32>
        %parallel_loop3A_336 = vector.shape_cast %parallel_loop3A_335 : vector<16xi32> to vector<16x1xi32>
        %parallel_loop3A_337 = vector.shape_cast %parallel_loop3A_336 : vector<16x1xi32> to vector<16xi32>
        %parallel_loop3A_338 = tpu.dynamic_gather %parallel_loop3A_231[%parallel_loop3A_337] in [0] : vector<16xf32>, vector<16xi32> -> vector<16xf32>
        %parallel_loop3A_339 = arith.index_cast %parallel_loop3A_213 : i32 to index
        %parallel_loop3A_340 = arith.constant 80 : index
        %parallel_loop3A_341 = tpu.vector_load %arg12[%parallel_loop3A_339, %parallel_loop3A_340] {strides = array<i32>} : memref<96x136xf32, #tpu.memory_space<vmem>>, vector<16xf32>,
        %parallel_loop3A_342 = arith.mulf %parallel_loop3A_341, %parallel_loop3A_338 : vector<16xf32>
        %parallel_loop3A_343 = arith.index_cast %parallel_loop3A_213 : i32 to index
        %parallel_loop3A_344 = arith.constant 80 : index
        %parallel_loop3A_345 = tpu.vector_load %arg16[%parallel_loop3A_343, %parallel_loop3A_344] {strides = array<i32>} : memref<96x136xf32, #tpu.memory_space<vmem>>, vector<16xf32>,
        tpu.vector_store %arg16[%parallel_loop3A_343, %parallel_loop3A_344], %parallel_loop3A_342 {strides = array<i32>} : memref<96x136xf32, #tpu.memory_space<vmem>>, vector<16xf32>,
        %parallel_loop3A_346 = arith.constant 14 : i32
        %parallel_loop3A_347 = vector.broadcast %parallel_loop3A_346 : i32 to vector<16xi32>
        %parallel_loop3A_348 = arith.constant 0 : i32
        %parallel_loop3A_349 = vector.broadcast %parallel_loop3A_348 : i32 to vector<16xi32>
        %parallel_loop3A_350 = arith.cmpi slt, %parallel_loop3A_347, %parallel_loop3A_349 : vector<16xi32>
        %parallel_loop3A_351 = arith.constant 16 : i32
        %parallel_loop3A_352 = vector.broadcast %parallel_loop3A_351 : i32 to vector<16xi32>
        %parallel_loop3A_353 = arith.addi %parallel_loop3A_347, %parallel_loop3A_352 : vector<16xi32>
        %parallel_loop3A_354 = arith.select %parallel_loop3A_350, %parallel_loop3A_353, %parallel_loop3A_347 : vector<16xi1>, vector<16xi32>
        %parallel_loop3A_355 = vector.shape_cast %parallel_loop3A_354 : vector<16xi32> to vector<16x1xi32>
        %parallel_loop3A_356 = vector.shape_cast %parallel_loop3A_355 : vector<16x1xi32> to vector<16xi32>
        %parallel_loop3A_357 = tpu.dynamic_gather %parallel_loop3A_231[%parallel_loop3A_356] in [0] : vector<16xf32>, vector<16xi32> -> vector<16xf32>
        %parallel_loop3A_358 = arith.index_cast %parallel_loop3A_213 : i32 to index
        %parallel_loop3A_359 = arith.constant 96 : index
        %parallel_loop3A_360 = tpu.vector_load %arg12[%parallel_loop3A_358, %parallel_loop3A_359] {strides = array<i32>} : memref<96x136xf32, #tpu.memory_space<vmem>>, vector<16xf32>,
        %parallel_loop3A_361 = arith.mulf %parallel_loop3A_360, %parallel_loop3A_357 : vector<16xf32>
        %parallel_loop3A_362 = arith.index_cast %parallel_loop3A_213 : i32 to index
        %parallel_loop3A_363 = arith.constant 96 : index
        %parallel_loop3A_364 = tpu.vector_load %arg16[%parallel_loop3A_362, %parallel_loop3A_363] {strides = array<i32>} : memref<96x136xf32, #tpu.memory_space<vmem>>, vector<16xf32>,
        tpu.vector_store %arg16[%parallel_loop3A_362, %parallel_loop3A_363], %parallel_loop3A_361 {strides = array<i32>} : memref<96x136xf32, #tpu.memory_space<vmem>>, vector<16xf32>,
        %parallel_loop3A_365 = arith.constant 15 : i32
        %parallel_loop3A_366 = vector.broadcast %parallel_loop3A_365 : i32 to vector<16xi32>
        %parallel_loop3A_367 = arith.constant 0 : i32
        %parallel_loop3A_368 = vector.broadcast %parallel_loop3A_367 : i32 to vector<16xi32>
        %parallel_loop3A_369 = arith.cmpi slt, %parallel_loop3A_366, %parallel_loop3A_368 : vector<16xi32>
        %parallel_loop3A_370 = arith.constant 16 : i32
        %parallel_loop3A_371 = vector.broadcast %parallel_loop3A_370 : i32 to vector<16xi32>
        %parallel_loop3A_372 = arith.addi %parallel_loop3A_366, %parallel_loop3A_371 : vector<16xi32>
        %parallel_loop3A_373 = arith.select %parallel_loop3A_369, %parallel_loop3A_372, %parallel_loop3A_366 : vector<16xi1>, vector<16xi32>
        %parallel_loop3A_374 = vector.shape_cast %parallel_loop3A_373 : vector<16xi32> to vector<16x1xi32>
        %parallel_loop3A_375 = vector.shape_cast %parallel_loop3A_374 : vector<16x1xi32> to vector<16xi32>
        %parallel_loop3A_376 = tpu.dynamic_gather %parallel_loop3A_231[%parallel_loop3A_375] in [0] : vector<16xf32>, vector<16xi32> -> vector<16xf32>
        %parallel_loop3A_377 = arith.index_cast %parallel_loop3A_213 : i32 to index
        %parallel_loop3A_378 = arith.constant 112 : index
        %parallel_loop3A_379 = tpu.vector_load %arg12[%parallel_loop3A_377, %parallel_loop3A_378] {strides = array<i32>} : memref<96x136xf32, #tpu.memory_space<vmem>>, vector<16xf32>,
        %parallel_loop3A_380 = arith.mulf %parallel_loop3A_379, %parallel_loop3A_376 : vector<16xf32>
        %parallel_loop3A_381 = arith.index_cast %parallel_loop3A_213 : i32 to index
        %parallel_loop3A_382 = arith.constant 112 : index
        %parallel_loop3A_383 = tpu.vector_load %arg16[%parallel_loop3A_381, %parallel_loop3A_382] {strides = array<i32>} : memref<96x136xf32, #tpu.memory_space<vmem>>, vector<16xf32>,
        tpu.vector_store %arg16[%parallel_loop3A_381, %parallel_loop3A_382], %parallel_loop3A_380 {strides = array<i32>} : memref<96x136xf32, #tpu.memory_space<vmem>>, vector<16xf32>,
        %parallel_loop3A_384 = arith.constant 0 : i32
        %parallel_loop3A_385 = vector.broadcast %parallel_loop3A_384 : i32 to vector<16xi32>
        %parallel_loop3A_386 = arith.cmpi slt, %select_n3A_140, %parallel_loop3A_385 : vector<16xi32>
        %parallel_loop3A_387 = arith.constant 16 : i32
        %parallel_loop3A_388 = vector.broadcast %parallel_loop3A_387 : i32 to vector<16xi32>
        %parallel_loop3A_389 = arith.addi %select_n3A_140, %parallel_loop3A_388 : vector<16xi32>
        %parallel_loop3A_390 = arith.select %parallel_loop3A_386, %parallel_loop3A_389, %select_n3A_140 : vector<16xi1>, vector<16xi32>
        %parallel_loop3A_391 = vector.shape_cast %parallel_loop3A_390 : vector<16xi32> to vector<16x1xi32>
        %parallel_loop3A_392 = vector.shape_cast %parallel_loop3A_391 : vector<16x1xi32> to vector<16xi32>
        %parallel_loop3A_393 = tpu.dynamic_gather %parallel_loop3A_231[%parallel_loop3A_392] in [0] : vector<16xf32>, vector<16xi32> -> vector<16xf32>
        %parallel_loop3A_394 = arith.constant 8 : i32
        %parallel_loop3A_395 = vector.broadcast %parallel_loop3A_394 : i32 to vector<16xi32>
        %parallel_loop3A_396 = arith.cmpi slt, %iota3A, %parallel_loop3A_395 : vector<16xi32>
        %parallel_loop3A_397 = arith.constant 1.000000e+00 : f32
        %parallel_loop3A_398 = vector.broadcast %parallel_loop3A_397 : f32 to vector<16xf32>
        %parallel_loop3A_399 = arith.select %parallel_loop3A_396, %parallel_loop3A_216, %parallel_loop3A_398 : vector<16xi1>, vector<16xf32>
        %parallel_loop3A_400 = arith.mulf %parallel_loop3A_399, %parallel_loop3A_393 : vector<16xf32>
        %parallel_loop3A_401 = arith.index_cast %parallel_loop3A_213 : i32 to index
        %parallel_loop3A_402 = arith.constant 120 : index
        %parallel_loop3A_403 = tpu.vector_load %arg16[%parallel_loop3A_401, %parallel_loop3A_402] {strides = array<i32>} : memref<96x136xf32, #tpu.memory_space<vmem>>, vector<16xf32>,
        tpu.vector_store %arg16[%parallel_loop3A_401, %parallel_loop3A_402], %parallel_loop3A_400 {strides = array<i32>} : memref<96x136xf32, #tpu.memory_space<vmem>>, vector<16xf32>,
      } {sc.loop_unroll_factor = 4 : i64, sc.parallel_access}
      "tpu.region"() ({
        %run_scoped3A = tpu.sem_alloc : memref<!tpu.dma_semaphore, #tpu.memory_space<semaphore_mem>>
        %dma_start3A_213 = arith.constant 0 : i32
        %dma_start3A_214 = arith.constant 0 : i32
        %dma_start3A_215 = tpu.memref_slice %arg17[%dma_start3A_213, %dma_start3A_214] : memref<10240x136xf32, #tpu.memory_space<vmem_shared>> -> memref<10240x136xf32, #tpu.memory_space<vmem_shared>>
        tpu.enqueue_indirect_dma source(%arg16 : memref<96x136xf32, #tpu.memory_space<vmem>>) target(%dma_start3A_215 : memref<10240x136xf32, #tpu.memory_space<vmem_shared>>) offsets(%arg10 : memref<96xi32, #tpu.memory_space<vmem>>) semaphore(%run_scoped3A : memref<!tpu.dma_semaphore, #tpu.memory_space<semaphore_mem>>) {add = true}
        %dma_wait3A_216 = arith.constant 0 : i32
        %dma_wait3A_217 = arith.constant 0 : i32
        %dma_wait3A_218 = tpu.memref_slice %arg17[%dma_wait3A_216, %dma_wait3A_217] : memref<10240x136xf32, #tpu.memory_space<vmem_shared>> -> memref<10240x136xf32, #tpu.memory_space<vmem_shared>>
        tpu.wait_indirect_dma semaphore(%run_scoped3A : memref<!tpu.dma_semaphore, #tpu.memory_space<semaphore_mem>>) src(%arg16 : memref<96x136xf32, #tpu.memory_space<vmem>>) dst(%dma_wait3A_218 : memref<10240x136xf32, #tpu.memory_space<vmem_shared>>)
        tpu.yield
      }) : () -> ()
      %lt3A_143 = arith.cmpi slt, %add3A_98, %select_n3A : i32
      %convert_element_type3A_144 = arith.extui %lt3A_143 : i1 to i32
      %cond3A_145 = arith.constant 0 : i32
      %cond3A_146 = arith.cmpi ne, %convert_element_type3A_144, %cond3A_145 : i32
      scf.if %cond3A_146 {
        %add3A_213 = arith.addi %select_n3A_8, %add3A_98 : i32
        %mul3A_214 = arith.constant 96 : i32
        %mul3A_215 = arith.muli %add3A_213, %mul3A_214 : i32
        %dma_start3A_216 = tpu.memref_slice %arg5[%mul3A_215] : memref<331776xi32, #tpu.memory_space<hbm>> -> memref<96xi32, #tpu.memory_space<hbm>>
        %dma_start3A_217 = tpu.memref_slice %arg5[%mul3A_215] : memref<331776xi32, #tpu.memory_space<hbm>> -> memref<96xi32, #tpu.memory_space<hbm>>
        tpu.enqueue_dma source(%dma_start3A_217 : memref<96xi32, #tpu.memory_space<hbm>>) target(%arg10 : memref<96xi32, #tpu.memory_space<vmem>>) target_semaphore(%arg24 : memref<!tpu.dma_semaphore, #tpu.memory_space<semaphore_mem>>)
      } else {
      }
      %add3A_147 = arith.constant 2 : i32
      %add3A_148 = arith.addi %mul3A_96, %add3A_147 : i32
      %lt3A_149 = arith.cmpi slt, %add3A_148, %select_n3A : i32
      %convert_element_type3A_150 = arith.extui %lt3A_149 : i1 to i32
      %cond3A_151 = arith.constant 0 : i32
      %cond3A_152 = arith.cmpi ne, %convert_element_type3A_150, %cond3A_151 : i32
      scf.if %cond3A_152 {
        %dma_wait3A_213 = arith.constant 0 : i32
        %dma_wait3A_214 = tpu.memref_slice %arg4[%dma_wait3A_213] : memref<331776xi32, #tpu.memory_space<hbm>> -> memref<96xi32, #tpu.memory_space<hbm>>
        %dma_wait3A_215 = arith.constant 0 : i32
        %dma_wait3A_216 = tpu.memref_slice %arg4[%dma_wait3A_215] : memref<331776xi32, #tpu.memory_space<hbm>> -> memref<96xi32, #tpu.memory_space<hbm>>
        tpu.wait_dma2 semaphore(%arg22 : memref<!tpu.dma_semaphore, #tpu.memory_space<semaphore_mem>>) src(%dma_wait3A_216 : memref<96xi32, #tpu.memory_space<hbm>>) dst(%arg8 : memref<96xi32, #tpu.memory_space<vmem>>)
        %dma_wait3A_217 = arith.constant 0 : i32
        %dma_wait3A_218 = tpu.memref_slice %arg5[%dma_wait3A_217] : memref<331776xi32, #tpu.memory_space<hbm>> -> memref<96xi32, #tpu.memory_space<hbm>>
        %dma_wait3A_219 = arith.constant 0 : i32
        %dma_wait3A_220 = tpu.memref_slice %arg5[%dma_wait3A_219] : memref<331776xi32, #tpu.memory_space<hbm>> -> memref<96xi32, #tpu.memory_space<hbm>>
        tpu.wait_dma2 semaphore(%arg24 : memref<!tpu.dma_semaphore, #tpu.memory_space<semaphore_mem>>) src(%dma_wait3A_220 : memref<96xi32, #tpu.memory_space<hbm>>) dst(%arg10 : memref<96xi32, #tpu.memory_space<vmem>>)
        %dma_start3A_221 = arith.constant 0 : i32
        %dma_start3A_222 = arith.constant 0 : i32
        %dma_start3A_223 = tpu.memref_slice %arg2[%dma_start3A_221, %dma_start3A_222] : memref<10240x136xf32, #tpu.memory_space<hbm>> -> memref<10240x136xf32, #tpu.memory_space<hbm>>
        tpu.enqueue_indirect_dma source(%dma_start3A_223 : memref<10240x136xf32, #tpu.memory_space<hbm>>) target(%arg12 : memref<96x136xf32, #tpu.memory_space<vmem>>) offsets(%arg8 : memref<96xi32, #tpu.memory_space<vmem>>) semaphore(%arg18 : memref<!tpu.dma_semaphore, #tpu.memory_space<semaphore_mem>>)
        %dma_start3A_224 = arith.constant 0 : i32
        %dma_start3A_225 = arith.constant 0 : i32
        %dma_start3A_226 = tpu.memref_slice %arg3[%dma_start3A_224, %dma_start3A_225] : memref<10240x16xf32, #tpu.memory_space<hbm>> -> memref<10240x16xf32, #tpu.memory_space<hbm>>
        tpu.enqueue_indirect_dma source(%dma_start3A_226 : memref<10240x16xf32, #tpu.memory_space<hbm>>) target(%arg14 : memref<96x16xf32, #tpu.memory_space<vmem>>) offsets(%arg10 : memref<96xi32, #tpu.memory_space<vmem>>) semaphore(%arg20 : memref<!tpu.dma_semaphore, #tpu.memory_space<semaphore_mem>>)
      } else {
      }
      %add3A_153 = arith.constant 3 : i32
      %add3A_154 = arith.addi %mul3A_96, %add3A_153 : i32
      %dma_wait3A_155 = arith.constant 0 : i32
      %dma_wait3A_156 = arith.constant 0 : i32
      %dma_wait3A_157 = tpu.memref_slice %arg2[%dma_wait3A_155, %dma_wait3A_156] : memref<10240x136xf32, #tpu.memory_space<hbm>> -> memref<10240x136xf32, #tpu.memory_space<hbm>>
      tpu.wait_indirect_dma semaphore(%arg19 : memref<!tpu.dma_semaphore, #tpu.memory_space<semaphore_mem>>) src(%dma_wait3A_157 : memref<10240x136xf32, #tpu.memory_space<hbm>>) dst(%arg13 : memref<96x136xf32, #tpu.memory_space<vmem>>)
      %dma_wait3A_158 = arith.constant 0 : i32
      %dma_wait3A_159 = arith.constant 0 : i32
      %dma_wait3A_160 = tpu.memref_slice %arg3[%dma_wait3A_158, %dma_wait3A_159] : memref<10240x16xf32, #tpu.memory_space<hbm>> -> memref<10240x16xf32, #tpu.memory_space<hbm>>
      tpu.wait_indirect_dma semaphore(%arg21 : memref<!tpu.dma_semaphore, #tpu.memory_space<semaphore_mem>>) src(%dma_wait3A_160 : memref<10240x16xf32, #tpu.memory_space<hbm>>) dst(%arg15 : memref<96x16xf32, #tpu.memory_space<vmem>>)
      %lt3A_161 = arith.cmpi slt, %add3A_154, %select_n3A : i32
      %convert_element_type3A_162 = arith.extui %lt3A_161 : i1 to i32
      %cond3A_163 = arith.constant 0 : i32
      %cond3A_164 = arith.cmpi ne, %convert_element_type3A_162, %cond3A_163 : i32
      scf.if %cond3A_164 {
        %add3A_213 = arith.addi %select_n3A_8, %add3A_154 : i32
        %mul3A_214 = arith.constant 96 : i32
        %mul3A_215 = arith.muli %add3A_213, %mul3A_214 : i32
        %dma_start3A_216 = tpu.memref_slice %arg4[%mul3A_215] : memref<331776xi32, #tpu.memory_space<hbm>> -> memref<96xi32, #tpu.memory_space<hbm>>
        %dma_start3A_217 = tpu.memref_slice %arg4[%mul3A_215] : memref<331776xi32, #tpu.memory_space<hbm>> -> memref<96xi32, #tpu.memory_space<hbm>>
        tpu.enqueue_dma source(%dma_start3A_217 : memref<96xi32, #tpu.memory_space<hbm>>) target(%arg9 : memref<96xi32, #tpu.memory_space<vmem>>) target_semaphore(%arg23 : memref<!tpu.dma_semaphore, #tpu.memory_space<semaphore_mem>>)
      } else {
      }
      %iota3A_165 = tpu.iota {dimensions = array<i32: 0>} : vector<16xi32>
      %lt3A_166 = arith.constant 8 : i32
      %lt3A_167 = vector.broadcast %lt3A_166 : i32 to vector<16xi32>
      %lt3A_168 = arith.cmpi slt, %iota3A_165, %lt3A_167 : vector<16xi32>
      %sub3A_169 = arith.constant 8 : i32
      %sub3A_170 = vector.broadcast %sub3A_169 : i32 to vector<16xi32>
      %sub3A_171 = arith.subi %iota3A_165, %sub3A_170 : vector<16xi32>
      %jit3A_172 = arith.constant 8 : i32
      %eq3A_173 = arith.constant 0 : i32
      %eq3A_174 = arith.cmpi eq, %jit3A_172, %eq3A_173 : i32
      %jit3A_175 = arith.constant 1 : i32
      %select_n3A_176 = arith.select %eq3A_174, %jit3A_175, %jit3A_172 : i32
      %rem3A_177 = vector.broadcast %select_n3A_176 : i32 to vector<16xi32>
      %rem3A_178 = arith.remsi %sub3A_171, %rem3A_177 : vector<16xi32>
      %ne3A_179 = arith.constant 0 : i32
      %ne3A_180 = vector.broadcast %ne3A_179 : i32 to vector<16xi32>
      %ne3A_181 = arith.cmpi ne, %rem3A_178, %ne3A_180 : vector<16xi32>
      %lt3A_182 = arith.constant 0 : i32
      %lt3A_183 = vector.broadcast %lt3A_182 : i32 to vector<16xi32>
      %lt3A_184 = arith.cmpi slt, %rem3A_178, %lt3A_183 : vector<16xi32>
      %lt3A_185 = arith.constant 0 : i32
      %lt3A_186 = arith.cmpi slt, %select_n3A_176, %lt3A_185 : i32
      %ne3A_187 = vector.broadcast %lt3A_186 : i1 to vector<16xi1>
      %ne3A_188 = vector.broadcast %ne3A_187 : vector<16xi1> to vector<16xi1>
      %ne3A_189 = arith.xori %lt3A_184, %ne3A_188 : vector<16xi1>
      %and3A_190 = arith.andi %ne3A_189, %ne3A_181 : vector<16xi1>
      %add3A_191 = vector.broadcast %select_n3A_176 : i32 to vector<16xi32>
      %add3A_192 = arith.addi %rem3A_178, %add3A_191 : vector<16xi32>
      %select_n3A_193 = arith.select %and3A_190, %add3A_192, %rem3A_178 : vector<16xi1>, vector<16xi32>
      %add3A_194 = arith.constant 8 : i32
      %add3A_195 = vector.broadcast %add3A_194 : i32 to vector<16xi32>
      %add3A_196 = arith.addi %add3A_195, %select_n3A_193 : vector<16xi32>
      %jit3A_197 = arith.constant 15 : i32
      %broadcast_in_dim3A_198 = vector.broadcast %jit3A_197 : i32 to vector<16xi32>
      %select_n3A_199 = arith.select %lt3A_168, %broadcast_in_dim3A_198, %add3A_196 : vector<16xi1>, vector<16xi32>
      %parallel_loop3A_200 = arith.constant 0 : i32
      %parallel_loop3A_201 = arith.constant 96 : i32
      %parallel_loop3A_202 = arith.constant 1 : i32
      scf.for %parallel_loop3A_213 = %parallel_loop3A_200 to %parallel_loop3A_201 step %parallel_loop3A_202  : i32 {
        %parallel_loop3A_214 = arith.index_cast %parallel_loop3A_213 : i32 to index
        %parallel_loop3A_215 = arith.constant 120 : index
        %parallel_loop3A_216 = tpu.vector_load %arg13[%parallel_loop3A_214, %parallel_loop3A_215] {strides = array<i32>} : memref<96x136xf32, #tpu.memory_space<vmem>>, vector<16xf32>,
        %parallel_loop3A_217 = arith.index_cast %parallel_loop3A_213 : i32 to index
        %parallel_loop3A_218 = arith.constant 0 : index
        %parallel_loop3A_219 = tpu.vector_load %arg15[%parallel_loop3A_217, %parallel_loop3A_218] {strides = array<i32>} : memref<96x16xf32, #tpu.memory_space<vmem>>, vector<16xf32>,
        %parallel_loop3A_220 = arith.addf %parallel_loop3A_216, %parallel_loop3A_219 : vector<16xf32>
        %parallel_loop3A_221 = arith.constant 0.000000e+00 : f32
        %parallel_loop3A_222 = vector.broadcast %parallel_loop3A_221 : f32 to vector<16xf32>
        %parallel_loop3A_223 = arith.maximumf %parallel_loop3A_220, %parallel_loop3A_222 : vector<16xf32>
        %parallel_loop3A_224 = arith.constant 0.000000e+00 : f32
        %parallel_loop3A_225 = vector.broadcast %parallel_loop3A_224 : f32 to vector<16xf32>
        %parallel_loop3A_226 = arith.minimumf %parallel_loop3A_220, %parallel_loop3A_225 : vector<16xf32>
        %parallel_loop3A_227 = arith.constant 2.000000e-01 : f32
        %parallel_loop3A_228 = vector.broadcast %parallel_loop3A_227 : f32 to vector<16xf32>
        %parallel_loop3A_229 = arith.mulf %parallel_loop3A_228, %parallel_loop3A_226 : vector<16xf32>
        %parallel_loop3A_230 = arith.addf %parallel_loop3A_223, %parallel_loop3A_229 : vector<16xf32>
        %parallel_loop3A_231 = math.exp %parallel_loop3A_230 : vector<16xf32>
        %parallel_loop3A_232 = arith.constant 8 : i32
        %parallel_loop3A_233 = vector.broadcast %parallel_loop3A_232 : i32 to vector<16xi32>
        %parallel_loop3A_234 = arith.constant 0 : i32
        %parallel_loop3A_235 = vector.broadcast %parallel_loop3A_234 : i32 to vector<16xi32>
        %parallel_loop3A_236 = arith.cmpi slt, %parallel_loop3A_233, %parallel_loop3A_235 : vector<16xi32>
        %parallel_loop3A_237 = arith.constant 16 : i32
        %parallel_loop3A_238 = vector.broadcast %parallel_loop3A_237 : i32 to vector<16xi32>
        %parallel_loop3A_239 = arith.addi %parallel_loop3A_233, %parallel_loop3A_238 : vector<16xi32>
        %parallel_loop3A_240 = arith.select %parallel_loop3A_236, %parallel_loop3A_239, %parallel_loop3A_233 : vector<16xi1>, vector<16xi32>
        %parallel_loop3A_241 = vector.shape_cast %parallel_loop3A_240 : vector<16xi32> to vector<16x1xi32>
        %parallel_loop3A_242 = vector.shape_cast %parallel_loop3A_241 : vector<16x1xi32> to vector<16xi32>
        %parallel_loop3A_243 = tpu.dynamic_gather %parallel_loop3A_231[%parallel_loop3A_242] in [0] : vector<16xf32>, vector<16xi32> -> vector<16xf32>
        %parallel_loop3A_244 = arith.index_cast %parallel_loop3A_213 : i32 to index
        %parallel_loop3A_245 = arith.constant 0 : index
        %parallel_loop3A_246 = tpu.vector_load %arg13[%parallel_loop3A_244, %parallel_loop3A_245] {strides = array<i32>} : memref<96x136xf32, #tpu.memory_space<vmem>>, vector<16xf32>,
        %parallel_loop3A_247 = arith.mulf %parallel_loop3A_246, %parallel_loop3A_243 : vector<16xf32>
        %parallel_loop3A_248 = arith.index_cast %parallel_loop3A_213 : i32 to index
        %parallel_loop3A_249 = arith.constant 0 : index
        %parallel_loop3A_250 = tpu.vector_load %arg16[%parallel_loop3A_248, %parallel_loop3A_249] {strides = array<i32>} : memref<96x136xf32, #tpu.memory_space<vmem>>, vector<16xf32>,
        tpu.vector_store %arg16[%parallel_loop3A_248, %parallel_loop3A_249], %parallel_loop3A_247 {strides = array<i32>} : memref<96x136xf32, #tpu.memory_space<vmem>>, vector<16xf32>,
        %parallel_loop3A_251 = arith.constant 9 : i32
        %parallel_loop3A_252 = vector.broadcast %parallel_loop3A_251 : i32 to vector<16xi32>
        %parallel_loop3A_253 = arith.constant 0 : i32
        %parallel_loop3A_254 = vector.broadcast %parallel_loop3A_253 : i32 to vector<16xi32>
        %parallel_loop3A_255 = arith.cmpi slt, %parallel_loop3A_252, %parallel_loop3A_254 : vector<16xi32>
        %parallel_loop3A_256 = arith.constant 16 : i32
        %parallel_loop3A_257 = vector.broadcast %parallel_loop3A_256 : i32 to vector<16xi32>
        %parallel_loop3A_258 = arith.addi %parallel_loop3A_252, %parallel_loop3A_257 : vector<16xi32>
        %parallel_loop3A_259 = arith.select %parallel_loop3A_255, %parallel_loop3A_258, %parallel_loop3A_252 : vector<16xi1>, vector<16xi32>
        %parallel_loop3A_260 = vector.shape_cast %parallel_loop3A_259 : vector<16xi32> to vector<16x1xi32>
        %parallel_loop3A_261 = vector.shape_cast %parallel_loop3A_260 : vector<16x1xi32> to vector<16xi32>
        %parallel_loop3A_262 = tpu.dynamic_gather %parallel_loop3A_231[%parallel_loop3A_261] in [0] : vector<16xf32>, vector<16xi32> -> vector<16xf32>
        %parallel_loop3A_263 = arith.index_cast %parallel_loop3A_213 : i32 to index
        %parallel_loop3A_264 = arith.constant 16 : index
        %parallel_loop3A_265 = tpu.vector_load %arg13[%parallel_loop3A_263, %parallel_loop3A_264] {strides = array<i32>} : memref<96x136xf32, #tpu.memory_space<vmem>>, vector<16xf32>,
        %parallel_loop3A_266 = arith.mulf %parallel_loop3A_265, %parallel_loop3A_262 : vector<16xf32>
        %parallel_loop3A_267 = arith.index_cast %parallel_loop3A_213 : i32 to index
        %parallel_loop3A_268 = arith.constant 16 : index
        %parallel_loop3A_269 = tpu.vector_load %arg16[%parallel_loop3A_267, %parallel_loop3A_268] {strides = array<i32>} : memref<96x136xf32, #tpu.memory_space<vmem>>, vector<16xf32>,
        tpu.vector_store %arg16[%parallel_loop3A_267, %parallel_loop3A_268], %parallel_loop3A_266 {strides = array<i32>} : memref<96x136xf32, #tpu.memory_space<vmem>>, vector<16xf32>,
        %parallel_loop3A_270 = arith.constant 10 : i32
        %parallel_loop3A_271 = vector.broadcast %parallel_loop3A_270 : i32 to vector<16xi32>
        %parallel_loop3A_272 = arith.constant 0 : i32
        %parallel_loop3A_273 = vector.broadcast %parallel_loop3A_272 : i32 to vector<16xi32>
        %parallel_loop3A_274 = arith.cmpi slt, %parallel_loop3A_271, %parallel_loop3A_273 : vector<16xi32>
        %parallel_loop3A_275 = arith.constant 16 : i32
        %parallel_loop3A_276 = vector.broadcast %parallel_loop3A_275 : i32 to vector<16xi32>
        %parallel_loop3A_277 = arith.addi %parallel_loop3A_271, %parallel_loop3A_276 : vector<16xi32>
        %parallel_loop3A_278 = arith.select %parallel_loop3A_274, %parallel_loop3A_277, %parallel_loop3A_271 : vector<16xi1>, vector<16xi32>
        %parallel_loop3A_279 = vector.shape_cast %parallel_loop3A_278 : vector<16xi32> to vector<16x1xi32>
        %parallel_loop3A_280 = vector.shape_cast %parallel_loop3A_279 : vector<16x1xi32> to vector<16xi32>
        %parallel_loop3A_281 = tpu.dynamic_gather %parallel_loop3A_231[%parallel_loop3A_280] in [0] : vector<16xf32>, vector<16xi32> -> vector<16xf32>
        %parallel_loop3A_282 = arith.index_cast %parallel_loop3A_213 : i32 to index
        %parallel_loop3A_283 = arith.constant 32 : index
        %parallel_loop3A_284 = tpu.vector_load %arg13[%parallel_loop3A_282, %parallel_loop3A_283] {strides = array<i32>} : memref<96x136xf32, #tpu.memory_space<vmem>>, vector<16xf32>,
        %parallel_loop3A_285 = arith.mulf %parallel_loop3A_284, %parallel_loop3A_281 : vector<16xf32>
        %parallel_loop3A_286 = arith.index_cast %parallel_loop3A_213 : i32 to index
        %parallel_loop3A_287 = arith.constant 32 : index
        %parallel_loop3A_288 = tpu.vector_load %arg16[%parallel_loop3A_286, %parallel_loop3A_287] {strides = array<i32>} : memref<96x136xf32, #tpu.memory_space<vmem>>, vector<16xf32>,
        tpu.vector_store %arg16[%parallel_loop3A_286, %parallel_loop3A_287], %parallel_loop3A_285 {strides = array<i32>} : memref<96x136xf32, #tpu.memory_space<vmem>>, vector<16xf32>,
        %parallel_loop3A_289 = arith.constant 11 : i32
        %parallel_loop3A_290 = vector.broadcast %parallel_loop3A_289 : i32 to vector<16xi32>
        %parallel_loop3A_291 = arith.constant 0 : i32
        %parallel_loop3A_292 = vector.broadcast %parallel_loop3A_291 : i32 to vector<16xi32>
        %parallel_loop3A_293 = arith.cmpi slt, %parallel_loop3A_290, %parallel_loop3A_292 : vector<16xi32>
        %parallel_loop3A_294 = arith.constant 16 : i32
        %parallel_loop3A_295 = vector.broadcast %parallel_loop3A_294 : i32 to vector<16xi32>
        %parallel_loop3A_296 = arith.addi %parallel_loop3A_290, %parallel_loop3A_295 : vector<16xi32>
        %parallel_loop3A_297 = arith.select %parallel_loop3A_293, %parallel_loop3A_296, %parallel_loop3A_290 : vector<16xi1>, vector<16xi32>
        %parallel_loop3A_298 = vector.shape_cast %parallel_loop3A_297 : vector<16xi32> to vector<16x1xi32>
        %parallel_loop3A_299 = vector.shape_cast %parallel_loop3A_298 : vector<16x1xi32> to vector<16xi32>
        %parallel_loop3A_300 = tpu.dynamic_gather %parallel_loop3A_231[%parallel_loop3A_299] in [0] : vector<16xf32>, vector<16xi32> -> vector<16xf32>
        %parallel_loop3A_301 = arith.index_cast %parallel_loop3A_213 : i32 to index
        %parallel_loop3A_302 = arith.constant 48 : index
        %parallel_loop3A_303 = tpu.vector_load %arg13[%parallel_loop3A_301, %parallel_loop3A_302] {strides = array<i32>} : memref<96x136xf32, #tpu.memory_space<vmem>>, vector<16xf32>,
        %parallel_loop3A_304 = arith.mulf %parallel_loop3A_303, %parallel_loop3A_300 : vector<16xf32>
        %parallel_loop3A_305 = arith.index_cast %parallel_loop3A_213 : i32 to index
        %parallel_loop3A_306 = arith.constant 48 : index
        %parallel_loop3A_307 = tpu.vector_load %arg16[%parallel_loop3A_305, %parallel_loop3A_306] {strides = array<i32>} : memref<96x136xf32, #tpu.memory_space<vmem>>, vector<16xf32>,
        tpu.vector_store %arg16[%parallel_loop3A_305, %parallel_loop3A_306], %parallel_loop3A_304 {strides = array<i32>} : memref<96x136xf32, #tpu.memory_space<vmem>>, vector<16xf32>,
        %parallel_loop3A_308 = arith.constant 12 : i32
        %parallel_loop3A_309 = vector.broadcast %parallel_loop3A_308 : i32 to vector<16xi32>
        %parallel_loop3A_310 = arith.constant 0 : i32
        %parallel_loop3A_311 = vector.broadcast %parallel_loop3A_310 : i32 to vector<16xi32>
        %parallel_loop3A_312 = arith.cmpi slt, %parallel_loop3A_309, %parallel_loop3A_311 : vector<16xi32>
        %parallel_loop3A_313 = arith.constant 16 : i32
        %parallel_loop3A_314 = vector.broadcast %parallel_loop3A_313 : i32 to vector<16xi32>
        %parallel_loop3A_315 = arith.addi %parallel_loop3A_309, %parallel_loop3A_314 : vector<16xi32>
        %parallel_loop3A_316 = arith.select %parallel_loop3A_312, %parallel_loop3A_315, %parallel_loop3A_309 : vector<16xi1>, vector<16xi32>
        %parallel_loop3A_317 = vector.shape_cast %parallel_loop3A_316 : vector<16xi32> to vector<16x1xi32>
        %parallel_loop3A_318 = vector.shape_cast %parallel_loop3A_317 : vector<16x1xi32> to vector<16xi32>
        %parallel_loop3A_319 = tpu.dynamic_gather %parallel_loop3A_231[%parallel_loop3A_318] in [0] : vector<16xf32>, vector<16xi32> -> vector<16xf32>
        %parallel_loop3A_320 = arith.index_cast %parallel_loop3A_213 : i32 to index
        %parallel_loop3A_321 = arith.constant 64 : index
        %parallel_loop3A_322 = tpu.vector_load %arg13[%parallel_loop3A_320, %parallel_loop3A_321] {strides = array<i32>} : memref<96x136xf32, #tpu.memory_space<vmem>>, vector<16xf32>,
        %parallel_loop3A_323 = arith.mulf %parallel_loop3A_322, %parallel_loop3A_319 : vector<16xf32>
        %parallel_loop3A_324 = arith.index_cast %parallel_loop3A_213 : i32 to index
        %parallel_loop3A_325 = arith.constant 64 : index
        %parallel_loop3A_326 = tpu.vector_load %arg16[%parallel_loop3A_324, %parallel_loop3A_325] {strides = array<i32>} : memref<96x136xf32, #tpu.memory_space<vmem>>, vector<16xf32>,
        tpu.vector_store %arg16[%parallel_loop3A_324, %parallel_loop3A_325], %parallel_loop3A_323 {strides = array<i32>} : memref<96x136xf32, #tpu.memory_space<vmem>>, vector<16xf32>,
        %parallel_loop3A_327 = arith.constant 13 : i32
        %parallel_loop3A_328 = vector.broadcast %parallel_loop3A_327 : i32 to vector<16xi32>
        %parallel_loop3A_329 = arith.constant 0 : i32
        %parallel_loop3A_330 = vector.broadcast %parallel_loop3A_329 : i32 to vector<16xi32>
        %parallel_loop3A_331 = arith.cmpi slt, %parallel_loop3A_328, %parallel_loop3A_330 : vector<16xi32>
        %parallel_loop3A_332 = arith.constant 16 : i32
        %parallel_loop3A_333 = vector.broadcast %parallel_loop3A_332 : i32 to vector<16xi32>
        %parallel_loop3A_334 = arith.addi %parallel_loop3A_328, %parallel_loop3A_333 : vector<16xi32>
        %parallel_loop3A_335 = arith.select %parallel_loop3A_331, %parallel_loop3A_334, %parallel_loop3A_328 : vector<16xi1>, vector<16xi32>
        %parallel_loop3A_336 = vector.shape_cast %parallel_loop3A_335 : vector<16xi32> to vector<16x1xi32>
        %parallel_loop3A_337 = vector.shape_cast %parallel_loop3A_336 : vector<16x1xi32> to vector<16xi32>
        %parallel_loop3A_338 = tpu.dynamic_gather %parallel_loop3A_231[%parallel_loop3A_337] in [0] : vector<16xf32>, vector<16xi32> -> vector<16xf32>
        %parallel_loop3A_339 = arith.index_cast %parallel_loop3A_213 : i32 to index
        %parallel_loop3A_340 = arith.constant 80 : index
        %parallel_loop3A_341 = tpu.vector_load %arg13[%parallel_loop3A_339, %parallel_loop3A_340] {strides = array<i32>} : memref<96x136xf32, #tpu.memory_space<vmem>>, vector<16xf32>,
        %parallel_loop3A_342 = arith.mulf %parallel_loop3A_341, %parallel_loop3A_338 : vector<16xf32>
        %parallel_loop3A_343 = arith.index_cast %parallel_loop3A_213 : i32 to index
        %parallel_loop3A_344 = arith.constant 80 : index
        %parallel_loop3A_345 = tpu.vector_load %arg16[%parallel_loop3A_343, %parallel_loop3A_344] {strides = array<i32>} : memref<96x136xf32, #tpu.memory_space<vmem>>, vector<16xf32>,
        tpu.vector_store %arg16[%parallel_loop3A_343, %parallel_loop3A_344], %parallel_loop3A_342 {strides = array<i32>} : memref<96x136xf32, #tpu.memory_space<vmem>>, vector<16xf32>,
        %parallel_loop3A_346 = arith.constant 14 : i32
        %parallel_loop3A_347 = vector.broadcast %parallel_loop3A_346 : i32 to vector<16xi32>
        %parallel_loop3A_348 = arith.constant 0 : i32
        %parallel_loop3A_349 = vector.broadcast %parallel_loop3A_348 : i32 to vector<16xi32>
        %parallel_loop3A_350 = arith.cmpi slt, %parallel_loop3A_347, %parallel_loop3A_349 : vector<16xi32>
        %parallel_loop3A_351 = arith.constant 16 : i32
        %parallel_loop3A_352 = vector.broadcast %parallel_loop3A_351 : i32 to vector<16xi32>
        %parallel_loop3A_353 = arith.addi %parallel_loop3A_347, %parallel_loop3A_352 : vector<16xi32>
        %parallel_loop3A_354 = arith.select %parallel_loop3A_350, %parallel_loop3A_353, %parallel_loop3A_347 : vector<16xi1>, vector<16xi32>
        %parallel_loop3A_355 = vector.shape_cast %parallel_loop3A_354 : vector<16xi32> to vector<16x1xi32>
        %parallel_loop3A_356 = vector.shape_cast %parallel_loop3A_355 : vector<16x1xi32> to vector<16xi32>
        %parallel_loop3A_357 = tpu.dynamic_gather %parallel_loop3A_231[%parallel_loop3A_356] in [0] : vector<16xf32>, vector<16xi32> -> vector<16xf32>
        %parallel_loop3A_358 = arith.index_cast %parallel_loop3A_213 : i32 to index
        %parallel_loop3A_359 = arith.constant 96 : index
        %parallel_loop3A_360 = tpu.vector_load %arg13[%parallel_loop3A_358, %parallel_loop3A_359] {strides = array<i32>} : memref<96x136xf32, #tpu.memory_space<vmem>>, vector<16xf32>,
        %parallel_loop3A_361 = arith.mulf %parallel_loop3A_360, %parallel_loop3A_357 : vector<16xf32>
        %parallel_loop3A_362 = arith.index_cast %parallel_loop3A_213 : i32 to index
        %parallel_loop3A_363 = arith.constant 96 : index
        %parallel_loop3A_364 = tpu.vector_load %arg16[%parallel_loop3A_362, %parallel_loop3A_363] {strides = array<i32>} : memref<96x136xf32, #tpu.memory_space<vmem>>, vector<16xf32>,
        tpu.vector_store %arg16[%parallel_loop3A_362, %parallel_loop3A_363], %parallel_loop3A_361 {strides = array<i32>} : memref<96x136xf32, #tpu.memory_space<vmem>>, vector<16xf32>,
        %parallel_loop3A_365 = arith.constant 15 : i32
        %parallel_loop3A_366 = vector.broadcast %parallel_loop3A_365 : i32 to vector<16xi32>
        %parallel_loop3A_367 = arith.constant 0 : i32
        %parallel_loop3A_368 = vector.broadcast %parallel_loop3A_367 : i32 to vector<16xi32>
        %parallel_loop3A_369 = arith.cmpi slt, %parallel_loop3A_366, %parallel_loop3A_368 : vector<16xi32>
        %parallel_loop3A_370 = arith.constant 16 : i32
        %parallel_loop3A_371 = vector.broadcast %parallel_loop3A_370 : i32 to vector<16xi32>
        %parallel_loop3A_372 = arith.addi %parallel_loop3A_366, %parallel_loop3A_371 : vector<16xi32>
        %parallel_loop3A_373 = arith.select %parallel_loop3A_369, %parallel_loop3A_372, %parallel_loop3A_366 : vector<16xi1>, vector<16xi32>
        %parallel_loop3A_374 = vector.shape_cast %parallel_loop3A_373 : vector<16xi32> to vector<16x1xi32>
        %parallel_loop3A_375 = vector.shape_cast %parallel_loop3A_374 : vector<16x1xi32> to vector<16xi32>
        %parallel_loop3A_376 = tpu.dynamic_gather %parallel_loop3A_231[%parallel_loop3A_375] in [0] : vector<16xf32>, vector<16xi32> -> vector<16xf32>
        %parallel_loop3A_377 = arith.index_cast %parallel_loop3A_213 : i32 to index
        %parallel_loop3A_378 = arith.constant 112 : index
        %parallel_loop3A_379 = tpu.vector_load %arg13[%parallel_loop3A_377, %parallel_loop3A_378] {strides = array<i32>} : memref<96x136xf32, #tpu.memory_space<vmem>>, vector<16xf32>,
        %parallel_loop3A_380 = arith.mulf %parallel_loop3A_379, %parallel_loop3A_376 : vector<16xf32>
        %parallel_loop3A_381 = arith.index_cast %parallel_loop3A_213 : i32 to index
        %parallel_loop3A_382 = arith.constant 112 : index
        %parallel_loop3A_383 = tpu.vector_load %arg16[%parallel_loop3A_381, %parallel_loop3A_382] {strides = array<i32>} : memref<96x136xf32, #tpu.memory_space<vmem>>, vector<16xf32>,
        tpu.vector_store %arg16[%parallel_loop3A_381, %parallel_loop3A_382], %parallel_loop3A_380 {strides = array<i32>} : memref<96x136xf32, #tpu.memory_space<vmem>>, vector<16xf32>,
        %parallel_loop3A_384 = arith.constant 0 : i32
        %parallel_loop3A_385 = vector.broadcast %parallel_loop3A_384 : i32 to vector<16xi32>
        %parallel_loop3A_386 = arith.cmpi slt, %select_n3A_199, %parallel_loop3A_385 : vector<16xi32>
        %parallel_loop3A_387 = arith.constant 16 : i32
        %parallel_loop3A_388 = vector.broadcast %parallel_loop3A_387 : i32 to vector<16xi32>
        %parallel_loop3A_389 = arith.addi %select_n3A_199, %parallel_loop3A_388 : vector<16xi32>
        %parallel_loop3A_390 = arith.select %parallel_loop3A_386, %parallel_loop3A_389, %select_n3A_199 : vector<16xi1>, vector<16xi32>
        %parallel_loop3A_391 = vector.shape_cast %parallel_loop3A_390 : vector<16xi32> to vector<16x1xi32>
        %parallel_loop3A_392 = vector.shape_cast %parallel_loop3A_391 : vector<16x1xi32> to vector<16xi32>
        %parallel_loop3A_393 = tpu.dynamic_gather %parallel_loop3A_231[%parallel_loop3A_392] in [0] : vector<16xf32>, vector<16xi32> -> vector<16xf32>
        %parallel_loop3A_394 = arith.constant 8 : i32
        %parallel_loop3A_395 = vector.broadcast %parallel_loop3A_394 : i32 to vector<16xi32>
        %parallel_loop3A_396 = arith.cmpi slt, %iota3A_165, %parallel_loop3A_395 : vector<16xi32>
        %parallel_loop3A_397 = arith.constant 1.000000e+00 : f32
        %parallel_loop3A_398 = vector.broadcast %parallel_loop3A_397 : f32 to vector<16xf32>
        %parallel_loop3A_399 = arith.select %parallel_loop3A_396, %parallel_loop3A_216, %parallel_loop3A_398 : vector<16xi1>, vector<16xf32>
        %parallel_loop3A_400 = arith.mulf %parallel_loop3A_399, %parallel_loop3A_393 : vector<16xf32>
        %parallel_loop3A_401 = arith.index_cast %parallel_loop3A_213 : i32 to index
        %parallel_loop3A_402 = arith.constant 120 : index
        %parallel_loop3A_403 = tpu.vector_load %arg16[%parallel_loop3A_401, %parallel_loop3A_402] {strides = array<i32>} : memref<96x136xf32, #tpu.memory_space<vmem>>, vector<16xf32>,
        tpu.vector_store %arg16[%parallel_loop3A_401, %parallel_loop3A_402], %parallel_loop3A_400 {strides = array<i32>} : memref<96x136xf32, #tpu.memory_space<vmem>>, vector<16xf32>,
      } {sc.loop_unroll_factor = 4 : i64, sc.parallel_access}
      "tpu.region"() ({
        %run_scoped3A = tpu.sem_alloc : memref<!tpu.dma_semaphore, #tpu.memory_space<semaphore_mem>>
        %dma_start3A_213 = arith.constant 0 : i32
        %dma_start3A_214 = arith.constant 0 : i32
        %dma_start3A_215 = tpu.memref_slice %arg17[%dma_start3A_213, %dma_start3A_214] : memref<10240x136xf32, #tpu.memory_space<vmem_shared>> -> memref<10240x136xf32, #tpu.memory_space<vmem_shared>>
        tpu.enqueue_indirect_dma source(%arg16 : memref<96x136xf32, #tpu.memory_space<vmem>>) target(%dma_start3A_215 : memref<10240x136xf32, #tpu.memory_space<vmem_shared>>) offsets(%arg11 : memref<96xi32, #tpu.memory_space<vmem>>) semaphore(%run_scoped3A : memref<!tpu.dma_semaphore, #tpu.memory_space<semaphore_mem>>) {add = true}
        %dma_wait3A_216 = arith.constant 0 : i32
        %dma_wait3A_217 = arith.constant 0 : i32
        %dma_wait3A_218 = tpu.memref_slice %arg17[%dma_wait3A_216, %dma_wait3A_217] : memref<10240x136xf32, #tpu.memory_space<vmem_shared>> -> memref<10240x136xf32, #tpu.memory_space<vmem_shared>>
        tpu.wait_indirect_dma semaphore(%run_scoped3A : memref<!tpu.dma_semaphore, #tpu.memory_space<semaphore_mem>>) src(%arg16 : memref<96x136xf32, #tpu.memory_space<vmem>>) dst(%dma_wait3A_218 : memref<10240x136xf32, #tpu.memory_space<vmem_shared>>)
        tpu.yield
      }) : () -> ()
      %lt3A_203 = arith.cmpi slt, %add3A_154, %select_n3A : i32
      %convert_element_type3A_204 = arith.extui %lt3A_203 : i1 to i32
      %cond3A_205 = arith.constant 0 : i32
      %cond3A_206 = arith.cmpi ne, %convert_element_type3A_204, %cond3A_205 : i32
      scf.if %cond3A_206 {
        %add3A_213 = arith.addi %select_n3A_8, %add3A_154 : i32
        %mul3A_214 = arith.constant 96 : i32
        %mul3A_215 = arith.muli %add3A_213, %mul3A_214 : i32
        %dma_start3A_216 = tpu.memref_slice %arg5[%mul3A_215] : memref<331776xi32, #tpu.memory_space<hbm>> -> memref<96xi32, #tpu.memory_space<hbm>>
        %dma_start3A_217 = tpu.memref_slice %arg5[%mul3A_215] : memref<331776xi32, #tpu.memory_space<hbm>> -> memref<96xi32, #tpu.memory_space<hbm>>
        tpu.enqueue_dma source(%dma_start3A_217 : memref<96xi32, #tpu.memory_space<hbm>>) target(%arg11 : memref<96xi32, #tpu.memory_space<vmem>>) target_semaphore(%arg25 : memref<!tpu.dma_semaphore, #tpu.memory_space<semaphore_mem>>)
      } else {
      }
      %add3A_207 = arith.constant 3 : i32
      %add3A_208 = arith.addi %mul3A_96, %add3A_207 : i32
      %lt3A_209 = arith.cmpi slt, %add3A_208, %select_n3A : i32
      %convert_element_type3A_210 = arith.extui %lt3A_209 : i1 to i32
      %cond3A_211 = arith.constant 0 : i32
      %cond3A_212 = arith.cmpi ne, %convert_element_type3A_210, %cond3A_211 : i32
      scf.if %cond3A_212 {
        %dma_wait3A_213 = arith.constant 0 : i32
        %dma_wait3A_214 = tpu.memref_slice %arg4[%dma_wait3A_213] : memref<331776xi32, #tpu.memory_space<hbm>> -> memref<96xi32, #tpu.memory_space<hbm>>
        %dma_wait3A_215 = arith.constant 0 : i32
        %dma_wait3A_216 = tpu.memref_slice %arg4[%dma_wait3A_215] : memref<331776xi32, #tpu.memory_space<hbm>> -> memref<96xi32, #tpu.memory_space<hbm>>
        tpu.wait_dma2 semaphore(%arg23 : memref<!tpu.dma_semaphore, #tpu.memory_space<semaphore_mem>>) src(%dma_wait3A_216 : memref<96xi32, #tpu.memory_space<hbm>>) dst(%arg9 : memref<96xi32, #tpu.memory_space<vmem>>)
        %dma_wait3A_217 = arith.constant 0 : i32
        %dma_wait3A_218 = tpu.memref_slice %arg5[%dma_wait3A_217] : memref<331776xi32, #tpu.memory_space<hbm>> -> memref<96xi32, #tpu.memory_space<hbm>>
        %dma_wait3A_219 = arith.constant 0 : i32
        %dma_wait3A_220 = tpu.memref_slice %arg5[%dma_wait3A_219] : memref<331776xi32, #tpu.memory_space<hbm>> -> memref<96xi32, #tpu.memory_space<hbm>>
        tpu.wait_dma2 semaphore(%arg25 : memref<!tpu.dma_semaphore, #tpu.memory_space<semaphore_mem>>) src(%dma_wait3A_220 : memref<96xi32, #tpu.memory_space<hbm>>) dst(%arg11 : memref<96xi32, #tpu.memory_space<vmem>>)
        %dma_start3A_221 = arith.constant 0 : i32
        %dma_start3A_222 = arith.constant 0 : i32
        %dma_start3A_223 = tpu.memref_slice %arg2[%dma_start3A_221, %dma_start3A_222] : memref<10240x136xf32, #tpu.memory_space<hbm>> -> memref<10240x136xf32, #tpu.memory_space<hbm>>
        tpu.enqueue_indirect_dma source(%dma_start3A_223 : memref<10240x136xf32, #tpu.memory_space<hbm>>) target(%arg13 : memref<96x136xf32, #tpu.memory_space<vmem>>) offsets(%arg9 : memref<96xi32, #tpu.memory_space<vmem>>) semaphore(%arg19 : memref<!tpu.dma_semaphore, #tpu.memory_space<semaphore_mem>>)
        %dma_start3A_224 = arith.constant 0 : i32
        %dma_start3A_225 = arith.constant 0 : i32
        %dma_start3A_226 = tpu.memref_slice %arg3[%dma_start3A_224, %dma_start3A_225] : memref<10240x16xf32, #tpu.memory_space<hbm>> -> memref<10240x16xf32, #tpu.memory_space<hbm>>
        tpu.enqueue_indirect_dma source(%dma_start3A_226 : memref<10240x16xf32, #tpu.memory_space<hbm>>) target(%arg15 : memref<96x16xf32, #tpu.memory_space<vmem>>) offsets(%arg11 : memref<96xi32, #tpu.memory_space<vmem>>) semaphore(%arg21 : memref<!tpu.dma_semaphore, #tpu.memory_space<semaphore_mem>>)
      } else {
      }
    }
    %barrier3A_89 = arith.constant 0 : index
    tpu.barrier barrier_id(%barrier3A_89)
    %mul3A_90 = arith.constant 640 : i32
    %mul3A_91 = arith.muli %arg1, %mul3A_90 : i32
    %mul3A_92 = arith.constant 640 : i32
    %mul3A_93 = arith.muli %arg1, %mul3A_92 : i32
    "tpu.region"() ({
      %run_scoped3A = tpu.sem_alloc : memref<!tpu.dma_semaphore, #tpu.memory_space<semaphore_mem>>
      %dma_start3A_94 = arith.constant 0 : i32
      %dma_start3A_95 = tpu.memref_slice %arg7[%arg0, %mul3A_93, %dma_start3A_94] : memref<2x10240x136xf32, #tpu.memory_space<hbm>> -> memref<1x640x136xf32, #tpu.memory_space<hbm>>
      %dma_start3A_96 = tpu.memref_squeeze %dma_start3A_95 : memref<1x640x136xf32, #tpu.memory_space<hbm>> -> memref<640x136xf32, #tpu.memory_space<hbm>>
      %dma_start3A_97 = arith.constant 0 : i32
      %dma_start3A_98 = tpu.memref_slice %arg17[%mul3A_91, %dma_start3A_97] : memref<10240x136xf32, #tpu.memory_space<vmem_shared>> -> memref<640x136xf32, #tpu.memory_space<vmem_shared>>
      tpu.enqueue_dma source(%dma_start3A_98 : memref<640x136xf32, #tpu.memory_space<vmem_shared>>) target(%dma_start3A_96 : memref<640x136xf32, #tpu.memory_space<hbm>>) target_semaphore(%run_scoped3A : memref<!tpu.dma_semaphore, #tpu.memory_space<semaphore_mem>>)
      %dma_wait3A_99 = arith.constant 0 : i32
      %dma_wait3A_100 = tpu.memref_slice %arg7[%arg0, %mul3A_93, %dma_wait3A_99] : memref<2x10240x136xf32, #tpu.memory_space<hbm>> -> memref<1x640x136xf32, #tpu.memory_space<hbm>>
      %dma_wait3A_101 = tpu.memref_squeeze %dma_wait3A_100 : memref<1x640x136xf32, #tpu.memory_space<hbm>> -> memref<640x136xf32, #tpu.memory_space<hbm>>
      %dma_wait3A_102 = arith.constant 0 : i32
      %dma_wait3A_103 = tpu.memref_slice %arg17[%mul3A_91, %dma_wait3A_102] : memref<10240x136xf32, #tpu.memory_space<vmem_shared>> -> memref<640x136xf32, #tpu.memory_space<vmem_shared>>
      tpu.wait_dma2 semaphore(%run_scoped3A : memref<!tpu.dma_semaphore, #tpu.memory_space<semaphore_mem>>) src(%dma_wait3A_103 : memref<640x136xf32, #tpu.memory_space<vmem_shared>>) dst(%dma_wait3A_101 : memref<640x136xf32, #tpu.memory_space<hbm>>)
      tpu.yield
    }) : () -> ()
    return
  }
}

module attributes {stable_mosaic.version = 14 : i64} {
  func.func @_nodeA_body(%arg0: i32, %arg1: memref<640x128xf32, #tpu.memory_space<vmem>>, %arg2: memref<128x128xf32, #tpu.memory_space<vmem>>, %arg3: memref<128x8xf32, #tpu.memory_space<vmem>>, %arg4: memref<128x16xf32, #tpu.memory_space<vmem>>, %arg5: memref<640x136xf32, #tpu.memory_space<vmem>>, %arg6: memref<640x16xf32, #tpu.memory_space<vmem>>) attributes {dimension_semantics = [#tpu.dimension_semantics<arbitrary>], iteration_bounds = array<i64: 16>, scalar_prefetch = 0 : i64, scratch_operands = 0 : i64, tpu.core_type = #tpu.core_type<tc>, window_params = [{transform_indices = @transform_0, window_bounds = array<i64: 640, 128>}, {pipeline_mode = #tpu.pipeline_mode<synchronous>, transform_indices = @transform_1, window_bounds = array<i64: 128, 128>}, {pipeline_mode = #tpu.pipeline_mode<synchronous>, transform_indices = @transform_2, window_bounds = array<i64: 128, 8>}, {pipeline_mode = #tpu.pipeline_mode<synchronous>, transform_indices = @transform_3, window_bounds = array<i64: 128, 16>}, {transform_indices = @transform_4, window_bounds = array<i64: 640, 136>}, {transform_indices = @transform_5, window_bounds = array<i64: 640, 16>}]} {
    %get3A = arith.constant 0 : index
    %get3A_0 = arith.constant 0 : index
    %get3A_1 = vector.load %arg1[%get3A, %get3A_0] : memref<640x128xf32, #tpu.memory_space<vmem>>, vector<640x128xf32>
    %get3A_2 = arith.constant 0 : index
    %get3A_3 = arith.constant 0 : index
    %get3A_4 = vector.load %arg2[%get3A_2, %get3A_3] : memref<128x128xf32, #tpu.memory_space<vmem>>, vector<128x128xf32>
    %dot_general3A = arith.constant dense<0.000000e+00> : vector<640x128xf32>
    %dot_general3A_5 = tpu.matmul %get3A_1, %get3A_4, %dot_general3A {dimension_numbers = #tpu.dot_dimension_numbers<[1], [0], [0], [1], [0, 0, 1, 1], [], []>, transpose_lhs_hint = false} : vector<640x128xf32>, vector<128x128xf32>, vector<640x128xf32> -> vector<640x128xf32>
    %swap3A = arith.constant 0 : index
    %swap3A_6 = arith.constant 0 : index
    %swap3A_7 = vector.load %arg5[%swap3A, %swap3A_6] : memref<640x136xf32, #tpu.memory_space<vmem>>, vector<640x128xf32>
    tpu.vector_store %arg5[%swap3A, %swap3A_6], %dot_general3A_5 {strides = array<i32>} : memref<640x136xf32, #tpu.memory_space<vmem>>, vector<640x128xf32>,
    %get3A_8 = arith.constant 0 : index
    %get3A_9 = arith.constant 0 : index
    %get3A_10 = vector.load %arg3[%get3A_8, %get3A_9] : memref<128x8xf32, #tpu.memory_space<vmem>>, vector<128x8xf32>
    %dot_general3A_11 = arith.constant dense<0.000000e+00> : vector<640x8xf32>
    %dot_general3A_12 = tpu.matmul %dot_general3A_5, %get3A_10, %dot_general3A_11 {dimension_numbers = #tpu.dot_dimension_numbers<[1], [0], [0], [1], [0, 0, 1, 1], [], []>, transpose_lhs_hint = false} : vector<640x128xf32>, vector<128x8xf32>, vector<640x8xf32> -> vector<640x8xf32>
    %swap3A_13 = arith.constant 0 : index
    %swap3A_14 = arith.constant 128 : index
    %swap3A_15 = vector.load %arg5[%swap3A_13, %swap3A_14] : memref<640x136xf32, #tpu.memory_space<vmem>>, vector<640x8xf32>
    tpu.vector_store %arg5[%swap3A_13, %swap3A_14], %dot_general3A_12 {strides = array<i32>} : memref<640x136xf32, #tpu.memory_space<vmem>>, vector<640x8xf32>,
    %get3A_16 = arith.constant 0 : index
    %get3A_17 = arith.constant 0 : index
    %get3A_18 = vector.load %arg4[%get3A_16, %get3A_17] : memref<128x16xf32, #tpu.memory_space<vmem>>, vector<128x16xf32>
    %dot_general3A_19 = arith.constant dense<0.000000e+00> : vector<640x16xf32>
    %dot_general3A_20 = tpu.matmul %dot_general3A_5, %get3A_18, %dot_general3A_19 {dimension_numbers = #tpu.dot_dimension_numbers<[1], [0], [0], [1], [0, 0, 1, 1], [], []>, transpose_lhs_hint = false} : vector<640x128xf32>, vector<128x16xf32>, vector<640x16xf32> -> vector<640x16xf32>
    %swap3A_21 = arith.constant 0 : index
    %swap3A_22 = arith.constant 0 : index
    %swap3A_23 = vector.load %arg6[%swap3A_21, %swap3A_22] : memref<640x16xf32, #tpu.memory_space<vmem>>, vector<640x16xf32>
    tpu.vector_store %arg6[%swap3A_21, %swap3A_22], %dot_general3A_20 {strides = array<i32>} : memref<640x16xf32, #tpu.memory_space<vmem>>, vector<640x16xf32>,
    return
  }
  func.func @transform_0(%arg0: i32) -> (i32, i32) {
    %c0_i32 = arith.constant 0 : i32
    %c0_i32_0 = arith.constant 0 : i32
    return %arg0, %c0_i32 : i32, i32
  }
  func.func @transform_1(%arg0: i32) -> (i32, i32) {
    %c0_i32 = arith.constant 0 : i32
    %c0_i32_0 = arith.constant 0 : i32
    %c0_i32_1 = arith.constant 0 : i32
    return %c0_i32, %c0_i32_0 : i32, i32
  }
  func.func @transform_2(%arg0: i32) -> (i32, i32) {
    %c0_i32 = arith.constant 0 : i32
    %c0_i32_0 = arith.constant 0 : i32
    %c0_i32_1 = arith.constant 0 : i32
    return %c0_i32, %c0_i32_0 : i32, i32
  }
  func.func @transform_3(%arg0: i32) -> (i32, i32) {
    %c0_i32 = arith.constant 0 : i32
    %c0_i32_0 = arith.constant 0 : i32
    %c0_i32_1 = arith.constant 0 : i32
    return %c0_i32, %c0_i32_0 : i32, i32
  }
  func.func @transform_4(%arg0: i32) -> (i32, i32) {
    %c0_i32 = arith.constant 0 : i32
    %c0_i32_0 = arith.constant 0 : i32
    return %arg0, %c0_i32 : i32, i32
  }
  func.func @transform_5(%arg0: i32) -> (i32, i32) {
    %c0_i32 = arith.constant 0 : i32
    %c0_i32_0 = arith.constant 0 : i32
    return %arg0, %c0_i32 : i32, i32
  }
}

module attributes {stable_mosaic.version = 14 : i64} {
  func.func @_nodeB_body(%arg0: i32, %arg1: memref<2x640x136xf32, #tpu.memory_space<vmem>>, %arg2: memref<640x128xf32, #tpu.memory_space<vmem>>, %arg3: memref<1x128xf32, #tpu.memory_space<vmem>>, %arg4: memref<1x128xf32, #tpu.memory_space<vmem>>, %arg5: memref<1x128xf32, #tpu.memory_space<vmem>>, %arg6: memref<128x128xf32, #tpu.memory_space<vmem>>, %arg7: memref<128x8xf32, #tpu.memory_space<vmem>>, %arg8: memref<128x16xf32, #tpu.memory_space<vmem>>, %arg9: memref<136x128xf32, #tpu.memory_space<vmem>>, %arg10: memref<640x136xf32, #tpu.memory_space<vmem>>, %arg11: memref<640x16xf32, #tpu.memory_space<vmem>>) attributes {dimension_semantics = [#tpu.dimension_semantics<arbitrary>], iteration_bounds = array<i64: 16>, scalar_prefetch = 0 : i64, scratch_operands = 0 : i64, tpu.core_type = #tpu.core_type<tc>, window_params = [{transform_indices = @transform_0, window_bounds = array<i64: 2, 640, 136>}, {transform_indices = @transform_1, window_bounds = array<i64: 640, 128>}, {pipeline_mode = #tpu.pipeline_mode<synchronous>, transform_indices = @transform_2, window_bounds = array<i64: 1, 128>}, {pipeline_mode = #tpu.pipeline_mode<synchronous>, transform_indices = @transform_3, window_bounds = array<i64: 1, 128>}, {pipeline_mode = #tpu.pipeline_mode<synchronous>, transform_indices = @transform_4, window_bounds = array<i64: 1, 128>}, {pipeline_mode = #tpu.pipeline_mode<synchronous>, transform_indices = @transform_5, window_bounds = array<i64: 128, 128>}, {pipeline_mode = #tpu.pipeline_mode<synchronous>, transform_indices = @transform_6, window_bounds = array<i64: 128, 8>}, {pipeline_mode = #tpu.pipeline_mode<synchronous>, transform_indices = @transform_7, window_bounds = array<i64: 128, 16>}, {pipeline_mode = #tpu.pipeline_mode<synchronous>, transform_indices = @transform_8, window_bounds = array<i64: 136, 128>}, {transform_indices = @transform_9, window_bounds = array<i64: 640, 136>}, {transform_indices = @transform_10, window_bounds = array<i64: 640, 16>}]} {
    %get3A = arith.constant 0 : index
    %get3A_0 = arith.constant 0 : index
    %get3A_1 = arith.constant 0 : index
    %get3A_2 = vector.load %arg1[%get3A, %get3A_0, %get3A_1] : memref<2x640x136xf32, #tpu.memory_space<vmem>>, vector<1x640x136xf32>
    %get3A_3 = vector.shape_cast %get3A_2 : vector<1x640x136xf32> to vector<640x136xf32>
    %get3A_4 = arith.constant 1 : index
    %get3A_5 = arith.constant 0 : index
    %get3A_6 = arith.constant 0 : index
    %get3A_7 = vector.load %arg1[%get3A_4, %get3A_5, %get3A_6] : memref<2x640x136xf32, #tpu.memory_space<vmem>>, vector<1x640x136xf32>
    %get3A_8 = vector.shape_cast %get3A_7 : vector<1x640x136xf32> to vector<640x136xf32>
    %add3A = arith.addf %get3A_3, %get3A_8 : vector<640x136xf32>
    %get3A_9 = arith.constant 0 : index
    %get3A_10 = arith.constant 0 : index
    %get3A_11 = vector.load %arg9[%get3A_9, %get3A_10] : memref<136x128xf32, #tpu.memory_space<vmem>>, vector<136x128xf32>
    %dot_general3A = arith.constant dense<0.000000e+00> : vector<640x128xf32>
    %dot_general3A_12 = tpu.matmul %add3A, %get3A_11, %dot_general3A {dimension_numbers = #tpu.dot_dimension_numbers<[1], [0], [0], [1], [0, 0, 1, 1], [], []>, transpose_lhs_hint = false} : vector<640x136xf32>, vector<136x128xf32>, vector<640x128xf32> -> vector<640x128xf32>
    %slice3A = vector.extract_strided_slice %add3A {offsets = [0, 0], sizes = [640, 128], strides = [1, 1]} : vector<640x136xf32> to vector<640x128xf32>
    %add3A_13 = arith.constant 1.000000e-16 : f32
    %add3A_14 = vector.broadcast %add3A_13 : f32 to vector<640x128xf32>
    %add3A_15 = arith.addf %dot_general3A_12, %add3A_14 : vector<640x128xf32>
    %div3A = arith.divf %slice3A, %add3A_15 : vector<640x128xf32>
    %get3A_16 = arith.constant 0 : index
    %get3A_17 = arith.constant 0 : index
    %get3A_18 = vector.load %arg3[%get3A_16, %get3A_17] : memref<1x128xf32, #tpu.memory_space<vmem>>, vector<1x128xf32>
    %add3A_19 = vector.broadcast %get3A_18 : vector<1x128xf32> to vector<640x128xf32>
    %add3A_20 = arith.addf %div3A, %add3A_19 : vector<640x128xf32>
    %get3A_21 = arith.constant 0 : index
    %get3A_22 = arith.constant 0 : index
    %get3A_23 = vector.load %arg4[%get3A_21, %get3A_22] : memref<1x128xf32, #tpu.memory_space<vmem>>, vector<1x128xf32>
    %mul3A = vector.broadcast %get3A_23 : vector<1x128xf32> to vector<640x128xf32>
    %mul3A_24 = arith.mulf %add3A_20, %mul3A : vector<640x128xf32>
    %get3A_25 = arith.constant 0 : index
    %get3A_26 = arith.constant 0 : index
    %get3A_27 = vector.load %arg5[%get3A_25, %get3A_26] : memref<1x128xf32, #tpu.memory_space<vmem>>, vector<1x128xf32>
    %add3A_28 = vector.broadcast %get3A_27 : vector<1x128xf32> to vector<640x128xf32>
    %add3A_29 = arith.addf %mul3A_24, %add3A_28 : vector<640x128xf32>
    %max3A = arith.constant 0.000000e+00 : f32
    %max3A_30 = vector.broadcast %max3A : f32 to vector<640x128xf32>
    %max3A_31 = arith.maximumf %add3A_29, %max3A_30 : vector<640x128xf32>
    %get3A_32 = arith.constant 0 : index
    %get3A_33 = arith.constant 0 : index
    %get3A_34 = vector.load %arg2[%get3A_32, %get3A_33] : memref<640x128xf32, #tpu.memory_space<vmem>>, vector<640x128xf32>
    %add3A_35 = arith.addf %max3A_31, %get3A_34 : vector<640x128xf32>
    %get3A_36 = arith.constant 0 : index
    %get3A_37 = arith.constant 0 : index
    %get3A_38 = vector.load %arg6[%get3A_36, %get3A_37] : memref<128x128xf32, #tpu.memory_space<vmem>>, vector<128x128xf32>
    %dot_general3A_39 = arith.constant dense<0.000000e+00> : vector<640x128xf32>
    %dot_general3A_40 = tpu.matmul %add3A_35, %get3A_38, %dot_general3A_39 {dimension_numbers = #tpu.dot_dimension_numbers<[1], [0], [0], [1], [0, 0, 1, 1], [], []>, transpose_lhs_hint = false} : vector<640x128xf32>, vector<128x128xf32>, vector<640x128xf32> -> vector<640x128xf32>
    %swap3A = arith.constant 0 : index
    %swap3A_41 = arith.constant 0 : index
    %swap3A_42 = vector.load %arg10[%swap3A, %swap3A_41] : memref<640x136xf32, #tpu.memory_space<vmem>>, vector<640x128xf32>
    tpu.vector_store %arg10[%swap3A, %swap3A_41], %dot_general3A_40 {strides = array<i32>} : memref<640x136xf32, #tpu.memory_space<vmem>>, vector<640x128xf32>,
    %get3A_43 = arith.constant 0 : index
    %get3A_44 = arith.constant 0 : index
    %get3A_45 = vector.load %arg7[%get3A_43, %get3A_44] : memref<128x8xf32, #tpu.memory_space<vmem>>, vector<128x8xf32>
    %dot_general3A_46 = arith.constant dense<0.000000e+00> : vector<640x8xf32>
    %dot_general3A_47 = tpu.matmul %dot_general3A_40, %get3A_45, %dot_general3A_46 {dimension_numbers = #tpu.dot_dimension_numbers<[1], [0], [0], [1], [0, 0, 1, 1], [], []>, transpose_lhs_hint = false} : vector<640x128xf32>, vector<128x8xf32>, vector<640x8xf32> -> vector<640x8xf32>
    %swap3A_48 = arith.constant 0 : index
    %swap3A_49 = arith.constant 128 : index
    %swap3A_50 = vector.load %arg10[%swap3A_48, %swap3A_49] : memref<640x136xf32, #tpu.memory_space<vmem>>, vector<640x8xf32>
    tpu.vector_store %arg10[%swap3A_48, %swap3A_49], %dot_general3A_47 {strides = array<i32>} : memref<640x136xf32, #tpu.memory_space<vmem>>, vector<640x8xf32>,
    %get3A_51 = arith.constant 0 : index
    %get3A_52 = arith.constant 0 : index
    %get3A_53 = vector.load %arg8[%get3A_51, %get3A_52] : memref<128x16xf32, #tpu.memory_space<vmem>>, vector<128x16xf32>
    %dot_general3A_54 = arith.constant dense<0.000000e+00> : vector<640x16xf32>
    %dot_general3A_55 = tpu.matmul %dot_general3A_40, %get3A_53, %dot_general3A_54 {dimension_numbers = #tpu.dot_dimension_numbers<[1], [0], [0], [1], [0, 0, 1, 1], [], []>, transpose_lhs_hint = false} : vector<640x128xf32>, vector<128x16xf32>, vector<640x16xf32> -> vector<640x16xf32>
    %swap3A_56 = arith.constant 0 : index
    %swap3A_57 = arith.constant 0 : index
    %swap3A_58 = vector.load %arg11[%swap3A_56, %swap3A_57] : memref<640x16xf32, #tpu.memory_space<vmem>>, vector<640x16xf32>
    tpu.vector_store %arg11[%swap3A_56, %swap3A_57], %dot_general3A_55 {strides = array<i32>} : memref<640x16xf32, #tpu.memory_space<vmem>>, vector<640x16xf32>,
    return
  }
  func.func @transform_0(%arg0: i32) -> (i32, i32, i32) {
    %c0_i32 = arith.constant 0 : i32
    %c0_i32_0 = arith.constant 0 : i32
    %c0_i32_1 = arith.constant 0 : i32
    return %c0_i32, %arg0, %c0_i32_0 : i32, i32, i32
  }
  func.func @transform_1(%arg0: i32) -> (i32, i32) {
    %c0_i32 = arith.constant 0 : i32
    %c0_i32_0 = arith.constant 0 : i32
    return %arg0, %c0_i32 : i32, i32
  }
  func.func @transform_2(%arg0: i32) -> (i32, i32) {
    %c0_i32 = arith.constant 0 : i32
    %c0_i32_0 = arith.constant 0 : i32
    %c0_i32_1 = arith.constant 0 : i32
    return %c0_i32, %c0_i32_0 : i32, i32
  }
  func.func @transform_3(%arg0: i32) -> (i32, i32) {
    %c0_i32 = arith.constant 0 : i32
    %c0_i32_0 = arith.constant 0 : i32
    %c0_i32_1 = arith.constant 0 : i32
    return %c0_i32, %c0_i32_0 : i32, i32
  }
  func.func @transform_4(%arg0: i32) -> (i32, i32) {
    %c0_i32 = arith.constant 0 : i32
    %c0_i32_0 = arith.constant 0 : i32
    %c0_i32_1 = arith.constant 0 : i32
    return %c0_i32, %c0_i32_0 : i32, i32
  }
  func.func @transform_5(%arg0: i32) -> (i32, i32) {
    %c0_i32 = arith.constant 0 : i32
    %c0_i32_0 = arith.constant 0 : i32
    %c0_i32_1 = arith.constant 0 : i32
    return %c0_i32, %c0_i32_0 : i32, i32
  }
  func.func @transform_6(%arg0: i32) -> (i32, i32) {
    %c0_i32 = arith.constant 0 : i32
    %c0_i32_0 = arith.constant 0 : i32
    %c0_i32_1 = arith.constant 0 : i32
    return %c0_i32, %c0_i32_0 : i32, i32
  }
  func.func @transform_7(%arg0: i32) -> (i32, i32) {
    %c0_i32 = arith.constant 0 : i32
    %c0_i32_0 = arith.constant 0 : i32
    %c0_i32_1 = arith.constant 0 : i32
    return %c0_i32, %c0_i32_0 : i32, i32
  }
  func.func @transform_8(%arg0: i32) -> (i32, i32) {
    %c0_i32 = arith.constant 0 : i32
    %c0_i32_0 = arith.constant 0 : i32
    %c0_i32_1 = arith.constant 0 : i32
    return %c0_i32, %c0_i32_0 : i32, i32
  }
  func.func @transform_9(%arg0: i32) -> (i32, i32) {
    %c0_i32 = arith.constant 0 : i32
    %c0_i32_0 = arith.constant 0 : i32
    return %arg0, %c0_i32 : i32, i32
  }
  func.func @transform_10(%arg0: i32) -> (i32, i32) {
    %c0_i32 = arith.constant 0 : i32
    %c0_i32_0 = arith.constant 0 : i32
    return %arg0, %c0_i32 : i32, i32
  }
}

module attributes {stable_mosaic.version = 14 : i64} {
  func.func @_nodeC_body(%arg0: i32, %arg1: memref<2x400x136xf32, #tpu.memory_space<vmem>>, %arg2: memref<1x128xf32, #tpu.memory_space<vmem>>, %arg3: memref<1x128xf32, #tpu.memory_space<vmem>>, %arg4: memref<1x128xf32, #tpu.memory_space<vmem>>, %arg5: memref<136x128xf32, #tpu.memory_space<vmem>>, %arg6: memref<400x128xf32, #tpu.memory_space<vmem>>) attributes {dimension_semantics = [#tpu.dimension_semantics<arbitrary>], iteration_bounds = array<i64: 25>, scalar_prefetch = 0 : i64, scratch_operands = 0 : i64, tpu.core_type = #tpu.core_type<tc>, window_params = [{transform_indices = @transform_0, window_bounds = array<i64: 2, 400, 136>}, {pipeline_mode = #tpu.pipeline_mode<synchronous>, transform_indices = @transform_1, window_bounds = array<i64: 1, 128>}, {pipeline_mode = #tpu.pipeline_mode<synchronous>, transform_indices = @transform_2, window_bounds = array<i64: 1, 128>}, {pipeline_mode = #tpu.pipeline_mode<synchronous>, transform_indices = @transform_3, window_bounds = array<i64: 1, 128>}, {pipeline_mode = #tpu.pipeline_mode<synchronous>, transform_indices = @transform_4, window_bounds = array<i64: 136, 128>}, {transform_indices = @transform_5, window_bounds = array<i64: 400, 128>}]} {
    %get3A = arith.constant 0 : index
    %get3A_0 = arith.constant 0 : index
    %get3A_1 = arith.constant 0 : index
    %get3A_2 = vector.load %arg1[%get3A, %get3A_0, %get3A_1] : memref<2x400x136xf32, #tpu.memory_space<vmem>>, vector<1x400x136xf32>
    %get3A_3 = vector.shape_cast %get3A_2 : vector<1x400x136xf32> to vector<400x136xf32>
    %get3A_4 = arith.constant 1 : index
    %get3A_5 = arith.constant 0 : index
    %get3A_6 = arith.constant 0 : index
    %get3A_7 = vector.load %arg1[%get3A_4, %get3A_5, %get3A_6] : memref<2x400x136xf32, #tpu.memory_space<vmem>>, vector<1x400x136xf32>
    %get3A_8 = vector.shape_cast %get3A_7 : vector<1x400x136xf32> to vector<400x136xf32>
    %add3A = arith.addf %get3A_3, %get3A_8 : vector<400x136xf32>
    %get3A_9 = arith.constant 0 : index
    %get3A_10 = arith.constant 0 : index
    %get3A_11 = vector.load %arg5[%get3A_9, %get3A_10] : memref<136x128xf32, #tpu.memory_space<vmem>>, vector<136x128xf32>
    %dot_general3A = arith.constant dense<0.000000e+00> : vector<400x128xf32>
    %dot_general3A_12 = tpu.matmul %add3A, %get3A_11, %dot_general3A {dimension_numbers = #tpu.dot_dimension_numbers<[1], [0], [0], [1], [0, 0, 1, 1], [], []>, transpose_lhs_hint = false} : vector<400x136xf32>, vector<136x128xf32>, vector<400x128xf32> -> vector<400x128xf32>
    %slice3A = vector.extract_strided_slice %add3A {offsets = [0, 0], sizes = [400, 128], strides = [1, 1]} : vector<400x136xf32> to vector<400x128xf32>
    %add3A_13 = arith.constant 1.000000e-16 : f32
    %add3A_14 = vector.broadcast %add3A_13 : f32 to vector<400x128xf32>
    %add3A_15 = arith.addf %dot_general3A_12, %add3A_14 : vector<400x128xf32>
    %div3A = arith.divf %slice3A, %add3A_15 : vector<400x128xf32>
    %get3A_16 = arith.constant 0 : index
    %get3A_17 = arith.constant 0 : index
    %get3A_18 = vector.load %arg2[%get3A_16, %get3A_17] : memref<1x128xf32, #tpu.memory_space<vmem>>, vector<1x128xf32>
    %add3A_19 = vector.broadcast %get3A_18 : vector<1x128xf32> to vector<400x128xf32>
    %add3A_20 = arith.addf %div3A, %add3A_19 : vector<400x128xf32>
    %reduce_sum3A = arith.constant dense<0.000000e+00> : vector<400xf32>
    %reduce_sum3A_21 = vector.multi_reduction <add>, %add3A_20, %reduce_sum3A [1] : vector<400x128xf32> to vector<400xf32>
    %broadcast_in_dim3A = vector.shape_cast %reduce_sum3A_21 : vector<400xf32> to vector<400x1xf32>
    %div3A_22 = arith.constant 1.280000e+02 : f32
    %div3A_23 = vector.broadcast %div3A_22 : f32 to vector<400x1xf32>
    %div3A_24 = arith.divf %broadcast_in_dim3A, %div3A_23 : vector<400x1xf32>
    %sub3A = vector.broadcast %div3A_24 : vector<400x1xf32> to vector<400x128xf32>
    %sub3A_25 = arith.subf %add3A_20, %sub3A : vector<400x128xf32>
    %mul3A = arith.mulf %sub3A_25, %sub3A_25 : vector<400x128xf32>
    %reduce_sum3A_26 = arith.constant dense<0.000000e+00> : vector<400xf32>
    %reduce_sum3A_27 = vector.multi_reduction <add>, %mul3A, %reduce_sum3A_26 [1] : vector<400x128xf32> to vector<400xf32>
    %broadcast_in_dim3A_28 = vector.shape_cast %reduce_sum3A_27 : vector<400xf32> to vector<400x1xf32>
    %div3A_29 = arith.constant 1.280000e+02 : f32
    %div3A_30 = vector.broadcast %div3A_29 : f32 to vector<400x1xf32>
    %div3A_31 = arith.divf %broadcast_in_dim3A_28, %div3A_30 : vector<400x1xf32>
    %add3A_32 = arith.constant 9.99999974E-6 : f32
    %add3A_33 = vector.broadcast %add3A_32 : f32 to vector<400x1xf32>
    %add3A_34 = arith.addf %div3A_31, %add3A_33 : vector<400x1xf32>
    %rsqrt3A = math.rsqrt %add3A_34 : vector<400x1xf32>
    %mul3A_35 = vector.broadcast %rsqrt3A : vector<400x1xf32> to vector<400x128xf32>
    %mul3A_36 = arith.mulf %sub3A_25, %mul3A_35 : vector<400x128xf32>
    %get3A_37 = arith.constant 0 : index
    %get3A_38 = arith.constant 0 : index
    %get3A_39 = vector.load %arg3[%get3A_37, %get3A_38] : memref<1x128xf32, #tpu.memory_space<vmem>>, vector<1x128xf32>
    %mul3A_40 = vector.broadcast %get3A_39 : vector<1x128xf32> to vector<400x128xf32>
    %mul3A_41 = arith.mulf %mul3A_36, %mul3A_40 : vector<400x128xf32>
    %get3A_42 = arith.constant 0 : index
    %get3A_43 = arith.constant 0 : index
    %get3A_44 = vector.load %arg4[%get3A_42, %get3A_43] : memref<1x128xf32, #tpu.memory_space<vmem>>, vector<1x128xf32>
    %add3A_45 = vector.broadcast %get3A_44 : vector<1x128xf32> to vector<400x128xf32>
    %add3A_46 = arith.addf %mul3A_41, %add3A_45 : vector<400x128xf32>
    %swap3A = arith.constant 0 : index
    %swap3A_47 = arith.constant 0 : index
    %swap3A_48 = vector.load %arg6[%swap3A, %swap3A_47] : memref<400x128xf32, #tpu.memory_space<vmem>>, vector<400x128xf32>
    tpu.vector_store %arg6[%swap3A, %swap3A_47], %add3A_46 {strides = array<i32>} : memref<400x128xf32, #tpu.memory_space<vmem>>, vector<400x128xf32>,
    return
  }
  func.func @transform_0(%arg0: i32) -> (i32, i32, i32) {
    %c0_i32 = arith.constant 0 : i32
    %c0_i32_0 = arith.constant 0 : i32
    %c0_i32_1 = arith.constant 0 : i32
    return %c0_i32, %arg0, %c0_i32_0 : i32, i32, i32
  }
  func.func @transform_1(%arg0: i32) -> (i32, i32) {
    %c0_i32 = arith.constant 0 : i32
    %c0_i32_0 = arith.constant 0 : i32
    %c0_i32_1 = arith.constant 0 : i32
    return %c0_i32, %c0_i32_0 : i32, i32
  }
  func.func @transform_2(%arg0: i32) -> (i32, i32) {
    %c0_i32 = arith.constant 0 : i32
    %c0_i32_0 = arith.constant 0 : i32
    %c0_i32_1 = arith.constant 0 : i32
    return %c0_i32, %c0_i32_0 : i32, i32
  }
  func.func @transform_3(%arg0: i32) -> (i32, i32) {
    %c0_i32 = arith.constant 0 : i32
    %c0_i32_0 = arith.constant 0 : i32
    %c0_i32_1 = arith.constant 0 : i32
    return %c0_i32, %c0_i32_0 : i32, i32
  }
  func.func @transform_4(%arg0: i32) -> (i32, i32) {
    %c0_i32 = arith.constant 0 : i32
    %c0_i32_0 = arith.constant 0 : i32
    %c0_i32_1 = arith.constant 0 : i32
    return %c0_i32, %c0_i32_0 : i32, i32
  }
  func.func @transform_5(%arg0: i32) -> (i32, i32) {
    %c0_i32 = arith.constant 0 : i32
    %c0_i32_0 = arith.constant 0 : i32
    return %arg0, %c0_i32 : i32, i32
  }
}

</mosaic_0001>

<sc_bundles>
// kernel: kernel.10.cloned.1.call-start
scs
__scs_entry_jumppad:
0x0: {  	(pc) =	sbr.rel $0x88, $3  }
0x1: {  	(tag) =	ssettag $0x0;
	lr =	simm.s32 $0x1  }
0x2: {  	[smem:$0x3F93] =	sst lr;
	_ =	strace $0xD0000000  }
0x3: {  	_ = 	snop  }
0x4: {  	_ = 	snop  }
0x5: {  	_ = 	snop  }
0x6: {  	_ = 	snop  }
0x7: {  	_ = 	snop  }
__scs_overlays_trampoline_lowered:
0x8: {  	[smem:$0x3FA2] =	sst s0  }
0x9: {  	[smem:$0x3FA3] =	sst s1  }
0xa: {  	[smem:$0x3FA4] =	sst s2  }
0xb: {  	[smem:$0x3FA5] =	sst s3  }
0xc: {  	[smem:$0x3FA6] =	sst s4  }
0xd: {  	[smem:$0x3FA7] =	sst s5  }
0xe: {  	[smem:$0x3FA8] =	sst s6  }
0xf: {  	[smem:$0x3FA9] =	sst s7  }
0x10: {  	[smem:$0x3FAA] =	sst s8  }
0x11: {  	[smem:$0x3FAB] =	sst s9;
	s0 =	simm.s32 @!p0 $0x0  }
0x12: {  	s1 =	sld [smem:$0x3F91];
	s0 =	simm.s32 @p0 $0x1  }
0x13: {  	[smem:$0x3FAC] =	sst s0;
	s0 =	simm.s32 @!p1 $0x0  }
0x14: {  	s2 =	sld [smem:$0x3F90];
	s0 =	simm.s32 @p1 $0x1  }
0x15: {  	[smem:$0x3FAD] =	sst s0;
	s0 =	simm.s32 @!p2 $0x0  }
0x16: {  	s3 =	sld [smem:$0x3FDB];
	s0 =	simm.s32 @p2 $0x1  }
0x17: {  	s4 =	simm.s32 $0x1BF5;
	[smem:$0x3FAF] =	sst s0  }
0x18: {  	s0 =	sld [smem:$0x3F92];
	_ =	swait.ge [sflag:s4], $0x0  }
0x19: {  	s7 =	sld [smem:$0x3F93]  }
0x1a: {  	s8 =	sadd.s32 $0xFFFFE003, lr  }
0x1b: {  	s9 =	sadd.s32 $0xFFFFFEF7, lr;
	s5 =	simm.s32 $0xFFFFFFFF;
	p2 =	slt.u32 s8, $0xFFFFF086  }
0x1c: {  	p1 =	slt.u32 s9, $0xF7A;
	s5 =	simm.s32 @!p2 $0x0  }
0x1d: {  	s5 =	simm.s32 @p1 $0x1;
	p0 =	seq.s32 s7, s2  }
0x1e: {  	s7 =	smul.u32 @!p0 $0xF7A, s2;
	p2 =	seq.s32 @!p0 s5, $0x0  }
0x1f: {  	s9 =	smul.u32 $0xF7A, s1;
	s8 =	simm.s32 @!p0 $0x1BF5;
	p2 =	por !p2, p0  }
0x20: {  	[sflag:s8] =	ssyncset.s32 @!p0 $0xFFFFF086;
	s6 =	sadd.s32 @!p0 s3, s7;
	s7 =	simm.s32 @!p0 $0x108  }
0x21: {  	s3 =	sadd.s32 s3, s9;
	s6 =	sadd.s32 @!p0 $0x88, s6;
	s7 =	simm.s32 @p2 $0x1082  }
0x22: {  	[simem:s7], [sflag:s8] =	dma.local @!p0 [hbm:s6], $0xF7A  }
0x23: {  	s9 =	sor.u32 $0xD0000000, s2;
	s6 =	simm.s32 $0x108;
	_ =	swait.ge @!p0 [sflag:s8], $0x0  }
0x24: {  	s3 =	sadd.s32 $0x88, s3;
	s6 =	simm.s32 @!p1 $0x1082;
	[sflag:s4] =	ssyncset.s32 $0xFFFFF086  }
0x25: {  	[simem:s6], [sflag:s4] =	dma.local [hbm:s3], $0xF7A  }
0x26: {  	[smem:$0x3F93] =	sst s1;
	(tag) =	ssettag s2;
	_ =	strace s9  }
0x27: {  	s1 =	sld [smem:$0x3FA3]  }
0x28: {  	s2 =	sld [smem:$0x3FA4]  }
0x29: {  	s4 =	sld [smem:$0x3FA6]  }
0x2a: {  	p0 =	seq.s32 s5, $0x0;
	s5 =	sld [smem:$0x3FA7]  }
0x2b: {  	s6 =	sld [smem:$0x3FA8]  }
0x2c: {  	s7 =	sld [smem:$0x3FA9]  }
0x2d: {  	s3 =	simm.s32 $0x108;
	s8 =	sld [smem:$0x3FAA]  }
0x2e: {  	s3 =	simm.s32 @!p0 $0x1082;
	s9 =	sld [smem:$0x3FAB]  }
0x2f: {  	lr =	sadd.s32 s0, s3;
	s0 =	sld [smem:$0x3FA2]  }
0x30: {  	s3 =	sld [smem:$0x3FA5]  }
0x31: {  	[smem:$0x3FAE] =	sst s10  }
0x32: {  	s10 =	sld [smem:$0x3FAC];
	_ =	sdelay $0x3  }
0x33: {  	p0 =	seq.s32 s10, $0x1;
	s10 =	sld [smem:$0x3FAE];
	_ =	sdelay $0x3  }
0x34: {  	[smem:$0x3FAE] =	sst s10  }
0x35: {  	s10 =	sld [smem:$0x3FAD];
	_ =	sdelay $0x3  }
0x36: {  	p1 =	seq.s32 s10, $0x1;
	s10 =	sld [smem:$0x3FAE];
	_ =	sdelay $0x3  }
0x37: {  	[smem:$0x3FAE] =	sst s10  }
0x38: {  	s10 =	sld [smem:$0x3FAF]  }
0x39: {  	_ = 	snop;
	(pc) =	sbr.ind lr, $3  }
0x3a: {  	_ = 	snop  }
0x3b: {  	_ = 	snop  }
0x3c: {  	p2 =	seq.s32 s10, $0x1;
	s10 =	sld [smem:$0x3FAE]  }
0x3d: {  	_ =	shalt  }
0x3e: {  	_ =	shalt  }
0x3f: {  	_ =	shalt  }
0x40: {  	_ =	shalt  }
0x41: {  	_ =	shalt  }
0x42: {  	_ =	shalt  }
0x43: {  	_ =	shalt  }
0x44: {  	_ =	shalt  }
0x45: {  	_ =	shalt  }
0x46: {  	_ =	shalt  }
0x47: {  	_ =	shalt  }
0x48: {  	_ =	shalt  }
0x49: {  	_ =	shalt  }
0x4a: {  	_ =	shalt  }
0x4b: {  	_ =	shalt  }
0x4c: {  	_ =	shalt  }
0x4d: {  	_ =	shalt  }
0x4e: {  	_ =	shalt  }
0x4f: {  	_ =	shalt  }
0x50: {  	_ =	shalt  }
0x51: {  	_ =	shalt  }
0x52: {  	_ =	shalt  }
0x53: {  	_ =	shalt  }
0x54: {  	_ =	shalt  }
0x55: {  	_ =	shalt  }
0x56: {  	_ =	shalt  }
0x57: {  	_ =	shalt  }
0x58: {  	_ =	shalt  }
0x59: {  	_ =	shalt  }
0x5a: {  	_ =	shalt  }
0x5b: {  	_ =	shalt  }
0x5c: {  	_ =	shalt  }
0x5d: {  	_ =	shalt  }
0x5e: {  	_ =	shalt  }
0x5f: {  	_ =	shalt  }
0x60: {  	_ =	shalt  }
0x61: {  	_ =	shalt  }
0x62: {  	_ =	shalt  }
0x63: {  	_ =	shalt  }
0x64: {  	_ =	shalt  }
0x65: {  	_ =	shalt  }
0x66: {  	_ =	shalt  }
0x67: {  	_ =	shalt  }
0x68: {  	_ =	shalt  }
0x69: {  	_ =	shalt  }
0x6a: {  	_ =	shalt  }
0x6b: {  	_ =	shalt  }
0x6c: {  	_ =	shalt  }
0x6d: {  	_ =	shalt  }
0x6e: {  	_ =	shalt  }
0x6f: {  	_ =	shalt  }
0x70: {  	_ =	shalt  }
0x71: {  	_ =	shalt  }
0x72: {  	_ =	shalt  }
0x73: {  	_ =	shalt  }
0x74: {  	_ =	shalt  }
0x75: {  	_ =	shalt  }
0x76: {  	_ =	shalt  }
0x77: {  	_ =	shalt  }
0x78: {  	_ =	shalt  }
0x79: {  	_ =	shalt  }
0x7a: {  	_ =	shalt  }
0x7b: {  	_ =	shalt  }
0x7c: {  	_ =	shalt  }
0x7d: {  	_ =	shalt  }
0x7e: {  	_ =	shalt  }
0x7f: {  	_ =	shalt  }
0x80: {  	_ =	shalt  }
0x81: {  	_ =	shalt  }
0x82: {  	_ =	shalt  }
0x83: {  	_ =	shalt  }
0x84: {  	_ =	shalt  }
0x85: {  	_ =	shalt  }
0x86: {  	_ =	shalt  }
0x87: {  	_ =	shalt  }
.Lfunc_end0:
.L_simem_size_0:
called_computation.1_lowered:
.L_overlay_start_0:
0x88: {  	s2 =	sld [smem:$0x3FD9]  }
0x89: {  	s3 =	sld [smem:$0x3FFE];
	_ =	sdelay $0x1  }
0x8a: {  	s1 =	srdreg.scid  }
0x8b: {  	s0 =	sand.u32 $0x1, s1  }
0x8c: {  	s17 =	sshll.u32 s0, $0xA;
	s2 =	sadd.s32 s3, s2  }
0x8d: {  	s2 =	sadd.s32 s2, s17  }
0x8e: {  	[smem:$0x3FBA] =	sst s2  }
0x8f: {  	_ = 	snop  }
0x90: {  	s2 =	sld [smem:$0x3FD0];
	(tm) =	ssettm $0x1  }
0x91: {  	s18 =	sld [smem:$0x3FFB];
	_ =	sdelay $0x3  }
0x92: {  	_ =	strace s18  }
0x93: {  	s3 =	sld [smem:$0x3FFC];
	_ =	sdelay $0x3  }
0x94: {  	_ =	strace s3  }
0x95: {  	s3 =	sld [smem:$0x3FFD];
	_ =	sdelay $0x3  }
0x96: {  	_ =	strace s3  }
0x97: {  	_ =	strace $0x8FFFFFFF  }
0x98: {  	s19 =	sld [smem:$0x3FDB];
	_ =	sdelay $0x1  }
0x99: {  	s4 =	simm.s32 $_scs_section_size  }
0x9a: {  	s5 =	simm.s32 $_size__tile_overlayer_lowered;
	s6 =	simm.s32 $_tile_overlayer_lowered  }
0x9b: {  	s22 =	simm.s32 $0x1BFF;
	s21 =	sshll.u32 s6, $0x1;
	s3 =	sadd.s32 s4, s19  }
0x9c: {  	s7 =	simm.s32 $0x0;
	s20 =	sshll.u32 s5, $0x1;
	s5 =	sadd.s32 s21, s3  }
0x9d: {  	[timem:s7], [sflag:s22] =	dma.local [hbm:s5], s20  }
0x9e: {  	_ =	swait.ge [sflag:s22], s20  }
0x9f: {  	s4 =	ssub.s32 $0x0, s20;
	[sflag:s22] =	ssyncset.done $0x0  }
0xa0: {  	[sflag:s22] =	ssyncadd.s32 s4;
	_ =	sdelay $0x1  }
0xa1: {  	s23 =	simm.s32 $0x1B8B  }
0xa2: {  	_ =	swait.ge [sflag:s23], $0x1  }
0xa3: {  	[sflag:s23] =	ssyncset.done $0x0  }
0xa4: {  	s25 =	simm.s32 $0x1B8E;
	s24 =	sld [smem:$0x3FFE];
	[sflag:s23] =	ssyncadd.s32 $0xFFFFFFFF  }
0xa5: {  	s26 =	simm.s32 $execute0_lowered;
	[smem:$0x3FD2] =	sst s25  }
0xa6: {  	s5 =	sshll.u32 s26, $0x1;
	_ =	strace $0x80000049;
	[dreg:$0x1] =	wrdreg $0xFFFFFFFF  }
0xa7: {  	s28 =	simm.s32 $_size_execute0_lowered;
	s3 =	sadd.s32 s3, s5;
	[dreg:$0x0] =	wrdreg $0x0  }
0xa8: {  	s5 =	sshll.u32 s28, $0x1;
	[dreg:$0x2] =	wrdreg s3  }
0xa9: {  	[dreg:$0x3] =	wrdreg s5  }
0xaa: {  	[dreg:$0x4] =	wrdreg $0xC0  }
0xab: {  	_ =	task [dreg:s7], $0x5FFFF  }
0xac: {  	[dreg:$0x1] =	wrdreg $0xFFFFFFFF  }
0xad: {  	[dreg:$0x0] =	wrdreg $0x60  }
0xae: {  	[dreg:$0x2] =	wrdreg s24  }
0xaf: {  	[dreg:$0x3] =	wrdreg s2  }
0xb0: {  	[dreg:$0x4] =	wrdreg $0xA6800  }
0xb1: {  	[dreg:$0x5] =	wrdreg $0x9  }
0xb2: {  	_ =	task.clear_ibuf [dreg:s7], $0x6FFFF;
	_ =	strace $0x90000049  }
0xb3: {  	s29 =	simm.s32 $0x9;
	_ =	strace $0x8000004B  }
0xb4: {  	_ =	swait.ge [sflag:s29], $0x1  }
0xb5: {  	[sflag:s29] =	ssyncadd.s32 $0xFFFFFFFF  }
0xb6: {  	_ =	strace $0x9000004B  }
0xb7: {  	_ =	sfence  }
0xb8: {  	s30 =	sld [smem:$0x0];
	_ =	sdelay $0x2  }
0xb9: {  	s31 =	sshll.u32 s1, $0xD;
	s1 =	sshrl.u32 s1, $0x2  }
0xba: {  	s3 =	sand.u32 $0x4000, s31;
	s1 =	sadd.s32 s1, s30  }
0xbb: {  	s0 =	sor.u32 s3, s0;
	s1 =	sshll.u32 s1, $0x11  }
0xbc: {  	s0 =	sor.u32 s1, s0  }
0xbd: {  	s0 =	sadd.s32 $0x8F2B, s0  }
0xbe: {  	[sflag:s0] =	ssyncadd.remote.s32 $0x1  }
0xbf: {  	_ =	sfence.sel $0xFFFF  }
0xc0: {  	[dreg:$0x0] =	wrdreg $0xFFFFFFFF;
	(pc) =	sbr.abs _section_cstart, $3  }
0xc1: {  	[dreg:$0x1] =	wrdreg $0xFFFFFFFF  }
0xc2: {  	_ =	task.clear_ibuf [dreg:s7], $0x2FFFF;
	_ =	strace $0x9FFFFFFF  }
0xc3: {  	(tm) =	ssettm $0x7FFFFFFF  }
tec
execute0_lowered:
.L_overlay_start_1:
0x0: {  	(tag) =	ssettag $0x1  }
0x1: {  	s0 =	rddreg [dreg:$0x0]  }
0x2: {  	s1 =	rddreg [dreg:$0x1]  }
0x3: {  	s2 =	rddreg [dreg:$0x2]  }
0x4: {  	s3 =	simm.s32 $0x0;
	s4 =	srdreg.scid;
	s13 =	stileid.u32  }
0x5: {  	s16 =	simm.s32 $0xC0;
	s17 =	simm.s32 $0x60;
	s18 =	simm.s32 $0x120  }
0x6: {  	s29 =	simm.s32 $0x1;
	s30 =	simm.s32 $0x3;
	s31 =	simm.s32 $0x7380  }
0x7: {  	[smem:$0x7FF] =	sst s3;
	s4 =	sand.u32 $0x1, s4;
	s9 =	smul.u32 $0x6C, s13  }
0x8: {  	s5 =	sadd.s32 $0x1200, s0;
	s11 =	smul.u32 $0x15400, s13;
	s7 =	sadd.s32 $0x2BA00, s0  }
0x9: {  	s8 =	sadd.s32 $0x30A00, s0;
	s12 =	sadd.s32 $0x3AC00, s0;
	_ =	strace $0x8000004A  }
0xa: {  	s10 =	smul.u32 $0x154000, s4;
	p0 =	seq.s32 s4, $0x0;
	s4 =	ssub.s32 $0x2, s4  }
0xb: {  	[dreg:$0x4] =	wrdreg s12;
	s6 =	sadd.s32 $0x6C0, s9;
	s23 =	sshrl.u32 s4, $0x1  }
0xc: {  	s28 =	sadd.s32 s11, s2;
	s6 =	smov.u32 @p0 s9;
	s21 =	sadd.s32 s11, s10  }
0xd: {  	s4 =	ssub.s32 s4, s23;
	p0 =	sne.s32 s13, $0x0;
	s22 =	smul.u32 $0xC, s6  }
0xe: {  	s23 =	simm.s32 $0x6;
	s9 =	sshrl.u32 s21, $0x3;
	s4 =	smax.u32 s4, $0x1  }
0xf: {  	s0 =	sadd.s32 s9, s0;
	[dreg:$0xa] =	wrdreg s4;
	s25 =	sadd.s32 s1, s22  }
0x10: {  	s24 =	sor.u32 $0xC, s22;
	s10 =	sadd.s32 s8, s22;
	[dreg:$0x5] =	wrdreg s25  }
.Ltmp0:
0x11: {  	s0 =	sadd.s32 $0x65400, s0;
	[dreg:$0x6] =	wrdreg s10;
	(pc) =	sbr.rel .LBB2_1-.Ltmp0, $4  }
0x12: {  	s21 =	simm.s32 $0x2;
	s26 =	sadd.s32 s1, s24;
	[dreg:$0x9] =	wrdreg s0  }
0x13: {  	s22 =	simm.s32 $0x4;
	s9 =	sadd.s32 s8, s24;
	[dreg:$0x7] =	wrdreg s26  }
0x14: {  	s24 =	simm.s32 $0x8;
	s0 =	sshrl.u32 s28, $0x3;
	[dreg:$0x8] =	wrdreg s9  }
0x15: {  	v0 =	vimm.s32 $0x8;
	vm0 =	vmmov $0xff;
	[dreg:$0xb] =	wrdreg s0;
	s0 =	simm.s32 $0x9;
	s9 =	simm.s32 $0x0  }
.LBB2_8:
0x16: {  	s4 =	stileid.u32;
	[bflag:$0x0] =	sbarrier.arrive $0xFFFF  }
0x17: {  	s4 =	sshll.u32 s4, $0x6;
	s9 =	rddreg [dreg:$0x9]  }
0x18: {  	s10 =	rddreg [dreg:$0xb];
	s4 =	sor.u32 $0x1C09, s4  }
0x19: {  	[hbm:s9], [sflag:s4] =	dma.local [spmem:s10], $0x2A80  }
0x1a: {  	_ =	swait.ge [sflag:s0], $0x2A80  }
0x1b: {  	s26 =	rddreg [dreg:$0xc]  }
0x1c: {  	s28 =	rddreg [dreg:$0xa];
	s9 =	sadd.s32 $0x1, s26  }
0x1d: {  	p1 =	sne.s32 s9, s28  }
.Ltmp1:
0x1e: {  	_ = 	snop;
	(pc) =	sbr.rel @!p1 .LBB2_9-.Ltmp1, $3  }
0x1f: {  	_ =	sdelay $0x1  }
0x20: {  	[sflag:s0] =	ssyncset.done $0x0  }
0x21: {  	[sflag:s0] =	ssyncadd.s32 $0xFFFFD580  }
.LBB2_1:
0x22: {  	[dreg:$0xc] =	wrdreg s9  }
0x23: {  	s4 =	rddreg [dreg:$0x5]  }
0x24: {  	[tilespmem:s3], [sflag:$0x5] =	stream.linear.gather [hbm4b:s4+s3], $0x60, $0x38;
	[tilespmem:$0x1FA80] =	vst v63  }
0x25: {  	s12 =	rddreg [dreg:$0x6]  }
0x26: {  	[tilespmem:s16], [sflag:$0x7] =	stream.linear.gather [hbm4b:s12+s3], $0x60, $0x38;
	[tilespmem:$0x1FA80] =	vst v63  }
0x27: {  	s13 =	rddreg [dreg:$0x7]  }
0x28: {  	[tilespmem:s17], [sflag:$0x6] =	stream.linear.gather [hbm4b:s13+s3], $0x60, $0x38;
	[tilespmem:$0x1FA80] =	vst v63  }
0x29: {  	s14 =	rddreg [dreg:$0x8];
	s15 =	simm.s32 $0x5  }
0x2a: {  	[tilespmem:s18], [sflag:$0x8] =	stream.linear.gather [hbm4b:s14+s3], $0x60, $0x38;
	[tilespmem:$0x1FA80] =	vst v63  }
0x2b: {  	_ =	swait.ge [sflag:s15], $0x60  }
0x2c: {  	[sflag:s15] =	ssyncset.done $0x0  }
0x2d: {  	s19 =	simm.s32 $0x7;
	[sflag:s15] =	ssyncadd.s32 $0xFFFFFFA0  }
0x2e: {  	_ =	swait.ge [sflag:s19], $0x60  }
0x2f: {  	[sflag:s19] =	ssyncset.done $0x0  }
0x30: {  	s20 =	simm.s32 $0x180;
	[sflag:s19] =	ssyncadd.s32 $0xFFFFFFA0  }
0x31: {  	[tilespmem:s20], [sflag:$0x1] =	stream.indirect.gather [hbm4b:s5+s17], $0x88, s3, s17, $0xb8;
	[tilespmem:$0x1FA80] =	vst v63  }
0x32: {  	s25 =	simm.s32 $0x6780  }
0x33: {  	[tilespmem:s25], [sflag:$0x3] =	stream.indirect.gather [hbm4b:s7+s17], $0x10, s16, s17, $0xb8;
	[tilespmem:$0x1FA80] =	vst v63  }
0x34: {  	_ =	swait.ge [sflag:s23], $0x60  }
0x35: {  	[sflag:s23] =	ssyncset.done $0x0  }
0x36: {  	[sflag:s23] =	ssyncadd.s32 $0xFFFFFFA0  }
0x37: {  	_ =	swait.ge [sflag:s24], $0x60  }
0x38: {  	[sflag:s24] =	ssyncset.done $0x0  }
0x39: {  	s26 =	simm.s32 $0x3480;
	s28 =	simm.s32 $0x6D80;
	[sflag:s24] =	ssyncadd.s32 $0xFFFFFFA0  }
0x3a: {  	[tilespmem:s26], [sflag:$0x2] =	stream.indirect.gather [hbm4b:s5+s17], $0x88, s17, s17, $0xb8;
	[tilespmem:$0x1FA80] =	vst v63  }
0x3b: {  	s9 =	simm.s32 @!p0 $0x1C09;
	s4 =	sshrl.u32 @!p0 s2, $0x3;
	s10 =	rddreg [dreg:$0x4]  }
0x3c: {  	[tilespmem:s28], [sflag:$0x4] =	stream.indirect.gather [hbm4b:s7+s17], $0x10, s18, s17, $0xb8;
	[tilespmem:$0x1FA80] =	vst v63  }
0x3d: {  	[spmem:s4], [sflag:s9] =	dma.local @!p0 [hbm:s10], $0x2A800  }
0x3e: {  	s4 =	simm.s32 @!p0 $0x9  }
0x3f: {  	_ =	swait.ge @!p0 [sflag:s4], $0x2A800  }
0x40: {  	[sflag:s4] =	ssyncset.done @!p0 $0x0  }
0x41: {  	[sflag:s4] =	ssyncadd.s32 @!p0 $0xFFFD5800  }
0x42: {  	s9 =	simm.s32 $0x0;
	[bflag:$0x0] =	sbarrier.arrive $0xFFFF  }
.LBB2_2:
0x43: {  	s10 =	sshll.u32 s9, $0x1;
	_ =	swait.ge [sflag:s29], $0x3300  }
0x44: {  	p1 =	seq.s32 s9, $0x35;
	s4 =	sadd.s32 $0x2, s10;
	[sflag:s29] =	ssyncset.done $0x0  }
0x45: {  	[sflag:s29] =	ssyncadd.s32 $0xFFFFCD00;
	s4 =	sadd.s32 @!p1 s6, s4  }
0x46: {  	_ =	swait.ge [sflag:s30], $0x600;
	s11 =	smul.u32 @!p1 $0xC, s4  }
0x47: {  	s20 =	simm.s32 $0x290;
	[sflag:s30] =	ssyncset.done $0x0  }
0x48: {  	s12 =	simm.s32 @!p1 $0x0;
	[sflag:s30] =	ssyncadd.s32 $0xFFFFFA00;
	s4 =	sadd.s32 @!p1 s1, s11  }
0x49: {  	[tilespmem:s12], [sflag:$0x5] =	stream.linear.gather @!p1 [hbm4b:s4+s12], $0x60, $0x38;
	[tilespmem:$0x1FA80] =	vst v63  }
0x4a: {  	s19 =	simm.s32 $0x67A0;
	v17 =	vld [tilespmem:s20+$0x100]  }
0x4b: {  	v1 =	vld [tilespmem:s19+$0x10];
	_ =	sdelay $0x4  }
0x4c: {  	v16 =	vld [tilespmem:s20+$0xFFFFFFF0];
	v1 =	vadd.f32 v1, v17  }
0x4d: {  	v2 =	vld [tilespmem:s19+$0xFFFFFFF0]  }
0x4e: {  	v4 =	vld [tilespmem:s19+$0xFFFFFFE0];
	v3 =	vmin.f32 v1, $0.0e+00  }
0x4f: {  	v14 =	vld [tilespmem:s20+$0x78];
	v3 =	vmul.f32 $2.000000030e-01, v3  }
0x50: {  	v5 =	vld [tilespmem:s19+$0x0];
	v1 =	vmax.f32 v1, $0.0e+00  }
0x51: {  	v18 =	vld [tilespmem:s20+$0xFFFFFF68];
	v1 =	vadd.f32 v3, v1;
	_ =	sdelay $0x1  }
0x52: {  	v2 =	vadd.f32 v2, v16;
	v1 =	vmul.f32 $1.442695020e+00, v1;
	_ =	sdelay $0x1  }
0x53: {  	v3 =	vmin.f32 v2, $0.0e+00;
	(erf) = vpow2.f32 v1;
	v1 =	vadd.f32 v5, v14  }
0x54: {  	v4 =	vadd.f32 v4, v18;
	v3 =	vmul.f32 $2.000000030e-01, v3  }
0x55: {  	v2 =	vmax.f32 v2, $0.0e+00;
	v5 =	vmin.f32 v1, $0.0e+00  }
0x56: {  	v2 =	vadd.f32 v3, v2;
	v3 =	vmul.f32 $2.000000030e-01, v5;
	v5 =	vmin.f32 v4, $0.0e+00  }
0x57: {  	v1 =	vmax.f32 v1, $0.0e+00;
	v5 =	vmul.f32 $2.000000030e-01, v5  }
0x58: {  	v2 =	vmul.f32 $1.442695020e+00, v2;
	v4 =	vmax.f32 v4, $0.0e+00;
	v1 =	vadd.f32 v3, v1  }
0x59: {  	v3 =	vadd.f32 v5, v4  }
0x5a: {  	(erf) = vpow2.f32 v2;
	v2 =	vld [tilespmem:s20+$0x88];
	v1 =	vmul.f32 $1.442695020e+00, v1  }
0x5b: {  	v3 =	vmul.f32 $1.442695020e+00, v3  }
0x5c: {  	v4 =	vpop (erf);
	(erf) = vpow2.f32 v1  }
0x5d: {  	v21 =	vperm.xlane v4, v0;
	(erf) = vpow2.f32 v3;
	_ =	sdelay $0x1  }
0x5e: {  	v1 =	vmul.f32 v2, v21  }
0x5f: {  	s13 =	simm.s32 $0x7490  }
0x60: {  	[tilespmem:s13+$0x88] =	vst v1  }
0x61: {  	v1 =	vld [tilespmem:s20+$0x98]  }
0x62: {  	v3 =	vpop (erf)  }
0x63: {  	v11 =	vperm.xlane v3, v0;
	v3 =	vld [tilespmem:s20+$0xFFFFFEF0]  }
0x64: {  	s12 =	simm.s32 $0x4B0;
	v6 =	vld [tilespmem:s20+$0x0];
	v4 =	vpop (erf)  }
0x65: {  	s25 =	simm.s32 $0x67E0;
	v19 =	vld [tilespmem:s12+$0x100];
	v5 =	vpop (erf)  }
0x66: {  	v7 =	vld [tilespmem:s25+$0xFFFFFFE0];
	v1 =	vmul.f32 v1, v21;
	v20 =	vperm.xlane v5, v0  }
0x67: {  	v2 =	vld [tilespmem:s20+$0xFFFFFF78]  }
0x68: {  	v12 =	vld [tilespmem:s12+$0xFFFFFFF0];
	[tilespmem:s13+$0x98] =	vst v1;
	v1 =	vmul.f32 v3, v20  }
0x69: {  	v3 =	vld [tilespmem:s20+$0xA8]  }
0x6a: {  	[tilespmem:s13+$0xFFFFFEF0] =	vst v1;
	v1 =	vld [tilespmem:s25+$0x10]  }
0x6b: {  	v8 =	vld [tilespmem:s25+$0xFFFFFFF0]  }
0x6c: {  	v10 =	vld [tilespmem:s12+$0x78];
	v2 =	vmul.f32 v2, v11  }
0x6d: {  	v13 =	vld [tilespmem:s12+$0xFFFFFF68]  }
0x6e: {  	[tilespmem:s13+$0xFFFFFF78] =	vst v2;
	v15 =	vperm.xlane v4, v0;
	v4 =	vld [tilespmem:s25+$0x0];
	v3 =	vmul.f32 v3, v21  }
0x6f: {  	v2 =	vld [tilespmem:s20+$0xFFFFFF88];
	v1 =	vadd.f32 v1, v19  }
0x70: {  	v5 =	vld [tilespmem:s20+$0xFFFFFF00];
	[tilespmem:s13+$0xA8] =	vst v3  }
0x71: {  	v6 =	vmul.f32 v6, v15;
	v3 =	vmin.f32 v1, $0.0e+00;
	v9 =	vld [tilespmem:s20+$0xB8]  }
0x72: {  	v8 =	vadd.f32 v8, v12;
	v3 =	vmul.f32 $2.000000030e-01, v3  }
0x73: {  	[tilespmem:s13+$0x0] =	vst v6;
	v1 =	vmax.f32 v1, $0.0e+00  }
0x74: {  	v7 =	vadd.f32 v7, v13;
	v6 =	vmin.f32 v8, $0.0e+00;
	v1 =	vadd.f32 v3, v1;
	v3 =	vld [tilespmem:s20+$0x10]  }
0x75: {  	v4 =	vadd.f32 v4, v10;
	v6 =	vmul.f32 $2.000000030e-01, v6;
	v5 =	vmul.f32 v5, v20  }
0x76: {  	v8 =	vmax.f32 v8, $0.0e+00;
	v2 =	vmul.f32 v2, v11;
	v9 =	vmul.f32 v9, v21  }
0x77: {  	v22 =	vmin.f32 v4, $0.0e+00;
	v6 =	vadd.f32 v6, v8;
	[tilespmem:s13+$0xFFFFFF00] =	vst v5;
	v1 =	vmul.f32 $1.442695020e+00, v1  }
0x78: {  	v4 =	vmax.f32 v4, $0.0e+00;
	v5 =	vmul.f32 $2.000000030e-01, v22;
	v22 =	vmin.f32 v7, $0.0e+00;
	[tilespmem:s13+$0xB8] =	vst v9  }
0x79: {  	[tilespmem:s13+$0xFFFFFF88] =	vst v2;
	(erf) = vpow2.f32 v1;
	v2 =	vmul.f32 v3, v15;
	v3 =	vmax.f32 v7, $0.0e+00;
	v7 =	vld [tilespmem:s20+$0xC8]  }
0x7a: {  	v4 =	vadd.f32 v5, v4;
	v1 =	vld [tilespmem:s20+$0xFFFFFF10]  }
0x7b: {  	v6 =	vmul.f32 $1.442695020e+00, v6  }
0x7c: {  	v8 =	vmul.f32 $2.000000030e-01, v22;
	[tilespmem:s13+$0x10] =	vst v2;
	v2 =	vmul.f32 $1.442695020e+00, v4  }
0x7d: {  	v5 =	vld [tilespmem:s20+$0xFFFFFF98];
	(erf) = vpow2.f32 v6  }
0x7e: {  	v3 =	vadd.f32 v8, v3;
	v4 =	vld [tilespmem:s20+$0x20];
	(erf) = vpow2.f32 v2;
	v2 =	vmul.f32 v7, v21  }
0x7f: {  	v1 =	vmul.f32 v1, v20  }
0x80: {  	v6 =	vld [tilespmem:s12+$0x88];
	v3 =	vmul.f32 $1.442695020e+00, v3  }
0x81: {  	[tilespmem:s13+$0xFFFFFF10] =	vst v1  }
0x82: {  	v24 =	vld [tilespmem:s12+$0x0];
	(erf) = vpow2.f32 v3;
	v1 =	vmul.f32 v5, v11;
	[tilespmem:s13+$0xC8] =	vst v2;
	v2 =	vpop (erf)  }
0x83: {  	v3 =	vld [tilespmem:s20+$0xFFFFFF20];
	v4 =	vmul.f32 v4, v15;
	v25 =	vperm.xlane v2, v0  }
0x84: {  	s26 =	simm.s32 $0x6820;
	[tilespmem:s13+$0xFFFFFF98] =	vst v1;
	v1 =	vld [tilespmem:s20+$0xD8]  }
0x85: {  	v28 =	vld [tilespmem:s26+$0x10];
	[tilespmem:s13+$0x20] =	vst v4;
	v2 =	vmul.f32 v6, v25  }
0x86: {  	s14 =	simm.s32 $0x76B0;
	v4 =	vld [tilespmem:s20+$0x30]  }
0x87: {  	v29 =	vld [tilespmem:s26+$0xFFFFFFE0];
	v8 =	vpop (erf);
	[tilespmem:s14+$0x88] =	vst v2  }
0x88: {  	v2 =	vperm.xlane v8, v0;
	v8 =	vld [tilespmem:s12+$0x98]  }
0x89: {  	v5 =	vld [tilespmem:s20+$0xFFFFFFA8];
	v3 =	vmul.f32 v3, v20;
	v1 =	vmul.f32 v1, v21  }
0x8a: {  	v7 =	vld [tilespmem:s12+$0xFFFFFF78]  }
0x8b: {  	s15 =	simm.s32 $0x6D0;
	v6 =	vld [tilespmem:s12+$0xFFFFFEF0];
	[tilespmem:s13+$0xD8] =	vst v1;
	v1 =	vmul.f32 v4, v15  }
0x8c: {  	v23 =	vld [tilespmem:s15+$0xFFFFFFF0];
	v9 =	vpop (erf);
	[tilespmem:s13+$0xFFFFFF20] =	vst v3  }
0x8d: {  	v30 =	vld [tilespmem:s26+$0xFFFFFFF0];
	v3 =	vpop (erf);
	[tilespmem:s13+$0x30] =	vst v1;
	v1 =	vmul.f32 v8, v25  }
0x8e: {  	v5 =	vmul.f32 v5, v11;
	v26 =	vld [tilespmem:s20+$0xFFFFFF30];
	v3 =	vperm.xlane v3, v0  }
0x8f: {  	v7 =	vmul.f32 v7, v2;
	v4 =	vld [tilespmem:s20+$0xE8];
	[tilespmem:s14+$0x98] =	vst v1  }
0x90: {  	[tilespmem:s13+$0xFFFFFFA8] =	vst v5;
	v5 =	vmul.f32 v6, v3;
	v1 =	vperm.xlane v9, v0;
	v22 =	vld [tilespmem:s12+$0xA8]  }
0x91: {  	[tilespmem:s14+$0xFFFFFF78] =	vst v7;
	v7 =	vld [tilespmem:s20+$0xFFFFFFB8]  }
0x92: {  	[tilespmem:s14+$0xFFFFFEF0] =	vst v5;
	v5 =	vld [tilespmem:s15+$0x100];
	v24 =	vmul.f32 v24, v1  }
0x93: {  	v6 =	vld [tilespmem:s12+$0xFFFFFF88]  }
0x94: {  	v27 =	vld [tilespmem:s12+$0xFFFFFF00];
	[tilespmem:s14+$0x0] =	vst v24  }
0x95: {  	v33 =	vld [tilespmem:s12+$0x10];
	v9 =	vmul.f32 v22, v25  }
0x96: {  	v22 =	vld [tilespmem:s15+$0x78]  }
0x97: {  	v28 =	vadd.f32 v28, v5;
	[tilespmem:s14+$0xA8] =	vst v9;
	v9 =	vld [tilespmem:s26+$0x0]  }
0x98: {  	v4 =	vmul.f32 v4, v21;
	v31 =	vld [tilespmem:s12+$0xB8]  }
0x99: {  	v34 =	vld [tilespmem:s15+$0xFFFFFEF0];
	v6 =	vmul.f32 v6, v2;
	v32 =	vmin.f32 v28, $0.0e+00  }
0x9a: {  	[tilespmem:s13+$0xE8] =	vst v4;
	v24 =	vld [tilespmem:s15+$0xFFFFFF68];
	v4 =	vmul.f32 v27, v3;
	v27 =	vadd.f32 v30, v23;
	v30 =	vmul.f32 $2.000000030e-01, v32  }
0x9b: {  	v35 =	vld [tilespmem:s15+$0xFFFFFF78];
	v26 =	vmul.f32 v26, v20;
	v28 =	vmax.f32 v28, $0.0e+00  }
0x9c: {  	v8 =	vld [tilespmem:s20+$0x40];
	[tilespmem:s14+$0xFFFFFF88] =	vst v6;
	v28 =	vadd.f32 v30, v28;
	v33 =	vmul.f32 v33, v1;
	v9 =	vadd.f32 v9, v22  }
0x9d: {  	v36 =	vld [tilespmem:s15+$0x0];
	v7 =	vmul.f32 v7, v11;
	[tilespmem:s14+$0xFFFFFF00] =	vst v4;
	v4 =	vmin.f32 v27, $0.0e+00;
	v31 =	vmul.f32 v31, v25  }
0x9e: {  	v4 =	vmul.f32 $2.000000030e-01, v4;
	v30 =	vld [tilespmem:s12+$0xFFFFFF10];
	v28 =	vmul.f32 $1.442695020e+00, v28;
	[tilespmem:s14+$0x10] =	vst v33;
	v37 =	vmin.f32 v9, $0.0e+00  }
0x9f: {  	v27 =	vmax.f32 v27, $0.0e+00;
	v29 =	vadd.f32 v29, v24;
	[tilespmem:s14+$0xB8] =	vst v31;
	v6 =	vmul.f32 $2.000000030e-01, v37;
	v31 =	vld [tilespmem:s12+$0xFFFFFF98]  }
0xa0: {  	[tilespmem:s13+$0xFFFFFF30] =	vst v26;
	v4 =	vadd.f32 v4, v27;
	(erf) = vpow2.f32 v28;
	v26 =	vld [tilespmem:s12+$0x20];
	v9 =	vmax.f32 v9, $0.0e+00  }
0xa1: {  	s4 =	simm.s32 $0x6860;
	v8 =	vmul.f32 v8, v15;
	v27 =	vmin.f32 v29, $0.0e+00;
	v28 =	vld [tilespmem:s12+$0xC8];
	v6 =	vadd.f32 v6, v9  }
0xa2: {  	v63 =	vld [tilespmem:s4+$0x10];
	v27 =	vmul.f32 $2.000000030e-01, v27;
	v4 =	vmul.f32 $1.442695020e+00, v4  }
0xa3: {  	[tilespmem:s13+$0xFFFFFFB8] =	vst v7;
	v7 =	vld [tilespmem:s20+$0xFFFFFF40];
	v29 =	vmax.f32 v29, $0.0e+00;
	v9 =	vmul.f32 v30, v3;
	v6 =	vmul.f32 $1.442695020e+00, v6  }
0xa4: {  	v27 =	vadd.f32 v27, v29;
	(erf) = vpow2.f32 v4;
	v4 =	vld [tilespmem:s20+$0xFFFFFFC8];
	v29 =	vmul.f32 v31, v2  }
0xa5: {  	v39 =	vld [tilespmem:s4+$0xFFFFFFE0];
	[tilespmem:s14+$0xFFFFFF10] =	vst v9;
	(erf) = vpow2.f32 v6;
	v6 =	vmul.f32 v26, v1  }
0xa6: {  	[tilespmem:s13+$0x40] =	vst v8;
	v8 =	vmul.f32 $1.442695020e+00, v27;
	v27 =	vld [tilespmem:s12+$0xFFFFFF20];
	v9 =	vmul.f32 v28, v25  }
0xa7: {  	v26 =	vld [tilespmem:s15+$0x88];
	[tilespmem:s14+$0xFFFFFF98] =	vst v29  }
0xa8: {  	v7 =	vmul.f32 v7, v20;
	v28 =	vld [tilespmem:s20+$0x50];
	[tilespmem:s14+$0xC8] =	vst v9  }
0xa9: {  	v4 =	vmul.f32 v4, v11;
	(erf) = vpow2.f32 v8;
	[tilespmem:s14+$0x20] =	vst v6;
	v8 =	vld [tilespmem:s12+$0xD8];
	v6 =	vpop (erf)  }
0xaa: {  	v29 =	vld [tilespmem:s12+$0xFFFFFFA8];
	v9 =	vperm.xlane v6, v0  }
0xab: {  	v42 =	vld [tilespmem:s4+$0xFFFFFFF0];
	[tilespmem:s13+$0xFFFFFF40] =	vst v7;
	v6 =	vmul.f32 v27, v3  }
0xac: {  	v57 =	vld [tilespmem:s20+$0xF8];
	[tilespmem:s13+$0xFFFFFFC8] =	vst v4;
	v26 =	vmul.f32 v26, v9  }
0xad: {  	s25 =	simm.s32 $0x78D0;
	v7 =	vld [tilespmem:s12+$0x30];
	v27 =	vmul.f32 v28, v15;
	v4 =	vpop (erf);
	[tilespmem:s14+$0xFFFFFF20] =	vst v6  }
0xae: {  	v28 =	vld [tilespmem:s20+$0xFFFFFF50];
	v4 =	vperm.xlane v4, v0;
	v6 =	vmul.f32 v8, v25;
	[tilespmem:s25+$0x88] =	vst v26  }
0xaf: {  	[tilespmem:s13+$0x50] =	vst v27;
	v8 =	vmul.f32 v29, v2;
	v58 =	vpop (erf);
	v31 =	vld [tilespmem:s15+$0x98]  }
0xb0: {  	v30 =	vld [tilespmem:s20+$0xFFFFFFD8];
	v26 =	vmul.f32 v35, v4;
	[tilespmem:s14+$0xD8] =	vst v6;
	v6 =	vperm.xlane v58, v0  }
0xb1: {  	v27 =	vld [tilespmem:s12+$0xFFFFFF30];
	[tilespmem:s14+$0xFFFFFFA8] =	vst v8  }
0xb2: {  	v8 =	vld [tilespmem:s12+$0xE8];
	[tilespmem:s25+$0xFFFFFF78] =	vst v26;
	v26 =	vmul.f32 v36, v6  }
0xb3: {  	v29 =	vld [tilespmem:s20+$0x60];
	v59 =	vmul.f32 v7, v1;
	v7 =	vpop (erf);
	v28 =	vmul.f32 v28, v20  }
0xb4: {  	v7 =	vperm.xlane v7, v0;
	v60 =	vld [tilespmem:s12+$0xFFFFFFB8];
	[tilespmem:s25+$0x0] =	vst v26;
	v26 =	vmul.f32 v31, v9  }
0xb5: {  	v61 =	vld [tilespmem:s15+$0xFFFFFF88];
	[tilespmem:s13+$0xFFFFFF50] =	vst v28  }
0xb6: {  	v34 =	vmul.f32 v34, v7;
	v28 =	vld [tilespmem:s20+$0xFFFFFF60];
	[tilespmem:s25+$0x98] =	vst v26  }
0xb7: {  	v8 =	vmul.f32 v8, v25;
	v62 =	vld [tilespmem:s15+$0xA8]  }
0xb8: {  	s19 =	simm.s32 $0x8F0;
	[tilespmem:s25+$0xFFFFFEF0] =	vst v34;
	v31 =	vld [tilespmem:s15+$0x10]  }
0xb9: {  	v17 =	vnsel vm0, $0x3F800000, v17;
	v26 =	vmul.f32 v57, v21;
	[tilespmem:s14+$0xE8] =	vst v8;
	v8 =	vld [tilespmem:s19+$0x100]  }
0xba: {  	v17 =	vmul.f32 v21, v17;
	[tilespmem:s14+$0x30] =	vst v59;
	v34 =	vld [tilespmem:s15+$0xFFFFFF00]  }
0xbb: {  	v21 =	vmul.f32 v27, v3;
	[tilespmem:s13+$0xF8] =	vst v26;
	v26 =	vld [tilespmem:s19+$0xFFFFFFF0]  }
0xbc: {  	v16 =	vnsel vm0, $0x3F800000, v16;
	v38 =	vld [tilespmem:s12+$0xF8];
	[tilespmem:s13+$0x100] =	vst v17;
	v17 =	vmul.f32 v62, v9  }
0xbd: {  	v18 =	vnsel vm0, $0x3F800000, v18;
	v43 =	vmul.f32 v11, v16;
	v35 =	vld [tilespmem:s12+$0x40];
	v16 =	vmul.f32 v60, v2;
	[tilespmem:s14+$0xFFFFFF30] =	vst v21  }
0xbe: {  	v18 =	vmul.f32 v20, v18;
	v27 =	vmul.f32 v61, v4;
	v21 =	vld [tilespmem:s19+$0x78];
	v32 =	vadd.f32 v63, v8;
	[tilespmem:s25+$0xA8] =	vst v17  }
0xbf: {  	v20 =	vmul.f32 v28, v20;
	[tilespmem:s14+$0xFFFFFFB8] =	vst v16;
	v28 =	vmul.f32 v31, v6;
	v45 =	vld [tilespmem:s15+$0xB8]  }
0xc0: {  	[tilespmem:s25+$0xFFFFFF88] =	vst v27;
	v31 =	vmul.f32 v34, v7;
	v47 =	vadd.f32 v42, v26;
	v17 =	vld [tilespmem:s4+$0x0];
	v16 =	vmin.f32 v32, $0.0e+00  }
0xc1: {  	v19 =	vnsel vm0, $0x3F800000, v19;
	v27 =	vld [tilespmem:s19+$0xFFFFFF68];
	[tilespmem:s25+$0x10] =	vst v28;
	v28 =	vmul.f32 v38, v25;
	v16 =	vmul.f32 $2.000000030e-01, v16  }
0xc2: {  	v46 =	vld [tilespmem:s19+$0xFFFFFEF0];
	v19 =	vmul.f32 v25, v19;
	[tilespmem:s25+$0xFFFFFF00] =	vst v31;
	v32 =	vmax.f32 v32, $0.0e+00;
	v25 =	vmin.f32 v47, $0.0e+00  }
0xc3: {  	v29 =	vmul.f32 v29, v15;
	[tilespmem:s14+$0xF8] =	vst v28;
	v28 =	vld [tilespmem:s15+$0xFFFFFF10];
	v25 =	vmul.f32 $2.000000030e-01, v25;
	v16 =	vadd.f32 v16, v32  }
0xc4: {  	v48 =	vld [tilespmem:s19+$0xFFFFFF78];
	v14 =	vnsel vm0, $0x3F800000, v14;
	[tilespmem:s14+$0x100] =	vst v19;
	v19 =	vmax.f32 v47, $0.0e+00;
	v49 =	vmul.f32 v45, v9  }
0xc5: {  	[tilespmem:s13+$0x60] =	vst v29;
	v29 =	vld [tilespmem:s12+$0xFFFFFF40];
	v19 =	vadd.f32 v25, v19;
	v17 =	vadd.f32 v17, v21;
	v16 =	vmul.f32 $1.442695020e+00, v16  }
0xc6: {  	v30 =	vmul.f32 v30, v11;
	v44 =	vmul.f32 v35, v1;
	v51 =	vld [tilespmem:s15+$0xFFFFFF98];
	v50 =	vadd.f32 v39, v27;
	[tilespmem:s25+$0xB8] =	vst v49  }
0xc7: {  	v19 =	vmul.f32 $1.442695020e+00, v19;
	v25 =	vmin.f32 v17, $0.0e+00;
	(erf) = vpow2.f32 v16;
	v53 =	vld [tilespmem:s15+$0xC8]  }
0xc8: {  	[tilespmem:s13+$0xFFFFFFD8] =	vst v30;
	v52 =	vld [tilespmem:s15+$0x20];
	v30 =	vmin.f32 v50, $0.0e+00;
	v28 =	vmul.f32 v28, v7;
	v25 =	vmul.f32 $2.000000030e-01, v25  }
0xc9: {  	v55 =	vld [tilespmem:s19+$0x88];
	[tilespmem:s14+$0x40] =	vst v44;
	v16 =	vmax.f32 v17, $0.0e+00;
	v17 =	vmul.f32 $2.000000030e-01, v30;
	(erf) = vpow2.f32 v19  }
0xca: {  	[tilespmem:s13+$0xFFFFFF60] =	vst v20;
	v29 =	vmul.f32 v29, v3;
	v20 =	vmax.f32 v50, $0.0e+00;
	v30 =	vld [tilespmem:s12+$0xFFFFFFC8];
	v25 =	vadd.f32 v25, v16  }
0xcb: {  	[tilespmem:s25+$0xFFFFFF10] =	vst v28;
	v19 =	vmul.f32 v51, v4;
	v16 =	vmul.f32 v15, v14;
	v14 =	vadd.f32 v17, v20;
	v17 =	vld [tilespmem:s12+$0x50]  }
0xcc: {  	[tilespmem:s13+$0xFFFFFF68] =	vst v18;
	v28 =	vld [tilespmem:s15+$0xFFFFFF20];
	v18 =	vmul.f32 $1.442695020e+00, v25;
	v20 =	vmul.f32 v53, v9  }
0xcd: {  	v13 =	vnsel vm0, $0x3F800000, v13;
	v32 =	vmul.f32 v52, v6;
	[tilespmem:s25+$0xFFFFFF98] =	vst v19;
	v25 =	vld [tilespmem:s20+$0xFFFFFFE8];
	v14 =	vmul.f32 $1.442695020e+00, v14  }
0xce: {  	v54 =	vld [tilespmem:s20+$0x70];
	v19 =	vmul.f32 v3, v13;
	(erf) = vpow2.f32 v18;
	[tilespmem:s25+$0xC8] =	vst v20  }
0xcf: {  	v12 =	vnsel vm0, $0x3F800000, v12;
	[tilespmem:s14+$0xFFFFFF40] =	vst v29;
	v13 =	vmul.f32 v30, v2;
	(erf) = vpow2.f32 v14;
	v14 =	vld [tilespmem:s15+$0xD8]  }
0xd0: {  	v31 =	vld [tilespmem:s19+$0x0];
	[tilespmem:s25+$0x20] =	vst v32;
	v18 =	vmul.f32 v2, v12;
	v12 =	vmul.f32 v17, v1;
	v17 =	vpop (erf)  }
0xd1: {  	v30 =	vld [tilespmem:s15+$0xFFFFFFA8];
	[tilespmem:s14+$0xFFFFFFC8] =	vst v13;
	v20 =	vperm.xlane v17, v0  }
0xd2: {  	[tilespmem:s13+$0xFFFFFFF0] =	vst v43;
	v13 =	vnsel vm0, $0x3F800000, v24;
	v29 =	vld [tilespmem:s12+$0xFFFFFFD8];
	v17 =	vmul.f32 v28, v7;
	v24 =	vmul.f32 v25, v11;
	v11 =	vpop (erf)  }
0xd3: {  	v10 =	vnsel vm0, $0x3F800000, v10;
	v28 =	vld [tilespmem:s15+$0x30];
	[tilespmem:s14+$0x50] =	vst v12;
	v12 =	vmul.f32 v7, v13;
	v11 =	vperm.xlane v11, v0  }
0xd4: {  	v25 =	vld [tilespmem:s12+$0xFFFFFF50];
	v13 =	vmul.f32 v55, v20;
	[tilespmem:s25+$0xFFFFFF20] =	vst v17;
	v17 =	vnsel vm0, $0x3F800000, v23;
	v23 =	vmul.f32 v14, v9  }
0xd5: {  	v10 =	vmul.f32 v1, v10;
	v22 =	vnsel vm0, $0x3F800000, v22;
	s20 =	simm.s32 $0x7AF0;
	v57 =	vld [tilespmem:s12+$0x60];
	[tilespmem:s13+$0xFFFFFFE8] =	vst v24  }
0xd6: {  	v56 =	vld [tilespmem:s15+$0xFFFFFF30];
	[tilespmem:s20+$0x88] =	vst v13;
	v13 =	vmul.f32 v6, v22;
	v22 =	vmul.f32 v48, v11  }
0xd7: {  	v24 =	vmul.f32 v30, v4;
	v14 =	vmul.f32 v4, v17;
	v30 =	vld [tilespmem:s19+$0x98];
	v17 =	vpop (erf);
	[tilespmem:s25+$0xD8] =	vst v23  }
0xd8: {  	v28 =	vmul.f32 v28, v6;
	[tilespmem:s20+$0xFFFFFF78] =	vst v22;
	v17 =	vperm.xlane v17, v0;
	v58 =	vld [tilespmem:s15+$0xE8];
	v23 =	vpop (erf)  }
0xd9: {  	[tilespmem:s25+$0xFFFFFFA8] =	vst v24;
	v25 =	vmul.f32 v25, v3;
	v60 =	vld [tilespmem:s19+$0xFFFFFF88];
	v24 =	vperm.xlane v23, v0  }
0xda: {  	v59 =	vld [tilespmem:s15+$0xFFFFFFB8];
	[tilespmem:s25+$0x30] =	vst v28;
	v23 =	vmul.f32 v54, v15;
	v15 =	vmul.f32 v31, v17  }
0xdb: {  	v28 =	vmul.f32 v29, v2;
	[tilespmem:s14+$0xFFFFFF50] =	vst v25;
	v31 =	vld [tilespmem:s15+$0x40];
	v22 =	vmul.f32 v46, v24  }
0xdc: {  	v26 =	vnsel vm0, $0x3F800000, v26;
	v29 =	vmul.f32 v57, v1;
	v62 =	vmul.f32 v30, v20;
	v30 =	vld [tilespmem:s12+$0xFFFFFF60];
	[tilespmem:s20+$0x0] =	vst v15  }
0xdd: {  	v21 =	vnsel vm0, $0x3F800000, v21;
	v61 =	vmul.f32 v56, v7;
	v25 =	vld [tilespmem:s19+$0x10];
	v63 =	vmul.f32 v58, v9;
	[tilespmem:s20+$0xFFFFFEF0] =	vst v22  }
0xde: {  	v21 =	vmul.f32 v17, v21;
	v15 =	vnsel vm0, $0x3F800000, v27;
	[tilespmem:s20+$0x98] =	vst v62;
	v34 =	vmul.f32 v60, v11;
	v27 =	vld [tilespmem:s19+$0xFFFFFF00]  }
0xdf: {  	v32 =	vld [tilespmem:s19+$0xA8];
	v22 =	vmul.f32 v24, v15;
	v15 =	vmul.f32 v11, v26;
	[tilespmem:s25+$0xE8] =	vst v63  }
0xe0: {  	s28 =	simm.s32 $0xB10;
	s26 =	simm.s32 $0xC;
	[tilespmem:s25+$0xFFFFFF30] =	vst v61;
	v26 =	vmul.f32 v59, v4;
	v33 =	vmul.f32 v31, v6;
	v31 =	vld [tilespmem:s15+$0xF8]  }
.LBB2_3:
0xe1: {  	v35 =	vld [tilespmem:s28+$0x100];
	[tilespmem:s20+$0xFFFFFF88] =	vst v34;
	s4 =	sadd.s32 $0x40, s4;
	v30 =	vmul.f32 v30, v3;
	v3 =	vmov v7;
	v7 =	vmov v24  }
0xe2: {  	v24 =	vld [tilespmem:s4+$0x10];
	v25 =	vmul.f32 v25, v17;
	[tilespmem:s25+$0xFFFFFFB8] =	vst v26  }
0xe3: {  	v34 =	vld [tilespmem:s4+$0xFFFFFFE0];
	v26 =	vmul.f32 v27, v7;
	[tilespmem:s25+$0x40] =	vst v33  }
0xe4: {  	s26 =	sadd.s32 $0x4, s26;
	v33 =	vld [tilespmem:s28+$0xFFFFFFF0];
	[tilespmem:s20+$0x10] =	vst v25;
	v25 =	vmul.f32 v32, v20  }
0xe5: {  	p2 =	slt.u32 s26, $0x5C;
	v27 =	vnsel vm0, $0x3F800000, v5;
	v5 =	vmov v8;
	v32 =	vld [tilespmem:s4+$0xFFFFFFF0];
	[tilespmem:s20+$0xFFFFFF00] =	vst v26;
	v26 =	vmul.f32 v31, v9  }
0xe6: {  	v31 =	vld [tilespmem:s28+$0x78];
	[tilespmem:s20+$0xA8] =	vst v25;
	v25 =	vmul.f32 v9, v27;
	v8 =	vmov v35;
	v9 =	vmov v20  }
0xe7: {  	v20 =	vld [tilespmem:s4+$0x0];
	v24 =	vadd.f32 v24, v8;
	[tilespmem:s25+$0xF8] =	vst v26  }
0xe8: {  	v35 =	vld [tilespmem:s19+$0xB8];
	[tilespmem:s25+$0x100] =	vst v25  }
0xe9: {  	v36 =	vld [tilespmem:s28+$0xFFFFFF68];
	v25 =	vnsel vm0, $0x3F800000, v33;
	v26 =	vmin.f32 v24, $0.0e+00;
	[tilespmem:s14+$0xFFFFFFD8] =	vst v28  }
0xea: {  	v27 =	vld [tilespmem:s28+$0xFFFFFEF0];
	v28 =	vadd.f32 v32, v33;
	v32 =	vmul.f32 $2.000000030e-01, v26;
	[tilespmem:s14+$0x60] =	vst v29  }
0xeb: {  	v24 =	vmax.f32 v24, $0.0e+00;
	v33 =	vld [tilespmem:s28+$0xFFFFFF78];
	v26 =	vnsel vm0, $0x3F800000, v31;
	[tilespmem:s14+$0xFFFFFF60] =	vst v30  }
0xec: {  	v30 =	vmin.f32 v28, $0.0e+00;
	v20 =	vadd.f32 v20, v31;
	v29 =	vld [tilespmem:s28+$0x0];
	v24 =	vadd.f32 v32, v24;
	[tilespmem:s14+$0xFFFFFF68] =	vst v19;
	v19 =	vmovc v12  }
0xed: {  	v28 =	vmax.f32 v28, $0.0e+00;
	v12 =	vmovc v22;
	v30 =	vmul.f32 $2.000000030e-01, v30;
	v31 =	vld [tilespmem:s19+$0xFFFFFF10];
	v32 =	vmul.f32 v35, v9;
	[tilespmem:s13+$0x70] =	vst v23  }
0xee: {  	v22 =	vadd.f32 v34, v36;
	v23 =	vmin.f32 v20, $0.0e+00;
	v24 =	vmul.f32 $1.442695020e+00, v24;
	v34 =	vld [tilespmem:s19+$0xFFFFFF98];
	[tilespmem:s13+$0x78] =	vst v16;
	v16 =	vmovc v10;
	v10 =	vmovc v13;
	s13 =	smov.u32 s14;
	s14 =	smov.u32 s25;
	s25 =	smov.u32 s20  }
0xef: {  	v20 =	vmax.f32 v20, $0.0e+00;
	v13 =	vmovc v21;
	v28 =	vadd.f32 v30, v28;
	v23 =	vmul.f32 $2.000000030e-01, v23;
	v30 =	vld [tilespmem:s19+$0x20];
	[tilespmem:s20+$0xB8] =	vst v32  }
0xf0: {  	v21 =	vmax.f32 v22, $0.0e+00;
	v22 =	vmin.f32 v22, $0.0e+00;
	(erf) = vpow2.f32 v24;
	v24 =	vld [tilespmem:s19+$0xC8]  }
0xf1: {  	v22 =	vmul.f32 $2.000000030e-01, v22;
	v28 =	vmul.f32 $1.442695020e+00, v28;
	v20 =	vadd.f32 v23, v20;
	v23 =	vld [tilespmem:s15+$0xFFFFFF40]  }
0xf2: {  	v32 =	vnsel vm0, $0x3F800000, v36;
	v31 =	vmul.f32 v31, v7;
	v35 =	vld [tilespmem:s15+$0xFFFFFFC8]  }
0xf3: {  	v21 =	vadd.f32 v22, v21;
	v20 =	vmul.f32 $1.442695020e+00, v20;
	(erf) = vpow2.f32 v28;
	v22 =	vld [tilespmem:s15+$0x50]  }
0xf4: {  	v28 =	vmul.f32 v34, v11;
	[tilespmem:s20+$0xFFFFFF10] =	vst v31;
	v30 =	vmul.f32 v30, v17;
	v31 =	vld [tilespmem:s12+$0xFFFFFFE8]  }
0xf5: {  	v21 =	vmul.f32 $1.442695020e+00, v21;
	v34 =	vld [tilespmem:s19+$0xFFFFFF20];
	v24 =	vmul.f32 v24, v9;
	[tilespmem:s13+$0xFFFFFFF0] =	vst v18;
	v18 =	vmovc v14;
	v14 =	vmov v15  }
0xf6: {  	(erf) = vpow2.f32 v20;
	[tilespmem:s20+$0xFFFFFF98] =	vst v28;
	v15 =	vmul.f32 v23, v3;
	v23 =	vld [tilespmem:s12+$0x70];
	s12 =	smov.u32 s15;
	s15 =	smov.u32 s19;
	s19 =	smov.u32 s28  }
0xf7: {  	v28 =	vld [tilespmem:s28+$0x88];
	(erf) = vpow2.f32 v21;
	[tilespmem:s20+$0xC8] =	vst v24;
	v21 =	vmul.f32 v35, v4  }
0xf8: {  	[tilespmem:s20+$0x20] =	vst v30;
	v24 =	vld [tilespmem:s15+$0xD8];
	v22 =	vmul.f32 v22, v6  }
0xf9: {  	v20 =	vpop (erf);
	v30 =	vld [tilespmem:s15+$0xFFFFFFA8];
	[tilespmem:s14+$0xFFFFFF40] =	vst v15;
	v15 =	vmul.f32 v31, v2;
	v2 =	vmov v4;
	v4 =	vmov v11  }
0xfa: {  	v20 =	vperm.xlane v20, v0;
	v11 =	vmul.f32 v34, v7;
	v31 =	vld [tilespmem:s15+$0x30];
	[tilespmem:s14+$0xFFFFFFC8] =	vst v21  }
0xfb: {  	v21 =	vld [tilespmem:s12+$0xFFFFFF50];
	[tilespmem:s14+$0x50] =	vst v22;
	v23 =	vmul.f32 v23, v1;
	v1 =	vmov v6;
	v6 =	vmov v17  }
0xfc: {  	v35 =	vmul.f32 v28, v20;
	v22 =	vpop (erf);
	[tilespmem:s20+$0xFFFFFF20] =	vst v11;
	v28 =	vld [tilespmem:s12+$0xFFFFFFD8]  }
0xfd: {  	s20 =	sadd.s32 $0x220, s20;
	v11 =	vperm.xlane v22, v0;
	v22 =	vld [tilespmem:s15+$0xFFFFFF30];
	v36 =	vmul.f32 v24, v9;
	[tilespmem:s13+$0xFFFFFFE8] =	vst v15  }
0xfe: {  	[tilespmem:s20+$0x88] =	vst v35;
	v15 =	vmul.f32 v30, v4;
	v30 =	vld [tilespmem:s12+$0x60]  }
0xff: {  	v33 =	vmul.f32 v33, v11;
	v34 =	vld [tilespmem:s28+$0x98];
	v17 =	vpop (erf);
	v31 =	vmul.f32 v31, v6;
	[tilespmem:s25+$0xD8] =	vst v36  }
0x100: {  	v17 =	vperm.xlane v17, v0;
	v24 =	vpop (erf);
	[tilespmem:s25+$0xFFFFFFA8] =	vst v15;
	v35 =	vld [tilespmem:s15+$0xE8];
	v15 =	vmul.f32 v21, v3  }
0x101: {  	v24 =	vperm.xlane v24, v0;
	[tilespmem:s20+$0xFFFFFF78] =	vst v33;
	v33 =	vld [tilespmem:s15+$0xFFFFFFB8];
	v28 =	vmul.f32 v28, v2  }
0x102: {  	v36 =	vld [tilespmem:s28+$0xFFFFFF88];
	v21 =	vmul.f32 v29, v17;
	v37 =	vmul.f32 v22, v7;
	[tilespmem:s25+$0x30] =	vst v31  }
0x103: {  	v27 =	vmul.f32 v27, v24;
	v31 =	vld [tilespmem:s15+$0x40];
	[tilespmem:s14+$0xFFFFFF50] =	vst v15;
	v29 =	vmul.f32 v30, v1  }
.Ltmp2:
0x104: {  	v22 =	vmul.f32 v24, v32;
	[tilespmem:s20+$0x0] =	vst v21;
	v32 =	vmul.f32 v34, v20;
	v30 =	vld [tilespmem:s12+$0xFFFFFF60];
	(pc) =	sbr.rel @p2 .LBB2_3-.Ltmp2, $4  }
0x105: {  	v15 =	vmul.f32 v11, v25;
	[tilespmem:s20+$0xFFFFFEF0] =	vst v27;
	v25 =	vld [tilespmem:s28+$0x10];
	v35 =	vmul.f32 v35, v9  }
0x106: {  	v21 =	vmul.f32 v17, v26;
	v27 =	vld [tilespmem:s28+$0xFFFFFF00];
	[tilespmem:s20+$0x98] =	vst v32;
	v26 =	vmul.f32 v33, v4  }
0x107: {  	v34 =	vmul.f32 v36, v11;
	v32 =	vld [tilespmem:s28+$0xA8];
	[tilespmem:s25+$0xE8] =	vst v35  }
0x108: {  	s28 =	sadd.s32 $0x220, s28;
	[tilespmem:s25+$0xFFFFFF30] =	vst v37;
	v33 =	vmul.f32 v31, v6;
	v31 =	vld [tilespmem:s15+$0xF8]  }
0x109: {  	_ =	sdelay $0x2  }
0x10a: {  	v32 =	vmul.f32 v32, v20;
	_ =	sdelay $0x1  }
0x10b: {  	[tilespmem:s20+$0xA8] =	vst v32  }
0x10c: {  	v32 =	vld [tilespmem:s19+$0xB8]  }
0x10d: {  	[tilespmem:s20+$0xFFFFFF88] =	vst v34;
	v25 =	vmul.f32 v25, v17  }
0x10e: {  	[tilespmem:s25+$0xFFFFFFB8] =	vst v26;
	v27 =	vmul.f32 v27, v24  }
0x10f: {  	v5 =	vnsel vm0, $0x3F800000, v5;
	[tilespmem:s20+$0x10] =	vst v25;
	v26 =	vmul.f32 v31, v9  }
0x110: {  	v5 =	vmul.f32 v9, v5;
	[tilespmem:s20+$0xFFFFFF00] =	vst v27  }
0x111: {  	v9 =	vld [tilespmem:s19+$0xFFFFFF98];
	[tilespmem:s25+$0xF8] =	vst v26;
	v32 =	vmul.f32 v32, v20  }
0x112: {  	v27 =	vld [tilespmem:s19+$0xFFFFFF10];
	[tilespmem:s25+$0x100] =	vst v5  }
0x113: {  	v5 =	vld [tilespmem:s19+$0x20];
	[tilespmem:s20+$0xB8] =	vst v32  }
0x114: {  	v32 =	vld [tilespmem:s19+$0xC8]  }
0x115: {  	v3 =	vmul.f32 v30, v3  }
0x116: {  	v9 =	vmul.f32 v9, v11  }
0x117: {  	[tilespmem:s14+$0xFFFFFF60] =	vst v3;
	v25 =	vmul.f32 v27, v24  }
0x118: {  	[tilespmem:s20+$0xFFFFFF98] =	vst v9;
	v3 =	vmul.f32 v5, v17  }
0x119: {  	[tilespmem:s20+$0xFFFFFF10] =	vst v25;
	v26 =	vmul.f32 v32, v20  }
0x11a: {  	v25 =	vld [tilespmem:s19+$0xFFFFFF20];
	[tilespmem:s20+$0x20] =	vst v3  }
0x11b: {  	v3 =	vld [tilespmem:s19+$0xFFFFFFA8];
	[tilespmem:s20+$0xC8] =	vst v26  }
0x11c: {  	[tilespmem:s14+$0xFFFFFFD8] =	vst v28;
	v26 =	vld [tilespmem:s19+$0xD8]  }
0x11d: {  	[tilespmem:s14+$0xFFFFFF68] =	vst v19;
	v19 =	vld [tilespmem:s19+$0x30]  }
0x11e: {  	[tilespmem:s13+$0x70] =	vst v23;
	v5 =	vld [tilespmem:s15+$0xFFFFFF40]  }
0x11f: {  	[tilespmem:s13+$0x78] =	vst v16;
	v9 =	vmul.f32 v25, v24  }
0x120: {  	v16 =	vld [tilespmem:s12+$0xFFFFFFE8];
	[tilespmem:s14+$0xFFFFFFF0] =	vst v18;
	v3 =	vmul.f32 v3, v11  }
0x121: {  	[tilespmem:s20+$0xFFFFFF20] =	vst v9;
	v25 =	vmul.f32 v26, v20  }
0x122: {  	v18 =	vmul.f32 v19, v17;
	v9 =	vld [tilespmem:s19+$0xFFFFFF30];
	[tilespmem:s20+$0xFFFFFFA8] =	vst v3  }
0x123: {  	v5 =	vmul.f32 v5, v7;
	v3 =	vld [tilespmem:s19+$0xFFFFFFB8];
	[tilespmem:s20+$0xD8] =	vst v25  }
0x124: {  	[tilespmem:s20+$0x30] =	vst v18;
	v23 =	vld [tilespmem:s19+$0xE8]  }
0x125: {  	[tilespmem:s25+$0xFFFFFF40] =	vst v5;
	v5 =	vld [tilespmem:s19+$0x40]  }
0x126: {  	[tilespmem:s25+$0x40] =	vst v33;
	v2 =	vmul.f32 v16, v2;
	v26 =	vld [tilespmem:s15+$0xFFFFFFC8]  }
0x127: {  	v9 =	vmul.f32 v9, v24;
	v25 =	vld [tilespmem:s15+$0x50]  }
0x128: {  	[tilespmem:s14+$0xFFFFFFE8] =	vst v2;
	v3 =	vmul.f32 v3, v11  }
0x129: {  	[tilespmem:s20+$0xFFFFFF30] =	vst v9;
	v18 =	vmul.f32 v23, v20  }
0x12a: {  	v2 =	vmul.f32 v5, v17;
	[tilespmem:s20+$0xFFFFFFB8] =	vst v3;
	v23 =	vld [tilespmem:s15+$0xFFFFFF50]  }
0x12b: {  	v19 =	vmul.f32 v26, v4;
	[tilespmem:s20+$0xE8] =	vst v18;
	v18 =	vld [tilespmem:s19+$0xFFFFFF40]  }
0x12c: {  	[tilespmem:s20+$0x40] =	vst v2;
	v2 =	vld [tilespmem:s19+$0xFFFFFFC8];
	v9 =	vmul.f32 v25, v6  }
0x12d: {  	[tilespmem:s25+$0xFFFFFFC8] =	vst v19;
	v16 =	vld [tilespmem:s19+$0xF8]  }
0x12e: {  	[tilespmem:s25+$0x50] =	vst v9;
	v9 =	vld [tilespmem:s15+$0xFFFFFFD8]  }
0x12f: {  	v19 =	vmul.f32 v23, v7  }
0x130: {  	[tilespmem:s14+$0x60] =	vst v29;
	v5 =	vld [tilespmem:s15+$0x60];
	v3 =	vmul.f32 v18, v24  }
0x131: {  	v2 =	vmul.f32 v2, v11;
	[tilespmem:s25+$0xFFFFFF50] =	vst v19;
	v18 =	vld [tilespmem:s19+$0x50]  }
0x132: {  	v8 =	vnsel vm0, $0x3F800000, v8;
	v16 =	vmul.f32 v16, v20;
	v19 =	vld [tilespmem:s15+$0xFFFFFF60];
	[tilespmem:s20+$0xFFFFFF40] =	vst v3  }
0x133: {  	v8 =	vmul.f32 v20, v8;
	[tilespmem:s20+$0xFFFFFFC8] =	vst v2;
	v3 =	vmul.f32 v9, v4;
	v9 =	vld [tilespmem:s19+$0xFFFFFF50]  }
0x134: {  	v2 =	vld [tilespmem:s19+$0xFFFFFFD8];
	[tilespmem:s20+$0xF8] =	vst v16  }
0x135: {  	v5 =	vmul.f32 v5, v6;
	[tilespmem:s20+$0x100] =	vst v8  }
0x136: {  	v8 =	vld [tilespmem:s12+$0x70];
	[tilespmem:s25+$0xFFFFFFD8] =	vst v3;
	v3 =	vmul.f32 v18, v17  }
0x137: {  	[tilespmem:s25+$0x60] =	vst v5;
	v5 =	vmul.f32 v19, v7  }
0x138: {  	[tilespmem:s20+$0x50] =	vst v3;
	v3 =	vmul.f32 v9, v24  }
0x139: {  	v2 =	vmul.f32 v2, v11;
	[tilespmem:s25+$0xFFFFFF60] =	vst v5;
	v5 =	vld [tilespmem:s19+$0x60]  }
0x13a: {  	v7 =	vld [tilespmem:s15+$0xFFFFFFE8];
	[tilespmem:s20+$0xFFFFFF50] =	vst v3  }
0x13b: {  	[tilespmem:s20+$0xFFFFFFD8] =	vst v2;
	v1 =	vmul.f32 v8, v1;
	v3 =	vld [tilespmem:s19+$0xFFFFFF60]  }
0x13c: {  	[tilespmem:s25+$0xFFFFFFF0] =	vst v14  }
0x13d: {  	[tilespmem:s14+$0x70] =	vst v1;
	v1 =	vld [tilespmem:s15+$0x70]  }
0x13e: {  	[tilespmem:s25+$0xFFFFFF68] =	vst v12;
	v5 =	vmul.f32 v5, v17  }
0x13f: {  	v4 =	vmul.f32 v7, v4;
	[tilespmem:s14+$0x78] =	vst v10  }
0x140: {  	[tilespmem:s20+$0x60] =	vst v5;
	v2 =	vmul.f32 v3, v24;
	v3 =	vld [tilespmem:s19+$0xFFFFFFE8]  }
0x141: {  	[tilespmem:s25+$0xFFFFFFE8] =	vst v4;
	v4 =	vld [tilespmem:s19+$0x70]  }
0x142: {  	v1 =	vmul.f32 v1, v6;
	[tilespmem:s20+$0xFFFFFFF0] =	vst v15  }
0x143: {  	[tilespmem:s20+$0xFFFFFF60] =	vst v2  }
0x144: {  	[tilespmem:s25+$0x70] =	vst v1  }
0x145: {  	[tilespmem:s20+$0xFFFFFF68] =	vst v22;
	v1 =	vmul.f32 v3, v11  }
0x146: {  	[tilespmem:s25+$0x78] =	vst v13;
	v2 =	vmul.f32 v4, v17  }
0x147: {  	[tilespmem:s20+$0xFFFFFFE8] =	vst v1  }
0x148: {  	[tilespmem:s20+$0x70] =	vst v2  }
0x149: {  	[tilespmem:s20+$0x78] =	vst v21  }
0x14a: {  	[spmem:s2] =	stream.indirect.scatter.add.f32 [tilespmem:s31], [sflag:$0x9], $0x88, s16, s17, $0xb8;
	[tilespmem:$0x1FA80] =	vst v63  }
0x14b: {  	_ =	swait.ge [sflag:s0], $0x3300  }
0x14c: {  	s4 =	sadd.s32 @!p1 s8, s11;
	[sflag:s0] =	ssyncset.done $0x0  }
0x14d: {  	s11 =	simm.s32 @!p1 $0x0;
	s12 =	simm.s32 @!p1 $0xC0;
	[sflag:s0] =	ssyncadd.s32 $0xFFFFCD00  }
0x14e: {  	[tilespmem:s12], [sflag:$0x7] =	stream.linear.gather @!p1 [hbm4b:s4+s11], $0x60, $0x38;
	[tilespmem:$0x1FA80] =	vst v63  }
0x14f: {  	s4 =	simm.s32 @!p1 $0x5  }
0x150: {  	_ =	swait.ge @!p1 [sflag:s4], $0x60  }
0x151: {  	[sflag:s4] =	ssyncset.done @!p1 $0x0  }
0x152: {  	[sflag:s4] =	ssyncadd.s32 @!p1 $0xFFFFFFA0;
	s4 =	simm.s32 @!p1 $0x7  }
0x153: {  	_ =	swait.ge @!p1 [sflag:s4], $0x60  }
0x154: {  	[sflag:s4] =	ssyncset.done @!p1 $0x0  }
0x155: {  	s13 =	simm.s32 @!p1 $0x180;
	[sflag:s4] =	ssyncadd.s32 @!p1 $0xFFFFFFA0;
	s4 =	simm.s32 @!p1 $0x60  }
0x156: {  	[tilespmem:s13], [sflag:$0x1] =	stream.indirect.gather @!p1 [hbm4b:s5+s4], $0x88, s11, s4, $0xb8;
	[tilespmem:$0x1FA80] =	vst v63  }
0x157: {  	s13 =	simm.s32 @!p1 $0x6780  }
0x158: {  	[tilespmem:s13], [sflag:$0x3] =	stream.indirect.gather @!p1 [hbm4b:s7+s4], $0x10, s12, s4, $0xb8;
	[tilespmem:$0x1FA80] =	vst v63  }
0x159: {  	_ =	swait.ge [sflag:s21], $0x3300  }
0x15a: {  	s10 =	sadd.s32 $0x3, s10;
	[sflag:s21] =	ssyncset.done $0x0  }
0x15b: {  	s12 =	sadd.s32 @!p1 s6, s10;
	[sflag:s21] =	ssyncadd.s32 $0xFFFFCD00  }
0x15c: {  	s12 =	smul.u32 @!p1 $0xC, s12;
	_ =	swait.ge [sflag:s22], $0x600  }
0x15d: {  	[sflag:s22] =	ssyncset.done $0x0  }
0x15e: {  	s20 =	simm.s32 $0x3590;
	s12 =	sadd.s32 @!p1 s1, s12;
	[sflag:s22] =	ssyncadd.s32 $0xFFFFFA00  }
0x15f: {  	[tilespmem:s4], [sflag:$0x6] =	stream.linear.gather @!p1 [hbm4b:s12+s11], $0x60, $0x38;
	[tilespmem:$0x1FA80] =	vst v63  }
0x160: {  	s25 =	simm.s32 $0x6DA0;
	v17 =	vld [tilespmem:s20+$0x100]  }
0x161: {  	v1 =	vld [tilespmem:s25+$0x10];
	_ =	sdelay $0x4  }
0x162: {  	v16 =	vld [tilespmem:s20+$0xFFFFFFF0];
	v1 =	vadd.f32 v1, v17  }
0x163: {  	v2 =	vld [tilespmem:s25+$0xFFFFFFF0]  }
0x164: {  	v4 =	vld [tilespmem:s25+$0xFFFFFFE0];
	v3 =	vmin.f32 v1, $0.0e+00  }
0x165: {  	v14 =	vld [tilespmem:s20+$0x78];
	v3 =	vmul.f32 $2.000000030e-01, v3  }
0x166: {  	v5 =	vld [tilespmem:s25+$0x0];
	v1 =	vmax.f32 v1, $0.0e+00  }
0x167: {  	v18 =	vld [tilespmem:s20+$0xFFFFFF68];
	v1 =	vadd.f32 v3, v1;
	_ =	sdelay $0x1  }
0x168: {  	v2 =	vadd.f32 v2, v16;
	v1 =	vmul.f32 $1.442695020e+00, v1;
	_ =	sdelay $0x1  }
0x169: {  	v3 =	vmin.f32 v2, $0.0e+00;
	(erf) = vpow2.f32 v1;
	v1 =	vadd.f32 v5, v14  }
0x16a: {  	v4 =	vadd.f32 v4, v18;
	v3 =	vmul.f32 $2.000000030e-01, v3  }
0x16b: {  	v2 =	vmax.f32 v2, $0.0e+00;
	v5 =	vmin.f32 v1, $0.0e+00  }
0x16c: {  	v2 =	vadd.f32 v3, v2;
	v3 =	vmul.f32 $2.000000030e-01, v5;
	v5 =	vmin.f32 v4, $0.0e+00  }
0x16d: {  	v1 =	vmax.f32 v1, $0.0e+00;
	v5 =	vmul.f32 $2.000000030e-01, v5  }
0x16e: {  	v2 =	vmul.f32 $1.442695020e+00, v2;
	v4 =	vmax.f32 v4, $0.0e+00;
	v1 =	vadd.f32 v3, v1  }
0x16f: {  	v3 =	vadd.f32 v5, v4  }
0x170: {  	(erf) = vpow2.f32 v2;
	v2 =	vld [tilespmem:s20+$0x88];
	v1 =	vmul.f32 $1.442695020e+00, v1  }
0x171: {  	v3 =	vmul.f32 $1.442695020e+00, v3  }
0x172: {  	v4 =	vpop (erf);
	(erf) = vpow2.f32 v1  }
0x173: {  	v21 =	vperm.xlane v4, v0;
	(erf) = vpow2.f32 v3;
	_ =	sdelay $0x1  }
0x174: {  	v1 =	vmul.f32 v2, v21  }
0x175: {  	s12 =	simm.s32 $0x7490  }
0x176: {  	[tilespmem:s12+$0x88] =	vst v1  }
0x177: {  	v1 =	vld [tilespmem:s20+$0x98]  }
0x178: {  	v3 =	vpop (erf)  }
0x179: {  	v11 =	vperm.xlane v3, v0;
	v3 =	vld [tilespmem:s20+$0xFFFFFEF0]  }
0x17a: {  	s11 =	simm.s32 $0x37B0;
	v6 =	vld [tilespmem:s20+$0x0];
	v4 =	vpop (erf)  }
0x17b: {  	s26 =	simm.s32 $0x6DE0;
	v19 =	vld [tilespmem:s11+$0x100];
	v5 =	vpop (erf)  }
0x17c: {  	v7 =	vld [tilespmem:s26+$0xFFFFFFE0];
	v1 =	vmul.f32 v1, v21;
	v20 =	vperm.xlane v5, v0  }
0x17d: {  	v2 =	vld [tilespmem:s20+$0xFFFFFF78]  }
0x17e: {  	v12 =	vld [tilespmem:s11+$0xFFFFFFF0];
	[tilespmem:s12+$0x98] =	vst v1;
	v1 =	vmul.f32 v3, v20  }
0x17f: {  	v3 =	vld [tilespmem:s20+$0xA8]  }
0x180: {  	[tilespmem:s12+$0xFFFFFEF0] =	vst v1;
	v1 =	vld [tilespmem:s26+$0x10]  }
0x181: {  	v8 =	vld [tilespmem:s26+$0xFFFFFFF0]  }
0x182: {  	v10 =	vld [tilespmem:s11+$0x78];
	v2 =	vmul.f32 v2, v11  }
0x183: {  	v13 =	vld [tilespmem:s11+$0xFFFFFF68]  }
0x184: {  	[tilespmem:s12+$0xFFFFFF78] =	vst v2;
	v15 =	vperm.xlane v4, v0;
	v4 =	vld [tilespmem:s26+$0x0];
	v3 =	vmul.f32 v3, v21  }
0x185: {  	v2 =	vld [tilespmem:s20+$0xFFFFFF88];
	v1 =	vadd.f32 v1, v19  }
0x186: {  	v5 =	vld [tilespmem:s20+$0xFFFFFF00];
	[tilespmem:s12+$0xA8] =	vst v3  }
0x187: {  	v6 =	vmul.f32 v6, v15;
	v3 =	vmin.f32 v1, $0.0e+00;
	v9 =	vld [tilespmem:s20+$0xB8]  }
0x188: {  	v8 =	vadd.f32 v8, v12;
	v3 =	vmul.f32 $2.000000030e-01, v3  }
0x189: {  	[tilespmem:s12+$0x0] =	vst v6;
	v1 =	vmax.f32 v1, $0.0e+00  }
0x18a: {  	v7 =	vadd.f32 v7, v13;
	v6 =	vmin.f32 v8, $0.0e+00;
	v1 =	vadd.f32 v3, v1;
	v3 =	vld [tilespmem:s20+$0x10]  }
0x18b: {  	v4 =	vadd.f32 v4, v10;
	v6 =	vmul.f32 $2.000000030e-01, v6;
	v5 =	vmul.f32 v5, v20  }
0x18c: {  	v8 =	vmax.f32 v8, $0.0e+00;
	v2 =	vmul.f32 v2, v11;
	v9 =	vmul.f32 v9, v21  }
0x18d: {  	v22 =	vmin.f32 v4, $0.0e+00;
	v6 =	vadd.f32 v6, v8;
	[tilespmem:s12+$0xFFFFFF00] =	vst v5;
	v1 =	vmul.f32 $1.442695020e+00, v1  }
0x18e: {  	v4 =	vmax.f32 v4, $0.0e+00;
	v5 =	vmul.f32 $2.000000030e-01, v22;
	v22 =	vmin.f32 v7, $0.0e+00;
	[tilespmem:s12+$0xB8] =	vst v9  }
0x18f: {  	[tilespmem:s12+$0xFFFFFF88] =	vst v2;
	(erf) = vpow2.f32 v1;
	v2 =	vmul.f32 v3, v15;
	v3 =	vmax.f32 v7, $0.0e+00;
	v7 =	vld [tilespmem:s20+$0xC8]  }
0x190: {  	v4 =	vadd.f32 v5, v4;
	v1 =	vld [tilespmem:s20+$0xFFFFFF10]  }
0x191: {  	v6 =	vmul.f32 $1.442695020e+00, v6  }
0x192: {  	v8 =	vmul.f32 $2.000000030e-01, v22;
	[tilespmem:s12+$0x10] =	vst v2;
	v2 =	vmul.f32 $1.442695020e+00, v4  }
0x193: {  	v5 =	vld [tilespmem:s20+$0xFFFFFF98];
	(erf) = vpow2.f32 v6  }
0x194: {  	v3 =	vadd.f32 v8, v3;
	v4 =	vld [tilespmem:s20+$0x20];
	(erf) = vpow2.f32 v2;
	v2 =	vmul.f32 v7, v21  }
0x195: {  	v1 =	vmul.f32 v1, v20  }
0x196: {  	v6 =	vld [tilespmem:s11+$0x88];
	v3 =	vmul.f32 $1.442695020e+00, v3  }
0x197: {  	[tilespmem:s12+$0xFFFFFF10] =	vst v1  }
0x198: {  	v24 =	vld [tilespmem:s11+$0x0];
	(erf) = vpow2.f32 v3;
	v1 =	vmul.f32 v5, v11;
	[tilespmem:s12+$0xC8] =	vst v2;
	v2 =	vpop (erf)  }
0x199: {  	v3 =	vld [tilespmem:s20+$0xFFFFFF20];
	v4 =	vmul.f32 v4, v15;
	v25 =	vperm.xlane v2, v0  }
0x19a: {  	s28 =	simm.s32 $0x6E20;
	[tilespmem:s12+$0xFFFFFF98] =	vst v1;
	v1 =	vld [tilespmem:s20+$0xD8]  }
0x19b: {  	v28 =	vld [tilespmem:s28+$0x10];
	[tilespmem:s12+$0x20] =	vst v4;
	v2 =	vmul.f32 v6, v25  }
0x19c: {  	s13 =	simm.s32 $0x76B0;
	v4 =	vld [tilespmem:s20+$0x30]  }
0x19d: {  	v29 =	vld [tilespmem:s28+$0xFFFFFFE0];
	v8 =	vpop (erf);
	[tilespmem:s13+$0x88] =	vst v2  }
0x19e: {  	v2 =	vperm.xlane v8, v0;
	v8 =	vld [tilespmem:s11+$0x98]  }
0x19f: {  	v5 =	vld [tilespmem:s20+$0xFFFFFFA8];
	v3 =	vmul.f32 v3, v20;
	v1 =	vmul.f32 v1, v21  }
0x1a0: {  	v7 =	vld [tilespmem:s11+$0xFFFFFF78]  }
0x1a1: {  	s14 =	simm.s32 $0x39D0;
	v6 =	vld [tilespmem:s11+$0xFFFFFEF0];
	[tilespmem:s12+$0xD8] =	vst v1;
	v1 =	vmul.f32 v4, v15  }
0x1a2: {  	v23 =	vld [tilespmem:s14+$0xFFFFFFF0];
	v9 =	vpop (erf);
	[tilespmem:s12+$0xFFFFFF20] =	vst v3  }
0x1a3: {  	v30 =	vld [tilespmem:s28+$0xFFFFFFF0];
	v3 =	vpop (erf);
	[tilespmem:s12+$0x30] =	vst v1;
	v1 =	vmul.f32 v8, v25  }
0x1a4: {  	v5 =	vmul.f32 v5, v11;
	v26 =	vld [tilespmem:s20+$0xFFFFFF30];
	v3 =	vperm.xlane v3, v0  }
0x1a5: {  	v7 =	vmul.f32 v7, v2;
	v4 =	vld [tilespmem:s20+$0xE8];
	[tilespmem:s13+$0x98] =	vst v1  }
0x1a6: {  	[tilespmem:s12+$0xFFFFFFA8] =	vst v5;
	v5 =	vmul.f32 v6, v3;
	v1 =	vperm.xlane v9, v0;
	v22 =	vld [tilespmem:s11+$0xA8]  }
0x1a7: {  	[tilespmem:s13+$0xFFFFFF78] =	vst v7;
	v7 =	vld [tilespmem:s20+$0xFFFFFFB8]  }
0x1a8: {  	[tilespmem:s13+$0xFFFFFEF0] =	vst v5;
	v5 =	vld [tilespmem:s14+$0x100];
	v24 =	vmul.f32 v24, v1  }
0x1a9: {  	v6 =	vld [tilespmem:s11+$0xFFFFFF88]  }
0x1aa: {  	v27 =	vld [tilespmem:s11+$0xFFFFFF00];
	[tilespmem:s13+$0x0] =	vst v24  }
0x1ab: {  	v55 =	vld [tilespmem:s11+$0x10];
	v9 =	vmul.f32 v22, v25  }
0x1ac: {  	v22 =	vld [tilespmem:s14+$0x78]  }
0x1ad: {  	v28 =	vadd.f32 v28, v5;
	[tilespmem:s13+$0xA8] =	vst v9;
	v9 =	vld [tilespmem:s28+$0x0]  }
0x1ae: {  	v4 =	vmul.f32 v4, v21;
	v31 =	vld [tilespmem:s11+$0xB8]  }
0x1af: {  	v57 =	vld [tilespmem:s14+$0xFFFFFEF0];
	v6 =	vmul.f32 v6, v2;
	v54 =	vmin.f32 v28, $0.0e+00  }
0x1b0: {  	[tilespmem:s12+$0xE8] =	vst v4;
	v24 =	vld [tilespmem:s14+$0xFFFFFF68];
	v4 =	vmul.f32 v27, v3;
	v27 =	vadd.f32 v30, v23;
	v30 =	vmul.f32 $2.000000030e-01, v54  }
0x1b1: {  	v35 =	vld [tilespmem:s14+$0xFFFFFF78];
	v26 =	vmul.f32 v26, v20;
	v28 =	vmax.f32 v28, $0.0e+00  }
0x1b2: {  	v8 =	vld [tilespmem:s20+$0x40];
	[tilespmem:s13+$0xFFFFFF88] =	vst v6;
	v28 =	vadd.f32 v30, v28;
	v33 =	vmul.f32 v55, v1;
	v9 =	vadd.f32 v9, v22  }
0x1b3: {  	v36 =	vld [tilespmem:s14+$0x0];
	v7 =	vmul.f32 v7, v11;
	[tilespmem:s13+$0xFFFFFF00] =	vst v4;
	v4 =	vmin.f32 v27, $0.0e+00;
	v31 =	vmul.f32 v31, v25  }
0x1b4: {  	v4 =	vmul.f32 $2.000000030e-01, v4;
	v30 =	vld [tilespmem:s11+$0xFFFFFF10];
	v28 =	vmul.f32 $1.442695020e+00, v28;
	[tilespmem:s13+$0x10] =	vst v33;
	v37 =	vmin.f32 v9, $0.0e+00  }
0x1b5: {  	v27 =	vmax.f32 v27, $0.0e+00;
	v29 =	vadd.f32 v29, v24;
	[tilespmem:s13+$0xB8] =	vst v31;
	v6 =	vmul.f32 $2.000000030e-01, v37;
	v31 =	vld [tilespmem:s11+$0xFFFFFF98]  }
0x1b6: {  	[tilespmem:s12+$0xFFFFFF30] =	vst v26;
	v4 =	vadd.f32 v4, v27;
	(erf) = vpow2.f32 v28;
	v26 =	vld [tilespmem:s11+$0x20];
	v9 =	vmax.f32 v9, $0.0e+00  }
0x1b7: {  	s4 =	simm.s32 $0x6E60;
	v8 =	vmul.f32 v8, v15;
	v27 =	vmin.f32 v29, $0.0e+00;
	v28 =	vld [tilespmem:s11+$0xC8];
	v6 =	vadd.f32 v6, v9  }
0x1b8: {  	v63 =	vld [tilespmem:s4+$0x10];
	v27 =	vmul.f32 $2.000000030e-01, v27;
	v4 =	vmul.f32 $1.442695020e+00, v4  }
0x1b9: {  	[tilespmem:s12+$0xFFFFFFB8] =	vst v7;
	v7 =	vld [tilespmem:s20+$0xFFFFFF40];
	v29 =	vmax.f32 v29, $0.0e+00;
	v9 =	vmul.f32 v30, v3;
	v6 =	vmul.f32 $1.442695020e+00, v6  }
0x1ba: {  	v27 =	vadd.f32 v27, v29;
	(erf) = vpow2.f32 v4;
	v4 =	vld [tilespmem:s20+$0xFFFFFFC8];
	v29 =	vmul.f32 v31, v2  }
0x1bb: {  	v39 =	vld [tilespmem:s4+$0xFFFFFFE0];
	[tilespmem:s13+$0xFFFFFF10] =	vst v9;
	(erf) = vpow2.f32 v6;
	v6 =	vmul.f32 v26, v1  }
0x1bc: {  	[tilespmem:s12+$0x40] =	vst v8;
	v8 =	vmul.f32 $1.442695020e+00, v27;
	v27 =	vld [tilespmem:s11+$0xFFFFFF20];
	v9 =	vmul.f32 v28, v25  }
0x1bd: {  	v26 =	vld [tilespmem:s14+$0x88];
	[tilespmem:s13+$0xFFFFFF98] =	vst v29  }
0x1be: {  	v7 =	vmul.f32 v7, v20;
	v28 =	vld [tilespmem:s20+$0x50];
	[tilespmem:s13+$0xC8] =	vst v9  }
0x1bf: {  	v4 =	vmul.f32 v4, v11;
	(erf) = vpow2.f32 v8;
	[tilespmem:s13+$0x20] =	vst v6;
	v8 =	vld [tilespmem:s11+$0xD8];
	v6 =	vpop (erf)  }
0x1c0: {  	v29 =	vld [tilespmem:s11+$0xFFFFFFA8];
	v9 =	vperm.xlane v6, v0  }
0x1c1: {  	v42 =	vld [tilespmem:s4+$0xFFFFFFF0];
	[tilespmem:s12+$0xFFFFFF40] =	vst v7;
	v6 =	vmul.f32 v27, v3  }
0x1c2: {  	v56 =	vld [tilespmem:s20+$0xF8];
	[tilespmem:s12+$0xFFFFFFC8] =	vst v4;
	v26 =	vmul.f32 v26, v9  }
0x1c3: {  	s15 =	simm.s32 $0x78D0;
	v7 =	vld [tilespmem:s11+$0x30];
	v27 =	vmul.f32 v28, v15;
	v4 =	vpop (erf);
	[tilespmem:s13+$0xFFFFFF20] =	vst v6  }
0x1c4: {  	v28 =	vld [tilespmem:s20+$0xFFFFFF50];
	v4 =	vperm.xlane v4, v0;
	v6 =	vmul.f32 v8, v25;
	[tilespmem:s15+$0x88] =	vst v26  }
0x1c5: {  	[tilespmem:s12+$0x50] =	vst v27;
	v8 =	vmul.f32 v29, v2;
	v58 =	vpop (erf);
	v31 =	vld [tilespmem:s14+$0x98]  }
0x1c6: {  	v30 =	vld [tilespmem:s20+$0xFFFFFFD8];
	v26 =	vmul.f32 v35, v4;
	[tilespmem:s13+$0xD8] =	vst v6;
	v6 =	vperm.xlane v58, v0  }
0x1c7: {  	v27 =	vld [tilespmem:s11+$0xFFFFFF30];
	[tilespmem:s13+$0xFFFFFFA8] =	vst v8  }
0x1c8: {  	v8 =	vld [tilespmem:s11+$0xE8];
	[tilespmem:s15+$0xFFFFFF78] =	vst v26;
	v26 =	vmul.f32 v36, v6  }
0x1c9: {  	v29 =	vld [tilespmem:s20+$0x60];
	v59 =	vmul.f32 v7, v1;
	v7 =	vpop (erf);
	v28 =	vmul.f32 v28, v20  }
0x1ca: {  	v7 =	vperm.xlane v7, v0;
	v60 =	vld [tilespmem:s11+$0xFFFFFFB8];
	[tilespmem:s15+$0x0] =	vst v26;
	v26 =	vmul.f32 v31, v9  }
0x1cb: {  	v61 =	vld [tilespmem:s14+$0xFFFFFF88];
	[tilespmem:s12+$0xFFFFFF50] =	vst v28  }
0x1cc: {  	v34 =	vmul.f32 v57, v7;
	v28 =	vld [tilespmem:s20+$0xFFFFFF60];
	[tilespmem:s15+$0x98] =	vst v26  }
0x1cd: {  	v8 =	vmul.f32 v8, v25;
	v62 =	vld [tilespmem:s14+$0xA8]  }
0x1ce: {  	s19 =	simm.s32 $0x3BF0;
	[tilespmem:s15+$0xFFFFFEF0] =	vst v34;
	v31 =	vld [tilespmem:s14+$0x10]  }
0x1cf: {  	v17 =	vnsel vm0, $0x3F800000, v17;
	v26 =	vmul.f32 v56, v21;
	[tilespmem:s13+$0xE8] =	vst v8;
	v8 =	vld [tilespmem:s19+$0x100]  }
0x1d0: {  	v17 =	vmul.f32 v21, v17;
	[tilespmem:s13+$0x30] =	vst v59;
	v34 =	vld [tilespmem:s14+$0xFFFFFF00]  }
0x1d1: {  	v21 =	vmul.f32 v27, v3;
	[tilespmem:s12+$0xF8] =	vst v26;
	v26 =	vld [tilespmem:s19+$0xFFFFFFF0]  }
0x1d2: {  	v16 =	vnsel vm0, $0x3F800000, v16;
	v38 =	vld [tilespmem:s11+$0xF8];
	[tilespmem:s12+$0x100] =	vst v17;
	v17 =	vmul.f32 v62, v9  }
0x1d3: {  	v18 =	vnsel vm0, $0x3F800000, v18;
	v43 =	vmul.f32 v11, v16;
	v35 =	vld [tilespmem:s11+$0x40];
	v16 =	vmul.f32 v60, v2;
	[tilespmem:s13+$0xFFFFFF30] =	vst v21  }
0x1d4: {  	v18 =	vmul.f32 v20, v18;
	v27 =	vmul.f32 v61, v4;
	v21 =	vld [tilespmem:s19+$0x78];
	v32 =	vadd.f32 v63, v8;
	[tilespmem:s15+$0xA8] =	vst v17  }
0x1d5: {  	v20 =	vmul.f32 v28, v20;
	[tilespmem:s13+$0xFFFFFFB8] =	vst v16;
	v28 =	vmul.f32 v31, v6;
	v45 =	vld [tilespmem:s14+$0xB8]  }
0x1d6: {  	[tilespmem:s15+$0xFFFFFF88] =	vst v27;
	v31 =	vmul.f32 v34, v7;
	v47 =	vadd.f32 v42, v26;
	v17 =	vld [tilespmem:s4+$0x0];
	v16 =	vmin.f32 v32, $0.0e+00  }
0x1d7: {  	v19 =	vnsel vm0, $0x3F800000, v19;
	v27 =	vld [tilespmem:s19+$0xFFFFFF68];
	[tilespmem:s15+$0x10] =	vst v28;
	v28 =	vmul.f32 v38, v25;
	v16 =	vmul.f32 $2.000000030e-01, v16  }
0x1d8: {  	v46 =	vld [tilespmem:s19+$0xFFFFFEF0];
	v19 =	vmul.f32 v25, v19;
	[tilespmem:s15+$0xFFFFFF00] =	vst v31;
	v32 =	vmax.f32 v32, $0.0e+00;
	v25 =	vmin.f32 v47, $0.0e+00  }
0x1d9: {  	v29 =	vmul.f32 v29, v15;
	[tilespmem:s13+$0xF8] =	vst v28;
	v28 =	vld [tilespmem:s14+$0xFFFFFF10];
	v25 =	vmul.f32 $2.000000030e-01, v25;
	v16 =	vadd.f32 v16, v32  }
0x1da: {  	v48 =	vld [tilespmem:s19+$0xFFFFFF78];
	v14 =	vnsel vm0, $0x3F800000, v14;
	[tilespmem:s13+$0x100] =	vst v19;
	v19 =	vmax.f32 v47, $0.0e+00;
	v49 =	vmul.f32 v45, v9  }
0x1db: {  	[tilespmem:s12+$0x60] =	vst v29;
	v29 =	vld [tilespmem:s11+$0xFFFFFF40];
	v19 =	vadd.f32 v25, v19;
	v17 =	vadd.f32 v17, v21;
	v16 =	vmul.f32 $1.442695020e+00, v16  }
0x1dc: {  	v30 =	vmul.f32 v30, v11;
	v44 =	vmul.f32 v35, v1;
	v51 =	vld [tilespmem:s14+$0xFFFFFF98];
	v50 =	vadd.f32 v39, v27;
	[tilespmem:s15+$0xB8] =	vst v49  }
0x1dd: {  	v19 =	vmul.f32 $1.442695020e+00, v19;
	v25 =	vmin.f32 v17, $0.0e+00;
	(erf) = vpow2.f32 v16;
	v53 =	vld [tilespmem:s14+$0xC8]  }
0x1de: {  	[tilespmem:s12+$0xFFFFFFD8] =	vst v30;
	v52 =	vld [tilespmem:s14+$0x20];
	v30 =	vmin.f32 v50, $0.0e+00;
	v28 =	vmul.f32 v28, v7;
	v25 =	vmul.f32 $2.000000030e-01, v25  }
0x1df: {  	v55 =	vld [tilespmem:s19+$0x88];
	[tilespmem:s13+$0x40] =	vst v44;
	v16 =	vmax.f32 v17, $0.0e+00;
	v17 =	vmul.f32 $2.000000030e-01, v30;
	(erf) = vpow2.f32 v19  }
0x1e0: {  	[tilespmem:s12+$0xFFFFFF60] =	vst v20;
	v29 =	vmul.f32 v29, v3;
	v20 =	vmax.f32 v50, $0.0e+00;
	v30 =	vld [tilespmem:s11+$0xFFFFFFC8];
	v25 =	vadd.f32 v25, v16  }
0x1e1: {  	[tilespmem:s15+$0xFFFFFF10] =	vst v28;
	v19 =	vmul.f32 v51, v4;
	v16 =	vmul.f32 v15, v14;
	v14 =	vadd.f32 v17, v20;
	v17 =	vld [tilespmem:s11+$0x50]  }
0x1e2: {  	[tilespmem:s12+$0xFFFFFF68] =	vst v18;
	v28 =	vld [tilespmem:s14+$0xFFFFFF20];
	v18 =	vmul.f32 $1.442695020e+00, v25;
	v20 =	vmul.f32 v53, v9  }
0x1e3: {  	v13 =	vnsel vm0, $0x3F800000, v13;
	v32 =	vmul.f32 v52, v6;
	[tilespmem:s15+$0xFFFFFF98] =	vst v19;
	v25 =	vld [tilespmem:s20+$0xFFFFFFE8];
	v14 =	vmul.f32 $1.442695020e+00, v14  }
0x1e4: {  	v54 =	vld [tilespmem:s20+$0x70];
	v19 =	vmul.f32 v3, v13;
	(erf) = vpow2.f32 v18;
	[tilespmem:s15+$0xC8] =	vst v20  }
0x1e5: {  	v12 =	vnsel vm0, $0x3F800000, v12;
	[tilespmem:s13+$0xFFFFFF40] =	vst v29;
	v13 =	vmul.f32 v30, v2;
	(erf) = vpow2.f32 v14;
	v14 =	vld [tilespmem:s14+$0xD8]  }
0x1e6: {  	v31 =	vld [tilespmem:s19+$0x0];
	[tilespmem:s15+$0x20] =	vst v32;
	v18 =	vmul.f32 v2, v12;
	v12 =	vmul.f32 v17, v1;
	v17 =	vpop (erf)  }
0x1e7: {  	v30 =	vld [tilespmem:s14+$0xFFFFFFA8];
	[tilespmem:s13+$0xFFFFFFC8] =	vst v13;
	v20 =	vperm.xlane v17, v0  }
0x1e8: {  	[tilespmem:s12+$0xFFFFFFF0] =	vst v43;
	v13 =	vnsel vm0, $0x3F800000, v24;
	v29 =	vld [tilespmem:s11+$0xFFFFFFD8];
	v17 =	vmul.f32 v28, v7;
	v24 =	vmul.f32 v25, v11;
	v11 =	vpop (erf)  }
0x1e9: {  	v10 =	vnsel vm0, $0x3F800000, v10;
	v28 =	vld [tilespmem:s14+$0x30];
	[tilespmem:s13+$0x50] =	vst v12;
	v12 =	vmul.f32 v7, v13;
	v11 =	vperm.xlane v11, v0  }
0x1ea: {  	v25 =	vld [tilespmem:s11+$0xFFFFFF50];
	v13 =	vmul.f32 v55, v20;
	[tilespmem:s15+$0xFFFFFF20] =	vst v17;
	v17 =	vnsel vm0, $0x3F800000, v23;
	v23 =	vmul.f32 v14, v9  }
0x1eb: {  	v10 =	vmul.f32 v1, v10;
	v22 =	vnsel vm0, $0x3F800000, v22;
	s20 =	simm.s32 $0x7AF0;
	v57 =	vld [tilespmem:s11+$0x60];
	[tilespmem:s12+$0xFFFFFFE8] =	vst v24  }
0x1ec: {  	v56 =	vld [tilespmem:s14+$0xFFFFFF30];
	[tilespmem:s20+$0x88] =	vst v13;
	v13 =	vmul.f32 v6, v22;
	v22 =	vmul.f32 v48, v11  }
0x1ed: {  	v24 =	vmul.f32 v30, v4;
	v14 =	vmul.f32 v4, v17;
	v30 =	vld [tilespmem:s19+$0x98];
	v17 =	vpop (erf);
	[tilespmem:s15+$0xD8] =	vst v23  }
0x1ee: {  	v28 =	vmul.f32 v28, v6;
	[tilespmem:s20+$0xFFFFFF78] =	vst v22;
	v17 =	vperm.xlane v17, v0;
	v58 =	vld [tilespmem:s14+$0xE8];
	v23 =	vpop (erf)  }
0x1ef: {  	[tilespmem:s15+$0xFFFFFFA8] =	vst v24;
	v25 =	vmul.f32 v25, v3;
	v60 =	vld [tilespmem:s19+$0xFFFFFF88];
	v24 =	vperm.xlane v23, v0  }
0x1f0: {  	v59 =	vld [tilespmem:s14+$0xFFFFFFB8];
	[tilespmem:s15+$0x30] =	vst v28;
	v23 =	vmul.f32 v54, v15;
	v15 =	vmul.f32 v31, v17  }
0x1f1: {  	v28 =	vmul.f32 v29, v2;
	[tilespmem:s13+$0xFFFFFF50] =	vst v25;
	v31 =	vld [tilespmem:s14+$0x40];
	v22 =	vmul.f32 v46, v24  }
0x1f2: {  	v26 =	vnsel vm0, $0x3F800000, v26;
	v29 =	vmul.f32 v57, v1;
	v62 =	vmul.f32 v30, v20;
	v30 =	vld [tilespmem:s11+$0xFFFFFF60];
	[tilespmem:s20+$0x0] =	vst v15  }
0x1f3: {  	v21 =	vnsel vm0, $0x3F800000, v21;
	v61 =	vmul.f32 v56, v7;
	v25 =	vld [tilespmem:s19+$0x10];
	v63 =	vmul.f32 v58, v9;
	[tilespmem:s20+$0xFFFFFEF0] =	vst v22  }
0x1f4: {  	v21 =	vmul.f32 v17, v21;
	v15 =	vnsel vm0, $0x3F800000, v27;
	[tilespmem:s20+$0x98] =	vst v62;
	v34 =	vmul.f32 v60, v11;
	v27 =	vld [tilespmem:s19+$0xFFFFFF00]  }
0x1f5: {  	v32 =	vld [tilespmem:s19+$0xA8];
	v22 =	vmul.f32 v24, v15;
	v15 =	vmul.f32 v11, v26;
	[tilespmem:s15+$0xE8] =	vst v63  }
0x1f6: {  	s25 =	simm.s32 $0xC;
	s26 =	simm.s32 $0x3E10;
	[tilespmem:s15+$0xFFFFFF30] =	vst v61;
	v26 =	vmul.f32 v59, v4;
	v33 =	vmul.f32 v31, v6;
	v31 =	vld [tilespmem:s14+$0xF8]  }
.LBB2_5:
0x1f7: {  	v35 =	vld [tilespmem:s26+$0x100];
	[tilespmem:s20+$0xFFFFFF88] =	vst v34;
	s4 =	sadd.s32 $0x40, s4;
	v30 =	vmul.f32 v30, v3;
	v3 =	vmov v7;
	v7 =	vmov v24  }
0x1f8: {  	v24 =	vld [tilespmem:s4+$0x10];
	v25 =	vmul.f32 v25, v17;
	[tilespmem:s15+$0xFFFFFFB8] =	vst v26  }
0x1f9: {  	v34 =	vld [tilespmem:s4+$0xFFFFFFE0];
	v26 =	vmul.f32 v27, v7;
	[tilespmem:s15+$0x40] =	vst v33  }
0x1fa: {  	s25 =	sadd.s32 $0x4, s25;
	v33 =	vld [tilespmem:s26+$0xFFFFFFF0];
	[tilespmem:s20+$0x10] =	vst v25;
	v25 =	vmul.f32 v32, v20  }
0x1fb: {  	p2 =	slt.u32 s25, $0x5C;
	v27 =	vnsel vm0, $0x3F800000, v5;
	v5 =	vmov v8;
	v32 =	vld [tilespmem:s4+$0xFFFFFFF0];
	[tilespmem:s20+$0xFFFFFF00] =	vst v26;
	v26 =	vmul.f32 v31, v9  }
0x1fc: {  	v31 =	vld [tilespmem:s26+$0x78];
	[tilespmem:s20+$0xA8] =	vst v25;
	v25 =	vmul.f32 v9, v27;
	v8 =	vmov v35;
	v9 =	vmov v20  }
0x1fd: {  	v20 =	vld [tilespmem:s4+$0x0];
	v24 =	vadd.f32 v24, v8;
	[tilespmem:s15+$0xF8] =	vst v26  }
0x1fe: {  	v35 =	vld [tilespmem:s19+$0xB8];
	[tilespmem:s15+$0x100] =	vst v25  }
0x1ff: {  	v36 =	vld [tilespmem:s26+$0xFFFFFF68];
	v25 =	vnsel vm0, $0x3F800000, v33;
	v26 =	vmin.f32 v24, $0.0e+00;
	[tilespmem:s13+$0xFFFFFFD8] =	vst v28  }
0x200: {  	v27 =	vld [tilespmem:s26+$0xFFFFFEF0];
	v28 =	vadd.f32 v32, v33;
	v32 =	vmul.f32 $2.000000030e-01, v26;
	[tilespmem:s13+$0x60] =	vst v29  }
0x201: {  	v24 =	vmax.f32 v24, $0.0e+00;
	v33 =	vld [tilespmem:s26+$0xFFFFFF78];
	v26 =	vnsel vm0, $0x3F800000, v31;
	[tilespmem:s13+$0xFFFFFF60] =	vst v30  }
0x202: {  	v30 =	vmin.f32 v28, $0.0e+00;
	v20 =	vadd.f32 v20, v31;
	v29 =	vld [tilespmem:s26+$0x0];
	v24 =	vadd.f32 v32, v24;
	[tilespmem:s13+$0xFFFFFF68] =	vst v19;
	v19 =	vmovc v12  }
0x203: {  	v28 =	vmax.f32 v28, $0.0e+00;
	v12 =	vmovc v22;
	v30 =	vmul.f32 $2.000000030e-01, v30;
	v31 =	vld [tilespmem:s19+$0xFFFFFF10];
	v32 =	vmul.f32 v35, v9;
	[tilespmem:s12+$0x70] =	vst v23  }
0x204: {  	v22 =	vadd.f32 v34, v36;
	v23 =	vmin.f32 v20, $0.0e+00;
	v24 =	vmul.f32 $1.442695020e+00, v24;
	v34 =	vld [tilespmem:s19+$0xFFFFFF98];
	[tilespmem:s12+$0x78] =	vst v16;
	v16 =	vmovc v10;
	v10 =	vmovc v13;
	s12 =	smov.u32 s13;
	s13 =	smov.u32 s15;
	s15 =	smov.u32 s20  }
0x205: {  	v20 =	vmax.f32 v20, $0.0e+00;
	v13 =	vmovc v21;
	v28 =	vadd.f32 v30, v28;
	v23 =	vmul.f32 $2.000000030e-01, v23;
	v30 =	vld [tilespmem:s19+$0x20];
	[tilespmem:s20+$0xB8] =	vst v32  }
0x206: {  	v21 =	vmax.f32 v22, $0.0e+00;
	v22 =	vmin.f32 v22, $0.0e+00;
	(erf) = vpow2.f32 v24;
	v24 =	vld [tilespmem:s19+$0xC8]  }
0x207: {  	v22 =	vmul.f32 $2.000000030e-01, v22;
	v28 =	vmul.f32 $1.442695020e+00, v28;
	v20 =	vadd.f32 v23, v20;
	v23 =	vld [tilespmem:s14+$0xFFFFFF40]  }
0x208: {  	v32 =	vnsel vm0, $0x3F800000, v36;
	v31 =	vmul.f32 v31, v7;
	v35 =	vld [tilespmem:s14+$0xFFFFFFC8]  }
0x209: {  	v21 =	vadd.f32 v22, v21;
	v20 =	vmul.f32 $1.442695020e+00, v20;
	(erf) = vpow2.f32 v28;
	v22 =	vld [tilespmem:s14+$0x50]  }
0x20a: {  	v28 =	vmul.f32 v34, v11;
	[tilespmem:s20+$0xFFFFFF10] =	vst v31;
	v30 =	vmul.f32 v30, v17;
	v31 =	vld [tilespmem:s11+$0xFFFFFFE8]  }
0x20b: {  	v21 =	vmul.f32 $1.442695020e+00, v21;
	v34 =	vld [tilespmem:s19+$0xFFFFFF20];
	v24 =	vmul.f32 v24, v9;
	[tilespmem:s12+$0xFFFFFFF0] =	vst v18;
	v18 =	vmovc v14;
	v14 =	vmov v15  }
0x20c: {  	(erf) = vpow2.f32 v20;
	[tilespmem:s20+$0xFFFFFF98] =	vst v28;
	v15 =	vmul.f32 v23, v3;
	v23 =	vld [tilespmem:s11+$0x70];
	s11 =	smov.u32 s14;
	s14 =	smov.u32 s19;
	s19 =	smov.u32 s26  }
0x20d: {  	v28 =	vld [tilespmem:s26+$0x88];
	(erf) = vpow2.f32 v21;
	[tilespmem:s20+$0xC8] =	vst v24;
	v21 =	vmul.f32 v35, v4  }
0x20e: {  	[tilespmem:s20+$0x20] =	vst v30;
	v24 =	vld [tilespmem:s14+$0xD8];
	v22 =	vmul.f32 v22, v6  }
0x20f: {  	v20 =	vpop (erf);
	v30 =	vld [tilespmem:s14+$0xFFFFFFA8];
	[tilespmem:s13+$0xFFFFFF40] =	vst v15;
	v15 =	vmul.f32 v31, v2;
	v2 =	vmov v4;
	v4 =	vmov v11  }
0x210: {  	v20 =	vperm.xlane v20, v0;
	v11 =	vmul.f32 v34, v7;
	v31 =	vld [tilespmem:s14+$0x30];
	[tilespmem:s13+$0xFFFFFFC8] =	vst v21  }
0x211: {  	v21 =	vld [tilespmem:s11+$0xFFFFFF50];
	[tilespmem:s13+$0x50] =	vst v22;
	v23 =	vmul.f32 v23, v1;
	v1 =	vmov v6;
	v6 =	vmov v17  }
0x212: {  	v35 =	vmul.f32 v28, v20;
	v22 =	vpop (erf);
	[tilespmem:s20+$0xFFFFFF20] =	vst v11;
	v28 =	vld [tilespmem:s11+$0xFFFFFFD8]  }
0x213: {  	s20 =	sadd.s32 $0x220, s20;
	v11 =	vperm.xlane v22, v0;
	v22 =	vld [tilespmem:s14+$0xFFFFFF30];
	v36 =	vmul.f32 v24, v9;
	[tilespmem:s12+$0xFFFFFFE8] =	vst v15  }
0x214: {  	[tilespmem:s20+$0x88] =	vst v35;
	v15 =	vmul.f32 v30, v4;
	v30 =	vld [tilespmem:s11+$0x60]  }
0x215: {  	v33 =	vmul.f32 v33, v11;
	v34 =	vld [tilespmem:s26+$0x98];
	v17 =	vpop (erf);
	v31 =	vmul.f32 v31, v6;
	[tilespmem:s15+$0xD8] =	vst v36  }
0x216: {  	v17 =	vperm.xlane v17, v0;
	v24 =	vpop (erf);
	[tilespmem:s15+$0xFFFFFFA8] =	vst v15;
	v35 =	vld [tilespmem:s14+$0xE8];
	v15 =	vmul.f32 v21, v3  }
0x217: {  	v24 =	vperm.xlane v24, v0;
	[tilespmem:s20+$0xFFFFFF78] =	vst v33;
	v33 =	vld [tilespmem:s14+$0xFFFFFFB8];
	v28 =	vmul.f32 v28, v2  }
0x218: {  	v36 =	vld [tilespmem:s26+$0xFFFFFF88];
	v21 =	vmul.f32 v29, v17;
	v37 =	vmul.f32 v22, v7;
	[tilespmem:s15+$0x30] =	vst v31  }
0x219: {  	v27 =	vmul.f32 v27, v24;
	v31 =	vld [tilespmem:s14+$0x40];
	[tilespmem:s13+$0xFFFFFF50] =	vst v15;
	v29 =	vmul.f32 v30, v1  }
.Ltmp3:
0x21a: {  	v22 =	vmul.f32 v24, v32;
	[tilespmem:s20+$0x0] =	vst v21;
	v32 =	vmul.f32 v34, v20;
	v30 =	vld [tilespmem:s11+$0xFFFFFF60];
	(pc) =	sbr.rel @p2 .LBB2_5-.Ltmp3, $4  }
0x21b: {  	v15 =	vmul.f32 v11, v25;
	[tilespmem:s20+$0xFFFFFEF0] =	vst v27;
	v25 =	vld [tilespmem:s26+$0x10];
	v35 =	vmul.f32 v35, v9  }
0x21c: {  	v21 =	vmul.f32 v17, v26;
	v27 =	vld [tilespmem:s26+$0xFFFFFF00];
	[tilespmem:s20+$0x98] =	vst v32;
	v26 =	vmul.f32 v33, v4  }
0x21d: {  	v34 =	vmul.f32 v36, v11;
	v32 =	vld [tilespmem:s26+$0xA8];
	[tilespmem:s15+$0xE8] =	vst v35  }
0x21e: {  	s26 =	sadd.s32 $0x220, s26;
	[tilespmem:s15+$0xFFFFFF30] =	vst v37;
	v33 =	vmul.f32 v31, v6;
	v31 =	vld [tilespmem:s14+$0xF8]  }
0x21f: {  	_ =	sdelay $0x1  }
0x220: {  	[tilespmem:s20+$0xFFFFFF88] =	vst v34;
	v27 =	vmul.f32 v27, v24  }
0x221: {  	[tilespmem:s15+$0xFFFFFFB8] =	vst v26  }
0x222: {  	[tilespmem:s20+$0xFFFFFF00] =	vst v27  }
0x223: {  	[tilespmem:s13+$0xFFFFFFD8] =	vst v28;
	v27 =	vld [tilespmem:s19+$0xFFFFFF10]  }
0x224: {  	[tilespmem:s13+$0x60] =	vst v29;
	v25 =	vmul.f32 v25, v17  }
0x225: {  	[tilespmem:s12+$0x70] =	vst v23  }
0x226: {  	v32 =	vmul.f32 v32, v20;
	[tilespmem:s20+$0x10] =	vst v25  }
0x227: {  	[tilespmem:s15+$0x40] =	vst v33;
	v35 =	vld [tilespmem:s19+$0x20]  }
0x228: {  	v33 =	vld [tilespmem:s19+$0xFFFFFF98];
	[tilespmem:s20+$0xA8] =	vst v32;
	v34 =	vmul.f32 v27, v24  }
0x229: {  	[tilespmem:s12+$0x78] =	vst v16;
	v32 =	vld [tilespmem:s19+$0xB8]  }
0x22a: {  	v3 =	vmul.f32 v30, v3;
	v43 =	vld [tilespmem:s11+$0xFFFFFFE8];
	[tilespmem:s20+$0xFFFFFF10] =	vst v34  }
0x22b: {  	v5 =	vnsel vm0, $0x3F800000, v5;
	[tilespmem:s13+$0xFFFFFFF0] =	vst v18;
	v25 =	vld [tilespmem:s19+$0xFFFFFF20]  }
0x22c: {  	v5 =	vmul.f32 v9, v5;
	[tilespmem:s13+$0xFFFFFF60] =	vst v3;
	v3 =	vmul.f32 v35, v17  }
0x22d: {  	v41 =	vld [tilespmem:s14+$0xFFFFFFC8];
	[tilespmem:s13+$0xFFFFFF68] =	vst v19;
	v31 =	vmul.f32 v31, v9;
	v9 =	vmul.f32 v33, v11  }
0x22e: {  	v37 =	vld [tilespmem:s14+$0xFFFFFF40];
	v32 =	vmul.f32 v32, v20;
	[tilespmem:s20+$0x20] =	vst v3  }
0x22f: {  	[tilespmem:s20+$0xFFFFFF98] =	vst v9;
	v39 =	vld [tilespmem:s19+$0x30]  }
0x230: {  	v3 =	vld [tilespmem:s19+$0xFFFFFFA8];
	[tilespmem:s20+$0xB8] =	vst v32;
	v38 =	vmul.f32 v25, v24  }
0x231: {  	[tilespmem:s15+$0xF8] =	vst v31;
	v32 =	vld [tilespmem:s19+$0xC8]  }
0x232: {  	v44 =	vld [tilespmem:s14+$0x50];
	v48 =	vmul.f32 v41, v4;
	[tilespmem:s20+$0xFFFFFF20] =	vst v38  }
0x233: {  	[tilespmem:s15+$0x100] =	vst v5;
	v5 =	vmul.f32 v37, v7;
	v9 =	vld [tilespmem:s19+$0xFFFFFF30]  }
0x234: {  	[tilespmem:s15+$0xFFFFFFC8] =	vst v48;
	v45 =	vmul.f32 v39, v17  }
0x235: {  	v58 =	vld [tilespmem:s11+$0x70];
	[tilespmem:s15+$0xFFFFFF40] =	vst v5;
	v3 =	vmul.f32 v3, v11  }
0x236: {  	v49 =	vld [tilespmem:s14+$0xFFFFFF50];
	v36 =	vmul.f32 v32, v20;
	[tilespmem:s20+$0x30] =	vst v45  }
0x237: {  	v50 =	vmul.f32 v44, v6;
	[tilespmem:s20+$0xFFFFFFA8] =	vst v3;
	v46 =	vld [tilespmem:s19+$0x40]  }
0x238: {  	v3 =	vld [tilespmem:s19+$0xFFFFFFB8];
	[tilespmem:s20+$0xC8] =	vst v36;
	v9 =	vmul.f32 v9, v24  }
0x239: {  	v2 =	vmul.f32 v43, v2;
	[tilespmem:s15+$0x50] =	vst v50;
	v26 =	vld [tilespmem:s19+$0xD8]  }
0x23a: {  	v1 =	vmul.f32 v58, v1;
	v54 =	vld [tilespmem:s14+$0x60];
	[tilespmem:s20+$0xFFFFFF30] =	vst v9  }
0x23b: {  	[tilespmem:s13+$0xFFFFFFE8] =	vst v2;
	v55 =	vmul.f32 v49, v7;
	v51 =	vld [tilespmem:s19+$0xFFFFFF40]  }
0x23c: {  	[tilespmem:s13+$0x70] =	vst v1;
	v2 =	vmul.f32 v46, v17  }
0x23d: {  	v53 =	vld [tilespmem:s14+$0xFFFFFFD8];
	[tilespmem:s15+$0xFFFFFF50] =	vst v55;
	v3 =	vmul.f32 v3, v11  }
0x23e: {  	v19 =	vld [tilespmem:s14+$0xFFFFFF60];
	v40 =	vmul.f32 v26, v20;
	[tilespmem:s20+$0x40] =	vst v2  }
0x23f: {  	v5 =	vmul.f32 v54, v6;
	[tilespmem:s20+$0xFFFFFFB8] =	vst v3;
	v56 =	vld [tilespmem:s19+$0x50]  }
0x240: {  	v2 =	vld [tilespmem:s19+$0xFFFFFFC8];
	[tilespmem:s20+$0xD8] =	vst v40;
	v3 =	vmul.f32 v51, v24  }
0x241: {  	[tilespmem:s15+$0x60] =	vst v5;
	v42 =	vld [tilespmem:s19+$0xE8]  }
0x242: {  	v1 =	vld [tilespmem:s14+$0x70];
	[tilespmem:s20+$0xFFFFFF40] =	vst v3;
	v3 =	vmul.f32 v53, v4  }
0x243: {  	[tilespmem:s13+$0x78] =	vst v10;
	v59 =	vmul.f32 v19, v7;
	v57 =	vld [tilespmem:s19+$0xFFFFFF50]  }
0x244: {  	[tilespmem:s15+$0xFFFFFFD8] =	vst v3;
	v3 =	vmul.f32 v56, v17  }
0x245: {  	[tilespmem:s15+$0xFFFFFF60] =	vst v59;
	v2 =	vmul.f32 v2, v11  }
0x246: {  	v47 =	vmul.f32 v42, v20;
	[tilespmem:s20+$0x50] =	vst v3  }
0x247: {  	v1 =	vmul.f32 v1, v6;
	[tilespmem:s20+$0xFFFFFFC8] =	vst v2;
	v60 =	vld [tilespmem:s19+$0x60]  }
0x248: {  	v2 =	vld [tilespmem:s19+$0xFFFFFFD8];
	[tilespmem:s20+$0xE8] =	vst v47;
	v3 =	vmul.f32 v57, v24  }
0x249: {  	[tilespmem:s15+$0x70] =	vst v1;
	v52 =	vld [tilespmem:s19+$0xF8]  }
0x24a: {  	v61 =	vld [tilespmem:s14+$0xFFFFFFE8];
	[tilespmem:s20+$0xFFFFFF50] =	vst v3  }
0x24b: {  	[tilespmem:s15+$0xFFFFFF68] =	vst v12;
	v3 =	vld [tilespmem:s19+$0xFFFFFF60]  }
0x24c: {  	[tilespmem:s15+$0x78] =	vst v13;
	v5 =	vmul.f32 v60, v17  }
0x24d: {  	[tilespmem:s15+$0xFFFFFFF0] =	vst v14;
	v2 =	vmul.f32 v2, v11  }
0x24e: {  	v8 =	vnsel vm0, $0x3F800000, v8;
	v16 =	vmul.f32 v52, v20;
	[tilespmem:s20+$0x60] =	vst v5  }
0x24f: {  	v8 =	vmul.f32 v20, v8;
	[tilespmem:s20+$0xFFFFFFD8] =	vst v2;
	v63 =	vld [tilespmem:s19+$0x70]  }
0x250: {  	v62 =	vmul.f32 v61, v4;
	[tilespmem:s20+$0xF8] =	vst v16;
	v2 =	vmul.f32 v3, v24;
	v3 =	vld [tilespmem:s19+$0xFFFFFFE8]  }
0x251: {  	[tilespmem:s20+$0x100] =	vst v8  }
0x252: {  	[tilespmem:s15+$0xFFFFFFE8] =	vst v62  }
0x253: {  	[tilespmem:s20+$0xFFFFFFF0] =	vst v15  }
0x254: {  	[tilespmem:s20+$0xFFFFFF60] =	vst v2;
	v2 =	vmul.f32 v63, v17  }
0x255: {  	[tilespmem:s20+$0xFFFFFF68] =	vst v22;
	v1 =	vmul.f32 v3, v11  }
0x256: {  	[tilespmem:s20+$0x70] =	vst v2  }
0x257: {  	[tilespmem:s20+$0xFFFFFFE8] =	vst v1  }
.Ltmp4:
0x258: {  	[tilespmem:s20+$0x78] =	vst v21;
	(pc) =	sbr.rel @p1 .LBB2_8-.Ltmp4, $4  }
0x259: {  	[spmem:s2] =	stream.indirect.scatter.add.f32 [tilespmem:s31], [sflag:$0x9], $0x88, s18, s17, $0xb8;
	[tilespmem:$0x1FA80] =	vst v63  }
0x25a: {  	_ =	swait.ge [sflag:s0], $0x3300  }
0x25b: {  	[sflag:s0] =	ssyncset.done $0x0  }
0x25c: {  	[sflag:s0] =	ssyncadd.s32 $0xFFFFCD00  }
0x25d: {  	s4 =	sadd.s32 s6, s10  }
0x25e: {  	s4 =	smul.u32 $0xC, s4;
	_ =	sdelay $0x1  }
0x25f: {  	s4 =	sadd.s32 s8, s4  }
0x260: {  	[tilespmem:s18], [sflag:$0x8] =	stream.linear.gather [hbm4b:s4+s3], $0x60, $0x38;
	[tilespmem:$0x1FA80] =	vst v63  }
0x261: {  	_ =	swait.ge [sflag:s23], $0x60  }
0x262: {  	[sflag:s23] =	ssyncset.done $0x0  }
0x263: {  	[sflag:s23] =	ssyncadd.s32 $0xFFFFFFA0  }
0x264: {  	_ =	swait.ge [sflag:s24], $0x60  }
.Ltmp5:
0x265: {  	[sflag:s24] =	ssyncset.done $0x0;
	(pc) =	sbr.rel .LBB2_2-.Ltmp5, $4  }
0x266: {  	s26 =	simm.s32 $0x3480;
	[sflag:s24] =	ssyncadd.s32 $0xFFFFFFA0  }
0x267: {  	[tilespmem:s26], [sflag:$0x2] =	stream.indirect.gather [hbm4b:s5+s17], $0x88, s17, s17, $0xb8;
	[tilespmem:$0x1FA80] =	vst v63  }
0x268: {  	s28 =	simm.s32 $0x6D80;
	s9 =	sadd.s32 $0x1, s9  }
0x269: {  	[tilespmem:s28], [sflag:$0x4] =	stream.indirect.gather [hbm4b:s7+s17], $0x10, s18, s17, $0xb8;
	[tilespmem:$0x1FA80] =	vst v63  }
.LBB2_9:
0x26a: {  	_ =	sfence.sel $0x180000  }
0x26b: {  	[bflag:$0x0] =	sbarrier.arrive $0xFFFF  }
0x26c: {  	_ =	strace $0x9000004A  }
0x26d: {  	[bflag:$0x2] =	sbarrier.arrive $0xFFFF  }
0x26e: {  	s0 =	rddreg [dreg:$0x3]  }
0x26f: {  	s0 =	sadd.s32 @!p0 $0x100000, s0  }
0x270: {  	[sflag:s0] =	ssyncadd.tile.s32 @!p0 $0x1;
	_ =	shalt  }
.Lfunc_end2:
_tile_overlayer_lowered:
.L_overlay_start_2:
0x271: {  	(tag) =	ssettag $0x2  }
0x272: {  	s0 =	rddreg [dreg:$0x0];
	s2 =	stileid.u32  }
0x273: {  	s1 =	rddreg [dreg:$0x1];
	p0 =	sne.s32 s2, $0x0  }
0x274: {  	s3 =	rddreg [dreg:$0x2];
	[bflag:$0x3] =	sbarrier.arrive $0xFFFF;
	s2 =	simm.s32 @!p0 $0x1C09  }
0x275: {  	[timem:s3], [sflag:s2] =	dma.local @!p0 [hbm:s0], s1  }
0x276: {  	s0 =	simm.s32 @!p0 $0x9  }
0x277: {  	_ =	swait.ge @!p0 [sflag:s0], s1  }
0x278: {  	s1 =	ssub.s32 @!p0 $0x0, s1;
	[sflag:s0] =	ssyncset.done @!p0 $0x0  }
0x279: {  	[sflag:s0] =	ssyncadd.s32 @!p0 s1  }
0x27a: {  	[bflag:$0x3] =	sbarrier.arrive $0xFFFF  }
0x27b: {  	_ =	shalt  }

// kernel: kernel.7.cloned.1.call-start
scs
__scs_entry_jumppad:
0x0: {  	(pc) =	sbr.rel $0x88, $3  }
0x1: {  	(tag) =	ssettag $0x0;
	lr =	simm.s32 $0x1  }
0x2: {  	[smem:$0x3F93] =	sst lr;
	_ =	strace $0xD0000000  }
0x3: {  	_ = 	snop  }
0x4: {  	_ = 	snop  }
0x5: {  	_ = 	snop  }
0x6: {  	_ = 	snop  }
0x7: {  	_ = 	snop  }
__scs_overlays_trampoline_lowered:
0x8: {  	[smem:$0x3FA2] =	sst s0  }
0x9: {  	[smem:$0x3FA3] =	sst s1  }
0xa: {  	[smem:$0x3FA4] =	sst s2  }
0xb: {  	[smem:$0x3FA5] =	sst s3  }
0xc: {  	[smem:$0x3FA6] =	sst s4  }
0xd: {  	[smem:$0x3FA7] =	sst s5  }
0xe: {  	[smem:$0x3FA8] =	sst s6  }
0xf: {  	[smem:$0x3FA9] =	sst s7  }
0x10: {  	[smem:$0x3FAA] =	sst s8  }
0x11: {  	[smem:$0x3FAB] =	sst s9;
	s0 =	simm.s32 @!p0 $0x0  }
0x12: {  	s1 =	sld [smem:$0x3F91];
	s0 =	simm.s32 @p0 $0x1  }
0x13: {  	[smem:$0x3FAC] =	sst s0;
	s0 =	simm.s32 @!p1 $0x0  }
0x14: {  	s2 =	sld [smem:$0x3F90];
	s0 =	simm.s32 @p1 $0x1  }
0x15: {  	[smem:$0x3FAD] =	sst s0;
	s0 =	simm.s32 @!p2 $0x0  }
0x16: {  	s3 =	sld [smem:$0x3FDB];
	s0 =	simm.s32 @p2 $0x1  }
0x17: {  	s4 =	simm.s32 $0x1BF5;
	[smem:$0x3FAF] =	sst s0  }
0x18: {  	s0 =	sld [smem:$0x3F92];
	_ =	swait.ge [sflag:s4], $0x0  }
0x19: {  	s7 =	sld [smem:$0x3F93]  }
0x1a: {  	s8 =	sadd.s32 $0xFFFFE003, lr  }
0x1b: {  	s9 =	sadd.s32 $0xFFFFFEF7, lr;
	s5 =	simm.s32 $0xFFFFFFFF;
	p2 =	slt.u32 s8, $0xFFFFF086  }
0x1c: {  	p1 =	slt.u32 s9, $0xF7A;
	s5 =	simm.s32 @!p2 $0x0  }
0x1d: {  	s5 =	simm.s32 @p1 $0x1;
	p0 =	seq.s32 s7, s2  }
0x1e: {  	s7 =	smul.u32 @!p0 $0xF7A, s2;
	p2 =	seq.s32 @!p0 s5, $0x0  }
0x1f: {  	s9 =	smul.u32 $0xF7A, s1;
	s8 =	simm.s32 @!p0 $0x1BF5;
	p2 =	por !p2, p0  }
0x20: {  	[sflag:s8] =	ssyncset.s32 @!p0 $0xFFFFF086;
	s6 =	sadd.s32 @!p0 s3, s7;
	s7 =	simm.s32 @!p0 $0x108  }
0x21: {  	s3 =	sadd.s32 s3, s9;
	s6 =	sadd.s32 @!p0 $0x88, s6;
	s7 =	simm.s32 @p2 $0x1082  }
0x22: {  	[simem:s7], [sflag:s8] =	dma.local @!p0 [hbm:s6], $0xF7A  }
0x23: {  	s9 =	sor.u32 $0xD0000000, s2;
	s6 =	simm.s32 $0x108;
	_ =	swait.ge @!p0 [sflag:s8], $0x0  }
0x24: {  	s3 =	sadd.s32 $0x88, s3;
	s6 =	simm.s32 @!p1 $0x1082;
	[sflag:s4] =	ssyncset.s32 $0xFFFFF086  }
0x25: {  	[simem:s6], [sflag:s4] =	dma.local [hbm:s3], $0xF7A  }
0x26: {  	[smem:$0x3F93] =	sst s1;
	(tag) =	ssettag s2;
	_ =	strace s9  }
0x27: {  	s1 =	sld [smem:$0x3FA3]  }
0x28: {  	s2 =	sld [smem:$0x3FA4]  }
0x29: {  	s4 =	sld [smem:$0x3FA6]  }
0x2a: {  	p0 =	seq.s32 s5, $0x0;
	s5 =	sld [smem:$0x3FA7]  }
0x2b: {  	s6 =	sld [smem:$0x3FA8]  }
0x2c: {  	s7 =	sld [smem:$0x3FA9]  }
0x2d: {  	s3 =	simm.s32 $0x108;
	s8 =	sld [smem:$0x3FAA]  }
0x2e: {  	s3 =	simm.s32 @!p0 $0x1082;
	s9 =	sld [smem:$0x3FAB]  }
0x2f: {  	lr =	sadd.s32 s0, s3;
	s0 =	sld [smem:$0x3FA2]  }
0x30: {  	s3 =	sld [smem:$0x3FA5]  }
0x31: {  	[smem:$0x3FAE] =	sst s10  }
0x32: {  	s10 =	sld [smem:$0x3FAC];
	_ =	sdelay $0x3  }
0x33: {  	p0 =	seq.s32 s10, $0x1;
	s10 =	sld [smem:$0x3FAE];
	_ =	sdelay $0x3  }
0x34: {  	[smem:$0x3FAE] =	sst s10  }
0x35: {  	s10 =	sld [smem:$0x3FAD];
	_ =	sdelay $0x3  }
0x36: {  	p1 =	seq.s32 s10, $0x1;
	s10 =	sld [smem:$0x3FAE];
	_ =	sdelay $0x3  }
0x37: {  	[smem:$0x3FAE] =	sst s10  }
0x38: {  	s10 =	sld [smem:$0x3FAF]  }
0x39: {  	_ = 	snop;
	(pc) =	sbr.ind lr, $3  }
0x3a: {  	_ = 	snop  }
0x3b: {  	_ = 	snop  }
0x3c: {  	p2 =	seq.s32 s10, $0x1;
	s10 =	sld [smem:$0x3FAE]  }
0x3d: {  	_ =	shalt  }
0x3e: {  	_ =	shalt  }
0x3f: {  	_ =	shalt  }
0x40: {  	_ =	shalt  }
0x41: {  	_ =	shalt  }
0x42: {  	_ =	shalt  }
0x43: {  	_ =	shalt  }
0x44: {  	_ =	shalt  }
0x45: {  	_ =	shalt  }
0x46: {  	_ =	shalt  }
0x47: {  	_ =	shalt  }
0x48: {  	_ =	shalt  }
0x49: {  	_ =	shalt  }
0x4a: {  	_ =	shalt  }
0x4b: {  	_ =	shalt  }
0x4c: {  	_ =	shalt  }
0x4d: {  	_ =	shalt  }
0x4e: {  	_ =	shalt  }
0x4f: {  	_ =	shalt  }
0x50: {  	_ =	shalt  }
0x51: {  	_ =	shalt  }
0x52: {  	_ =	shalt  }
0x53: {  	_ =	shalt  }
0x54: {  	_ =	shalt  }
0x55: {  	_ =	shalt  }
0x56: {  	_ =	shalt  }
0x57: {  	_ =	shalt  }
0x58: {  	_ =	shalt  }
0x59: {  	_ =	shalt  }
0x5a: {  	_ =	shalt  }
0x5b: {  	_ =	shalt  }
0x5c: {  	_ =	shalt  }
0x5d: {  	_ =	shalt  }
0x5e: {  	_ =	shalt  }
0x5f: {  	_ =	shalt  }
0x60: {  	_ =	shalt  }
0x61: {  	_ =	shalt  }
0x62: {  	_ =	shalt  }
0x63: {  	_ =	shalt  }
0x64: {  	_ =	shalt  }
0x65: {  	_ =	shalt  }
0x66: {  	_ =	shalt  }
0x67: {  	_ =	shalt  }
0x68: {  	_ =	shalt  }
0x69: {  	_ =	shalt  }
0x6a: {  	_ =	shalt  }
0x6b: {  	_ =	shalt  }
0x6c: {  	_ =	shalt  }
0x6d: {  	_ =	shalt  }
0x6e: {  	_ =	shalt  }
0x6f: {  	_ =	shalt  }
0x70: {  	_ =	shalt  }
0x71: {  	_ =	shalt  }
0x72: {  	_ =	shalt  }
0x73: {  	_ =	shalt  }
0x74: {  	_ =	shalt  }
0x75: {  	_ =	shalt  }
0x76: {  	_ =	shalt  }
0x77: {  	_ =	shalt  }
0x78: {  	_ =	shalt  }
0x79: {  	_ =	shalt  }
0x7a: {  	_ =	shalt  }
0x7b: {  	_ =	shalt  }
0x7c: {  	_ =	shalt  }
0x7d: {  	_ =	shalt  }
0x7e: {  	_ =	shalt  }
0x7f: {  	_ =	shalt  }
0x80: {  	_ =	shalt  }
0x81: {  	_ =	shalt  }
0x82: {  	_ =	shalt  }
0x83: {  	_ =	shalt  }
0x84: {  	_ =	shalt  }
0x85: {  	_ =	shalt  }
0x86: {  	_ =	shalt  }
0x87: {  	_ =	shalt  }
.Lfunc_end0:
.L_simem_size_0:
called_computation_lowered:
.L_overlay_start_0:
0x88: {  	s2 =	sld [smem:$0x3FD9]  }
0x89: {  	s3 =	sld [smem:$0x3FFE];
	_ =	sdelay $0x1  }
0x8a: {  	s1 =	srdreg.scid  }
0x8b: {  	s0 =	sand.u32 $0x1, s1  }
0x8c: {  	s17 =	sshll.u32 s0, $0xA;
	s2 =	sadd.s32 s3, s2  }
0x8d: {  	s2 =	sadd.s32 s2, s17  }
0x8e: {  	[smem:$0x3FBA] =	sst s2  }
0x8f: {  	_ = 	snop  }
0x90: {  	s2 =	sld [smem:$0x3FD0];
	(tm) =	ssettm $0x1  }
0x91: {  	s18 =	sld [smem:$0x3FFB];
	_ =	sdelay $0x3  }
0x92: {  	_ =	strace s18  }
0x93: {  	s3 =	sld [smem:$0x3FFC];
	_ =	sdelay $0x3  }
0x94: {  	_ =	strace s3  }
0x95: {  	s3 =	sld [smem:$0x3FFD];
	_ =	sdelay $0x3  }
0x96: {  	_ =	strace s3  }
0x97: {  	_ =	strace $0x8FFFFFFF  }
0x98: {  	s19 =	sld [smem:$0x3FDB];
	_ =	sdelay $0x1  }
0x99: {  	s4 =	simm.s32 $_scs_section_size  }
0x9a: {  	s5 =	simm.s32 $_size__tile_overlayer_lowered;
	s6 =	simm.s32 $_tile_overlayer_lowered  }
0x9b: {  	s22 =	simm.s32 $0x1BFF;
	s21 =	sshll.u32 s6, $0x1;
	s3 =	sadd.s32 s4, s19  }
0x9c: {  	s7 =	simm.s32 $0x0;
	s20 =	sshll.u32 s5, $0x1;
	s5 =	sadd.s32 s21, s3  }
0x9d: {  	[timem:s7], [sflag:s22] =	dma.local [hbm:s5], s20  }
0x9e: {  	_ =	swait.ge [sflag:s22], s20  }
0x9f: {  	s4 =	ssub.s32 $0x0, s20;
	[sflag:s22] =	ssyncset.done $0x0  }
0xa0: {  	[sflag:s22] =	ssyncadd.s32 s4;
	_ =	sdelay $0x1  }
0xa1: {  	s23 =	simm.s32 $0x1B8B  }
0xa2: {  	_ =	swait.ge [sflag:s23], $0x1  }
0xa3: {  	[sflag:s23] =	ssyncset.done $0x0  }
0xa4: {  	s25 =	simm.s32 $0x1B8E;
	s24 =	sld [smem:$0x3FFE];
	[sflag:s23] =	ssyncadd.s32 $0xFFFFFFFF  }
0xa5: {  	s26 =	simm.s32 $execute0_lowered;
	[smem:$0x3FD2] =	sst s25  }
0xa6: {  	s5 =	sshll.u32 s26, $0x1;
	_ =	strace $0x80000046;
	[dreg:$0x1] =	wrdreg $0xFFFFFFFF  }
0xa7: {  	s28 =	simm.s32 $_size_execute0_lowered;
	s3 =	sadd.s32 s3, s5;
	[dreg:$0x0] =	wrdreg $0x0  }
0xa8: {  	s5 =	sshll.u32 s28, $0x1;
	[dreg:$0x2] =	wrdreg s3  }
0xa9: {  	[dreg:$0x3] =	wrdreg s5  }
0xaa: {  	[dreg:$0x4] =	wrdreg $0xC0  }
0xab: {  	_ =	task [dreg:s7], $0x5FFFF  }
0xac: {  	[dreg:$0x1] =	wrdreg $0xFFFFFFFF  }
0xad: {  	[dreg:$0x0] =	wrdreg $0x60  }
0xae: {  	[dreg:$0x2] =	wrdreg s24  }
0xaf: {  	[dreg:$0x3] =	wrdreg s2  }
0xb0: {  	[dreg:$0x4] =	wrdreg $0xA6800  }
0xb1: {  	[dreg:$0x5] =	wrdreg $0x9  }
0xb2: {  	_ =	task.clear_ibuf [dreg:s7], $0x6FFFF;
	_ =	strace $0x90000046  }
0xb3: {  	s29 =	simm.s32 $0x9;
	_ =	strace $0x80000048  }
0xb4: {  	_ =	swait.ge [sflag:s29], $0x1  }
0xb5: {  	[sflag:s29] =	ssyncadd.s32 $0xFFFFFFFF  }
0xb6: {  	_ =	strace $0x90000048  }
0xb7: {  	_ =	sfence  }
0xb8: {  	s30 =	sld [smem:$0x0];
	_ =	sdelay $0x2  }
0xb9: {  	s31 =	sshll.u32 s1, $0xD;
	s1 =	sshrl.u32 s1, $0x2  }
0xba: {  	s3 =	sand.u32 $0x4000, s31;
	s1 =	sadd.s32 s1, s30  }
0xbb: {  	s0 =	sor.u32 s3, s0;
	s1 =	sshll.u32 s1, $0x11  }
0xbc: {  	s0 =	sor.u32 s1, s0  }
0xbd: {  	s0 =	sadd.s32 $0x8F2B, s0  }
0xbe: {  	[sflag:s0] =	ssyncadd.remote.s32 $0x1  }
0xbf: {  	_ =	sfence.sel $0xFFFF  }
0xc0: {  	[dreg:$0x0] =	wrdreg $0xFFFFFFFF;
	(pc) =	sbr.abs _section_cstart, $3  }
0xc1: {  	[dreg:$0x1] =	wrdreg $0xFFFFFFFF  }
0xc2: {  	_ =	task.clear_ibuf [dreg:s7], $0x2FFFF;
	_ =	strace $0x9FFFFFFF  }
0xc3: {  	(tm) =	ssettm $0x7FFFFFFF  }
tec
execute0_lowered:
.L_overlay_start_1:
0x0: {  	(tag) =	ssettag $0x1  }
0x1: {  	s0 =	rddreg [dreg:$0x0]  }
0x2: {  	s1 =	rddreg [dreg:$0x1]  }
0x3: {  	s2 =	rddreg [dreg:$0x2];
	s3 =	simm.s32 $0x0;
	s4 =	srdreg.scid  }
0x4: {  	s13 =	stileid.u32;
	s16 =	simm.s32 $0xC0;
	s17 =	simm.s32 $0x60  }
0x5: {  	s18 =	simm.s32 $0x120;
	s28 =	simm.s32 $0x6D80;
	s29 =	simm.s32 $0x1  }
0x6: {  	s30 =	simm.s32 $0x3;
	s31 =	simm.s32 $0x7380;
	[smem:$0x7FF] =	sst s3  }
0x7: {  	s4 =	sand.u32 $0x1, s4;
	s9 =	smul.u32 $0x6C, s13;
	s5 =	sadd.s32 $0x1200, s0  }
0x8: {  	s11 =	smul.u32 $0x15400, s13;
	s7 =	sadd.s32 $0x2BA00, s0;
	s8 =	sadd.s32 $0x30A00, s0  }
0x9: {  	s12 =	sadd.s32 $0x3AC00, s0;
	_ =	strace $0x80000047;
	s10 =	smul.u32 $0x154000, s4  }
0xa: {  	p0 =	seq.s32 s4, $0x0;
	s4 =	ssub.s32 $0x2, s4;
	[dreg:$0x4] =	wrdreg s12  }
0xb: {  	s6 =	sadd.s32 $0x6C0, s9;
	s22 =	sshrl.u32 s4, $0x1;
	s26 =	sadd.s32 s11, s2  }
0xc: {  	s6 =	smov.u32 @p0 s9;
	s20 =	sadd.s32 s11, s10;
	s4 =	ssub.s32 s4, s22  }
0xd: {  	p0 =	sne.s32 s13, $0x0;
	s21 =	smul.u32 $0xC, s6;
	s9 =	sshrl.u32 s20, $0x3  }
0xe: {  	s22 =	simm.s32 $0x4;
	s4 =	smax.u32 s4, $0x1;
	s0 =	sadd.s32 s9, s0  }
0xf: {  	v0 =	vimm.s32 $0xFEDCBA98;
	[dreg:$0xa] =	wrdreg s4;
	s23 =	sor.u32 $0xC, s21;
	s24 =	sadd.s32 s1, s21  }
0x10: {  	v3 =	vunpack.c.l.s4.s8 v0;
	s10 =	sadd.s32 s8, s21;
	s0 =	sadd.s32 $0x65400, s0;
	[dreg:$0x5] =	wrdreg s24  }
.Ltmp0:
0x11: {  	v1 =	vimm.s32 $0x9;
	s21 =	simm.s32 $0x2;
	[dreg:$0x6] =	wrdreg s10;
	(pc) =	sbr.rel .LBB2_1-.Ltmp0, $4  }
0x12: {  	v2 =	vimm.s32 $0xA;
	v4 =	vimm.s32 $0xC;
	v7 =	vunpack.c.0.s8.s32 v3;
	s25 =	sadd.s32 s1, s23;
	s9 =	sadd.s32 s8, s23;
	[dreg:$0x9] =	wrdreg s0  }
0x13: {  	v5 =	vimm.s32 $0xD;
	v6 =	vimm.s32 $0xE;
	vm0 =	vcmask $0x3F1C;
	s23 =	simm.s32 $0x6;
	s24 =	simm.s32 $0x8;
	[dreg:$0x7] =	wrdreg s25  }
0x14: {  	v0 =	vimm.s32 $0x8;
	v3 =	vimm.s32 $0xB;
	v8 =	vand.u32 $0xF, v7;
	s0 =	sshrl.u32 s26, $0x3;
	s26 =	simm.s32 $0x3480;
	[dreg:$0x8] =	wrdreg s9  }
0x15: {  	v7 =	vimm.s32 $0xF;
	v8 =	vnsel vm0, $0xF, v8;
	vm0 =	vmmov $0xff;
	[dreg:$0xb] =	wrdreg s0;
	s0 =	simm.s32 $0x9;
	s9 =	simm.s32 $0x0  }
.LBB2_8:
0x16: {  	s4 =	stileid.u32;
	[bflag:$0x0] =	sbarrier.arrive $0xFFFF  }
0x17: {  	s4 =	sshll.u32 s4, $0x6;
	s9 =	rddreg [dreg:$0x9]  }
0x18: {  	s10 =	rddreg [dreg:$0xb];
	s4 =	sor.u32 $0x1C09, s4  }
0x19: {  	[hbm:s9], [sflag:s4] =	dma.local [spmem:s10], $0x2A80  }
0x1a: {  	_ =	swait.ge [sflag:s0], $0x2A80  }
0x1b: {  	s20 =	rddreg [dreg:$0xc]  }
0x1c: {  	s25 =	rddreg [dreg:$0xa];
	s9 =	sadd.s32 $0x1, s20  }
0x1d: {  	p1 =	sne.s32 s9, s25  }
.Ltmp1:
0x1e: {  	_ = 	snop;
	(pc) =	sbr.rel @!p1 .LBB2_9-.Ltmp1, $3  }
0x1f: {  	_ =	sdelay $0x1  }
0x20: {  	[sflag:s0] =	ssyncset.done $0x0  }
0x21: {  	[sflag:s0] =	ssyncadd.s32 $0xFFFFD580  }
.LBB2_1:
0x22: {  	[dreg:$0xc] =	wrdreg s9  }
0x23: {  	s4 =	rddreg [dreg:$0x5]  }
0x24: {  	[tilespmem:s3], [sflag:$0x5] =	stream.linear.gather [hbm4b:s4+s3], $0x60, $0x38;
	[tilespmem:$0x1FA80] =	vst v63  }
0x25: {  	s12 =	rddreg [dreg:$0x6]  }
0x26: {  	[tilespmem:s16], [sflag:$0x7] =	stream.linear.gather [hbm4b:s12+s3], $0x60, $0x38;
	[tilespmem:$0x1FA80] =	vst v63  }
0x27: {  	s13 =	rddreg [dreg:$0x7]  }
0x28: {  	[tilespmem:s17], [sflag:$0x6] =	stream.linear.gather [hbm4b:s13+s3], $0x60, $0x38;
	[tilespmem:$0x1FA80] =	vst v63  }
0x29: {  	s14 =	rddreg [dreg:$0x8];
	s15 =	simm.s32 $0x5  }
0x2a: {  	[tilespmem:s18], [sflag:$0x8] =	stream.linear.gather [hbm4b:s14+s3], $0x60, $0x38;
	[tilespmem:$0x1FA80] =	vst v63  }
0x2b: {  	_ =	swait.ge [sflag:s15], $0x60  }
0x2c: {  	[sflag:s15] =	ssyncset.done $0x0  }
0x2d: {  	s19 =	simm.s32 $0x7;
	[sflag:s15] =	ssyncadd.s32 $0xFFFFFFA0  }
0x2e: {  	_ =	swait.ge [sflag:s19], $0x60  }
0x2f: {  	[sflag:s19] =	ssyncset.done $0x0  }
0x30: {  	s20 =	simm.s32 $0x180;
	[sflag:s19] =	ssyncadd.s32 $0xFFFFFFA0  }
0x31: {  	[tilespmem:s20], [sflag:$0x1] =	stream.indirect.gather [hbm4b:s5+s17], $0x88, s3, s17, $0xb8;
	[tilespmem:$0x1FA80] =	vst v63  }
0x32: {  	s25 =	simm.s32 $0x6780  }
0x33: {  	[tilespmem:s25], [sflag:$0x3] =	stream.indirect.gather [hbm4b:s7+s17], $0x10, s16, s17, $0xb8;
	[tilespmem:$0x1FA80] =	vst v63  }
0x34: {  	_ =	swait.ge [sflag:s23], $0x60  }
0x35: {  	[sflag:s23] =	ssyncset.done $0x0  }
0x36: {  	[sflag:s23] =	ssyncadd.s32 $0xFFFFFFA0  }
0x37: {  	_ =	swait.ge [sflag:s24], $0x60  }
0x38: {  	[sflag:s24] =	ssyncset.done $0x0  }
0x39: {  	[sflag:s24] =	ssyncadd.s32 $0xFFFFFFA0  }
0x3a: {  	[tilespmem:s26], [sflag:$0x2] =	stream.indirect.gather [hbm4b:s5+s17], $0x88, s17, s17, $0xb8;
	[tilespmem:$0x1FA80] =	vst v63  }
0x3b: {  	s9 =	simm.s32 @!p0 $0x1C09;
	s4 =	sshrl.u32 @!p0 s2, $0x3;
	s10 =	rddreg [dreg:$0x4]  }
0x3c: {  	[tilespmem:s28], [sflag:$0x4] =	stream.indirect.gather [hbm4b:s7+s17], $0x10, s18, s17, $0xb8;
	[tilespmem:$0x1FA80] =	vst v63  }
0x3d: {  	[spmem:s4], [sflag:s9] =	dma.local @!p0 [hbm:s10], $0x2A800  }
0x3e: {  	s4 =	simm.s32 @!p0 $0x9  }
0x3f: {  	_ =	swait.ge @!p0 [sflag:s4], $0x2A800  }
0x40: {  	[sflag:s4] =	ssyncset.done @!p0 $0x0  }
0x41: {  	[sflag:s4] =	ssyncadd.s32 @!p0 $0xFFFD5800  }
0x42: {  	s9 =	simm.s32 $0x0;
	[bflag:$0x0] =	sbarrier.arrive $0xFFFF  }
.LBB2_2:
0x43: {  	s10 =	sshll.u32 s9, $0x1;
	_ =	swait.ge [sflag:s29], $0x3300  }
0x44: {  	p1 =	seq.s32 s9, $0x35;
	s4 =	sadd.s32 $0x2, s10;
	[sflag:s29] =	ssyncset.done $0x0  }
0x45: {  	[sflag:s29] =	ssyncadd.s32 $0xFFFFCD00;
	s4 =	sadd.s32 @!p1 s6, s4  }
0x46: {  	_ =	swait.ge [sflag:s30], $0x600;
	s11 =	smul.u32 @!p1 $0xC, s4  }
0x47: {  	s15 =	simm.s32 $0x67A0;
	[sflag:s30] =	ssyncset.done $0x0  }
0x48: {  	s12 =	simm.s32 @!p1 $0x0;
	[sflag:s30] =	ssyncadd.s32 $0xFFFFFA00;
	s4 =	sadd.s32 @!p1 s1, s11  }
0x49: {  	[tilespmem:s12], [sflag:$0x5] =	stream.linear.gather @!p1 [hbm4b:s4+s12], $0x60, $0x38;
	[tilespmem:$0x1FA80] =	vst v63  }
0x4a: {  	s19 =	simm.s32 $0x290;
	v9 =	vld [tilespmem:s15+$0xFFFFFFF0]  }
0x4b: {  	v19 =	vld [tilespmem:s19+$0xFFFFFFF0]  }
0x4c: {  	v27 =	vld [tilespmem:s19+$0xFFFFFF68]  }
0x4d: {  	v10 =	vld [tilespmem:s15+$0x10]  }
0x4e: {  	v25 =	vld [tilespmem:s19+$0x100]  }
0x4f: {  	v11 =	vld [tilespmem:s15+$0xFFFFFFE0];
	_ =	sdelay $0x1  }
0x50: {  	v28 =	vld [tilespmem:s19+$0x78];
	v9 =	vadd.f32 v9, v19  }
0x51: {  	v12 =	vld [tilespmem:s15+$0x0]  }
0x52: {  	v10 =	vadd.f32 v10, v25;
	v13 =	vmin.f32 v9, $0.0e+00  }
0x53: {  	v11 =	vadd.f32 v11, v27;
	v13 =	vmul.f32 $2.000000030e-01, v13  }
0x54: {  	v9 =	vmax.f32 v9, $0.0e+00;
	v14 =	vmin.f32 v10, $0.0e+00  }
0x55: {  	v9 =	vadd.f32 v13, v9;
	v13 =	vmul.f32 $2.000000030e-01, v14;
	v14 =	vmin.f32 v11, $0.0e+00  }
0x56: {  	v12 =	vadd.f32 v12, v28;
	v10 =	vmax.f32 v10, $0.0e+00;
	v14 =	vmul.f32 $2.000000030e-01, v14  }
0x57: {  	v11 =	vmax.f32 v11, $0.0e+00;
	v10 =	vadd.f32 v13, v10  }
0x58: {  	v9 =	vmul.f32 $1.442695020e+00, v9;
	v13 =	vmin.f32 v12, $0.0e+00;
	v11 =	vadd.f32 v14, v11  }
0x59: {  	v13 =	vmul.f32 $2.000000030e-01, v13;
	v10 =	vmul.f32 $1.442695020e+00, v10  }
0x5a: {  	(erf) = vpow2.f32 v9;
	v9 =	vmul.f32 $1.442695020e+00, v11;
	v11 =	vmax.f32 v12, $0.0e+00  }
0x5b: {  	(erf) = vpow2.f32 v10;
	v10 =	vadd.f32 v13, v11;
	_ =	sdelay $0x1  }
0x5c: {  	(erf) = vpow2.f32 v9;
	v9 =	vmul.f32 $1.442695020e+00, v10;
	_ =	sdelay $0x1  }
0x5d: {  	(erf) = vpow2.f32 v9;
	_ =	sdelay $0x2  }
0x5e: {  	s20 =	simm.s32 $0x67E0  }
0x5f: {  	v12 =	vld [tilespmem:s20+$0xFFFFFFF0]  }
0x60: {  	v9 =	vld [tilespmem:s19+$0xFFFFFEF0];
	v26 =	vpop (erf)  }
0x61: {  	s12 =	simm.s32 $0x4B0;
	v11 =	vld [tilespmem:s19+$0x0];
	v34 =	vpop (erf)  }
0x62: {  	v10 =	vld [tilespmem:s12+$0xFFFFFFF0];
	v35 =	vpop (erf)  }
0x63: {  	v13 =	vperm.xlane v35, v0  }
0x64: {  	v24 =	vpop (erf)  }
0x65: {  	v14 =	vld [tilespmem:s19+$0xFFFFFF78];
	v9 =	vmul.f32 v9, v13;
	v13 =	vperm.xlane v24, v0  }
0x66: {  	s15 =	simm.s32 $0x7490;
	v37 =	vld [tilespmem:s12+$0xFFFFFF68]  }
0x67: {  	v12 =	vadd.f32 v12, v10;
	[tilespmem:s15+$0xFFFFFEF0] =	vst v9;
	v9 =	vld [tilespmem:s12+$0x100];
	v11 =	vmul.f32 v11, v13  }
0x68: {  	v16 =	vperm.xlane v26, v0;
	v15 =	vld [tilespmem:s19+$0xFFFFFF00]  }
0x69: {  	v13 =	vld [tilespmem:s20+$0x10];
	[tilespmem:s15+$0x0] =	vst v11;
	v11 =	vmin.f32 v12, $0.0e+00  }
0x6a: {  	v14 =	vmul.f32 v14, v16;
	v17 =	vld [tilespmem:s19+$0x10];
	v11 =	vmul.f32 $2.000000030e-01, v11  }
0x6b: {  	v16 =	vld [tilespmem:s20+$0xFFFFFFE0];
	v12 =	vmax.f32 v12, $0.0e+00  }
0x6c: {  	v29 =	vld [tilespmem:s20+$0x0];
	v23 =	vperm.xlane v35, v1;
	[tilespmem:s15+$0xFFFFFF78] =	vst v14;
	v11 =	vadd.f32 v11, v12  }
0x6d: {  	v20 =	vld [tilespmem:s19+$0xFFFFFF88];
	v18 =	vperm.xlane v24, v1  }
0x6e: {  	v12 =	vld [tilespmem:s19+$0x88];
	v15 =	vmul.f32 v15, v23;
	v22 =	vmul.f32 $1.442695020e+00, v11  }
0x6f: {  	v38 =	vperm.xlane v26, v4;
	v13 =	vadd.f32 v13, v9;
	v11 =	vld [tilespmem:s12+$0x78];
	v17 =	vmul.f32 v17, v18  }
0x70: {  	v14 =	vperm.xlane v26, v1;
	v16 =	vadd.f32 v16, v37;
	[tilespmem:s15+$0xFFFFFF00] =	vst v15;
	(erf) = vpow2.f32 v22  }
0x71: {  	v43 =	vperm.xlane v26, v5;
	v18 =	vperm.xlane v34, v0;
	[tilespmem:s15+$0x10] =	vst v17;
	v17 =	vmin.f32 v13, $0.0e+00  }
0x72: {  	v14 =	vmul.f32 v20, v14;
	v15 =	vmin.f32 v16, $0.0e+00;
	v20 =	vld [tilespmem:s19+$0xFFFFFF10];
	v17 =	vmul.f32 $2.000000030e-01, v17  }
0x73: {  	v15 =	vmul.f32 $2.000000030e-01, v15;
	v12 =	vmul.f32 v12, v18;
	v13 =	vmax.f32 v13, $0.0e+00;
	v18 =	vld [tilespmem:s19+$0x20]  }
0x74: {  	v16 =	vmax.f32 v16, $0.0e+00;
	v13 =	vadd.f32 v17, v13;
	v17 =	vadd.f32 v29, v11  }
0x75: {  	v21 =	vperm.xlane v34, v1;
	v52 =	vperm.xlane v34, v5;
	[tilespmem:s15+$0xFFFFFF88] =	vst v14;
	v15 =	vadd.f32 v15, v16  }
0x76: {  	v30 =	vperm.xlane v35, v2;
	v14 =	vperm.xlane v24, v2;
	[tilespmem:s15+$0x88] =	vst v12;
	v12 =	vmin.f32 v17, $0.0e+00  }
0x77: {  	v16 =	vld [tilespmem:s12+$0xFFFFFF78];
	v15 =	vmul.f32 $1.442695020e+00, v15;
	v13 =	vmul.f32 $1.442695020e+00, v13  }
0x78: {  	v20 =	vmul.f32 v20, v30;
	v14 =	vmul.f32 v18, v14;
	v18 =	vld [tilespmem:s19+$0x98]  }
0x79: {  	v31 =	vmul.f32 $2.000000030e-01, v12;
	(erf) = vpow2.f32 v13;
	v12 =	vpop (erf)  }
0x7a: {  	v29 =	vld [tilespmem:s19+$0xFFFFFF98];
	v13 =	vmax.f32 v17, $0.0e+00;
	[tilespmem:s15+$0x20] =	vst v14;
	(erf) = vpow2.f32 v15;
	v14 =	vperm.xlane v12, v0  }
0x7b: {  	v62 =	vperm.xlane v35, v4;
	v36 =	vperm.xlane v24, v8;
	v13 =	vadd.f32 v31, v13  }
0x7c: {  	v22 =	vperm.xlane v26, v2;
	[tilespmem:s15+$0xFFFFFF10] =	vst v20;
	v15 =	vld [tilespmem:s19+$0x30];
	v14 =	vmul.f32 v16, v14  }
0x7d: {  	s13 =	simm.s32 $0x76B0;
	v17 =	vld [tilespmem:s19+$0xFFFFFF20];
	v13 =	vmul.f32 $1.442695020e+00, v13;
	v18 =	vmul.f32 v18, v21  }
0x7e: {  	v53 =	vperm.xlane v24, v5;
	v20 =	vperm.xlane v24, v3;
	v21 =	vld [tilespmem:s12+$0x88];
	[tilespmem:s13+$0xFFFFFF78] =	vst v14  }
0x7f: {  	v28 =	vnsel vm0, $0x3F800000, v28;
	v16 =	vmul.f32 v29, v22;
	(erf) = vpow2.f32 v13;
	[tilespmem:s15+$0x98] =	vst v18;
	v22 =	vld [tilespmem:s12+$0xFFFFFF88]  }
0x80: {  	v28 =	vmul.f32 v36, v28;
	v14 =	vperm.xlane v35, v3;
	v18 =	vld [tilespmem:s19+$0xA8]  }
0x81: {  	v30 =	vperm.xlane v34, v8;
	v15 =	vmul.f32 v15, v20  }
0x82: {  	s25 =	simm.s32 $0x6820;
	v29 =	vld [tilespmem:s12+$0xFFFFFEF0];
	[tilespmem:s15+$0xFFFFFF98] =	vst v16;
	v32 =	vmul.f32 v17, v14;
	v14 =	vperm.xlane v12, v1;
	v17 =	vpop (erf)  }
0x83: {  	v47 =	vld [tilespmem:s25+$0xFFFFFFF0];
	v13 =	vperm.xlane v34, v2;
	[tilespmem:s15+$0x30] =	vst v15;
	v15 =	vperm.xlane v17, v0;
	v16 =	vpop (erf)  }
0x84: {  	v50 =	vld [tilespmem:s25+$0x10];
	v40 =	vperm.xlane v16, v0;
	v14 =	vmul.f32 v22, v14  }
0x85: {  	v25 =	vnsel vm0, $0x3F800000, v25;
	v39 =	vld [tilespmem:s19+$0x40];
	v42 =	vmul.f32 v21, v15;
	v15 =	vmul.f32 v18, v13  }
0x86: {  	v23 =	vperm.xlane v35, v8;
	v30 =	vmul.f32 v30, v25;
	v18 =	vld [tilespmem:s12+$0x0];
	[tilespmem:s13+$0xFFFFFF88] =	vst v14  }
0x87: {  	v31 =	vperm.xlane v26, v8;
	v21 =	vmul.f32 v29, v40;
	[tilespmem:s15+$0xA8] =	vst v15;
	v29 =	vld [tilespmem:s12+$0xFFFFFF98]  }
0x88: {  	v57 =	vperm.xlane v12, v2;
	v14 =	vperm.xlane v24, v4;
	v22 =	vpop (erf);
	v44 =	vld [tilespmem:s19+$0xB8]  }
0x89: {  	v20 =	vperm.xlane v26, v3;
	v41 =	vld [tilespmem:s19+$0xFFFFFFA8];
	[tilespmem:s13+$0xFFFFFEF0] =	vst v21;
	v15 =	vperm.xlane v22, v0  }
0x8a: {  	s14 =	simm.s32 $0x6D0;
	v33 =	vperm.xlane v17, v1;
	v58 =	vmul.f32 v39, v14;
	v46 =	vld [tilespmem:s12+$0xFFFFFF00]  }
0x8b: {  	v14 =	vperm.xlane v34, v3;
	v48 =	vmul.f32 v18, v15;
	v15 =	vld [tilespmem:s14+$0xFFFFFFF0]  }
0x8c: {  	v25 =	vld [tilespmem:s25+$0xFFFFFFE0];
	[tilespmem:s15+$0xFFFFFF20] =	vst v32;
	v32 =	vperm.xlane v12, v3;
	v49 =	vmul.f32 v29, v57  }
0x8d: {  	v39 =	vld [tilespmem:s14+$0xFFFFFF68];
	v29 =	vperm.xlane v16, v1;
	v44 =	vmul.f32 v44, v14  }
0x8e: {  	v55 =	vperm.xlane v16, v2;
	v13 =	vperm.xlane v16, v8;
	[tilespmem:s13+$0x0] =	vst v48;
	v14 =	vld [tilespmem:s14+$0x100]  }
0x8f: {  	v19 =	vnsel vm0, $0x3F800000, v19;
	v45 =	vmul.f32 v41, v20;
	v48 =	vld [tilespmem:s12+$0x10];
	v46 =	vmul.f32 v46, v29;
	[tilespmem:s15+$0xB8] =	vst v44  }
0x90: {  	v20 =	vperm.xlane v12, v8;
	v41 =	vmul.f32 v31, v19;
	[tilespmem:s15+$0x40] =	vst v58;
	v47 =	vadd.f32 v47, v15;
	v54 =	vld [tilespmem:s19+$0xC8]  }
0x91: {  	v29 =	vperm.xlane v26, v7;
	[tilespmem:s13+$0xFFFFFF00] =	vst v46;
	v46 =	vperm.xlane v26, v6;
	v26 =	vld [tilespmem:s19+$0x50]  }
0x92: {  	v40 =	vperm.xlane v17, v2;
	v51 =	vperm.xlane v22, v1;
	v19 =	vmin.f32 v47, $0.0e+00;
	v31 =	vld [tilespmem:s12+$0xFFFFFF10]  }
0x93: {  	v44 =	vperm.xlane v34, v4;
	v59 =	vmul.f32 $2.000000030e-01, v19  }
0x94: {  	[tilespmem:s15+$0xFFFFFFA8] =	vst v45;
	v25 =	vadd.f32 v25, v39;
	v47 =	vmax.f32 v47, $0.0e+00;
	v48 =	vmul.f32 v48, v51;
	v51 =	vld [tilespmem:s19+$0xFFFFFF30]  }
0x95: {  	v56 =	vld [tilespmem:s19+$0xFFFFFFB8];
	v61 =	vadd.f32 v50, v14;
	v60 =	vadd.f32 v59, v47;
	v44 =	vmul.f32 v54, v44  }
0x96: {  	v21 =	vperm.xlane v22, v8;
	v58 =	vmin.f32 v25, $0.0e+00;
	v19 =	vld [tilespmem:s14+$0x78];
	[tilespmem:s13+$0x10] =	vst v48;
	v26 =	vmul.f32 v26, v53  }
0x97: {  	v63 =	vmin.f32 v61, $0.0e+00;
	v57 =	vld [tilespmem:s12+$0x20];
	v45 =	vmul.f32 $1.442695020e+00, v60;
	v31 =	vmul.f32 v31, v55;
	[tilespmem:s15+$0xC8] =	vst v44  }
0x98: {  	v59 =	vmul.f32 $2.000000030e-01, v58;
	v48 =	vmul.f32 $2.000000030e-01, v63;
	[tilespmem:s15+$0x50] =	vst v26;
	v26 =	vld [tilespmem:s25+$0x0]  }
0x99: {  	v47 =	vmax.f32 v61, $0.0e+00;
	(erf) = vpow2.f32 v45;
	v61 =	vld [tilespmem:s19+$0xD8];
	[tilespmem:s13+$0xFFFFFF10] =	vst v31;
	v31 =	vmul.f32 v51, v62  }
0x9a: {  	v18 =	vperm.xlane v17, v8;
	v25 =	vmax.f32 v25, $0.0e+00;
	v47 =	vadd.f32 v48, v47;
	v45 =	vld [tilespmem:s19+$0x60]  }
0x9b: {  	v60 =	vperm.xlane v22, v2;
	v25 =	vadd.f32 v59, v25;
	v44 =	vperm.xlane v35, v5;
	v48 =	vld [tilespmem:s12+$0xFFFFFF20];
	[tilespmem:s15+$0xFFFFFF30] =	vst v31  }
0x9c: {  	v47 =	vmul.f32 $1.442695020e+00, v47;
	v31 =	vmul.f32 v56, v38;
	v63 =	vld [tilespmem:s19+$0xFFFFFF40]  }
0x9d: {  	v25 =	vmul.f32 $1.442695020e+00, v25;
	v62 =	vmul.f32 v57, v60;
	v59 =	vadd.f32 v26, v19  }
0x9e: {  	v57 =	vperm.xlane v16, v3;
	v60 =	vld [tilespmem:s14+$0xFFFFFF78];
	(erf) = vpow2.f32 v47;
	[tilespmem:s15+$0xFFFFFFB8] =	vst v31  }
0x9f: {  	[tilespmem:s13+$0x88] =	vst v42;
	(erf) = vpow2.f32 v25;
	v31 =	vperm.xlane v24, v6;
	v58 =	vld [tilespmem:s19+$0xFFFFFFC8];
	v26 =	vmin.f32 v59, $0.0e+00  }
0xa0: {  	[tilespmem:s13+$0x20] =	vst v62;
	v25 =	vld [tilespmem:s12+$0x98];
	v38 =	vmul.f32 v61, v52;
	v48 =	vmul.f32 v48, v57  }
0xa1: {  	[tilespmem:s13+$0xFFFFFF98] =	vst v49;
	v51 =	vld [tilespmem:s12+$0x30];
	v45 =	vmul.f32 v45, v31;
	v44 =	vmul.f32 v63, v44  }
0xa2: {  	v49 =	vld [tilespmem:s14+$0xFFFFFEF0];
	v31 =	vperm.xlane v12, v4;
	[tilespmem:s15+$0xD8] =	vst v38;
	v61 =	vmul.f32 $2.000000030e-01, v26;
	v26 =	vpop (erf)  }
0xa3: {  	v38 =	vperm.xlane v34, v6;
	v62 =	vperm.xlane v26, v0;
	[tilespmem:s15+$0xFFFFFF40] =	vst v44;
	v44 =	vld [tilespmem:s19+$0xE8]  }
0xa4: {  	v57 =	vperm.xlane v22, v3;
	v63 =	vmax.f32 v59, $0.0e+00;
	[tilespmem:s15+$0x60] =	vst v45;
	v43 =	vmul.f32 v58, v43;
	v59 =	vld [tilespmem:s19+$0xFFFFFF50]  }
0xa5: {  	[tilespmem:s13+$0xFFFFFF20] =	vst v48;
	v25 =	vmul.f32 v25, v33;
	v56 =	vadd.f32 v61, v63;
	v42 =	vmul.f32 v60, v62;
	v60 =	vld [tilespmem:s19+$0x70]  }
0xa6: {  	v48 =	vperm.xlane v24, v7;
	v45 =	vld [tilespmem:s14+$0x88];
	v47 =	vmul.f32 v51, v57;
	[tilespmem:s15+$0xFFFFFFC8] =	vst v43  }
0xa7: {  	s25 =	simm.s32 $0x78D0;
	v58 =	vperm.xlane v35, v6;
	[tilespmem:s13+$0x98] =	vst v25;
	v61 =	vmul.f32 $1.442695020e+00, v56;
	v24 =	vpop (erf);
	v62 =	vld [tilespmem:s19+$0xFFFFFFD8]  }
0xa8: {  	v57 =	vld [tilespmem:s12+$0xA8];
	v33 =	vperm.xlane v24, v1;
	[tilespmem:s25+$0xFFFFFF78] =	vst v42;
	v38 =	vmul.f32 v44, v38  }
0xa9: {  	[tilespmem:s13+$0x30] =	vst v47;
	(erf) = vpow2.f32 v61;
	v63 =	vld [tilespmem:s14+$0xFFFFFF88];
	v58 =	vmul.f32 v59, v58  }
0xaa: {  	v25 =	vpop (erf);
	v59 =	vperm.xlane v24, v0;
	v48 =	vmul.f32 v60, v48;
	[tilespmem:s15+$0xE8] =	vst v38  }
0xab: {  	v42 =	vperm.xlane v26, v1;
	v60 =	vperm.xlane v25, v0;
	[tilespmem:s15+$0xFFFFFF50] =	vst v58;
	v61 =	vld [tilespmem:s19+$0xF8]  }
0xac: {  	v38 =	vmul.f32 v45, v59;
	v51 =	vmul.f32 v62, v46;
	[tilespmem:s15+$0x70] =	vst v48;
	v44 =	vld [tilespmem:s19+$0xFFFFFF60]  }
0xad: {  	v43 =	vld [tilespmem:s12+$0x40];
	v45 =	vmul.f32 v57, v40;
	v62 =	vmul.f32 v49, v60;
	[tilespmem:s15+$0x78] =	vst v28  }
0xae: {  	v36 =	vnsel vm0, $0x3F800000, v27;
	v46 =	vmul.f32 v63, v42;
	v42 =	vld [tilespmem:s12+$0xFFFFFFA8];
	[tilespmem:s15+$0xFFFFFFD8] =	vst v51;
	v63 =	vperm.xlane v34, v7  }
0xaf: {  	v27 =	vnsel vm0, $0x3F800000, v37;
	v48 =	vperm.xlane v35, v7;
	v34 =	vperm.xlane v12, v5;
	[tilespmem:s25+$0xFFFFFEF0] =	vst v62;
	v37 =	vld [tilespmem:s19+$0xFFFFFFE8]  }
0xb0: {  	s4 =	simm.s32 $0x8F0;
	s20 =	simm.s32 $0x6860;
	v47 =	vld [tilespmem:s14+$0x0];
	v28 =	vnsel vm0, $0x3F800000, v39;
	v39 =	vperm.xlane v22, v4;
	s19 =	simm.s32 $0x8;
	[tilespmem:s15+$0xFFFFFFF0] =	vst v41;
	v40 =	vmul.f32 v61, v63  }
.LBB2_3:
0xb1: {  	s19 =	sadd.s32 $0x4, s19;
	v35 =	vperm.xlane v25, v8;
	[tilespmem:s25+$0xFFFFFF88] =	vst v46;
	v44 =	vmul.f32 v44, v48  }
0xb2: {  	v46 =	vperm.xlane v26, v2;
	v49 =	vmul.f32 v23, v36;
	v23 =	vmov v13;
	p2 =	slt.u32 s19, $0x5C;
	v48 =	vld [tilespmem:s14+$0xFFFFFF98];
	v41 =	vpop (erf);
	[tilespmem:s15+$0xF8] =	vst v40  }
0xb3: {  	v36 =	vmovc v27;
	v40 =	vld [tilespmem:s20+$0xFFFFFFF0];
	v50 =	vperm.xlane v41, v0;
	v32 =	vmul.f32 v42, v32;
	[tilespmem:s13+$0xA8] =	vst v45;
	v13 =	vmov v35  }
0xb4: {  	v27 =	vmov v28;
	v42 =	vmul.f32 v43, v39;
	v43 =	vld [tilespmem:s12+$0xB8];
	[tilespmem:s15+$0xFFFFFF60] =	vst v44;
	v29 =	vmul.f32 v37, v29  }
0xb5: {  	v37 =	vperm.xlane v41, v8;
	v28 =	vld [tilespmem:s14+$0xFFFFFF00];
	v44 =	vmul.f32 v47, v50;
	[tilespmem:s15+$0x100] =	vst v30  }
0xb6: {  	v47 =	vperm.xlane v26, v8;
	v30 =	vperm.xlane v17, v3;
	v45 =	vld [tilespmem:s4+$0xFFFFFFF0];
	[tilespmem:s15+$0xFFFFFFE8] =	vst v29  }
0xb7: {  	v35 =	vperm.xlane v24, v2;
	v39 =	vld [tilespmem:s4+$0x78];
	v46 =	vmul.f32 v48, v46;
	[tilespmem:s15+$0xFFFFFF68] =	vst v49;
	s15 =	smov.u32 s13;
	s13 =	smov.u32 s25  }
0xb8: {  	v29 =	vperm.xlane v25, v1;
	v49 =	vperm.xlane v24, v8;
	v48 =	vld [tilespmem:s4+$0xFFFFFF68];
	[tilespmem:s15+$0x40] =	vst v42  }
0xb9: {  	v50 =	vld [tilespmem:s20+$0x10];
	[tilespmem:s15+$0xFFFFFFA8] =	vst v32;
	v30 =	vmul.f32 v43, v30  }
0xba: {  	v32 =	vnsel vm0, $0x3F800000, v9;
	v9 =	vmov v14;
	v28 =	vmul.f32 v28, v29;
	[tilespmem:s25+$0x0] =	vst v44;
	v14 =	vld [tilespmem:s4+$0x100]  }
0xbb: {  	v29 =	vperm.xlane v12, v7;
	v43 =	vld [tilespmem:s14+$0x10];
	[tilespmem:s15+$0xB8] =	vst v30;
	v30 =	vmul.f32 v18, v32;
	v18 =	vmov v49  }
0xbc: {  	v44 =	vadd.f32 v40, v45;
	v49 =	vperm.xlane v41, v1;
	v40 =	vnsel vm0, $0x3F800000, v10;
	v10 =	vmovc v15;
	v32 =	vld [tilespmem:s20+$0xFFFFFFE0];
	[tilespmem:s25+$0xFFFFFF00] =	vst v28  }
0xbd: {  	v42 =	vperm.xlane v12, v6;
	v15 =	vmovc v45;
	v40 =	vmul.f32 v20, v40;
	v28 =	vnsel vm0, $0x3F800000, v48;
	[tilespmem:s25+$0xFFFFFF98] =	vst v46;
	v46 =	vld [tilespmem:s12+$0x50]  }
0xbe: {  	v52 =	vperm.xlane v17, v4;
	v53 =	vperm.xlane v17, v5;
	v12 =	vmovc v26;
	v20 =	vmovc v47;
	v45 =	vmin.f32 v44, $0.0e+00;
	v51 =	vld [tilespmem:s14+$0xFFFFFF10]  }
0xbf: {  	v26 =	vmul.f32 $2.000000030e-01, v45;
	v45 =	vperm.xlane v22, v5;
	v47 =	vld [tilespmem:s12+$0xC8]  }
0xc0: {  	v54 =	vperm.xlane v25, v2;
	v44 =	vmax.f32 v44, $0.0e+00;
	v43 =	vmul.f32 v43, v49;
	v49 =	vld [tilespmem:s12+$0xFFFFFF30]  }
0xc1: {  	v26 =	vadd.f32 v26, v44;
	v44 =	vadd.f32 v50, v14;
	v50 =	vperm.xlane v16, v4;
	v55 =	vld [tilespmem:s12+$0xFFFFFFB8]  }
0xc2: {  	v48 =	vadd.f32 v32, v48;
	v32 =	vperm.xlane v12, v3;
	[tilespmem:s25+$0x10] =	vst v43;
	v43 =	vmul.f32 v46, v45  }
0xc3: {  	v26 =	vmul.f32 $1.442695020e+00, v26;
	v45 =	vmin.f32 v44, $0.0e+00;
	v46 =	vmul.f32 v51, v54;
	v51 =	vld [tilespmem:s14+$0x20]  }
0xc4: {  	v44 =	vmax.f32 v44, $0.0e+00;
	v45 =	vmul.f32 $2.000000030e-01, v45;
	v54 =	vld [tilespmem:s20+$0x0];
	[tilespmem:s15+$0x50] =	vst v43;
	v43 =	vmul.f32 v47, v52  }
0xc5: {  	v47 =	vmin.f32 v48, $0.0e+00;
	(erf) = vpow2.f32 v26;
	[tilespmem:s25+$0xFFFFFF10] =	vst v46;
	v26 =	vmul.f32 v49, v50;
	v46 =	vld [tilespmem:s12+$0x60]  }
0xc6: {  	v47 =	vmul.f32 $2.000000030e-01, v47;
	v44 =	vadd.f32 v45, v44;
	v49 =	vperm.xlane v41, v2;
	v45 =	vld [tilespmem:s14+$0xFFFFFF20];
	[tilespmem:s15+$0xC8] =	vst v43  }
0xc7: {  	v43 =	vmax.f32 v48, $0.0e+00;
	v31 =	vmul.f32 v55, v31;
	[tilespmem:s15+$0xFFFFFF30] =	vst v26;
	v26 =	vperm.xlane v16, v5;
	v48 =	vld [tilespmem:s12+$0xD8]  }
0xc8: {  	v43 =	vadd.f32 v47, v43;
	v44 =	vmul.f32 $1.442695020e+00, v44;
	v47 =	vmul.f32 v51, v49;
	v49 =	vld [tilespmem:s12+$0xFFFFFF40]  }
0xc9: {  	v50 =	vperm.xlane v25, v3;
	[tilespmem:s15+$0xFFFFFFB8] =	vst v31;
	v31 =	vperm.xlane v22, v6  }
0xca: {  	v43 =	vmul.f32 $1.442695020e+00, v43;
	(erf) = vpow2.f32 v44;
	v44 =	vld [tilespmem:s12+$0xFFFFFFC8]  }
0xcb: {  	v52 =	vadd.f32 v54, v39;
	v51 =	vld [tilespmem:s4+$0xFFFFFEF0];
	v45 =	vmul.f32 v45, v50;
	[tilespmem:s25+$0x88] =	vst v38;
	v38 =	vmul.f32 v46, v31  }
0xcc: {  	v31 =	vperm.xlane v12, v4;
	v46 =	vld [tilespmem:s4+$0xFFFFFF78];
	[tilespmem:s25+$0x20] =	vst v47;
	v47 =	vmul.f32 v48, v53  }
0xcd: {  	v48 =	vmin.f32 v52, $0.0e+00;
	(erf) = vpow2.f32 v43;
	v43 =	vld [tilespmem:s14+$0x98];
	v49 =	vmul.f32 v49, v26;
	[tilespmem:s15+$0x60] =	vst v38  }
0xce: {  	s25 =	sadd.s32 $0x220, s25;
	v38 =	vmul.f32 $2.000000030e-01, v48;
	v26 =	vpop (erf);
	v48 =	vld [tilespmem:s14+$0x30];
	[tilespmem:s15+$0xD8] =	vst v47;
	v47 =	vperm.xlane v17, v6  }
0xcf: {  	v52 =	vmax.f32 v52, $0.0e+00;
	v50 =	vperm.xlane v26, v0;
	[tilespmem:s15+$0xFFFFFF40] =	vst v49;
	v34 =	vmul.f32 v44, v34;
	v44 =	vld [tilespmem:s12+$0xE8]  }
0xd0: {  	v38 =	vadd.f32 v38, v52;
	v49 =	vperm.xlane v16, v6;
	[tilespmem:s13+$0xFFFFFF20] =	vst v45;
	v45 =	vperm.xlane v41, v3;
	v52 =	vld [tilespmem:s12+$0xFFFFFF50]  }
0xd1: {  	v46 =	vmul.f32 v46, v50;
	[tilespmem:s15+$0xFFFFFFC8] =	vst v34;
	v34 =	vperm.xlane v22, v7;
	v50 =	vld [tilespmem:s12+$0x70];
	v22 =	vmov v41  }
0xd2: {  	v38 =	vmul.f32 $1.442695020e+00, v38;
	v41 =	vld [tilespmem:s4+$0x88];
	v43 =	vmul.f32 v43, v33  }
0xd3: {  	[tilespmem:s25+$0xFFFFFF78] =	vst v46;
	v46 =	vperm.xlane v26, v1;
	v53 =	vpop (erf);
	v45 =	vmul.f32 v48, v45;
	v48 =	vld [tilespmem:s12+$0xFFFFFFD8]  }
0xd4: {  	v54 =	vld [tilespmem:s4+$0xFFFFFF88];
	v33 =	vperm.xlane v53, v1;
	[tilespmem:s13+$0x98] =	vst v43;
	v44 =	vmul.f32 v44, v47  }
0xd5: {  	(erf) = vpow2.f32 v38;
	[tilespmem:s13+$0x30] =	vst v45;
	v45 =	vld [tilespmem:s14+$0xA8];
	v38 =	vmul.f32 v52, v49  }
0xd6: {  	v56 =	vnsel vm0, $0x3F800000, v11;
	v47 =	vperm.xlane v53, v0;
	v49 =	vpop (erf);
	v43 =	vld [tilespmem:s14+$0x40];
	v34 =	vmul.f32 v50, v34;
	[tilespmem:s15+$0xE8] =	vst v44  }
0xd7: {  	v11 =	vmovc v19;
	v52 =	vmul.f32 v21, v56;
	v21 =	vmov v37;
	v50 =	vperm.xlane v49, v0;
	[tilespmem:s15+$0xFFFFFF50] =	vst v38;
	v55 =	vld [tilespmem:s12+$0xF8]  }
.Ltmp2:
0xd8: {  	v19 =	vmov v39;
	v38 =	vmul.f32 v41, v47;
	v44 =	vld [tilespmem:s12+$0xFFFFFF60];
	v37 =	vmul.f32 v48, v42;
	[tilespmem:s15+$0x70] =	vst v34;
	(pc) =	sbr.rel @p2 .LBB2_3-.Ltmp2, $4  }
0xd9: {  	v34 =	vmul.f32 v51, v50;
	v46 =	vmul.f32 v54, v46;
	[tilespmem:s15+$0x78] =	vst v52  }
0xda: {  	v42 =	vld [tilespmem:s14+$0xFFFFFFA8];
	v45 =	vmul.f32 v45, v35;
	[tilespmem:s15+$0xFFFFFFD8] =	vst v37;
	v35 =	vperm.xlane v17, v7;
	v17 =	vmovc v24;
	v24 =	vmov v53  }
0xdb: {  	v48 =	vperm.xlane v16, v7;
	v16 =	vmovc v25;
	v25 =	vmov v49;
	[tilespmem:s25+$0xFFFFFEF0] =	vst v34;
	v34 =	vperm.xlane v12, v5;
	v37 =	vld [tilespmem:s12+$0xFFFFFFE8];
	s12 =	smov.u32 s14;
	s14 =	smov.u32 s4  }
0xdc: {  	s20 =	sadd.s32 $0x40, s20;
	v39 =	vperm.xlane v22, v4;
	s4 =	sadd.s32 $0x220, s4;
	v47 =	vld [tilespmem:s14+$0x0];
	[tilespmem:s15+$0xFFFFFFF0] =	vst v40;
	v40 =	vmul.f32 v55, v35  }
0xdd: {  	_ = 	snop  }
0xde: {  	v35 =	vpop (erf)  }
0xdf: {  	v41 =	vperm.xlane v35, v0;
	_ =	sdelay $0x1  }
0xe0: {  	v41 =	vmul.f32 v47, v41;
	_ =	sdelay $0x1  }
0xe1: {  	[tilespmem:s25+$0x0] =	vst v41  }
0xe2: {  	v41 =	vld [tilespmem:s14+$0x10]  }
0xe3: {  	[tilespmem:s25+$0x88] =	vst v38  }
0xe4: {  	[tilespmem:s13+$0xA8] =	vst v45;
	v61 =	vld [tilespmem:s14+$0x98]  }
0xe5: {  	v45 =	vld [tilespmem:s12+$0xB8];
	v60 =	vperm.xlane v35, v1  }
0xe6: {  	[tilespmem:s25+$0xFFFFFF88] =	vst v46;
	v44 =	vmul.f32 v44, v48;
	v62 =	vld [tilespmem:s14+$0xFFFFFF00]  }
0xe7: {  	[tilespmem:s15+$0xF8] =	vst v40;
	v38 =	vmul.f32 v41, v60  }
0xe8: {  	v63 =	vperm.xlane v17, v3;
	[tilespmem:s15+$0xFFFFFF60] =	vst v44  }
0xe9: {  	v44 =	vperm.xlane v25, v1;
	v33 =	vmul.f32 v61, v33;
	[tilespmem:s25+$0x10] =	vst v38  }
0xea: {  	[tilespmem:s15+$0x100] =	vst v30;
	v40 =	vmul.f32 v45, v63;
	v30 =	vld [tilespmem:s14+$0x20]  }
0xeb: {  	v46 =	vmul.f32 v62, v44;
	[tilespmem:s25+$0x98] =	vst v33  }
0xec: {  	v29 =	vmul.f32 v37, v29;
	[tilespmem:s13+$0xB8] =	vst v40;
	v49 =	vld [tilespmem:s14+$0xA8]  }
0xed: {  	v23 =	vmul.f32 v23, v36;
	v48 =	vperm.xlane v35, v2;
	[tilespmem:s25+$0xFFFFFF00] =	vst v46;
	v47 =	vld [tilespmem:s12+$0xC8]  }
0xee: {  	v50 =	vmul.f32 v43, v39;
	[tilespmem:s15+$0xFFFFFFE8] =	vst v29;
	v29 =	vld [tilespmem:s14+$0xFFFFFF10]  }
0xef: {  	v51 =	vld [tilespmem:s12+$0xFFFFFF30];
	v53 =	vperm.xlane v24, v2;
	[tilespmem:s15+$0xFFFFFF68] =	vst v23;
	v30 =	vmul.f32 v30, v48  }
0xf0: {  	v52 =	vld [tilespmem:s14+$0xFFFFFF98];
	v32 =	vmul.f32 v42, v32;
	v23 =	vperm.xlane v17, v4;
	[tilespmem:s13+$0x40] =	vst v50  }
0xf1: {  	v54 =	vperm.xlane v25, v2;
	v38 =	vld [tilespmem:s12+$0x50];
	v36 =	vmul.f32 v49, v53;
	[tilespmem:s25+$0x20] =	vst v30  }
0xf2: {  	[tilespmem:s13+$0xFFFFFFA8] =	vst v32;
	v23 =	vmul.f32 v47, v23;
	v30 =	vperm.xlane v16, v4;
	v55 =	vld [tilespmem:s14+$0x30]  }
0xf3: {  	v56 =	vperm.xlane v26, v2;
	v57 =	vld [tilespmem:s12+$0xFFFFFFB8];
	v29 =	vmul.f32 v29, v54;
	[tilespmem:s25+$0xA8] =	vst v36  }
0xf4: {  	[tilespmem:s13+$0xC8] =	vst v23;
	v23 =	vperm.xlane v22, v5;
	v36 =	vld [tilespmem:s14+$0xB8];
	v30 =	vmul.f32 v51, v30  }
0xf5: {  	v33 =	vmul.f32 v52, v56;
	[tilespmem:s25+$0xFFFFFF10] =	vst v29;
	v29 =	vperm.xlane v35, v3;
	v58 =	vld [tilespmem:s12+$0xD8]  }
0xf6: {  	v59 =	vld [tilespmem:s14+$0xFFFFFF20];
	v23 =	vmul.f32 v38, v23;
	[tilespmem:s13+$0xFFFFFF30] =	vst v30  }
0xf7: {  	v61 =	vperm.xlane v24, v3;
	[tilespmem:s25+$0xFFFFFF98] =	vst v33;
	v60 =	vld [tilespmem:s12+$0xFFFFFF40];
	v29 =	vmul.f32 v55, v29  }
0xf8: {  	[tilespmem:s13+$0x50] =	vst v23;
	v23 =	vmul.f32 v57, v31;
	v31 =	vld [tilespmem:s14+$0xFFFFFFA8];
	v30 =	vperm.xlane v17, v5  }
0xf9: {  	v63 =	vperm.xlane v25, v3;
	v62 =	vld [tilespmem:s12+$0x60];
	v32 =	vmul.f32 v36, v61;
	[tilespmem:s25+$0x30] =	vst v29  }
0xfa: {  	[tilespmem:s13+$0xFFFFFFB8] =	vst v23;
	v30 =	vmul.f32 v58, v30;
	v29 =	vperm.xlane v16, v5;
	v23 =	vld [tilespmem:s14+$0x40]  }
0xfb: {  	v43 =	vperm.xlane v26, v3;
	v37 =	vmul.f32 v59, v63;
	v44 =	vld [tilespmem:s12+$0xFFFFFFC8];
	[tilespmem:s25+$0xB8] =	vst v32  }
0xfc: {  	v47 =	vld [tilespmem:s14+$0xC8];
	[tilespmem:s13+$0xD8] =	vst v30;
	v30 =	vperm.xlane v22, v6;
	v29 =	vmul.f32 v60, v29  }
0xfd: {  	v46 =	vperm.xlane v35, v4;
	[tilespmem:s25+$0xFFFFFF20] =	vst v37;
	v31 =	vmul.f32 v31, v43;
	v45 =	vld [tilespmem:s12+$0xE8]  }
0xfe: {  	v30 =	vmul.f32 v62, v30;
	[tilespmem:s13+$0xFFFFFF40] =	vst v29;
	v29 =	vld [tilespmem:s14+$0xFFFFFF30]  }
0xff: {  	[tilespmem:s25+$0xFFFFFFA8] =	vst v31;
	v31 =	vperm.xlane v24, v4;
	v49 =	vld [tilespmem:s12+$0xFFFFFF50];
	v23 =	vmul.f32 v23, v46  }
0x100: {  	v48 =	vperm.xlane v17, v6;
	v50 =	vld [tilespmem:s14+$0xFFFFFFB8];
	[tilespmem:s13+$0x60] =	vst v30;
	v30 =	vmul.f32 v44, v34  }
0x101: {  	v31 =	vmul.f32 v47, v31;
	v51 =	vld [tilespmem:s12+$0x70];
	[tilespmem:s25+$0x40] =	vst v23;
	v23 =	vperm.xlane v25, v4  }
0x102: {  	v52 =	vperm.xlane v16, v6;
	v33 =	vmul.f32 v45, v48;
	[tilespmem:s13+$0xFFFFFFC8] =	vst v30;
	v30 =	vld [tilespmem:s14+$0x50]  }
0x103: {  	v53 =	vperm.xlane v26, v4;
	[tilespmem:s25+$0xC8] =	vst v31;
	v23 =	vmul.f32 v29, v23  }
0x104: {  	v22 =	vperm.xlane v22, v7;
	[tilespmem:s13+$0xE8] =	vst v33;
	v29 =	vld [tilespmem:s12+$0xFFFFFFD8];
	v54 =	vmul.f32 v49, v52  }
0x105: {  	v31 =	vperm.xlane v35, v5;
	v55 =	vld [tilespmem:s14+$0xD8];
	[tilespmem:s25+$0xFFFFFF30] =	vst v23;
	v23 =	vmul.f32 v50, v53  }
0x106: {  	v22 =	vmul.f32 v51, v22;
	[tilespmem:s13+$0xFFFFFF50] =	vst v54;
	v56 =	vld [tilespmem:s14+$0xFFFFFF40]  }
0x107: {  	v11 =	vnsel vm0, $0x3F800000, v11;
	v57 =	vperm.xlane v12, v6;
	v30 =	vmul.f32 v30, v31;
	[tilespmem:s25+$0xFFFFFFB8] =	vst v23  }
0x108: {  	v11 =	vmul.f32 v21, v11;
	v21 =	vperm.xlane v24, v5;
	[tilespmem:s13+$0x70] =	vst v22;
	v22 =	vld [tilespmem:s14+$0xFFFFFFC8]  }
0x109: {  	v23 =	vld [tilespmem:s12+$0xF8];
	v29 =	vmul.f32 v29, v57;
	[tilespmem:s25+$0x50] =	vst v30;
	v30 =	vperm.xlane v25, v5  }
0x10a: {  	v21 =	vmul.f32 v55, v21;
	[tilespmem:s13+$0x78] =	vst v11;
	v11 =	vld [tilespmem:s14+$0x60]  }
0x10b: {  	v10 =	vnsel vm0, $0x3F800000, v10;
	v31 =	vld [tilespmem:s12+$0xFFFFFF60];
	[tilespmem:s13+$0xFFFFFFD8] =	vst v29;
	v29 =	vperm.xlane v26, v5;
	v30 =	vmul.f32 v56, v30  }
0x10c: {  	v10 =	vmul.f32 v20, v10;
	v17 =	vperm.xlane v17, v7;
	[tilespmem:s25+$0xD8] =	vst v21;
	v20 =	vld [tilespmem:s12+$0xFFFFFFE8]  }
0x10d: {  	v21 =	vperm.xlane v35, v6;
	[tilespmem:s25+$0xFFFFFF40] =	vst v30;
	v22 =	vmul.f32 v22, v29;
	v29 =	vld [tilespmem:s14+$0xE8]  }
0x10e: {  	v16 =	vperm.xlane v16, v7;
	[tilespmem:s13+$0xFFFFFFF0] =	vst v10;
	v10 =	vmul.f32 v23, v17;
	v17 =	vld [tilespmem:s14+$0xFFFFFF50]  }
0x10f: {  	v11 =	vmul.f32 v11, v21;
	[tilespmem:s25+$0xFFFFFFC8] =	vst v22  }
0x110: {  	v9 =	vnsel vm0, $0x3F800000, v9;
	v16 =	vmul.f32 v31, v16;
	[tilespmem:s13+$0xF8] =	vst v10;
	v10 =	vperm.xlane v24, v6;
	v21 =	vld [tilespmem:s14+$0xFFFFFFD8]  }
0x111: {  	v9 =	vmul.f32 v18, v9;
	[tilespmem:s25+$0x60] =	vst v11;
	v11 =	vperm.xlane v25, v6  }
0x112: {  	v12 =	vperm.xlane v12, v7;
	[tilespmem:s13+$0xFFFFFF60] =	vst v16;
	v16 =	vld [tilespmem:s14+$0x70];
	v10 =	vmul.f32 v29, v10  }
0x113: {  	[tilespmem:s13+$0x100] =	vst v9;
	v9 =	vperm.xlane v26, v6;
	v11 =	vmul.f32 v17, v11  }
0x114: {  	v12 =	vmul.f32 v20, v12;
	[tilespmem:s25+$0xE8] =	vst v10  }
0x115: {  	v10 =	vperm.xlane v35, v7;
	[tilespmem:s25+$0xFFFFFF50] =	vst v11;
	v11 =	vld [tilespmem:s14+$0xF8];
	v9 =	vmul.f32 v21, v9  }
0x116: {  	v13 =	vmul.f32 v13, v27;
	[tilespmem:s13+$0xFFFFFFE8] =	vst v12;
	v17 =	vperm.xlane v35, v8;
	v12 =	vld [tilespmem:s14+$0xFFFFFF60]  }
0x117: {  	v18 =	vperm.xlane v26, v8;
	v10 =	vmul.f32 v16, v10;
	v16 =	vnsel vm0, $0x3F800000, v19;
	[tilespmem:s25+$0xFFFFFFD8] =	vst v9  }
0x118: {  	[tilespmem:s13+$0xFFFFFF68] =	vst v13;
	v9 =	vnsel vm0, $0x3F800000, v15;
	v15 =	vperm.xlane v24, v7;
	v13 =	vmul.f32 v17, v16;
	v16 =	vld [tilespmem:s14+$0xFFFFFFE8]  }
0x119: {  	v9 =	vmul.f32 v18, v9;
	[tilespmem:s25+$0x70] =	vst v10;
	v10 =	vperm.xlane v25, v7  }
0x11a: {  	v17 =	vperm.xlane v24, v8;
	[tilespmem:s25+$0x78] =	vst v13;
	v11 =	vmul.f32 v11, v15  }
0x11b: {  	v13 =	vnsel vm0, $0x3F800000, v14;
	v14 =	vperm.xlane v26, v7;
	[tilespmem:s25+$0xFFFFFFF0] =	vst v9;
	v9 =	vmul.f32 v12, v10  }
0x11c: {  	v10 =	vperm.xlane v25, v8;
	v12 =	vmul.f32 v17, v13;
	[tilespmem:s25+$0xF8] =	vst v11  }
0x11d: {  	[tilespmem:s25+$0xFFFFFF60] =	vst v9;
	v9 =	vmul.f32 v16, v14  }
0x11e: {  	v10 =	vmul.f32 v10, v28;
	[tilespmem:s25+$0x100] =	vst v12  }
0x11f: {  	[tilespmem:s25+$0xFFFFFFE8] =	vst v9  }
0x120: {  	[tilespmem:s25+$0xFFFFFF68] =	vst v10  }
0x121: {  	[spmem:s2] =	stream.indirect.scatter.add.f32 [tilespmem:s31], [sflag:$0x9], $0x88, s16, s17, $0xb8;
	[tilespmem:$0x1FA80] =	vst v63  }
0x122: {  	_ =	swait.ge [sflag:s0], $0x3300  }
0x123: {  	s4 =	sadd.s32 @!p1 s8, s11;
	[sflag:s0] =	ssyncset.done $0x0  }
0x124: {  	s11 =	simm.s32 @!p1 $0x0;
	s12 =	simm.s32 @!p1 $0xC0;
	[sflag:s0] =	ssyncadd.s32 $0xFFFFCD00  }
0x125: {  	[tilespmem:s12], [sflag:$0x7] =	stream.linear.gather @!p1 [hbm4b:s4+s11], $0x60, $0x38;
	[tilespmem:$0x1FA80] =	vst v63  }
0x126: {  	s4 =	simm.s32 @!p1 $0x5  }
0x127: {  	_ =	swait.ge @!p1 [sflag:s4], $0x60  }
0x128: {  	[sflag:s4] =	ssyncset.done @!p1 $0x0  }
0x129: {  	[sflag:s4] =	ssyncadd.s32 @!p1 $0xFFFFFFA0;
	s4 =	simm.s32 @!p1 $0x7  }
0x12a: {  	_ =	swait.ge @!p1 [sflag:s4], $0x60  }
0x12b: {  	[sflag:s4] =	ssyncset.done @!p1 $0x0  }
0x12c: {  	s13 =	simm.s32 @!p1 $0x180;
	[sflag:s4] =	ssyncadd.s32 @!p1 $0xFFFFFFA0;
	s4 =	simm.s32 @!p1 $0x60  }
0x12d: {  	[tilespmem:s13], [sflag:$0x1] =	stream.indirect.gather @!p1 [hbm4b:s5+s4], $0x88, s11, s4, $0xb8;
	[tilespmem:$0x1FA80] =	vst v63  }
0x12e: {  	s13 =	simm.s32 @!p1 $0x6780  }
0x12f: {  	[tilespmem:s13], [sflag:$0x3] =	stream.indirect.gather @!p1 [hbm4b:s7+s4], $0x10, s12, s4, $0xb8;
	[tilespmem:$0x1FA80] =	vst v63  }
0x130: {  	_ =	swait.ge [sflag:s21], $0x3300  }
0x131: {  	s10 =	sadd.s32 $0x3, s10;
	[sflag:s21] =	ssyncset.done $0x0  }
0x132: {  	s12 =	sadd.s32 @!p1 s6, s10;
	[sflag:s21] =	ssyncadd.s32 $0xFFFFCD00  }
0x133: {  	s12 =	smul.u32 @!p1 $0xC, s12;
	_ =	swait.ge [sflag:s22], $0x600  }
0x134: {  	[sflag:s22] =	ssyncset.done $0x0  }
0x135: {  	s15 =	simm.s32 $0x6DA0;
	s12 =	sadd.s32 @!p1 s1, s12;
	[sflag:s22] =	ssyncadd.s32 $0xFFFFFA00  }
0x136: {  	[tilespmem:s4], [sflag:$0x6] =	stream.linear.gather @!p1 [hbm4b:s12+s11], $0x60, $0x38;
	[tilespmem:$0x1FA80] =	vst v63  }
0x137: {  	s19 =	simm.s32 $0x3590;
	v9 =	vld [tilespmem:s15+$0xFFFFFFF0]  }
0x138: {  	v19 =	vld [tilespmem:s19+$0xFFFFFFF0]  }
0x139: {  	v27 =	vld [tilespmem:s19+$0xFFFFFF68]  }
0x13a: {  	v10 =	vld [tilespmem:s15+$0x10]  }
0x13b: {  	v25 =	vld [tilespmem:s19+$0x100]  }
0x13c: {  	v11 =	vld [tilespmem:s15+$0xFFFFFFE0];
	_ =	sdelay $0x1  }
0x13d: {  	v28 =	vld [tilespmem:s19+$0x78];
	v9 =	vadd.f32 v9, v19  }
0x13e: {  	v12 =	vld [tilespmem:s15+$0x0]  }
0x13f: {  	v10 =	vadd.f32 v10, v25;
	v13 =	vmin.f32 v9, $0.0e+00  }
0x140: {  	v11 =	vadd.f32 v11, v27;
	v13 =	vmul.f32 $2.000000030e-01, v13  }
0x141: {  	v9 =	vmax.f32 v9, $0.0e+00;
	v14 =	vmin.f32 v10, $0.0e+00  }
0x142: {  	v9 =	vadd.f32 v13, v9;
	v13 =	vmul.f32 $2.000000030e-01, v14;
	v14 =	vmin.f32 v11, $0.0e+00  }
0x143: {  	v12 =	vadd.f32 v12, v28;
	v10 =	vmax.f32 v10, $0.0e+00;
	v14 =	vmul.f32 $2.000000030e-01, v14  }
0x144: {  	v11 =	vmax.f32 v11, $0.0e+00;
	v10 =	vadd.f32 v13, v10  }
0x145: {  	v9 =	vmul.f32 $1.442695020e+00, v9;
	v13 =	vmin.f32 v12, $0.0e+00;
	v11 =	vadd.f32 v14, v11  }
0x146: {  	v13 =	vmul.f32 $2.000000030e-01, v13;
	v10 =	vmul.f32 $1.442695020e+00, v10  }
0x147: {  	(erf) = vpow2.f32 v9;
	v9 =	vmul.f32 $1.442695020e+00, v11;
	v11 =	vmax.f32 v12, $0.0e+00  }
0x148: {  	(erf) = vpow2.f32 v10;
	v10 =	vadd.f32 v13, v11;
	_ =	sdelay $0x1  }
0x149: {  	(erf) = vpow2.f32 v9;
	v9 =	vmul.f32 $1.442695020e+00, v10;
	_ =	sdelay $0x1  }
0x14a: {  	(erf) = vpow2.f32 v9;
	_ =	sdelay $0x2  }
0x14b: {  	s20 =	simm.s32 $0x6DE0  }
0x14c: {  	v12 =	vld [tilespmem:s20+$0xFFFFFFF0]  }
0x14d: {  	v9 =	vld [tilespmem:s19+$0xFFFFFEF0];
	v26 =	vpop (erf)  }
0x14e: {  	s11 =	simm.s32 $0x37B0;
	v11 =	vld [tilespmem:s19+$0x0];
	v34 =	vpop (erf)  }
0x14f: {  	v10 =	vld [tilespmem:s11+$0xFFFFFFF0];
	v35 =	vpop (erf)  }
0x150: {  	v13 =	vperm.xlane v35, v0  }
0x151: {  	v24 =	vpop (erf)  }
0x152: {  	v14 =	vld [tilespmem:s19+$0xFFFFFF78];
	v9 =	vmul.f32 v9, v13;
	v13 =	vperm.xlane v24, v0  }
0x153: {  	s14 =	simm.s32 $0x7490;
	v37 =	vld [tilespmem:s11+$0xFFFFFF68]  }
0x154: {  	v12 =	vadd.f32 v12, v10;
	[tilespmem:s14+$0xFFFFFEF0] =	vst v9;
	v9 =	vld [tilespmem:s11+$0x100];
	v11 =	vmul.f32 v11, v13  }
0x155: {  	v16 =	vperm.xlane v26, v0;
	v15 =	vld [tilespmem:s19+$0xFFFFFF00]  }
0x156: {  	v13 =	vld [tilespmem:s20+$0x10];
	[tilespmem:s14+$0x0] =	vst v11;
	v11 =	vmin.f32 v12, $0.0e+00  }
0x157: {  	v14 =	vmul.f32 v14, v16;
	v17 =	vld [tilespmem:s19+$0x10];
	v11 =	vmul.f32 $2.000000030e-01, v11  }
0x158: {  	v16 =	vld [tilespmem:s20+$0xFFFFFFE0];
	v12 =	vmax.f32 v12, $0.0e+00  }
0x159: {  	v29 =	vld [tilespmem:s20+$0x0];
	v23 =	vperm.xlane v35, v1;
	[tilespmem:s14+$0xFFFFFF78] =	vst v14;
	v11 =	vadd.f32 v11, v12  }
0x15a: {  	v20 =	vld [tilespmem:s19+$0xFFFFFF88];
	v18 =	vperm.xlane v24, v1  }
0x15b: {  	v12 =	vld [tilespmem:s19+$0x88];
	v15 =	vmul.f32 v15, v23;
	v22 =	vmul.f32 $1.442695020e+00, v11  }
0x15c: {  	v13 =	vadd.f32 v13, v9;
	v11 =	vld [tilespmem:s11+$0x78];
	v17 =	vmul.f32 v17, v18  }
0x15d: {  	v14 =	vperm.xlane v26, v1;
	v16 =	vadd.f32 v16, v37;
	[tilespmem:s14+$0xFFFFFF00] =	vst v15;
	(erf) = vpow2.f32 v22  }
0x15e: {  	v38 =	vperm.xlane v26, v4;
	v18 =	vperm.xlane v34, v0;
	[tilespmem:s14+$0x10] =	vst v17;
	v17 =	vmin.f32 v13, $0.0e+00  }
0x15f: {  	v14 =	vmul.f32 v20, v14;
	v15 =	vmin.f32 v16, $0.0e+00;
	v20 =	vld [tilespmem:s19+$0xFFFFFF10];
	v17 =	vmul.f32 $2.000000030e-01, v17  }
0x160: {  	v15 =	vmul.f32 $2.000000030e-01, v15;
	v12 =	vmul.f32 v12, v18;
	v13 =	vmax.f32 v13, $0.0e+00;
	v18 =	vld [tilespmem:s19+$0x20]  }
0x161: {  	v16 =	vmax.f32 v16, $0.0e+00;
	v13 =	vadd.f32 v17, v13;
	v17 =	vadd.f32 v29, v11  }
0x162: {  	v43 =	vperm.xlane v26, v5;
	v21 =	vperm.xlane v34, v1;
	[tilespmem:s14+$0xFFFFFF88] =	vst v14;
	v15 =	vadd.f32 v15, v16  }
0x163: {  	v30 =	vperm.xlane v35, v2;
	v14 =	vperm.xlane v24, v2;
	[tilespmem:s14+$0x88] =	vst v12;
	v12 =	vmin.f32 v17, $0.0e+00  }
0x164: {  	v16 =	vld [tilespmem:s11+$0xFFFFFF78];
	v15 =	vmul.f32 $1.442695020e+00, v15;
	v13 =	vmul.f32 $1.442695020e+00, v13  }
0x165: {  	v20 =	vmul.f32 v20, v30;
	v14 =	vmul.f32 v18, v14;
	v18 =	vld [tilespmem:s19+$0x98]  }
0x166: {  	v31 =	vmul.f32 $2.000000030e-01, v12;
	(erf) = vpow2.f32 v13;
	v12 =	vpop (erf)  }
0x167: {  	v29 =	vld [tilespmem:s19+$0xFFFFFF98];
	v13 =	vmax.f32 v17, $0.0e+00;
	[tilespmem:s14+$0x20] =	vst v14;
	(erf) = vpow2.f32 v15;
	v14 =	vperm.xlane v12, v0  }
0x168: {  	v52 =	vperm.xlane v34, v5;
	v36 =	vperm.xlane v24, v8;
	v13 =	vadd.f32 v31, v13  }
0x169: {  	v22 =	vperm.xlane v26, v2;
	[tilespmem:s14+$0xFFFFFF10] =	vst v20;
	v15 =	vld [tilespmem:s19+$0x30];
	v14 =	vmul.f32 v16, v14  }
0x16a: {  	s12 =	simm.s32 $0x76B0;
	v17 =	vld [tilespmem:s19+$0xFFFFFF20];
	v13 =	vmul.f32 $1.442695020e+00, v13;
	v18 =	vmul.f32 v18, v21  }
0x16b: {  	v53 =	vperm.xlane v24, v5;
	v20 =	vperm.xlane v24, v3;
	v21 =	vld [tilespmem:s11+$0x88];
	[tilespmem:s12+$0xFFFFFF78] =	vst v14  }
0x16c: {  	v28 =	vnsel vm0, $0x3F800000, v28;
	v16 =	vmul.f32 v29, v22;
	(erf) = vpow2.f32 v13;
	[tilespmem:s14+$0x98] =	vst v18;
	v22 =	vld [tilespmem:s11+$0xFFFFFF88]  }
0x16d: {  	v28 =	vmul.f32 v36, v28;
	v14 =	vperm.xlane v35, v3;
	v18 =	vld [tilespmem:s19+$0xA8]  }
0x16e: {  	v30 =	vperm.xlane v34, v8;
	v15 =	vmul.f32 v15, v20  }
0x16f: {  	s25 =	simm.s32 $0x6E20;
	v29 =	vld [tilespmem:s11+$0xFFFFFEF0];
	[tilespmem:s14+$0xFFFFFF98] =	vst v16;
	v32 =	vmul.f32 v17, v14;
	v14 =	vperm.xlane v12, v1;
	v17 =	vpop (erf)  }
0x170: {  	s13 =	simm.s32 $0x39D0;
	v57 =	vld [tilespmem:s25+$0xFFFFFFF0];
	v13 =	vperm.xlane v34, v2;
	[tilespmem:s14+$0x30] =	vst v15;
	v15 =	vperm.xlane v17, v0;
	v16 =	vpop (erf)  }
0x171: {  	v39 =	vld [tilespmem:s13+$0xFFFFFF68];
	v59 =	vperm.xlane v16, v0;
	v14 =	vmul.f32 v22, v14  }
0x172: {  	v25 =	vnsel vm0, $0x3F800000, v25;
	v58 =	vld [tilespmem:s19+$0x40];
	v42 =	vmul.f32 v21, v15;
	v15 =	vmul.f32 v18, v13  }
0x173: {  	v23 =	vperm.xlane v35, v8;
	v30 =	vmul.f32 v30, v25;
	v18 =	vld [tilespmem:s11+$0x0];
	[tilespmem:s12+$0xFFFFFF88] =	vst v14  }
0x174: {  	v31 =	vperm.xlane v26, v8;
	v21 =	vmul.f32 v29, v59;
	[tilespmem:s14+$0xA8] =	vst v15;
	v29 =	vld [tilespmem:s11+$0xFFFFFF98]  }
0x175: {  	v19 =	vnsel vm0, $0x3F800000, v19;
	v61 =	vperm.xlane v12, v2;
	v14 =	vperm.xlane v24, v4;
	v22 =	vpop (erf);
	v62 =	vld [tilespmem:s19+$0xB8]  }
0x176: {  	v41 =	vmul.f32 v31, v19;
	v60 =	vld [tilespmem:s19+$0xFFFFFFA8];
	[tilespmem:s12+$0xFFFFFEF0] =	vst v21;
	v15 =	vperm.xlane v22, v0  }
0x177: {  	v20 =	vperm.xlane v26, v3;
	v55 =	vmul.f32 v58, v14;
	v56 =	vld [tilespmem:s11+$0xFFFFFF00]  }
0x178: {  	v14 =	vperm.xlane v34, v3;
	v58 =	vmul.f32 v18, v15;
	v15 =	vld [tilespmem:s13+$0xFFFFFFF0]  }
0x179: {  	v50 =	vld [tilespmem:s25+$0x10];
	v33 =	vperm.xlane v17, v1;
	v49 =	vmul.f32 v29, v61  }
0x17a: {  	v25 =	vld [tilespmem:s25+$0xFFFFFFE0];
	[tilespmem:s14+$0xFFFFFF20] =	vst v32;
	v29 =	vperm.xlane v16, v1;
	v44 =	vmul.f32 v62, v14  }
0x17b: {  	v40 =	vperm.xlane v17, v2;
	v32 =	vperm.xlane v12, v3;
	[tilespmem:s12+$0x0] =	vst v58;
	v14 =	vld [tilespmem:s13+$0x100]  }
0x17c: {  	v13 =	vperm.xlane v16, v8;
	v48 =	vld [tilespmem:s11+$0x10];
	v46 =	vmul.f32 v56, v29;
	[tilespmem:s14+$0xB8] =	vst v44  }
0x17d: {  	v63 =	vmul.f32 v60, v20;
	v20 =	vperm.xlane v12, v8;
	[tilespmem:s14+$0x40] =	vst v55;
	v47 =	vadd.f32 v57, v15;
	v54 =	vld [tilespmem:s19+$0xC8]  }
0x17e: {  	v29 =	vperm.xlane v26, v7;
	[tilespmem:s12+$0xFFFFFF00] =	vst v46;
	v46 =	vperm.xlane v26, v6;
	v26 =	vld [tilespmem:s19+$0x50]  }
0x17f: {  	v21 =	vperm.xlane v22, v8;
	v51 =	vperm.xlane v22, v1;
	v19 =	vmin.f32 v47, $0.0e+00;
	v31 =	vld [tilespmem:s11+$0xFFFFFF10]  }
0x180: {  	v25 =	vadd.f32 v25, v39;
	v44 =	vperm.xlane v34, v4;
	v59 =	vmul.f32 $2.000000030e-01, v19  }
0x181: {  	[tilespmem:s14+$0xFFFFFFA8] =	vst v63;
	v55 =	vperm.xlane v16, v2;
	v47 =	vmax.f32 v47, $0.0e+00;
	v48 =	vmul.f32 v48, v51;
	v51 =	vld [tilespmem:s19+$0xFFFFFF30]  }
0x182: {  	v56 =	vld [tilespmem:s19+$0xFFFFFFB8];
	v61 =	vadd.f32 v50, v14;
	v60 =	vadd.f32 v59, v47;
	v44 =	vmul.f32 v54, v44  }
0x183: {  	v58 =	vmin.f32 v25, $0.0e+00;
	v62 =	vperm.xlane v35, v4;
	v19 =	vld [tilespmem:s13+$0x78];
	[tilespmem:s12+$0x10] =	vst v48;
	v26 =	vmul.f32 v26, v53  }
0x184: {  	v63 =	vmin.f32 v61, $0.0e+00;
	v57 =	vld [tilespmem:s11+$0x20];
	v45 =	vmul.f32 $1.442695020e+00, v60;
	v31 =	vmul.f32 v31, v55;
	[tilespmem:s14+$0xC8] =	vst v44  }
0x185: {  	v59 =	vmul.f32 $2.000000030e-01, v58;
	v48 =	vmul.f32 $2.000000030e-01, v63;
	[tilespmem:s14+$0x50] =	vst v26;
	v26 =	vld [tilespmem:s25+$0x0]  }
0x186: {  	v47 =	vmax.f32 v61, $0.0e+00;
	(erf) = vpow2.f32 v45;
	v61 =	vld [tilespmem:s19+$0xD8];
	[tilespmem:s12+$0xFFFFFF10] =	vst v31;
	v31 =	vmul.f32 v51, v62  }
0x187: {  	v18 =	vperm.xlane v17, v8;
	v25 =	vmax.f32 v25, $0.0e+00;
	v47 =	vadd.f32 v48, v47;
	v45 =	vld [tilespmem:s19+$0x60]  }
0x188: {  	v60 =	vperm.xlane v22, v2;
	v25 =	vadd.f32 v59, v25;
	v44 =	vperm.xlane v35, v5;
	v48 =	vld [tilespmem:s11+$0xFFFFFF20];
	[tilespmem:s14+$0xFFFFFF30] =	vst v31  }
0x189: {  	v47 =	vmul.f32 $1.442695020e+00, v47;
	v31 =	vmul.f32 v56, v38;
	v63 =	vld [tilespmem:s19+$0xFFFFFF40]  }
0x18a: {  	v25 =	vmul.f32 $1.442695020e+00, v25;
	v62 =	vmul.f32 v57, v60;
	v59 =	vadd.f32 v26, v19  }
0x18b: {  	v57 =	vperm.xlane v16, v3;
	v60 =	vld [tilespmem:s13+$0xFFFFFF78];
	(erf) = vpow2.f32 v47;
	[tilespmem:s14+$0xFFFFFFB8] =	vst v31  }
0x18c: {  	[tilespmem:s12+$0x88] =	vst v42;
	(erf) = vpow2.f32 v25;
	v31 =	vperm.xlane v24, v6;
	v58 =	vld [tilespmem:s19+$0xFFFFFFC8];
	v26 =	vmin.f32 v59, $0.0e+00  }
0x18d: {  	[tilespmem:s12+$0x20] =	vst v62;
	v25 =	vld [tilespmem:s11+$0x98];
	v38 =	vmul.f32 v61, v52;
	v48 =	vmul.f32 v48, v57  }
0x18e: {  	[tilespmem:s12+$0xFFFFFF98] =	vst v49;
	v51 =	vld [tilespmem:s11+$0x30];
	v45 =	vmul.f32 v45, v31;
	v44 =	vmul.f32 v63, v44  }
0x18f: {  	v49 =	vld [tilespmem:s13+$0xFFFFFEF0];
	v31 =	vperm.xlane v12, v4;
	[tilespmem:s14+$0xD8] =	vst v38;
	v61 =	vmul.f32 $2.000000030e-01, v26;
	v26 =	vpop (erf)  }
0x190: {  	v38 =	vperm.xlane v34, v6;
	v62 =	vperm.xlane v26, v0;
	[tilespmem:s14+$0xFFFFFF40] =	vst v44;
	v44 =	vld [tilespmem:s19+$0xE8]  }
0x191: {  	v57 =	vperm.xlane v22, v3;
	v63 =	vmax.f32 v59, $0.0e+00;
	[tilespmem:s14+$0x60] =	vst v45;
	v43 =	vmul.f32 v58, v43;
	v59 =	vld [tilespmem:s19+$0xFFFFFF50]  }
0x192: {  	[tilespmem:s12+$0xFFFFFF20] =	vst v48;
	v25 =	vmul.f32 v25, v33;
	v56 =	vadd.f32 v61, v63;
	v42 =	vmul.f32 v60, v62;
	v60 =	vld [tilespmem:s19+$0x70]  }
0x193: {  	v48 =	vperm.xlane v24, v7;
	v45 =	vld [tilespmem:s13+$0x88];
	v47 =	vmul.f32 v51, v57;
	[tilespmem:s14+$0xFFFFFFC8] =	vst v43  }
0x194: {  	s15 =	simm.s32 $0x78D0;
	v58 =	vperm.xlane v35, v6;
	[tilespmem:s12+$0x98] =	vst v25;
	v61 =	vmul.f32 $1.442695020e+00, v56;
	v24 =	vpop (erf);
	v62 =	vld [tilespmem:s19+$0xFFFFFFD8]  }
0x195: {  	v57 =	vld [tilespmem:s11+$0xA8];
	v33 =	vperm.xlane v24, v1;
	[tilespmem:s15+$0xFFFFFF78] =	vst v42;
	v38 =	vmul.f32 v44, v38  }
0x196: {  	[tilespmem:s12+$0x30] =	vst v47;
	(erf) = vpow2.f32 v61;
	v63 =	vld [tilespmem:s13+$0xFFFFFF88];
	v58 =	vmul.f32 v59, v58  }
0x197: {  	v25 =	vpop (erf);
	v59 =	vperm.xlane v24, v0;
	v48 =	vmul.f32 v60, v48;
	[tilespmem:s14+$0xE8] =	vst v38  }
0x198: {  	v42 =	vperm.xlane v26, v1;
	v60 =	vperm.xlane v25, v0;
	[tilespmem:s14+$0xFFFFFF50] =	vst v58;
	v61 =	vld [tilespmem:s19+$0xF8]  }
0x199: {  	v38 =	vmul.f32 v45, v59;
	v51 =	vmul.f32 v62, v46;
	[tilespmem:s14+$0x70] =	vst v48;
	v44 =	vld [tilespmem:s19+$0xFFFFFF60]  }
0x19a: {  	v43 =	vld [tilespmem:s11+$0x40];
	v45 =	vmul.f32 v57, v40;
	v62 =	vmul.f32 v49, v60;
	[tilespmem:s14+$0x78] =	vst v28  }
0x19b: {  	v36 =	vnsel vm0, $0x3F800000, v27;
	v46 =	vmul.f32 v63, v42;
	v42 =	vld [tilespmem:s11+$0xFFFFFFA8];
	[tilespmem:s14+$0xFFFFFFD8] =	vst v51;
	v63 =	vperm.xlane v34, v7  }
0x19c: {  	v27 =	vnsel vm0, $0x3F800000, v37;
	v48 =	vperm.xlane v35, v7;
	v34 =	vperm.xlane v12, v5;
	[tilespmem:s15+$0xFFFFFEF0] =	vst v62;
	v37 =	vld [tilespmem:s19+$0xFFFFFFE8]  }
0x19d: {  	s4 =	simm.s32 $0x3BF0;
	s20 =	simm.s32 $0x6E60;
	v47 =	vld [tilespmem:s13+$0x0];
	v28 =	vnsel vm0, $0x3F800000, v39;
	v39 =	vperm.xlane v22, v4;
	s19 =	simm.s32 $0x8;
	[tilespmem:s14+$0xFFFFFFF0] =	vst v41;
	v40 =	vmul.f32 v61, v63  }
.LBB2_5:
0x19e: {  	s19 =	sadd.s32 $0x4, s19;
	v35 =	vperm.xlane v25, v8;
	[tilespmem:s15+$0xFFFFFF88] =	vst v46;
	v44 =	vmul.f32 v44, v48  }
0x19f: {  	v46 =	vperm.xlane v26, v2;
	v49 =	vmul.f32 v23, v36;
	v23 =	vmov v13;
	p2 =	slt.u32 s19, $0x5C;
	v48 =	vld [tilespmem:s13+$0xFFFFFF98];
	v41 =	vpop (erf);
	[tilespmem:s14+$0xF8] =	vst v40  }
0x1a0: {  	v36 =	vmovc v27;
	v40 =	vld [tilespmem:s20+$0xFFFFFFF0];
	v50 =	vperm.xlane v41, v0;
	v32 =	vmul.f32 v42, v32;
	[tilespmem:s12+$0xA8] =	vst v45;
	v13 =	vmov v35  }
0x1a1: {  	v27 =	vmov v28;
	v42 =	vmul.f32 v43, v39;
	v43 =	vld [tilespmem:s11+$0xB8];
	[tilespmem:s14+$0xFFFFFF60] =	vst v44;
	v29 =	vmul.f32 v37, v29  }
0x1a2: {  	v37 =	vperm.xlane v41, v8;
	v28 =	vld [tilespmem:s13+$0xFFFFFF00];
	v44 =	vmul.f32 v47, v50;
	[tilespmem:s14+$0x100] =	vst v30  }
0x1a3: {  	v47 =	vperm.xlane v26, v8;
	v30 =	vperm.xlane v17, v3;
	v45 =	vld [tilespmem:s4+$0xFFFFFFF0];
	[tilespmem:s14+$0xFFFFFFE8] =	vst v29  }
0x1a4: {  	v35 =	vperm.xlane v24, v2;
	v39 =	vld [tilespmem:s4+$0x78];
	v46 =	vmul.f32 v48, v46;
	[tilespmem:s14+$0xFFFFFF68] =	vst v49;
	s14 =	smov.u32 s12;
	s12 =	smov.u32 s15  }
0x1a5: {  	v29 =	vperm.xlane v25, v1;
	v49 =	vperm.xlane v24, v8;
	v48 =	vld [tilespmem:s4+$0xFFFFFF68];
	[tilespmem:s14+$0x40] =	vst v42  }
0x1a6: {  	v50 =	vld [tilespmem:s20+$0x10];
	[tilespmem:s14+$0xFFFFFFA8] =	vst v32;
	v30 =	vmul.f32 v43, v30  }
0x1a7: {  	v32 =	vnsel vm0, $0x3F800000, v9;
	v9 =	vmov v14;
	v28 =	vmul.f32 v28, v29;
	[tilespmem:s15+$0x0] =	vst v44;
	v14 =	vld [tilespmem:s4+$0x100]  }
0x1a8: {  	v29 =	vperm.xlane v12, v7;
	v43 =	vld [tilespmem:s13+$0x10];
	[tilespmem:s14+$0xB8] =	vst v30;
	v30 =	vmul.f32 v18, v32;
	v18 =	vmov v49  }
0x1a9: {  	v44 =	vadd.f32 v40, v45;
	v49 =	vperm.xlane v41, v1;
	v40 =	vnsel vm0, $0x3F800000, v10;
	v10 =	vmovc v15;
	v32 =	vld [tilespmem:s20+$0xFFFFFFE0];
	[tilespmem:s15+$0xFFFFFF00] =	vst v28  }
0x1aa: {  	v42 =	vperm.xlane v12, v6;
	v15 =	vmovc v45;
	v40 =	vmul.f32 v20, v40;
	v28 =	vnsel vm0, $0x3F800000, v48;
	[tilespmem:s15+$0xFFFFFF98] =	vst v46;
	v46 =	vld [tilespmem:s11+$0x50]  }
0x1ab: {  	v52 =	vperm.xlane v17, v4;
	v53 =	vperm.xlane v17, v5;
	v12 =	vmovc v26;
	v20 =	vmovc v47;
	v45 =	vmin.f32 v44, $0.0e+00;
	v51 =	vld [tilespmem:s13+$0xFFFFFF10]  }
0x1ac: {  	v26 =	vmul.f32 $2.000000030e-01, v45;
	v45 =	vperm.xlane v22, v5;
	v47 =	vld [tilespmem:s11+$0xC8]  }
0x1ad: {  	v54 =	vperm.xlane v25, v2;
	v44 =	vmax.f32 v44, $0.0e+00;
	v43 =	vmul.f32 v43, v49;
	v49 =	vld [tilespmem:s11+$0xFFFFFF30]  }
0x1ae: {  	v26 =	vadd.f32 v26, v44;
	v44 =	vadd.f32 v50, v14;
	v50 =	vperm.xlane v16, v4;
	v55 =	vld [tilespmem:s11+$0xFFFFFFB8]  }
0x1af: {  	v48 =	vadd.f32 v32, v48;
	v32 =	vperm.xlane v12, v3;
	[tilespmem:s15+$0x10] =	vst v43;
	v43 =	vmul.f32 v46, v45  }
0x1b0: {  	v26 =	vmul.f32 $1.442695020e+00, v26;
	v45 =	vmin.f32 v44, $0.0e+00;
	v46 =	vmul.f32 v51, v54;
	v51 =	vld [tilespmem:s13+$0x20]  }
0x1b1: {  	v44 =	vmax.f32 v44, $0.0e+00;
	v45 =	vmul.f32 $2.000000030e-01, v45;
	v54 =	vld [tilespmem:s20+$0x0];
	[tilespmem:s14+$0x50] =	vst v43;
	v43 =	vmul.f32 v47, v52  }
0x1b2: {  	v47 =	vmin.f32 v48, $0.0e+00;
	(erf) = vpow2.f32 v26;
	[tilespmem:s15+$0xFFFFFF10] =	vst v46;
	v26 =	vmul.f32 v49, v50;
	v46 =	vld [tilespmem:s11+$0x60]  }
0x1b3: {  	v47 =	vmul.f32 $2.000000030e-01, v47;
	v44 =	vadd.f32 v45, v44;
	v49 =	vperm.xlane v41, v2;
	v45 =	vld [tilespmem:s13+$0xFFFFFF20];
	[tilespmem:s14+$0xC8] =	vst v43  }
0x1b4: {  	v43 =	vmax.f32 v48, $0.0e+00;
	v31 =	vmul.f32 v55, v31;
	[tilespmem:s14+$0xFFFFFF30] =	vst v26;
	v26 =	vperm.xlane v16, v5;
	v48 =	vld [tilespmem:s11+$0xD8]  }
0x1b5: {  	v43 =	vadd.f32 v47, v43;
	v44 =	vmul.f32 $1.442695020e+00, v44;
	v47 =	vmul.f32 v51, v49;
	v49 =	vld [tilespmem:s11+$0xFFFFFF40]  }
0x1b6: {  	v50 =	vperm.xlane v25, v3;
	[tilespmem:s14+$0xFFFFFFB8] =	vst v31;
	v31 =	vperm.xlane v22, v6  }
0x1b7: {  	v43 =	vmul.f32 $1.442695020e+00, v43;
	(erf) = vpow2.f32 v44;
	v44 =	vld [tilespmem:s11+$0xFFFFFFC8]  }
0x1b8: {  	v52 =	vadd.f32 v54, v39;
	v51 =	vld [tilespmem:s4+$0xFFFFFEF0];
	v45 =	vmul.f32 v45, v50;
	[tilespmem:s15+$0x88] =	vst v38;
	v38 =	vmul.f32 v46, v31  }
0x1b9: {  	v31 =	vperm.xlane v12, v4;
	v46 =	vld [tilespmem:s4+$0xFFFFFF78];
	[tilespmem:s15+$0x20] =	vst v47;
	v47 =	vmul.f32 v48, v53  }
0x1ba: {  	v48 =	vmin.f32 v52, $0.0e+00;
	(erf) = vpow2.f32 v43;
	v43 =	vld [tilespmem:s13+$0x98];
	v49 =	vmul.f32 v49, v26;
	[tilespmem:s14+$0x60] =	vst v38  }
0x1bb: {  	s15 =	sadd.s32 $0x220, s15;
	v38 =	vmul.f32 $2.000000030e-01, v48;
	v26 =	vpop (erf);
	v48 =	vld [tilespmem:s13+$0x30];
	[tilespmem:s14+$0xD8] =	vst v47;
	v47 =	vperm.xlane v17, v6  }
0x1bc: {  	v52 =	vmax.f32 v52, $0.0e+00;
	v50 =	vperm.xlane v26, v0;
	[tilespmem:s14+$0xFFFFFF40] =	vst v49;
	v34 =	vmul.f32 v44, v34;
	v44 =	vld [tilespmem:s11+$0xE8]  }
0x1bd: {  	v38 =	vadd.f32 v38, v52;
	v49 =	vperm.xlane v16, v6;
	[tilespmem:s12+$0xFFFFFF20] =	vst v45;
	v45 =	vperm.xlane v41, v3;
	v52 =	vld [tilespmem:s11+$0xFFFFFF50]  }
0x1be: {  	v46 =	vmul.f32 v46, v50;
	[tilespmem:s14+$0xFFFFFFC8] =	vst v34;
	v34 =	vperm.xlane v22, v7;
	v50 =	vld [tilespmem:s11+$0x70];
	v22 =	vmov v41  }
0x1bf: {  	v38 =	vmul.f32 $1.442695020e+00, v38;
	v41 =	vld [tilespmem:s4+$0x88];
	v43 =	vmul.f32 v43, v33  }
0x1c0: {  	[tilespmem:s15+$0xFFFFFF78] =	vst v46;
	v46 =	vperm.xlane v26, v1;
	v53 =	vpop (erf);
	v45 =	vmul.f32 v48, v45;
	v48 =	vld [tilespmem:s11+$0xFFFFFFD8]  }
0x1c1: {  	v54 =	vld [tilespmem:s4+$0xFFFFFF88];
	v33 =	vperm.xlane v53, v1;
	[tilespmem:s12+$0x98] =	vst v43;
	v44 =	vmul.f32 v44, v47  }
0x1c2: {  	(erf) = vpow2.f32 v38;
	[tilespmem:s12+$0x30] =	vst v45;
	v45 =	vld [tilespmem:s13+$0xA8];
	v38 =	vmul.f32 v52, v49  }
0x1c3: {  	v56 =	vnsel vm0, $0x3F800000, v11;
	v47 =	vperm.xlane v53, v0;
	v49 =	vpop (erf);
	v43 =	vld [tilespmem:s13+$0x40];
	v34 =	vmul.f32 v50, v34;
	[tilespmem:s14+$0xE8] =	vst v44  }
0x1c4: {  	v11 =	vmovc v19;
	v52 =	vmul.f32 v21, v56;
	v21 =	vmov v37;
	v50 =	vperm.xlane v49, v0;
	[tilespmem:s14+$0xFFFFFF50] =	vst v38;
	v55 =	vld [tilespmem:s11+$0xF8]  }
.Ltmp3:
0x1c5: {  	v19 =	vmov v39;
	v38 =	vmul.f32 v41, v47;
	v44 =	vld [tilespmem:s11+$0xFFFFFF60];
	v37 =	vmul.f32 v48, v42;
	[tilespmem:s14+$0x70] =	vst v34;
	(pc) =	sbr.rel @p2 .LBB2_5-.Ltmp3, $4  }
0x1c6: {  	v34 =	vmul.f32 v51, v50;
	v46 =	vmul.f32 v54, v46;
	[tilespmem:s14+$0x78] =	vst v52  }
0x1c7: {  	v42 =	vld [tilespmem:s13+$0xFFFFFFA8];
	v45 =	vmul.f32 v45, v35;
	[tilespmem:s14+$0xFFFFFFD8] =	vst v37;
	v35 =	vperm.xlane v17, v7;
	v17 =	vmovc v24;
	v24 =	vmov v53  }
0x1c8: {  	v48 =	vperm.xlane v16, v7;
	v16 =	vmovc v25;
	v25 =	vmov v49;
	[tilespmem:s15+$0xFFFFFEF0] =	vst v34;
	v34 =	vperm.xlane v12, v5;
	v37 =	vld [tilespmem:s11+$0xFFFFFFE8];
	s11 =	smov.u32 s13;
	s13 =	smov.u32 s4  }
0x1c9: {  	s20 =	sadd.s32 $0x40, s20;
	v39 =	vperm.xlane v22, v4;
	s4 =	sadd.s32 $0x220, s4;
	v47 =	vld [tilespmem:s13+$0x0];
	[tilespmem:s14+$0xFFFFFFF0] =	vst v40;
	v40 =	vmul.f32 v55, v35  }
0x1ca: {  	_ = 	snop  }
0x1cb: {  	v35 =	vpop (erf)  }
0x1cc: {  	v41 =	vperm.xlane v35, v0;
	_ =	sdelay $0x1  }
0x1cd: {  	v41 =	vmul.f32 v47, v41;
	_ =	sdelay $0x1  }
0x1ce: {  	[tilespmem:s15+$0x0] =	vst v41  }
0x1cf: {  	v41 =	vld [tilespmem:s13+$0x10]  }
0x1d0: {  	[tilespmem:s15+$0x88] =	vst v38  }
0x1d1: {  	[tilespmem:s12+$0xA8] =	vst v45;
	v50 =	vld [tilespmem:s13+$0x98]  }
0x1d2: {  	v45 =	vld [tilespmem:s11+$0xB8];
	v49 =	vperm.xlane v35, v1  }
0x1d3: {  	[tilespmem:s15+$0xFFFFFF88] =	vst v46;
	v44 =	vmul.f32 v44, v48;
	v51 =	vld [tilespmem:s13+$0xFFFFFF00]  }
0x1d4: {  	[tilespmem:s14+$0xF8] =	vst v40;
	v38 =	vmul.f32 v41, v49  }
0x1d5: {  	v52 =	vperm.xlane v17, v3;
	[tilespmem:s14+$0xFFFFFF60] =	vst v44  }
0x1d6: {  	v53 =	vperm.xlane v25, v1;
	v33 =	vmul.f32 v50, v33;
	[tilespmem:s15+$0x10] =	vst v38  }
0x1d7: {  	[tilespmem:s14+$0x100] =	vst v30;
	v40 =	vmul.f32 v45, v52;
	v54 =	vld [tilespmem:s13+$0x20]  }
0x1d8: {  	v55 =	vmul.f32 v51, v53;
	[tilespmem:s15+$0x98] =	vst v33  }
0x1d9: {  	v32 =	vmul.f32 v42, v32;
	[tilespmem:s12+$0xB8] =	vst v40;
	v58 =	vld [tilespmem:s13+$0xA8]  }
0x1da: {  	v23 =	vmul.f32 v23, v36;
	v57 =	vperm.xlane v35, v2;
	[tilespmem:s15+$0xFFFFFF00] =	vst v55;
	v56 =	vld [tilespmem:s11+$0xC8]  }
0x1db: {  	v59 =	vmul.f32 v43, v39;
	[tilespmem:s12+$0xFFFFFFA8] =	vst v32;
	v60 =	vld [tilespmem:s13+$0xFFFFFF10]  }
0x1dc: {  	v44 =	vperm.xlane v24, v2;
	[tilespmem:s14+$0xFFFFFF68] =	vst v23;
	v49 =	vld [tilespmem:s11+$0xFFFFFFB8];
	v30 =	vmul.f32 v54, v57  }
0x1dd: {  	v61 =	vperm.xlane v17, v4;
	v63 =	vld [tilespmem:s13+$0xFFFFFF98];
	v29 =	vmul.f32 v37, v29;
	[tilespmem:s12+$0x40] =	vst v59  }
0x1de: {  	v45 =	vperm.xlane v25, v2;
	v38 =	vld [tilespmem:s11+$0x50];
	v36 =	vmul.f32 v58, v44;
	[tilespmem:s15+$0x20] =	vst v30  }
0x1df: {  	[tilespmem:s14+$0xFFFFFFE8] =	vst v29;
	v23 =	vmul.f32 v56, v61;
	v47 =	vld [tilespmem:s13+$0x30]  }
0x1e0: {  	v62 =	vld [tilespmem:s11+$0xFFFFFF30];
	v48 =	vperm.xlane v26, v2;
	v29 =	vmul.f32 v60, v45;
	[tilespmem:s15+$0xA8] =	vst v36  }
0x1e1: {  	v50 =	vperm.xlane v22, v5;
	[tilespmem:s12+$0xC8] =	vst v23;
	v36 =	vld [tilespmem:s13+$0xB8];
	v56 =	vmul.f32 v49, v31  }
0x1e2: {  	v52 =	vperm.xlane v35, v3;
	v33 =	vmul.f32 v63, v48;
	[tilespmem:s15+$0xFFFFFF10] =	vst v29;
	v51 =	vld [tilespmem:s11+$0xD8]  }
0x1e3: {  	v46 =	vperm.xlane v16, v4;
	v53 =	vld [tilespmem:s13+$0xFFFFFF20];
	v23 =	vmul.f32 v38, v50;
	[tilespmem:s12+$0xFFFFFFB8] =	vst v56  }
0x1e4: {  	[tilespmem:s15+$0xFFFFFF98] =	vst v33;
	v58 =	vperm.xlane v24, v3;
	v42 =	vld [tilespmem:s11+$0xFFFFFFC8];
	v29 =	vmul.f32 v47, v52  }
0x1e5: {  	v54 =	vperm.xlane v17, v5;
	v57 =	vld [tilespmem:s13+$0xFFFFFFA8];
	[tilespmem:s12+$0x50] =	vst v23;
	v30 =	vmul.f32 v62, v46  }
0x1e6: {  	v60 =	vperm.xlane v25, v3;
	v59 =	vld [tilespmem:s11+$0x60];
	v32 =	vmul.f32 v36, v58;
	[tilespmem:s15+$0x30] =	vst v29  }
0x1e7: {  	[tilespmem:s12+$0xFFFFFF30] =	vst v30;
	v30 =	vmul.f32 v51, v54;
	v62 =	vld [tilespmem:s13+$0x40]  }
0x1e8: {  	v63 =	vperm.xlane v26, v3;
	v37 =	vmul.f32 v53, v60;
	[tilespmem:s15+$0xB8] =	vst v32;
	v55 =	vld [tilespmem:s11+$0xFFFFFF40]  }
0x1e9: {  	v43 =	vperm.xlane v22, v6;
	v46 =	vld [tilespmem:s13+$0xC8];
	v50 =	vmul.f32 v42, v34;
	[tilespmem:s12+$0xD8] =	vst v30  }
0x1ea: {  	v45 =	vperm.xlane v35, v4;
	[tilespmem:s15+$0xFFFFFF20] =	vst v37;
	v31 =	vmul.f32 v57, v63;
	v44 =	vld [tilespmem:s11+$0xE8]  }
0x1eb: {  	v61 =	vperm.xlane v16, v5;
	v30 =	vmul.f32 v59, v43;
	[tilespmem:s12+$0xFFFFFFC8] =	vst v50;
	v47 =	vld [tilespmem:s13+$0xFFFFFF30]  }
0x1ec: {  	v51 =	vperm.xlane v24, v4;
	[tilespmem:s15+$0xFFFFFFA8] =	vst v31;
	v59 =	vld [tilespmem:s11+$0xFFFFFFD8];
	v23 =	vmul.f32 v62, v45  }
0x1ed: {  	v48 =	vperm.xlane v17, v6;
	v52 =	vld [tilespmem:s13+$0xFFFFFFB8];
	[tilespmem:s12+$0x60] =	vst v30;
	v29 =	vmul.f32 v55, v61  }
0x1ee: {  	v54 =	vperm.xlane v25, v4;
	v53 =	vld [tilespmem:s11+$0x70];
	v31 =	vmul.f32 v46, v51;
	[tilespmem:s15+$0x40] =	vst v23  }
0x1ef: {  	v37 =	vperm.xlane v12, v6;
	[tilespmem:s12+$0xFFFFFF40] =	vst v29;
	v33 =	vmul.f32 v44, v48;
	v56 =	vld [tilespmem:s13+$0x50]  }
0x1f0: {  	v57 =	vperm.xlane v26, v4;
	[tilespmem:s15+$0xC8] =	vst v31;
	v23 =	vmul.f32 v47, v54  }
0x1f1: {  	v58 =	vperm.xlane v22, v7;
	v29 =	vmul.f32 v59, v37;
	[tilespmem:s12+$0xE8] =	vst v33  }
0x1f2: {  	v61 =	vperm.xlane v35, v5;
	v63 =	vld [tilespmem:s13+$0xD8];
	v62 =	vmul.f32 v52, v57;
	[tilespmem:s15+$0xFFFFFF30] =	vst v23  }
0x1f3: {  	v22 =	vmul.f32 v53, v58;
	[tilespmem:s12+$0xFFFFFFD8] =	vst v29;
	v36 =	vld [tilespmem:s13+$0xFFFFFF40]  }
0x1f4: {  	v11 =	vnsel vm0, $0x3F800000, v11;
	v49 =	vld [tilespmem:s11+$0xFFFFFF50];
	[tilespmem:s15+$0xFFFFFFB8] =	vst v62;
	v30 =	vmul.f32 v56, v61  }
0x1f5: {  	v10 =	vnsel vm0, $0x3F800000, v10;
	v11 =	vmul.f32 v21, v11;
	v38 =	vperm.xlane v24, v5;
	[tilespmem:s12+$0x70] =	vst v22;
	v39 =	vld [tilespmem:s13+$0xFFFFFFC8]  }
0x1f6: {  	v10 =	vmul.f32 v20, v10;
	v41 =	vperm.xlane v25, v5;
	v40 =	vld [tilespmem:s11+$0xF8];
	[tilespmem:s15+$0x50] =	vst v30  }
0x1f7: {  	v55 =	vperm.xlane v16, v6;
	[tilespmem:s12+$0x78] =	vst v11;
	v21 =	vmul.f32 v63, v38;
	v11 =	vld [tilespmem:s13+$0x60]  }
0x1f8: {  	v43 =	vperm.xlane v26, v5;
	v45 =	vld [tilespmem:s11+$0xFFFFFFE8];
	[tilespmem:s12+$0xFFFFFFF0] =	vst v10;
	v30 =	vmul.f32 v36, v41  }
0x1f9: {  	v44 =	vperm.xlane v17, v7;
	v60 =	vmul.f32 v49, v55;
	[tilespmem:s15+$0xD8] =	vst v21  }
0x1fa: {  	v46 =	vperm.xlane v35, v6;
	v47 =	vld [tilespmem:s13+$0xE8];
	v22 =	vmul.f32 v39, v43;
	[tilespmem:s15+$0xFFFFFF40] =	vst v30  }
0x1fb: {  	[tilespmem:s12+$0xFFFFFF50] =	vst v60;
	v10 =	vmul.f32 v40, v44;
	v49 =	vld [tilespmem:s13+$0xFFFFFF50]  }
0x1fc: {  	v9 =	vnsel vm0, $0x3F800000, v9;
	v51 =	vperm.xlane v12, v7;
	v42 =	vld [tilespmem:s11+$0xFFFFFF60];
	[tilespmem:s15+$0xFFFFFFC8] =	vst v22;
	v11 =	vmul.f32 v11, v46  }
0x1fd: {  	v9 =	vmul.f32 v18, v9;
	[tilespmem:s12+$0xF8] =	vst v10;
	v10 =	vperm.xlane v24, v6;
	v50 =	vld [tilespmem:s13+$0xFFFFFFD8]  }
0x1fe: {  	v12 =	vmul.f32 v45, v51;
	[tilespmem:s15+$0x60] =	vst v11;
	v11 =	vperm.xlane v25, v6  }
0x1ff: {  	v48 =	vperm.xlane v16, v7;
	[tilespmem:s12+$0x100] =	vst v9;
	v10 =	vmul.f32 v47, v10;
	v52 =	vld [tilespmem:s13+$0x70]  }
0x200: {  	v9 =	vperm.xlane v26, v6;
	[tilespmem:s12+$0xFFFFFFE8] =	vst v12;
	v11 =	vmul.f32 v49, v11  }
0x201: {  	v16 =	vmul.f32 v42, v48;
	[tilespmem:s15+$0xE8] =	vst v10  }
0x202: {  	v10 =	vperm.xlane v35, v7;
	v9 =	vmul.f32 v50, v9;
	[tilespmem:s15+$0xFFFFFF50] =	vst v11;
	v11 =	vld [tilespmem:s13+$0xF8]  }
0x203: {  	v13 =	vmul.f32 v13, v27;
	v55 =	vperm.xlane v26, v8;
	[tilespmem:s12+$0xFFFFFF60] =	vst v16;
	v54 =	vld [tilespmem:s13+$0xFFFFFF60]  }
0x204: {  	v53 =	vperm.xlane v35, v8;
	[tilespmem:s15+$0xFFFFFFD8] =	vst v9;
	v9 =	vnsel vm0, $0x3F800000, v15;
	v10 =	vmul.f32 v52, v10  }
0x205: {  	v58 =	vperm.xlane v24, v7;
	v56 =	vnsel vm0, $0x3F800000, v19;
	[tilespmem:s12+$0xFFFFFF68] =	vst v13;
	v59 =	vld [tilespmem:s13+$0xFFFFFFE8];
	v9 =	vmul.f32 v55, v9  }
0x206: {  	v57 =	vmul.f32 v53, v56;
	[tilespmem:s15+$0x70] =	vst v10;
	v10 =	vperm.xlane v25, v7  }
0x207: {  	v60 =	vperm.xlane v24, v8;
	[tilespmem:s15+$0xFFFFFFF0] =	vst v9;
	v11 =	vmul.f32 v11, v58  }
0x208: {  	v62 =	vperm.xlane v26, v7;
	v61 =	vnsel vm0, $0x3F800000, v14;
	[tilespmem:s15+$0x78] =	vst v57;
	v9 =	vmul.f32 v54, v10  }
0x209: {  	v63 =	vmul.f32 v60, v61;
	v10 =	vperm.xlane v25, v8;
	[tilespmem:s15+$0xF8] =	vst v11  }
0x20a: {  	[tilespmem:s15+$0xFFFFFF60] =	vst v9;
	v9 =	vmul.f32 v59, v62  }
0x20b: {  	v10 =	vmul.f32 v10, v28;
	[tilespmem:s15+$0x100] =	vst v63  }
0x20c: {  	[tilespmem:s15+$0xFFFFFFE8] =	vst v9  }
.Ltmp4:
0x20d: {  	[tilespmem:s15+$0xFFFFFF68] =	vst v10;
	(pc) =	sbr.rel @p1 .LBB2_8-.Ltmp4, $4  }
0x20e: {  	[spmem:s2] =	stream.indirect.scatter.add.f32 [tilespmem:s31], [sflag:$0x9], $0x88, s18, s17, $0xb8;
	[tilespmem:$0x1FA80] =	vst v63  }
0x20f: {  	_ =	swait.ge [sflag:s0], $0x3300  }
0x210: {  	[sflag:s0] =	ssyncset.done $0x0  }
0x211: {  	[sflag:s0] =	ssyncadd.s32 $0xFFFFCD00  }
0x212: {  	s4 =	sadd.s32 s6, s10  }
0x213: {  	s4 =	smul.u32 $0xC, s4;
	_ =	sdelay $0x1  }
0x214: {  	s4 =	sadd.s32 s8, s4  }
0x215: {  	[tilespmem:s18], [sflag:$0x8] =	stream.linear.gather [hbm4b:s4+s3], $0x60, $0x38;
	[tilespmem:$0x1FA80] =	vst v63  }
0x216: {  	_ =	swait.ge [sflag:s23], $0x60  }
0x217: {  	[sflag:s23] =	ssyncset.done $0x0  }
0x218: {  	[sflag:s23] =	ssyncadd.s32 $0xFFFFFFA0  }
0x219: {  	_ =	swait.ge [sflag:s24], $0x60  }
.Ltmp5:
0x21a: {  	[sflag:s24] =	ssyncset.done $0x0;
	(pc) =	sbr.rel .LBB2_2-.Ltmp5, $4  }
0x21b: {  	[sflag:s24] =	ssyncadd.s32 $0xFFFFFFA0  }
0x21c: {  	[tilespmem:s26], [sflag:$0x2] =	stream.indirect.gather [hbm4b:s5+s17], $0x88, s17, s17, $0xb8;
	[tilespmem:$0x1FA80] =	vst v63  }
0x21d: {  	s9 =	sadd.s32 $0x1, s9  }
0x21e: {  	[tilespmem:s28], [sflag:$0x4] =	stream.indirect.gather [hbm4b:s7+s17], $0x10, s18, s17, $0xb8;
	[tilespmem:$0x1FA80] =	vst v63  }
.LBB2_9:
0x21f: {  	_ =	sfence.sel $0x180000  }
0x220: {  	[bflag:$0x0] =	sbarrier.arrive $0xFFFF  }
0x221: {  	_ =	strace $0x90000047  }
0x222: {  	[bflag:$0x2] =	sbarrier.arrive $0xFFFF  }
0x223: {  	s0 =	rddreg [dreg:$0x3]  }
0x224: {  	s0 =	sadd.s32 @!p0 $0x100000, s0  }
0x225: {  	[sflag:s0] =	ssyncadd.tile.s32 @!p0 $0x1;
	_ =	shalt  }
.Lfunc_end2:
_tile_overlayer_lowered:
.L_overlay_start_2:
0x226: {  	(tag) =	ssettag $0x2  }
0x227: {  	s0 =	rddreg [dreg:$0x0];
	s2 =	stileid.u32  }
0x228: {  	s1 =	rddreg [dreg:$0x1];
	p0 =	sne.s32 s2, $0x0  }
0x229: {  	s3 =	rddreg [dreg:$0x2];
	[bflag:$0x3] =	sbarrier.arrive $0xFFFF;
	s2 =	simm.s32 @!p0 $0x1C09  }
0x22a: {  	[timem:s3], [sflag:s2] =	dma.local @!p0 [hbm:s0], s1  }
0x22b: {  	s0 =	simm.s32 @!p0 $0x9  }
0x22c: {  	_ =	swait.ge @!p0 [sflag:s0], s1  }
0x22d: {  	s1 =	ssub.s32 @!p0 $0x0, s1;
	[sflag:s0] =	ssyncset.done @!p0 $0x0  }
0x22e: {  	[sflag:s0] =	ssyncadd.s32 @!p0 s1  }
0x22f: {  	[bflag:$0x3] =	sbarrier.arrive $0xFFFF  }
0x230: {  	_ =	shalt  }

</sc_bundles>
